<compile_context>
chip_gen: v7x
topology: tpu7x:2x2x1
jax: 0.10.2.dev20260603
libtpu: 0.0.44.dev20260713+nightly
codegen_flags: <defaults>
</compile_context>

<pallas_src>
import functools

import jax
import jax.numpy as jnp
from jax import lax
from jax.experimental import pallas as pl
from jax.experimental.pallas import tpu as pltpu
from jax.experimental.pallas import tpu_sc as plsc

N = 10000
E = 160000
D = 300
H = D // 2
HP = 160
NUM_LAYERS = 5
G = 64
OUT = 64
NT = 16
NC = 2
EPS = 1e-5

ES_TILES = 25
ES_PER_TILE = E // ES_TILES
ES_CH = 128
ES_STEPS = ES_PER_TILE // ES_CH
AG_PER_TILE = E // NT
AG_CH = 80
AG_STEPS = AG_PER_TILE // AG_CH
ZROWS = 1000

def _sc_edge_scalars_body(dst_hbm, payload_hbm, zrows_hbm, out0, out1,
                          spmem, didx_a, didx_b, rows_a, rows_b,
                          sem_da, sem_db, sem_ra, sem_rb):
    c = lax.axis_index("c")
    sid = lax.axis_index("s")
    tid = c * NT + sid

    @pl.when(sid < 10)
    def _():
        pltpu.sync_copy(zrows_hbm, spmem.at[pl.ds(sid * ZROWS, ZROWS)])

    plsc.subcore_barrier()

    base = tid * ES_PER_TILE

    @pl.when(tid < ES_TILES)
    def _():
        bufs = ((didx_a, rows_a, sem_da, sem_ra),
                (didx_b, rows_b, sem_db, sem_rb))

        def load(i, b):
            off = pl.multiple_of(base + i * ES_CH, 8)
            pltpu.async_copy(dst_hbm.at[pl.ds(off, ES_CH)], b[0], b[2])
            pltpu.async_copy(payload_hbm.at[pl.ds(off, ES_CH)], b[1], b[3])

        def finish(b):
            pltpu.make_async_copy(dst_hbm.at[pl.ds(0, ES_CH)], b[0], b[2]).wait()
            pltpu.make_async_copy(payload_hbm.at[pl.ds(0, ES_CH)], b[1],
                                  b[3]).wait()
            pltpu.sync_copy(b[1], spmem.at[b[0]], add=True)

        load(0, bufs[0])
        load(1, bufs[1])

        def step(i, cur):
            finish(cur)
            @pl.when(i + 2 < ES_STEPS)
            def _():
                load(i + 2, cur)

        def body(i, carry):
            @pl.when(i % 2 == 0)
            def _():
                step(i, bufs[0])
            @pl.when(i % 2 == 1)
            def _():
                step(i, bufs[1])
            return carry

        lax.fori_loop(0, ES_STEPS, body, 0)

    plsc.subcore_barrier()

    @pl.when(jnp.logical_and(c == 0, sid < 10))
    def _():
        sl = pl.ds(sid * ZROWS, ZROWS)
        pltpu.sync_copy(spmem.at[sl], out0.at[sl])

    @pl.when(jnp.logical_and(c == 1, sid < 10))
    def _():
        sl = pl.ds(sid * ZROWS, ZROWS)
        pltpu.sync_copy(spmem.at[sl], out1.at[sl])


def _sc_aggregate_body(t0_hbm, t1_hbm, src_hbm, dst_hbm, zrows_hbm, out0, out1,
                       spmem, sidx_a, sidx_b, didx_a, didx_b, rows_a, rows_b,
                       sem_sa, sem_sb, sem_da, sem_db, sem_ra, sem_rb):
    c = lax.axis_index("c")
    sid = lax.axis_index("s")

    @pl.when(sid < 10)
    def _():
        pltpu.sync_copy(zrows_hbm, spmem.at[pl.ds(sid * ZROWS, ZROWS)])

    plsc.subcore_barrier()

    base = sid * AG_PER_TILE

    def run(tbl):
        bufs = ((sidx_a, didx_a, rows_a, sem_sa, sem_da, sem_ra),
                (sidx_b, didx_b, rows_b, sem_sb, sem_db, sem_rb))

        def load_idx(i, b):
            off = pl.multiple_of(base + i * AG_CH, 8)
            pltpu.async_copy(src_hbm.at[pl.ds(off, AG_CH)], b[0], b[3])
            pltpu.async_copy(dst_hbm.at[pl.ds(off, AG_CH)], b[1], b[4])

        def start_gather(b):
            pltpu.make_async_copy(src_hbm.at[pl.ds(0, AG_CH)], b[0], b[3]).wait()
            pltpu.async_copy(tbl.at[b[0]], b[2], b[5])

        def finish(b):
            pltpu.make_async_copy(tbl.at[b[0]], b[2], b[5]).wait()
            pltpu.make_async_copy(dst_hbm.at[pl.ds(0, AG_CH)], b[1], b[4]).wait()
            pltpu.sync_copy(b[2], spmem.at[b[1]], add=True)

        load_idx(0, bufs[0])
        start_gather(bufs[0])
        load_idx(1, bufs[1])

        def step(i, cur, nxt):
            @pl.when(i + 1 < AG_STEPS)
            def _():
                start_gather(nxt)
            finish(cur)
            @pl.when(i + 2 < AG_STEPS)
            def _():
                load_idx(i + 2, cur)

        def body(i, carry):
            @pl.when(i % 2 == 0)
            def _():
                step(i, bufs[0], bufs[1])
            @pl.when(i % 2 == 1)
            def _():
                step(i, bufs[1], bufs[0])
            return carry

        lax.fori_loop(0, AG_STEPS, body, 0)

    @pl.when(c == 0)
    def _():
        run(t0_hbm)

    @pl.when(c == 1)
    def _():
        run(t1_hbm)

    plsc.subcore_barrier()

    @pl.when(jnp.logical_and(c == 0, sid < 10))
    def _():
        sl = pl.ds(sid * ZROWS, ZROWS)
        pltpu.sync_copy(spmem.at[sl], out0.at[sl])

    @pl.when(jnp.logical_and(c == 1, sid < 10))
    def _():
        sl = pl.ds(sid * ZROWS, ZROWS)
        pltpu.sync_copy(spmem.at[sl], out1.at[sl])


@functools.cache
def _build_sc_kernels():
    mesh = plsc.VectorSubcoreMesh(core_axis_name="c", subcore_axis_name="s",
                                  num_cores=NC, num_subcores=NT)
    sc_edge_scalars = pl.kernel(
        _sc_edge_scalars_body,
        out_type=[
            jax.ShapeDtypeStruct((N, 16), jnp.float32),
            jax.ShapeDtypeStruct((N, 16), jnp.float32),
        ],
        mesh=mesh,
        scratch_types=[
            pltpu.VMEM_SHARED((N, 16), jnp.float32),
            pltpu.VMEM((ES_CH,), jnp.int32),
            pltpu.VMEM((ES_CH,), jnp.int32),
            pltpu.VMEM((ES_CH, 16), jnp.float32),
            pltpu.VMEM((ES_CH, 16), jnp.float32),
            pltpu.SemaphoreType.DMA,
            pltpu.SemaphoreType.DMA,
            pltpu.SemaphoreType.DMA,
            pltpu.SemaphoreType.DMA,
        ],
        compiler_params=pltpu.CompilerParams(use_tc_tiling_on_sc=False),
    )
    sc_aggregate = pl.kernel(
        _sc_aggregate_body,
        out_type=[
            jax.ShapeDtypeStruct((N, HP), jnp.float32),
            jax.ShapeDtypeStruct((N, HP), jnp.float32),
        ],
        mesh=mesh,
        scratch_types=[
            pltpu.VMEM_SHARED((N, HP), jnp.float32),
            pltpu.VMEM((AG_CH,), jnp.int32),
            pltpu.VMEM((AG_CH,), jnp.int32),
            pltpu.VMEM((AG_CH,), jnp.int32),
            pltpu.VMEM((AG_CH,), jnp.int32),
            pltpu.VMEM((AG_CH, HP), jnp.float32),
            pltpu.VMEM((AG_CH, HP), jnp.float32),
            pltpu.SemaphoreType.DMA,
            pltpu.SemaphoreType.DMA,
            pltpu.SemaphoreType.DMA,
            pltpu.SemaphoreType.DMA,
            pltpu.SemaphoreType.DMA,
            pltpu.SemaphoreType.DMA,
        ],
        compiler_params=pltpu.CompilerParams(use_tc_tiling_on_sc=False),
    )
    return sc_edge_scalars, sc_aggregate



RB = 2000
NRB = N // RB


def _tc_mlp_body(a0_ref, a1_ref, es0_ref, es1_ref, stats_ref, gamma_ref,
                 beta_ref, w1_ref, b1_ref, w2_ref, b2_ref,
                 z0_ref, z1_ref, ostats_ref):
    i = pl.program_id(0)
    mean = stats_ref[0:1, :] * (1.0 / N)
    var = stats_ref[1:2, :] * (1.0 / N) - mean * mean
    s = gamma_ref[...] * lax.rsqrt(var + EPS)
    t = beta_ref[...] - mean * s

    esum = es0_ref[:, 0:1] + es1_ref[:, 0:1]
    indeg = es0_ref[:, 1:2] + es1_ref[:, 1:2]

    a = jnp.concatenate([a0_ref[...][:, :H], a1_ref[...][:, :H]], axis=1)
    agg = a * s + indeg * t + esum
    pre = jnp.dot(agg, w1_ref[...], preferred_element_type=jnp.float32)
    pre += b1_ref[...]
    h1 = jnp.maximum(pre, 0.0)
    z = jnp.dot(h1, w2_ref[...], preferred_element_type=jnp.float32)
    z += b2_ref[...]

    zpad = jnp.zeros((RB, HP - H), jnp.float32)
    z0_ref[...] = jnp.concatenate([z[:, :H], zpad], axis=1)
    z1_ref[...] = jnp.concatenate([z[:, H:], zpad], axis=1)

    @pl.when(i == 0)
    def _():
        ostats_ref[...] = jnp.zeros_like(ostats_ref)

    ostats_ref[0:1, :] += jnp.sum(z, axis=0, keepdims=True)
    ostats_ref[1:2, :] += jnp.sum(z * z, axis=0, keepdims=True)


_tc_mlp = pl.pallas_call(
    _tc_mlp_body,
    grid=(NRB,),
    in_specs=[
        pl.BlockSpec((RB, HP), lambda i: (i, 0)),
        pl.BlockSpec((RB, HP), lambda i: (i, 0)),
        pl.BlockSpec((RB, 16), lambda i: (i, 0)),
        pl.BlockSpec((RB, 16), lambda i: (i, 0)),
        pl.BlockSpec((2, D), lambda i: (0, 0)),
        pl.BlockSpec((1, D), lambda i: (0, 0)),
        pl.BlockSpec((1, D), lambda i: (0, 0)),
        pl.BlockSpec((D, 2 * D), lambda i: (0, 0)),
        pl.BlockSpec((1, 2 * D), lambda i: (0, 0)),
        pl.BlockSpec((2 * D, D), lambda i: (0, 0)),
        pl.BlockSpec((1, D), lambda i: (0, 0)),
    ],
    out_specs=[
        pl.BlockSpec((RB, HP), lambda i: (i, 0)),
        pl.BlockSpec((RB, HP), lambda i: (i, 0)),
        pl.BlockSpec((2, D), lambda i: (0, 0)),
    ],
    out_shape=[
        jax.ShapeDtypeStruct((N, HP), jnp.float32),
        jax.ShapeDtypeStruct((N, HP), jnp.float32),
        jax.ShapeDtypeStruct((2, D), jnp.float32),
    ],
)


def _tc_mlp_final_body(a0_ref, a1_ref, es0_ref, es1_ref, stats_ref, gamma_ref,
                 beta_ref, w1_ref, b1_ref, w2_ref, b2_ref, gamma_c_ref,
                 beta_c_ref, gids_ref, wt_ref, bt_ref,
                 z0_ref, z1_ref, ostats_ref, out_ref, acc0, acc1, cnt):
    i = pl.program_id(0)
    mean = stats_ref[0:1, :] * (1.0 / N)
    var = stats_ref[1:2, :] * (1.0 / N) - mean * mean
    s = gamma_ref[...] * lax.rsqrt(var + EPS)
    t = beta_ref[...] - mean * s

    esum = es0_ref[:, 0:1] + es1_ref[:, 0:1]
    indeg = es0_ref[:, 1:2] + es1_ref[:, 1:2]

    a = jnp.concatenate([a0_ref[...][:, :H], a1_ref[...][:, :H]], axis=1)
    agg = a * s + indeg * t + esum
    pre = jnp.dot(agg, w1_ref[...], preferred_element_type=jnp.float32)
    pre += b1_ref[...]
    h1 = jnp.maximum(pre, 0.0)
    z = jnp.dot(h1, w2_ref[...], preferred_element_type=jnp.float32)
    z += b2_ref[...]

    zpad = jnp.zeros((RB, HP - H), jnp.float32)
    z0_ref[...] = jnp.concatenate([z[:, :H], zpad], axis=1)
    z1_ref[...] = jnp.concatenate([z[:, H:], zpad], axis=1)

    @pl.when(i == 0)
    def _():
        ostats_ref[...] = jnp.zeros_like(ostats_ref)
        acc0[...] = jnp.zeros_like(acc0)
        acc1[...] = jnp.zeros_like(acc1)
        cnt[...] = jnp.zeros_like(cnt)

    ostats_ref[0:1, :] += jnp.sum(z, axis=0, keepdims=True)
    ostats_ref[1:2, :] += jnp.sum(z * z, axis=0, keepdims=True)

    gids = gids_ref[...]
    giota = lax.broadcasted_iota(jnp.int32, (RB, G), 1).astype(jnp.float32)
    m = (giota == gids).astype(jnp.float32)
    dn = (((0,), (0,)), ((), ()))
    acc0[...] += lax.dot_general(m, z[:, :H], dn,
                                 preferred_element_type=jnp.float32,
                                 precision=lax.Precision.HIGHEST)
    acc1[...] += lax.dot_general(m, z[:, H:], dn,
                                 preferred_element_type=jnp.float32,
                                 precision=lax.Precision.HIGHEST)
    ones = jnp.ones((RB, 1), jnp.float32)
    cnt[...] += lax.dot_general(m, ones, dn,
                                preferred_element_type=jnp.float32,
                                precision=lax.Precision.HIGHEST)

    @pl.when(i == NRB - 1)
    def _():
        meanz = ostats_ref[0:1, :] * (1.0 / N)
        varz = ostats_ref[1:2, :] * (1.0 / N) - meanz * meanz
        sz = gamma_c_ref[...] * lax.rsqrt(varz + EPS)
        tz = beta_c_ref[...] - meanz * sz
        c = cnt[...]
        inv = 1.0 / jnp.maximum(c, 1.0)
        g0 = (acc0[...] * sz[:, :H] + c * tz[:, :H]) * inv
        g1 = (acc1[...] * sz[:, H:] + c * tz[:, H:]) * inv
        gm = jnp.concatenate([g0, g1], axis=1)
        o = jnp.dot(gm, wt_ref[...], preferred_element_type=jnp.float32)
        out_ref[...] = o + bt_ref[...]


_tc_mlp_final = pl.pallas_call(
    _tc_mlp_final_body,
    grid=(NRB,),
    in_specs=[
        pl.BlockSpec((RB, HP), lambda i: (i, 0)),
        pl.BlockSpec((RB, HP), lambda i: (i, 0)),
        pl.BlockSpec((RB, 16), lambda i: (i, 0)),
        pl.BlockSpec((RB, 16), lambda i: (i, 0)),
        pl.BlockSpec((2, D), lambda i: (0, 0)),
        pl.BlockSpec((1, D), lambda i: (0, 0)),
        pl.BlockSpec((1, D), lambda i: (0, 0)),
        pl.BlockSpec((D, 2 * D), lambda i: (0, 0)),
        pl.BlockSpec((1, 2 * D), lambda i: (0, 0)),
        pl.BlockSpec((2 * D, D), lambda i: (0, 0)),
        pl.BlockSpec((1, D), lambda i: (0, 0)),
        pl.BlockSpec((1, D), lambda i: (0, 0)),
        pl.BlockSpec((1, D), lambda i: (0, 0)),
        pl.BlockSpec((RB, 1), lambda i: (i, 0)),
        pl.BlockSpec((D, OUT), lambda i: (0, 0)),
        pl.BlockSpec((1, OUT), lambda i: (0, 0)),
    ],
    out_specs=[
        pl.BlockSpec((RB, HP), lambda i: (i, 0)),
        pl.BlockSpec((RB, HP), lambda i: (i, 0)),
        pl.BlockSpec((2, D), lambda i: (0, 0)),
        pl.BlockSpec((G, OUT), lambda i: (0, 0)),
    ],
    out_shape=[
        jax.ShapeDtypeStruct((N, HP), jnp.float32),
        jax.ShapeDtypeStruct((N, HP), jnp.float32),
        jax.ShapeDtypeStruct((2, D), jnp.float32),
        jax.ShapeDtypeStruct((G, OUT), jnp.float32),
    ],
    scratch_shapes=[
        pltpu.VMEM((G, H), jnp.float32),
        pltpu.VMEM((G, H), jnp.float32),
        pltpu.VMEM((G, 1), jnp.float32),
    ],
)


def kernel(node_feats, edge_feats, edge_index, graph_ids, params, Wt, bt):
    src = edge_index[0]
    dst = edge_index[1]

    nf0 = jnp.pad(node_feats[:, :H], ((0, 0), (0, HP - H)))
    nf1 = jnp.pad(node_feats[:, H:], ((0, 0), (0, HP - H)))
    ones_e = jnp.ones((E,), jnp.float32)
    payload = jnp.tile(jnp.stack([edge_feats[:, 0], ones_e], axis=-1), (1, 8))
    zrows16 = jnp.zeros((ZROWS, 16), jnp.float32)
    zrowsH = jnp.zeros((ZROWS, HP), jnp.float32)
    gids = graph_ids.astype(jnp.float32).reshape(N, 1)

    sc_edge_scalars, sc_aggregate = _build_sc_kernels()
    es0, es1 = sc_edge_scalars(dst, payload, zrows16)

    stats = jnp.stack([jnp.zeros((D,), jnp.float32),
                       jnp.full((D,), N * (1.0 - EPS), jnp.float32)])
    gamma_p = jnp.ones((1, D), jnp.float32)
    beta_p = jnp.zeros((1, D), jnp.float32)

    h0, h1 = nf0, nf1
    for (W1, b1, W2, b2, gamma, beta) in params[:-1]:
        a0, a1 = sc_aggregate(h0, h1, src, dst, zrowsH)
        h0, h1, stats = _tc_mlp(
            a0, a1, es0, es1, stats, gamma_p, beta_p,
            W1, b1.reshape(1, 2 * D), W2, b2.reshape(1, D))
        gamma_p = gamma.reshape(1, D)
        beta_p = beta.reshape(1, D)

    (W1, b1, W2, b2, gamma, beta) = params[-1]
    a0, a1 = sc_aggregate(h0, h1, src, dst, zrowsH)
    _, _, _, out = _tc_mlp_final(
        a0, a1, es0, es1, stats, gamma_p, beta_p,
        W1, b1.reshape(1, 2 * D), W2, b2.reshape(1, D),
        gamma.reshape(1, D), beta.reshape(1, D), gids,
        Wt, bt.reshape(1, OUT))
    return out

# --- scband reference (transcript-rebuilt; emitter-appended) ---
"""Pipeline reference for scband-dgl-gin-52175262712464 (READ-ONLY COPY).

The authoritative reference and input builder live on the scoring server;
editing this copy changes nothing except your own understanding.
"""

import jax, jax.numpy as jnp
import numpy as np

N = 10000
E = 160000
D = 300
NUM_LAYERS = 5
G = 64
OUT = 64


def setup_inputs(seed: int = 0) -> dict:
    key = jax.random.key(seed)
    ks = jax.random.split(key, 4 + 2 * NUM_LAYERS + 1)
    node_feats = jax.random.normal(ks[0], (N, D), dtype=jnp.float32)
    edge_feats = jax.random.normal(ks[1], (E, 1), dtype=jnp.float32)
    edge_index = jax.random.randint(ks[2], (2, E), 0, N, dtype=jnp.int32)
    graph_ids = jnp.sort(jax.random.randint(ks[3], (N,), 0, G, dtype=jnp.int32))
    params = []
    ki = 4
    for _ in range(NUM_LAYERS):
        W1 = jax.random.normal(ks[ki], (D, 2 * D), dtype=jnp.float32) * (1.0 / np.sqrt(D)); ki += 1
        b1 = jnp.zeros((2 * D,), dtype=jnp.float32)
        W2 = jax.random.normal(ks[ki], (2 * D, D), dtype=jnp.float32) * (1.0 / np.sqrt(2 * D)); ki += 1
        b2 = jnp.zeros((D,), dtype=jnp.float32)
        gamma = jnp.ones((D,), dtype=jnp.float32)
        beta = jnp.zeros((D,), dtype=jnp.float32)
        params.append((W1, b1, W2, b2, gamma, beta))
    Wt = jax.random.normal(ks[ki], (D, OUT), dtype=jnp.float32) * (1.0 / np.sqrt(D))
    bt = jnp.zeros((OUT,), dtype=jnp.float32)
    return {
        "node_feats": node_feats,
        "edge_feats": edge_feats,
        "edge_index": edge_index,
        "graph_ids": graph_ids,
        "params": params,
        "Wt": Wt,
        "bt": bt,
    }


def _gin_layer(h, edge_feats, src, dst, W1, b1, W2, b2, gamma, beta):
    # DGL u_add_e('feat','feat','m') then fn.sum('m','feat'):
    # message = h[src] + edge_feat (broadcast over feature dim), scatter-add to dst
    m = h[src] + edge_feats  # [E, D]
    agg = jax.ops.segment_sum(m, dst, num_segments=N)  # [N, D]
    # MLP: Linear(D, 2D) -> ReLU -> Linear(2D, D)
    z = jax.nn.relu(agg @ W1 + b1) @ W2 + b2
    # BatchNorm1d over node dimension (batch statistics, eps=1e-5)
    mean = jnp.mean(z, axis=0)
    var = jnp.var(z, axis=0)
    z = (z - mean) / jnp.sqrt(var + 1e-5) * gamma + beta
    # activation=None in GINLayer (GIN passes only 2 positional args)
    return z


def reference(node_feats, edge_feats, edge_index, graph_ids, params, Wt, bt):
    src = edge_index[0]
    dst = edge_index[1]
    h = node_feats
    for (W1, b1, W2, b2, gamma, beta) in params:
        h = _gin_layer(h, edge_feats, src, dst, W1, b1, W2, b2, gamma, beta)
    # AvgPooling readout over batched graphs
    sums = jax.ops.segment_sum(h, graph_ids, num_segments=G)  # [G, D]
    counts = jax.ops.segment_sum(jnp.ones((h.shape[0], 1), dtype=h.dtype), graph_ids, num_segments=G)
    gmean = sums / jnp.maximum(counts, 1.0)
    # transform: Linear(300, 64)
    return gmean @ Wt + bt


if False:  # reference __main__ guard neutralized (emitter)
    out = reference(**setup_inputs())
    print(out.shape)

if __name__ == "__main__":
    import jax
    _d = setup_inputs()
    print(jax.jit(kernel)(*tuple(_d.values())))

</pallas_src>

<mosaic_0001>
#map = affine_map<(d0, d1) -> (0, 0)>
#map1 = affine_map<(d0, d1) -> (0)>
module attributes {stable_mosaic.version = 14 : i64} {
  func.func @_sc_aggregate_body(%arg0: i32, %arg1: i32, %arg2: memref<10000x160xf32, #tpu.memory_space<hbm>>, %arg3: memref<10000x160xf32, #tpu.memory_space<hbm>>, %arg4: memref<160000xi32, #tpu.memory_space<hbm>>, %arg5: memref<160000xi32, #tpu.memory_space<hbm>>, %arg6: memref<1000x160xf32, #tpu.memory_space<hbm>>, %arg7: memref<10000x160xf32, #tpu.memory_space<hbm>>, %arg8: memref<10000x160xf32, #tpu.memory_space<hbm>>, %arg9: memref<10000x160xf32, #tpu.memory_space<vmem_shared>>, %arg10: memref<80xi32, #tpu.memory_space<vmem>>, %arg11: memref<80xi32, #tpu.memory_space<vmem>>, %arg12: memref<80xi32, #tpu.memory_space<vmem>>, %arg13: memref<80xi32, #tpu.memory_space<vmem>>, %arg14: memref<80x160xf32, #tpu.memory_space<vmem>>, %arg15: memref<80x160xf32, #tpu.memory_space<vmem>>, %arg16: memref<!tpu.dma_semaphore, #tpu.memory_space<semaphore_mem>>, %arg17: memref<!tpu.dma_semaphore, #tpu.memory_space<semaphore_mem>>, %arg18: memref<!tpu.dma_semaphore, #tpu.memory_space<semaphore_mem>>, %arg19: memref<!tpu.dma_semaphore, #tpu.memory_space<semaphore_mem>>, %arg20: memref<!tpu.dma_semaphore, #tpu.memory_space<semaphore_mem>>, %arg21: memref<!tpu.dma_semaphore, #tpu.memory_space<semaphore_mem>>) attributes {dimension_semantics = [#tpu.dimension_semantics<core_parallel>, #tpu.dimension_semantics<subcore_parallel>], iteration_bounds = array<i64: 2, 16>, scalar_prefetch = 0 : i64, scratch_operands = 13 : i64, tpu.core_type = #tpu.core_type<sc_vector_subcore>, window_params = [{transform_indices = #map}, {transform_indices = #map}, {transform_indices = #map1}, {transform_indices = #map1}, {transform_indices = #map}, {transform_indices = #map}, {transform_indices = #map}]} {
    %lt3A = arith.constant 10 : i32
    %lt3A_0 = arith.cmpi slt, %arg1, %lt3A : i32
    %convert_element_type3A = arith.extui %lt3A_0 : i1 to i32
    %cond3A = arith.constant 0 : i32
    %cond3A_1 = arith.cmpi ne, %convert_element_type3A, %cond3A : i32
    scf.if %cond3A_1 {
      %mul3A_28 = arith.constant 1000 : i32
      %mul3A_29 = arith.muli %arg1, %mul3A_28 : i32
      "tpu.region"() ({
        %run_scoped3A = tpu.sem_alloc : memref<!tpu.dma_semaphore, #tpu.memory_space<semaphore_mem>>
        %dma_start3A = arith.constant 0 : i32
        %dma_start3A_30 = tpu.memref_slice %arg9[%mul3A_29, %dma_start3A] : memref<10000x160xf32, #tpu.memory_space<vmem_shared>> -> memref<1000x160xf32, #tpu.memory_space<vmem_shared>>
        tpu.enqueue_dma source(%arg6 : memref<1000x160xf32, #tpu.memory_space<hbm>>) target(%dma_start3A_30 : memref<1000x160xf32, #tpu.memory_space<vmem_shared>>) target_semaphore(%run_scoped3A : memref<!tpu.dma_semaphore, #tpu.memory_space<semaphore_mem>>)
        %dma_wait3A = arith.constant 0 : i32
        %dma_wait3A_31 = tpu.memref_slice %arg9[%mul3A_29, %dma_wait3A] : memref<10000x160xf32, #tpu.memory_space<vmem_shared>> -> memref<1000x160xf32, #tpu.memory_space<vmem_shared>>
        tpu.wait_dma2 semaphore(%run_scoped3A : memref<!tpu.dma_semaphore, #tpu.memory_space<semaphore_mem>>) src(%arg6 : memref<1000x160xf32, #tpu.memory_space<hbm>>) dst(%dma_wait3A_31 : memref<1000x160xf32, #tpu.memory_space<vmem_shared>>)
        tpu.yield
      }) : () -> ()
    } else {
    }
    %barrier3A = arith.constant 0 : index
    tpu.barrier barrier_id(%barrier3A)
    %mul3A = arith.constant 10000 : i32
    %mul3A_2 = arith.muli %arg1, %mul3A : i32
    %eq3A = arith.constant 0 : i32
    %eq3A_3 = arith.cmpi eq, %arg0, %eq3A : i32
    %convert_element_type3A_4 = arith.extui %eq3A_3 : i1 to i32
    %cond3A_5 = arith.constant 0 : i32
    %cond3A_6 = arith.cmpi ne, %convert_element_type3A_4, %cond3A_5 : i32
    scf.if %cond3A_6 {
      %add3A = arith.constant 0 : i32
      %add3A_28 = arith.addi %mul3A_2, %add3A : i32
      %multiple_of3A = tpu.assume_multiple %add3A_28, 8 : i32
      %dma_start3A = tpu.memref_slice %arg4[%multiple_of3A] : memref<160000xi32, #tpu.memory_space<hbm>> -> memref<80xi32, #tpu.memory_space<hbm>>
      %dma_start3A_29 = tpu.memref_slice %arg4[%multiple_of3A] : memref<160000xi32, #tpu.memory_space<hbm>> -> memref<80xi32, #tpu.memory_space<hbm>>
      tpu.enqueue_dma source(%dma_start3A_29 : memref<80xi32, #tpu.memory_space<hbm>>) target(%arg10 : memref<80xi32, #tpu.memory_space<vmem>>) target_semaphore(%arg16 : memref<!tpu.dma_semaphore, #tpu.memory_space<semaphore_mem>>)
      %dma_start3A_30 = tpu.memref_slice %arg5[%multiple_of3A] : memref<160000xi32, #tpu.memory_space<hbm>> -> memref<80xi32, #tpu.memory_space<hbm>>
      %dma_start3A_31 = tpu.memref_slice %arg5[%multiple_of3A] : memref<160000xi32, #tpu.memory_space<hbm>> -> memref<80xi32, #tpu.memory_space<hbm>>
      tpu.enqueue_dma source(%dma_start3A_31 : memref<80xi32, #tpu.memory_space<hbm>>) target(%arg12 : memref<80xi32, #tpu.memory_space<vmem>>) target_semaphore(%arg18 : memref<!tpu.dma_semaphore, #tpu.memory_space<semaphore_mem>>)
      %dma_wait3A = arith.constant 0 : i32
      %dma_wait3A_32 = tpu.memref_slice %arg4[%dma_wait3A] : memref<160000xi32, #tpu.memory_space<hbm>> -> memref<80xi32, #tpu.memory_space<hbm>>
      %dma_wait3A_33 = arith.constant 0 : i32
      %dma_wait3A_34 = tpu.memref_slice %arg4[%dma_wait3A_33] : memref<160000xi32, #tpu.memory_space<hbm>> -> memref<80xi32, #tpu.memory_space<hbm>>
      tpu.wait_dma2 semaphore(%arg16 : memref<!tpu.dma_semaphore, #tpu.memory_space<semaphore_mem>>) src(%dma_wait3A_34 : memref<80xi32, #tpu.memory_space<hbm>>) dst(%arg10 : memref<80xi32, #tpu.memory_space<vmem>>)
      %dma_start3A_35 = arith.constant 0 : i32
      %dma_start3A_36 = arith.constant 0 : i32
      %dma_start3A_37 = tpu.memref_slice %arg2[%dma_start3A_35, %dma_start3A_36] : memref<10000x160xf32, #tpu.memory_space<hbm>> -> memref<10000x160xf32, #tpu.memory_space<hbm>>
      tpu.enqueue_indirect_dma source(%dma_start3A_37 : memref<10000x160xf32, #tpu.memory_space<hbm>>) target(%arg14 : memref<80x160xf32, #tpu.memory_space<vmem>>) offsets(%arg10 : memref<80xi32, #tpu.memory_space<vmem>>) semaphore(%arg20 : memref<!tpu.dma_semaphore, #tpu.memory_space<semaphore_mem>>)
      %add3A_38 = arith.constant 80 : i32
      %add3A_39 = arith.addi %mul3A_2, %add3A_38 : i32
      %multiple_of3A_40 = tpu.assume_multiple %add3A_39, 8 : i32
      %dma_start3A_41 = tpu.memref_slice %arg4[%multiple_of3A_40] : memref<160000xi32, #tpu.memory_space<hbm>> -> memref<80xi32, #tpu.memory_space<hbm>>
      %dma_start3A_42 = tpu.memref_slice %arg4[%multiple_of3A_40] : memref<160000xi32, #tpu.memory_space<hbm>> -> memref<80xi32, #tpu.memory_space<hbm>>
      tpu.enqueue_dma source(%dma_start3A_42 : memref<80xi32, #tpu.memory_space<hbm>>) target(%arg11 : memref<80xi32, #tpu.memory_space<vmem>>) target_semaphore(%arg17 : memref<!tpu.dma_semaphore, #tpu.memory_space<semaphore_mem>>)
      %dma_start3A_43 = tpu.memref_slice %arg5[%multiple_of3A_40] : memref<160000xi32, #tpu.memory_space<hbm>> -> memref<80xi32, #tpu.memory_space<hbm>>
      %dma_start3A_44 = tpu.memref_slice %arg5[%multiple_of3A_40] : memref<160000xi32, #tpu.memory_space<hbm>> -> memref<80xi32, #tpu.memory_space<hbm>>
      tpu.enqueue_dma source(%dma_start3A_44 : memref<80xi32, #tpu.memory_space<hbm>>) target(%arg13 : memref<80xi32, #tpu.memory_space<vmem>>) target_semaphore(%arg19 : memref<!tpu.dma_semaphore, #tpu.memory_space<semaphore_mem>>)
      %scan3A = arith.constant 0 : i32
      %scan3A_45 = arith.constant 0 : i32
      %scan3A_46 = arith.constant 125 : i32
      %scan3A_47 = arith.addi %scan3A_45, %scan3A_46 : i32
      %scan3A_48 = arith.constant 1 : i32
      scf.for %scan3A_50 = %scan3A_45 to %scan3A_47 step %scan3A_48  : i32 {
        %jit3A = arith.constant 2 : i32
        %eq3A_51 = arith.constant 0 : i32
        %eq3A_52 = arith.cmpi eq, %jit3A, %eq3A_51 : i32
        %jit3A_53 = arith.constant 1 : i32
        %select_n3A = arith.select %eq3A_52, %jit3A_53, %jit3A : i32
        %rem3A = arith.remsi %scan3A_50, %select_n3A : i32
        %ne3A = arith.constant 0 : i32
        %ne3A_54 = arith.cmpi ne, %rem3A, %ne3A : i32
        %lt3A_55 = arith.constant 0 : i32
        %lt3A_56 = arith.cmpi slt, %rem3A, %lt3A_55 : i32
        %lt3A_57 = arith.constant 0 : i32
        %lt3A_58 = arith.cmpi slt, %select_n3A, %lt3A_57 : i32
        %ne3A_59 = arith.xori %lt3A_56, %lt3A_58 : i1
        %and3A_60 = arith.andi %ne3A_59, %ne3A_54 : i1
        %add3A_61 = arith.addi %rem3A, %select_n3A : i32
        %select_n3A_62 = arith.select %and3A_60, %add3A_61, %rem3A : i32
        %eq3A_63 = arith.constant 0 : i32
        %eq3A_64 = arith.cmpi eq, %select_n3A_62, %eq3A_63 : i32
        %convert_element_type3A_65 = arith.extui %eq3A_64 : i1 to i32
        %cond3A_66 = arith.constant 0 : i32
        %cond3A_67 = arith.cmpi ne, %convert_element_type3A_65, %cond3A_66 : i32
        scf.if %cond3A_67 {
          %add3A_89 = arith.constant 1 : i32
          %add3A_90 = arith.addi %scan3A_50, %add3A_89 : i32
          %lt3A_91 = arith.constant 125 : i32
          %lt3A_92 = arith.cmpi slt, %add3A_90, %lt3A_91 : i32
          %convert_element_type3A_93 = arith.extui %lt3A_92 : i1 to i32
          %cond3A_94 = arith.constant 0 : i32
          %cond3A_95 = arith.cmpi ne, %convert_element_type3A_93, %cond3A_94 : i32
          scf.if %cond3A_95 {
            %dma_wait3A_110 = arith.constant 0 : i32
            %dma_wait3A_111 = tpu.memref_slice %arg4[%dma_wait3A_110] : memref<160000xi32, #tpu.memory_space<hbm>> -> memref<80xi32, #tpu.memory_space<hbm>>
            %dma_wait3A_112 = arith.constant 0 : i32
            %dma_wait3A_113 = tpu.memref_slice %arg4[%dma_wait3A_112] : memref<160000xi32, #tpu.memory_space<hbm>> -> memref<80xi32, #tpu.memory_space<hbm>>
            tpu.wait_dma2 semaphore(%arg17 : memref<!tpu.dma_semaphore, #tpu.memory_space<semaphore_mem>>) src(%dma_wait3A_113 : memref<80xi32, #tpu.memory_space<hbm>>) dst(%arg11 : memref<80xi32, #tpu.memory_space<vmem>>)
            %dma_start3A_114 = arith.constant 0 : i32
            %dma_start3A_115 = arith.constant 0 : i32
            %dma_start3A_116 = tpu.memref_slice %arg2[%dma_start3A_114, %dma_start3A_115] : memref<10000x160xf32, #tpu.memory_space<hbm>> -> memref<10000x160xf32, #tpu.memory_space<hbm>>
            tpu.enqueue_indirect_dma source(%dma_start3A_116 : memref<10000x160xf32, #tpu.memory_space<hbm>>) target(%arg15 : memref<80x160xf32, #tpu.memory_space<vmem>>) offsets(%arg11 : memref<80xi32, #tpu.memory_space<vmem>>) semaphore(%arg21 : memref<!tpu.dma_semaphore, #tpu.memory_space<semaphore_mem>>)
          } else {
          }
          %dma_wait3A_96 = arith.constant 0 : i32
          %dma_wait3A_97 = arith.constant 0 : i32
          %dma_wait3A_98 = tpu.memref_slice %arg2[%dma_wait3A_96, %dma_wait3A_97] : memref<10000x160xf32, #tpu.memory_space<hbm>> -> memref<10000x160xf32, #tpu.memory_space<hbm>>
          tpu.wait_indirect_dma semaphore(%arg20 : memref<!tpu.dma_semaphore, #tpu.memory_space<semaphore_mem>>) src(%dma_wait3A_98 : memref<10000x160xf32, #tpu.memory_space<hbm>>) dst(%arg14 : memref<80x160xf32, #tpu.memory_space<vmem>>)
          %dma_wait3A_99 = arith.constant 0 : i32
          %dma_wait3A_100 = tpu.memref_slice %arg5[%dma_wait3A_99] : memref<160000xi32, #tpu.memory_space<hbm>> -> memref<80xi32, #tpu.memory_space<hbm>>
          %dma_wait3A_101 = arith.constant 0 : i32
          %dma_wait3A_102 = tpu.memref_slice %arg5[%dma_wait3A_101] : memref<160000xi32, #tpu.memory_space<hbm>> -> memref<80xi32, #tpu.memory_space<hbm>>
          tpu.wait_dma2 semaphore(%arg18 : memref<!tpu.dma_semaphore, #tpu.memory_space<semaphore_mem>>) src(%dma_wait3A_102 : memref<80xi32, #tpu.memory_space<hbm>>) dst(%arg12 : memref<80xi32, #tpu.memory_space<vmem>>)
          "tpu.region"() ({
            %run_scoped3A = tpu.sem_alloc : memref<!tpu.dma_semaphore, #tpu.memory_space<semaphore_mem>>
            %dma_start3A_110 = arith.constant 0 : i32
            %dma_start3A_111 = arith.constant 0 : i32
            %dma_start3A_112 = tpu.memref_slice %arg9[%dma_start3A_110, %dma_start3A_111] : memref<10000x160xf32, #tpu.memory_space<vmem_shared>> -> memref<10000x160xf32, #tpu.memory_space<vmem_shared>>
            tpu.enqueue_indirect_dma source(%arg14 : memref<80x160xf32, #tpu.memory_space<vmem>>) target(%dma_start3A_112 : memref<10000x160xf32, #tpu.memory_space<vmem_shared>>) offsets(%arg12 : memref<80xi32, #tpu.memory_space<vmem>>) semaphore(%run_scoped3A : memref<!tpu.dma_semaphore, #tpu.memory_space<semaphore_mem>>) {add = true}
            %dma_wait3A_113 = arith.constant 0 : i32
            %dma_wait3A_114 = arith.constant 0 : i32
            %dma_wait3A_115 = tpu.memref_slice %arg9[%dma_wait3A_113, %dma_wait3A_114] : memref<10000x160xf32, #tpu.memory_space<vmem_shared>> -> memref<10000x160xf32, #tpu.memory_space<vmem_shared>>
            tpu.wait_indirect_dma semaphore(%run_scoped3A : memref<!tpu.dma_semaphore, #tpu.memory_space<semaphore_mem>>) src(%arg14 : memref<80x160xf32, #tpu.memory_space<vmem>>) dst(%dma_wait3A_115 : memref<10000x160xf32, #tpu.memory_space<vmem_shared>>)
            tpu.yield
          }) : () -> ()
          %add3A_103 = arith.constant 2 : i32
          %add3A_104 = arith.addi %scan3A_50, %add3A_103 : i32
          %lt3A_105 = arith.constant 125 : i32
          %lt3A_106 = arith.cmpi slt, %add3A_104, %lt3A_105 : i32
          %convert_element_type3A_107 = arith.extui %lt3A_106 : i1 to i32
          %cond3A_108 = arith.constant 0 : i32
          %cond3A_109 = arith.cmpi ne, %convert_element_type3A_107, %cond3A_108 : i32
          scf.if %cond3A_109 {
            %add3A_110 = arith.constant 2 : i32
            %add3A_111 = arith.addi %scan3A_50, %add3A_110 : i32
            %mul3A_112 = arith.constant 80 : i32
            %mul3A_113 = arith.muli %add3A_111, %mul3A_112 : i32
            %add3A_114 = arith.addi %mul3A_2, %mul3A_113 : i32
            %multiple_of3A_115 = tpu.assume_multiple %add3A_114, 8 : i32
            %dma_start3A_116 = tpu.memref_slice %arg4[%multiple_of3A_115] : memref<160000xi32, #tpu.memory_space<hbm>> -> memref<80xi32, #tpu.memory_space<hbm>>
            %dma_start3A_117 = tpu.memref_slice %arg4[%multiple_of3A_115] : memref<160000xi32, #tpu.memory_space<hbm>> -> memref<80xi32, #tpu.memory_space<hbm>>
            tpu.enqueue_dma source(%dma_start3A_117 : memref<80xi32, #tpu.memory_space<hbm>>) target(%arg10 : memref<80xi32, #tpu.memory_space<vmem>>) target_semaphore(%arg16 : memref<!tpu.dma_semaphore, #tpu.memory_space<semaphore_mem>>)
            %dma_start3A_118 = tpu.memref_slice %arg5[%multiple_of3A_115] : memref<160000xi32, #tpu.memory_space<hbm>> -> memref<80xi32, #tpu.memory_space<hbm>>
            %dma_start3A_119 = tpu.memref_slice %arg5[%multiple_of3A_115] : memref<160000xi32, #tpu.memory_space<hbm>> -> memref<80xi32, #tpu.memory_space<hbm>>
            tpu.enqueue_dma source(%dma_start3A_119 : memref<80xi32, #tpu.memory_space<hbm>>) target(%arg12 : memref<80xi32, #tpu.memory_space<vmem>>) target_semaphore(%arg18 : memref<!tpu.dma_semaphore, #tpu.memory_space<semaphore_mem>>)
          } else {
          }
        } else {
        }
        %jit3A_68 = arith.constant 2 : i32
        %eq3A_69 = arith.constant 0 : i32
        %eq3A_70 = arith.cmpi eq, %jit3A_68, %eq3A_69 : i32
        %jit3A_71 = arith.constant 1 : i32
        %select_n3A_72 = arith.select %eq3A_70, %jit3A_71, %jit3A_68 : i32
        %rem3A_73 = arith.remsi %scan3A_50, %select_n3A_72 : i32
        %ne3A_74 = arith.constant 0 : i32
        %ne3A_75 = arith.cmpi ne, %rem3A_73, %ne3A_74 : i32
        %lt3A_76 = arith.constant 0 : i32
        %lt3A_77 = arith.cmpi slt, %rem3A_73, %lt3A_76 : i32
        %lt3A_78 = arith.constant 0 : i32
        %lt3A_79 = arith.cmpi slt, %select_n3A_72, %lt3A_78 : i32
        %ne3A_80 = arith.xori %lt3A_77, %lt3A_79 : i1
        %and3A_81 = arith.andi %ne3A_80, %ne3A_75 : i1
        %add3A_82 = arith.addi %rem3A_73, %select_n3A_72 : i32
        %select_n3A_83 = arith.select %and3A_81, %add3A_82, %rem3A_73 : i32
        %eq3A_84 = arith.constant 1 : i32
        %eq3A_85 = arith.cmpi eq, %select_n3A_83, %eq3A_84 : i32
        %convert_element_type3A_86 = arith.extui %eq3A_85 : i1 to i32
        %cond3A_87 = arith.constant 0 : i32
        %cond3A_88 = arith.cmpi ne, %convert_element_type3A_86, %cond3A_87 : i32
        scf.if %cond3A_88 {
          %add3A_89 = arith.constant 1 : i32
          %add3A_90 = arith.addi %scan3A_50, %add3A_89 : i32
          %lt3A_91 = arith.constant 125 : i32
          %lt3A_92 = arith.cmpi slt, %add3A_90, %lt3A_91 : i32
          %convert_element_type3A_93 = arith.extui %lt3A_92 : i1 to i32
          %cond3A_94 = arith.constant 0 : i32
          %cond3A_95 = arith.cmpi ne, %convert_element_type3A_93, %cond3A_94 : i32
          scf.if %cond3A_95 {
            %dma_wait3A_110 = arith.constant 0 : i32
            %dma_wait3A_111 = tpu.memref_slice %arg4[%dma_wait3A_110] : memref<160000xi32, #tpu.memory_space<hbm>> -> memref<80xi32, #tpu.memory_space<hbm>>
            %dma_wait3A_112 = arith.constant 0 : i32
            %dma_wait3A_113 = tpu.memref_slice %arg4[%dma_wait3A_112] : memref<160000xi32, #tpu.memory_space<hbm>> -> memref<80xi32, #tpu.memory_space<hbm>>
            tpu.wait_dma2 semaphore(%arg16 : memref<!tpu.dma_semaphore, #tpu.memory_space<semaphore_mem>>) src(%dma_wait3A_113 : memref<80xi32, #tpu.memory_space<hbm>>) dst(%arg10 : memref<80xi32, #tpu.memory_space<vmem>>)
            %dma_start3A_114 = arith.constant 0 : i32
            %dma_start3A_115 = arith.constant 0 : i32
            %dma_start3A_116 = tpu.memref_slice %arg2[%dma_start3A_114, %dma_start3A_115] : memref<10000x160xf32, #tpu.memory_space<hbm>> -> memref<10000x160xf32, #tpu.memory_space<hbm>>
            tpu.enqueue_indirect_dma source(%dma_start3A_116 : memref<10000x160xf32, #tpu.memory_space<hbm>>) target(%arg14 : memref<80x160xf32, #tpu.memory_space<vmem>>) offsets(%arg10 : memref<80xi32, #tpu.memory_space<vmem>>) semaphore(%arg20 : memref<!tpu.dma_semaphore, #tpu.memory_space<semaphore_mem>>)
          } else {
          }
          %dma_wait3A_96 = arith.constant 0 : i32
          %dma_wait3A_97 = arith.constant 0 : i32
          %dma_wait3A_98 = tpu.memref_slice %arg2[%dma_wait3A_96, %dma_wait3A_97] : memref<10000x160xf32, #tpu.memory_space<hbm>> -> memref<10000x160xf32, #tpu.memory_space<hbm>>
          tpu.wait_indirect_dma semaphore(%arg21 : memref<!tpu.dma_semaphore, #tpu.memory_space<semaphore_mem>>) src(%dma_wait3A_98 : memref<10000x160xf32, #tpu.memory_space<hbm>>) dst(%arg15 : memref<80x160xf32, #tpu.memory_space<vmem>>)
          %dma_wait3A_99 = arith.constant 0 : i32
          %dma_wait3A_100 = tpu.memref_slice %arg5[%dma_wait3A_99] : memref<160000xi32, #tpu.memory_space<hbm>> -> memref<80xi32, #tpu.memory_space<hbm>>
          %dma_wait3A_101 = arith.constant 0 : i32
          %dma_wait3A_102 = tpu.memref_slice %arg5[%dma_wait3A_101] : memref<160000xi32, #tpu.memory_space<hbm>> -> memref<80xi32, #tpu.memory_space<hbm>>
          tpu.wait_dma2 semaphore(%arg19 : memref<!tpu.dma_semaphore, #tpu.memory_space<semaphore_mem>>) src(%dma_wait3A_102 : memref<80xi32, #tpu.memory_space<hbm>>) dst(%arg13 : memref<80xi32, #tpu.memory_space<vmem>>)
          "tpu.region"() ({
            %run_scoped3A = tpu.sem_alloc : memref<!tpu.dma_semaphore, #tpu.memory_space<semaphore_mem>>
            %dma_start3A_110 = arith.constant 0 : i32
            %dma_start3A_111 = arith.constant 0 : i32
            %dma_start3A_112 = tpu.memref_slice %arg9[%dma_start3A_110, %dma_start3A_111] : memref<10000x160xf32, #tpu.memory_space<vmem_shared>> -> memref<10000x160xf32, #tpu.memory_space<vmem_shared>>
            tpu.enqueue_indirect_dma source(%arg15 : memref<80x160xf32, #tpu.memory_space<vmem>>) target(%dma_start3A_112 : memref<10000x160xf32, #tpu.memory_space<vmem_shared>>) offsets(%arg13 : memref<80xi32, #tpu.memory_space<vmem>>) semaphore(%run_scoped3A : memref<!tpu.dma_semaphore, #tpu.memory_space<semaphore_mem>>) {add = true}
            %dma_wait3A_113 = arith.constant 0 : i32
            %dma_wait3A_114 = arith.constant 0 : i32
            %dma_wait3A_115 = tpu.memref_slice %arg9[%dma_wait3A_113, %dma_wait3A_114] : memref<10000x160xf32, #tpu.memory_space<vmem_shared>> -> memref<10000x160xf32, #tpu.memory_space<vmem_shared>>
            tpu.wait_indirect_dma semaphore(%run_scoped3A : memref<!tpu.dma_semaphore, #tpu.memory_space<semaphore_mem>>) src(%arg15 : memref<80x160xf32, #tpu.memory_space<vmem>>) dst(%dma_wait3A_115 : memref<10000x160xf32, #tpu.memory_space<vmem_shared>>)
            tpu.yield
          }) : () -> ()
          %add3A_103 = arith.constant 2 : i32
          %add3A_104 = arith.addi %scan3A_50, %add3A_103 : i32
          %lt3A_105 = arith.constant 125 : i32
          %lt3A_106 = arith.cmpi slt, %add3A_104, %lt3A_105 : i32
          %convert_element_type3A_107 = arith.extui %lt3A_106 : i1 to i32
          %cond3A_108 = arith.constant 0 : i32
          %cond3A_109 = arith.cmpi ne, %convert_element_type3A_107, %cond3A_108 : i32
          scf.if %cond3A_109 {
            %add3A_110 = arith.constant 2 : i32
            %add3A_111 = arith.addi %scan3A_50, %add3A_110 : i32
            %mul3A_112 = arith.constant 80 : i32
            %mul3A_113 = arith.muli %add3A_111, %mul3A_112 : i32
            %add3A_114 = arith.addi %mul3A_2, %mul3A_113 : i32
            %multiple_of3A_115 = tpu.assume_multiple %add3A_114, 8 : i32
            %dma_start3A_116 = tpu.memref_slice %arg4[%multiple_of3A_115] : memref<160000xi32, #tpu.memory_space<hbm>> -> memref<80xi32, #tpu.memory_space<hbm>>
            %dma_start3A_117 = tpu.memref_slice %arg4[%multiple_of3A_115] : memref<160000xi32, #tpu.memory_space<hbm>> -> memref<80xi32, #tpu.memory_space<hbm>>
            tpu.enqueue_dma source(%dma_start3A_117 : memref<80xi32, #tpu.memory_space<hbm>>) target(%arg11 : memref<80xi32, #tpu.memory_space<vmem>>) target_semaphore(%arg17 : memref<!tpu.dma_semaphore, #tpu.memory_space<semaphore_mem>>)
            %dma_start3A_118 = tpu.memref_slice %arg5[%multiple_of3A_115] : memref<160000xi32, #tpu.memory_space<hbm>> -> memref<80xi32, #tpu.memory_space<hbm>>
            %dma_start3A_119 = tpu.memref_slice %arg5[%multiple_of3A_115] : memref<160000xi32, #tpu.memory_space<hbm>> -> memref<80xi32, #tpu.memory_space<hbm>>
            tpu.enqueue_dma source(%dma_start3A_119 : memref<80xi32, #tpu.memory_space<hbm>>) target(%arg13 : memref<80xi32, #tpu.memory_space<vmem>>) target_semaphore(%arg19 : memref<!tpu.dma_semaphore, #tpu.memory_space<semaphore_mem>>)
          } else {
          }
        } else {
        }
      }
      %scan3A_49 = arith.constant 125 : i32
    } else {
    }
    %eq3A_7 = arith.constant 1 : i32
    %eq3A_8 = arith.cmpi eq, %arg0, %eq3A_7 : i32
    %convert_element_type3A_9 = arith.extui %eq3A_8 : i1 to i32
    %cond3A_10 = arith.constant 0 : i32
    %cond3A_11 = arith.cmpi ne, %convert_element_type3A_9, %cond3A_10 : i32
    scf.if %cond3A_11 {
      %add3A = arith.constant 0 : i32
      %add3A_28 = arith.addi %mul3A_2, %add3A : i32
      %multiple_of3A = tpu.assume_multiple %add3A_28, 8 : i32
      %dma_start3A = tpu.memref_slice %arg4[%multiple_of3A] : memref<160000xi32, #tpu.memory_space<hbm>> -> memref<80xi32, #tpu.memory_space<hbm>>
      %dma_start3A_29 = tpu.memref_slice %arg4[%multiple_of3A] : memref<160000xi32, #tpu.memory_space<hbm>> -> memref<80xi32, #tpu.memory_space<hbm>>
      tpu.enqueue_dma source(%dma_start3A_29 : memref<80xi32, #tpu.memory_space<hbm>>) target(%arg10 : memref<80xi32, #tpu.memory_space<vmem>>) target_semaphore(%arg16 : memref<!tpu.dma_semaphore, #tpu.memory_space<semaphore_mem>>)
      %dma_start3A_30 = tpu.memref_slice %arg5[%multiple_of3A] : memref<160000xi32, #tpu.memory_space<hbm>> -> memref<80xi32, #tpu.memory_space<hbm>>
      %dma_start3A_31 = tpu.memref_slice %arg5[%multiple_of3A] : memref<160000xi32, #tpu.memory_space<hbm>> -> memref<80xi32, #tpu.memory_space<hbm>>
      tpu.enqueue_dma source(%dma_start3A_31 : memref<80xi32, #tpu.memory_space<hbm>>) target(%arg12 : memref<80xi32, #tpu.memory_space<vmem>>) target_semaphore(%arg18 : memref<!tpu.dma_semaphore, #tpu.memory_space<semaphore_mem>>)
      %dma_wait3A = arith.constant 0 : i32
      %dma_wait3A_32 = tpu.memref_slice %arg4[%dma_wait3A] : memref<160000xi32, #tpu.memory_space<hbm>> -> memref<80xi32, #tpu.memory_space<hbm>>
      %dma_wait3A_33 = arith.constant 0 : i32
      %dma_wait3A_34 = tpu.memref_slice %arg4[%dma_wait3A_33] : memref<160000xi32, #tpu.memory_space<hbm>> -> memref<80xi32, #tpu.memory_space<hbm>>
      tpu.wait_dma2 semaphore(%arg16 : memref<!tpu.dma_semaphore, #tpu.memory_space<semaphore_mem>>) src(%dma_wait3A_34 : memref<80xi32, #tpu.memory_space<hbm>>) dst(%arg10 : memref<80xi32, #tpu.memory_space<vmem>>)
      %dma_start3A_35 = arith.constant 0 : i32
      %dma_start3A_36 = arith.constant 0 : i32
      %dma_start3A_37 = tpu.memref_slice %arg3[%dma_start3A_35, %dma_start3A_36] : memref<10000x160xf32, #tpu.memory_space<hbm>> -> memref<10000x160xf32, #tpu.memory_space<hbm>>
      tpu.enqueue_indirect_dma source(%dma_start3A_37 : memref<10000x160xf32, #tpu.memory_space<hbm>>) target(%arg14 : memref<80x160xf32, #tpu.memory_space<vmem>>) offsets(%arg10 : memref<80xi32, #tpu.memory_space<vmem>>) semaphore(%arg20 : memref<!tpu.dma_semaphore, #tpu.memory_space<semaphore_mem>>)
      %add3A_38 = arith.constant 80 : i32
      %add3A_39 = arith.addi %mul3A_2, %add3A_38 : i32
      %multiple_of3A_40 = tpu.assume_multiple %add3A_39, 8 : i32
      %dma_start3A_41 = tpu.memref_slice %arg4[%multiple_of3A_40] : memref<160000xi32, #tpu.memory_space<hbm>> -> memref<80xi32, #tpu.memory_space<hbm>>
      %dma_start3A_42 = tpu.memref_slice %arg4[%multiple_of3A_40] : memref<160000xi32, #tpu.memory_space<hbm>> -> memref<80xi32, #tpu.memory_space<hbm>>
      tpu.enqueue_dma source(%dma_start3A_42 : memref<80xi32, #tpu.memory_space<hbm>>) target(%arg11 : memref<80xi32, #tpu.memory_space<vmem>>) target_semaphore(%arg17 : memref<!tpu.dma_semaphore, #tpu.memory_space<semaphore_mem>>)
      %dma_start3A_43 = tpu.memref_slice %arg5[%multiple_of3A_40] : memref<160000xi32, #tpu.memory_space<hbm>> -> memref<80xi32, #tpu.memory_space<hbm>>
      %dma_start3A_44 = tpu.memref_slice %arg5[%multiple_of3A_40] : memref<160000xi32, #tpu.memory_space<hbm>> -> memref<80xi32, #tpu.memory_space<hbm>>
      tpu.enqueue_dma source(%dma_start3A_44 : memref<80xi32, #tpu.memory_space<hbm>>) target(%arg13 : memref<80xi32, #tpu.memory_space<vmem>>) target_semaphore(%arg19 : memref<!tpu.dma_semaphore, #tpu.memory_space<semaphore_mem>>)
      %scan3A = arith.constant 0 : i32
      %scan3A_45 = arith.constant 0 : i32
      %scan3A_46 = arith.constant 125 : i32
      %scan3A_47 = arith.addi %scan3A_45, %scan3A_46 : i32
      %scan3A_48 = arith.constant 1 : i32
      scf.for %scan3A_50 = %scan3A_45 to %scan3A_47 step %scan3A_48  : i32 {
        %jit3A = arith.constant 2 : i32
        %eq3A_51 = arith.constant 0 : i32
        %eq3A_52 = arith.cmpi eq, %jit3A, %eq3A_51 : i32
        %jit3A_53 = arith.constant 1 : i32
        %select_n3A = arith.select %eq3A_52, %jit3A_53, %jit3A : i32
        %rem3A = arith.remsi %scan3A_50, %select_n3A : i32
        %ne3A = arith.constant 0 : i32
        %ne3A_54 = arith.cmpi ne, %rem3A, %ne3A : i32
        %lt3A_55 = arith.constant 0 : i32
        %lt3A_56 = arith.cmpi slt, %rem3A, %lt3A_55 : i32
        %lt3A_57 = arith.constant 0 : i32
        %lt3A_58 = arith.cmpi slt, %select_n3A, %lt3A_57 : i32
        %ne3A_59 = arith.xori %lt3A_56, %lt3A_58 : i1
        %and3A_60 = arith.andi %ne3A_59, %ne3A_54 : i1
        %add3A_61 = arith.addi %rem3A, %select_n3A : i32
        %select_n3A_62 = arith.select %and3A_60, %add3A_61, %rem3A : i32
        %eq3A_63 = arith.constant 0 : i32
        %eq3A_64 = arith.cmpi eq, %select_n3A_62, %eq3A_63 : i32
        %convert_element_type3A_65 = arith.extui %eq3A_64 : i1 to i32
        %cond3A_66 = arith.constant 0 : i32
        %cond3A_67 = arith.cmpi ne, %convert_element_type3A_65, %cond3A_66 : i32
        scf.if %cond3A_67 {
          %add3A_89 = arith.constant 1 : i32
          %add3A_90 = arith.addi %scan3A_50, %add3A_89 : i32
          %lt3A_91 = arith.constant 125 : i32
          %lt3A_92 = arith.cmpi slt, %add3A_90, %lt3A_91 : i32
          %convert_element_type3A_93 = arith.extui %lt3A_92 : i1 to i32
          %cond3A_94 = arith.constant 0 : i32
          %cond3A_95 = arith.cmpi ne, %convert_element_type3A_93, %cond3A_94 : i32
          scf.if %cond3A_95 {
            %dma_wait3A_110 = arith.constant 0 : i32
            %dma_wait3A_111 = tpu.memref_slice %arg4[%dma_wait3A_110] : memref<160000xi32, #tpu.memory_space<hbm>> -> memref<80xi32, #tpu.memory_space<hbm>>
            %dma_wait3A_112 = arith.constant 0 : i32
            %dma_wait3A_113 = tpu.memref_slice %arg4[%dma_wait3A_112] : memref<160000xi32, #tpu.memory_space<hbm>> -> memref<80xi32, #tpu.memory_space<hbm>>
            tpu.wait_dma2 semaphore(%arg17 : memref<!tpu.dma_semaphore, #tpu.memory_space<semaphore_mem>>) src(%dma_wait3A_113 : memref<80xi32, #tpu.memory_space<hbm>>) dst(%arg11 : memref<80xi32, #tpu.memory_space<vmem>>)
            %dma_start3A_114 = arith.constant 0 : i32
            %dma_start3A_115 = arith.constant 0 : i32
            %dma_start3A_116 = tpu.memref_slice %arg3[%dma_start3A_114, %dma_start3A_115] : memref<10000x160xf32, #tpu.memory_space<hbm>> -> memref<10000x160xf32, #tpu.memory_space<hbm>>
            tpu.enqueue_indirect_dma source(%dma_start3A_116 : memref<10000x160xf32, #tpu.memory_space<hbm>>) target(%arg15 : memref<80x160xf32, #tpu.memory_space<vmem>>) offsets(%arg11 : memref<80xi32, #tpu.memory_space<vmem>>) semaphore(%arg21 : memref<!tpu.dma_semaphore, #tpu.memory_space<semaphore_mem>>)
          } else {
          }
          %dma_wait3A_96 = arith.constant 0 : i32
          %dma_wait3A_97 = arith.constant 0 : i32
          %dma_wait3A_98 = tpu.memref_slice %arg3[%dma_wait3A_96, %dma_wait3A_97] : memref<10000x160xf32, #tpu.memory_space<hbm>> -> memref<10000x160xf32, #tpu.memory_space<hbm>>
          tpu.wait_indirect_dma semaphore(%arg20 : memref<!tpu.dma_semaphore, #tpu.memory_space<semaphore_mem>>) src(%dma_wait3A_98 : memref<10000x160xf32, #tpu.memory_space<hbm>>) dst(%arg14 : memref<80x160xf32, #tpu.memory_space<vmem>>)
          %dma_wait3A_99 = arith.constant 0 : i32
          %dma_wait3A_100 = tpu.memref_slice %arg5[%dma_wait3A_99] : memref<160000xi32, #tpu.memory_space<hbm>> -> memref<80xi32, #tpu.memory_space<hbm>>
          %dma_wait3A_101 = arith.constant 0 : i32
          %dma_wait3A_102 = tpu.memref_slice %arg5[%dma_wait3A_101] : memref<160000xi32, #tpu.memory_space<hbm>> -> memref<80xi32, #tpu.memory_space<hbm>>
          tpu.wait_dma2 semaphore(%arg18 : memref<!tpu.dma_semaphore, #tpu.memory_space<semaphore_mem>>) src(%dma_wait3A_102 : memref<80xi32, #tpu.memory_space<hbm>>) dst(%arg12 : memref<80xi32, #tpu.memory_space<vmem>>)
          "tpu.region"() ({
            %run_scoped3A = tpu.sem_alloc : memref<!tpu.dma_semaphore, #tpu.memory_space<semaphore_mem>>
            %dma_start3A_110 = arith.constant 0 : i32
            %dma_start3A_111 = arith.constant 0 : i32
            %dma_start3A_112 = tpu.memref_slice %arg9[%dma_start3A_110, %dma_start3A_111] : memref<10000x160xf32, #tpu.memory_space<vmem_shared>> -> memref<10000x160xf32, #tpu.memory_space<vmem_shared>>
            tpu.enqueue_indirect_dma source(%arg14 : memref<80x160xf32, #tpu.memory_space<vmem>>) target(%dma_start3A_112 : memref<10000x160xf32, #tpu.memory_space<vmem_shared>>) offsets(%arg12 : memref<80xi32, #tpu.memory_space<vmem>>) semaphore(%run_scoped3A : memref<!tpu.dma_semaphore, #tpu.memory_space<semaphore_mem>>) {add = true}
            %dma_wait3A_113 = arith.constant 0 : i32
            %dma_wait3A_114 = arith.constant 0 : i32
            %dma_wait3A_115 = tpu.memref_slice %arg9[%dma_wait3A_113, %dma_wait3A_114] : memref<10000x160xf32, #tpu.memory_space<vmem_shared>> -> memref<10000x160xf32, #tpu.memory_space<vmem_shared>>
            tpu.wait_indirect_dma semaphore(%run_scoped3A : memref<!tpu.dma_semaphore, #tpu.memory_space<semaphore_mem>>) src(%arg14 : memref<80x160xf32, #tpu.memory_space<vmem>>) dst(%dma_wait3A_115 : memref<10000x160xf32, #tpu.memory_space<vmem_shared>>)
            tpu.yield
          }) : () -> ()
          %add3A_103 = arith.constant 2 : i32
          %add3A_104 = arith.addi %scan3A_50, %add3A_103 : i32
          %lt3A_105 = arith.constant 125 : i32
          %lt3A_106 = arith.cmpi slt, %add3A_104, %lt3A_105 : i32
          %convert_element_type3A_107 = arith.extui %lt3A_106 : i1 to i32
          %cond3A_108 = arith.constant 0 : i32
          %cond3A_109 = arith.cmpi ne, %convert_element_type3A_107, %cond3A_108 : i32
          scf.if %cond3A_109 {
            %add3A_110 = arith.constant 2 : i32
            %add3A_111 = arith.addi %scan3A_50, %add3A_110 : i32
            %mul3A_112 = arith.constant 80 : i32
            %mul3A_113 = arith.muli %add3A_111, %mul3A_112 : i32
            %add3A_114 = arith.addi %mul3A_2, %mul3A_113 : i32
            %multiple_of3A_115 = tpu.assume_multiple %add3A_114, 8 : i32
            %dma_start3A_116 = tpu.memref_slice %arg4[%multiple_of3A_115] : memref<160000xi32, #tpu.memory_space<hbm>> -> memref<80xi32, #tpu.memory_space<hbm>>
            %dma_start3A_117 = tpu.memref_slice %arg4[%multiple_of3A_115] : memref<160000xi32, #tpu.memory_space<hbm>> -> memref<80xi32, #tpu.memory_space<hbm>>
            tpu.enqueue_dma source(%dma_start3A_117 : memref<80xi32, #tpu.memory_space<hbm>>) target(%arg10 : memref<80xi32, #tpu.memory_space<vmem>>) target_semaphore(%arg16 : memref<!tpu.dma_semaphore, #tpu.memory_space<semaphore_mem>>)
            %dma_start3A_118 = tpu.memref_slice %arg5[%multiple_of3A_115] : memref<160000xi32, #tpu.memory_space<hbm>> -> memref<80xi32, #tpu.memory_space<hbm>>
            %dma_start3A_119 = tpu.memref_slice %arg5[%multiple_of3A_115] : memref<160000xi32, #tpu.memory_space<hbm>> -> memref<80xi32, #tpu.memory_space<hbm>>
            tpu.enqueue_dma source(%dma_start3A_119 : memref<80xi32, #tpu.memory_space<hbm>>) target(%arg12 : memref<80xi32, #tpu.memory_space<vmem>>) target_semaphore(%arg18 : memref<!tpu.dma_semaphore, #tpu.memory_space<semaphore_mem>>)
          } else {
          }
        } else {
        }
        %jit3A_68 = arith.constant 2 : i32
        %eq3A_69 = arith.constant 0 : i32
        %eq3A_70 = arith.cmpi eq, %jit3A_68, %eq3A_69 : i32
        %jit3A_71 = arith.constant 1 : i32
        %select_n3A_72 = arith.select %eq3A_70, %jit3A_71, %jit3A_68 : i32
        %rem3A_73 = arith.remsi %scan3A_50, %select_n3A_72 : i32
        %ne3A_74 = arith.constant 0 : i32
        %ne3A_75 = arith.cmpi ne, %rem3A_73, %ne3A_74 : i32
        %lt3A_76 = arith.constant 0 : i32
        %lt3A_77 = arith.cmpi slt, %rem3A_73, %lt3A_76 : i32
        %lt3A_78 = arith.constant 0 : i32
        %lt3A_79 = arith.cmpi slt, %select_n3A_72, %lt3A_78 : i32
        %ne3A_80 = arith.xori %lt3A_77, %lt3A_79 : i1
        %and3A_81 = arith.andi %ne3A_80, %ne3A_75 : i1
        %add3A_82 = arith.addi %rem3A_73, %select_n3A_72 : i32
        %select_n3A_83 = arith.select %and3A_81, %add3A_82, %rem3A_73 : i32
        %eq3A_84 = arith.constant 1 : i32
        %eq3A_85 = arith.cmpi eq, %select_n3A_83, %eq3A_84 : i32
        %convert_element_type3A_86 = arith.extui %eq3A_85 : i1 to i32
        %cond3A_87 = arith.constant 0 : i32
        %cond3A_88 = arith.cmpi ne, %convert_element_type3A_86, %cond3A_87 : i32
        scf.if %cond3A_88 {
          %add3A_89 = arith.constant 1 : i32
          %add3A_90 = arith.addi %scan3A_50, %add3A_89 : i32
          %lt3A_91 = arith.constant 125 : i32
          %lt3A_92 = arith.cmpi slt, %add3A_90, %lt3A_91 : i32
          %convert_element_type3A_93 = arith.extui %lt3A_92 : i1 to i32
          %cond3A_94 = arith.constant 0 : i32
          %cond3A_95 = arith.cmpi ne, %convert_element_type3A_93, %cond3A_94 : i32
          scf.if %cond3A_95 {
            %dma_wait3A_110 = arith.constant 0 : i32
            %dma_wait3A_111 = tpu.memref_slice %arg4[%dma_wait3A_110] : memref<160000xi32, #tpu.memory_space<hbm>> -> memref<80xi32, #tpu.memory_space<hbm>>
            %dma_wait3A_112 = arith.constant 0 : i32
            %dma_wait3A_113 = tpu.memref_slice %arg4[%dma_wait3A_112] : memref<160000xi32, #tpu.memory_space<hbm>> -> memref<80xi32, #tpu.memory_space<hbm>>
            tpu.wait_dma2 semaphore(%arg16 : memref<!tpu.dma_semaphore, #tpu.memory_space<semaphore_mem>>) src(%dma_wait3A_113 : memref<80xi32, #tpu.memory_space<hbm>>) dst(%arg10 : memref<80xi32, #tpu.memory_space<vmem>>)
            %dma_start3A_114 = arith.constant 0 : i32
            %dma_start3A_115 = arith.constant 0 : i32
            %dma_start3A_116 = tpu.memref_slice %arg3[%dma_start3A_114, %dma_start3A_115] : memref<10000x160xf32, #tpu.memory_space<hbm>> -> memref<10000x160xf32, #tpu.memory_space<hbm>>
            tpu.enqueue_indirect_dma source(%dma_start3A_116 : memref<10000x160xf32, #tpu.memory_space<hbm>>) target(%arg14 : memref<80x160xf32, #tpu.memory_space<vmem>>) offsets(%arg10 : memref<80xi32, #tpu.memory_space<vmem>>) semaphore(%arg20 : memref<!tpu.dma_semaphore, #tpu.memory_space<semaphore_mem>>)
          } else {
          }
          %dma_wait3A_96 = arith.constant 0 : i32
          %dma_wait3A_97 = arith.constant 0 : i32
          %dma_wait3A_98 = tpu.memref_slice %arg3[%dma_wait3A_96, %dma_wait3A_97] : memref<10000x160xf32, #tpu.memory_space<hbm>> -> memref<10000x160xf32, #tpu.memory_space<hbm>>
          tpu.wait_indirect_dma semaphore(%arg21 : memref<!tpu.dma_semaphore, #tpu.memory_space<semaphore_mem>>) src(%dma_wait3A_98 : memref<10000x160xf32, #tpu.memory_space<hbm>>) dst(%arg15 : memref<80x160xf32, #tpu.memory_space<vmem>>)
          %dma_wait3A_99 = arith.constant 0 : i32
          %dma_wait3A_100 = tpu.memref_slice %arg5[%dma_wait3A_99] : memref<160000xi32, #tpu.memory_space<hbm>> -> memref<80xi32, #tpu.memory_space<hbm>>
          %dma_wait3A_101 = arith.constant 0 : i32
          %dma_wait3A_102 = tpu.memref_slice %arg5[%dma_wait3A_101] : memref<160000xi32, #tpu.memory_space<hbm>> -> memref<80xi32, #tpu.memory_space<hbm>>
          tpu.wait_dma2 semaphore(%arg19 : memref<!tpu.dma_semaphore, #tpu.memory_space<semaphore_mem>>) src(%dma_wait3A_102 : memref<80xi32, #tpu.memory_space<hbm>>) dst(%arg13 : memref<80xi32, #tpu.memory_space<vmem>>)
          "tpu.region"() ({
            %run_scoped3A = tpu.sem_alloc : memref<!tpu.dma_semaphore, #tpu.memory_space<semaphore_mem>>
            %dma_start3A_110 = arith.constant 0 : i32
            %dma_start3A_111 = arith.constant 0 : i32
            %dma_start3A_112 = tpu.memref_slice %arg9[%dma_start3A_110, %dma_start3A_111] : memref<10000x160xf32, #tpu.memory_space<vmem_shared>> -> memref<10000x160xf32, #tpu.memory_space<vmem_shared>>
            tpu.enqueue_indirect_dma source(%arg15 : memref<80x160xf32, #tpu.memory_space<vmem>>) target(%dma_start3A_112 : memref<10000x160xf32, #tpu.memory_space<vmem_shared>>) offsets(%arg13 : memref<80xi32, #tpu.memory_space<vmem>>) semaphore(%run_scoped3A : memref<!tpu.dma_semaphore, #tpu.memory_space<semaphore_mem>>) {add = true}
            %dma_wait3A_113 = arith.constant 0 : i32
            %dma_wait3A_114 = arith.constant 0 : i32
            %dma_wait3A_115 = tpu.memref_slice %arg9[%dma_wait3A_113, %dma_wait3A_114] : memref<10000x160xf32, #tpu.memory_space<vmem_shared>> -> memref<10000x160xf32, #tpu.memory_space<vmem_shared>>
            tpu.wait_indirect_dma semaphore(%run_scoped3A : memref<!tpu.dma_semaphore, #tpu.memory_space<semaphore_mem>>) src(%arg15 : memref<80x160xf32, #tpu.memory_space<vmem>>) dst(%dma_wait3A_115 : memref<10000x160xf32, #tpu.memory_space<vmem_shared>>)
            tpu.yield
          }) : () -> ()
          %add3A_103 = arith.constant 2 : i32
          %add3A_104 = arith.addi %scan3A_50, %add3A_103 : i32
          %lt3A_105 = arith.constant 125 : i32
          %lt3A_106 = arith.cmpi slt, %add3A_104, %lt3A_105 : i32
          %convert_element_type3A_107 = arith.extui %lt3A_106 : i1 to i32
          %cond3A_108 = arith.constant 0 : i32
          %cond3A_109 = arith.cmpi ne, %convert_element_type3A_107, %cond3A_108 : i32
          scf.if %cond3A_109 {
            %add3A_110 = arith.constant 2 : i32
            %add3A_111 = arith.addi %scan3A_50, %add3A_110 : i32
            %mul3A_112 = arith.constant 80 : i32
            %mul3A_113 = arith.muli %add3A_111, %mul3A_112 : i32
            %add3A_114 = arith.addi %mul3A_2, %mul3A_113 : i32
            %multiple_of3A_115 = tpu.assume_multiple %add3A_114, 8 : i32
            %dma_start3A_116 = tpu.memref_slice %arg4[%multiple_of3A_115] : memref<160000xi32, #tpu.memory_space<hbm>> -> memref<80xi32, #tpu.memory_space<hbm>>
            %dma_start3A_117 = tpu.memref_slice %arg4[%multiple_of3A_115] : memref<160000xi32, #tpu.memory_space<hbm>> -> memref<80xi32, #tpu.memory_space<hbm>>
            tpu.enqueue_dma source(%dma_start3A_117 : memref<80xi32, #tpu.memory_space<hbm>>) target(%arg11 : memref<80xi32, #tpu.memory_space<vmem>>) target_semaphore(%arg17 : memref<!tpu.dma_semaphore, #tpu.memory_space<semaphore_mem>>)
            %dma_start3A_118 = tpu.memref_slice %arg5[%multiple_of3A_115] : memref<160000xi32, #tpu.memory_space<hbm>> -> memref<80xi32, #tpu.memory_space<hbm>>
            %dma_start3A_119 = tpu.memref_slice %arg5[%multiple_of3A_115] : memref<160000xi32, #tpu.memory_space<hbm>> -> memref<80xi32, #tpu.memory_space<hbm>>
            tpu.enqueue_dma source(%dma_start3A_119 : memref<80xi32, #tpu.memory_space<hbm>>) target(%arg13 : memref<80xi32, #tpu.memory_space<vmem>>) target_semaphore(%arg19 : memref<!tpu.dma_semaphore, #tpu.memory_space<semaphore_mem>>)
          } else {
          }
        } else {
        }
      }
      %scan3A_49 = arith.constant 125 : i32
    } else {
    }
    %barrier3A_12 = arith.constant 0 : index
    tpu.barrier barrier_id(%barrier3A_12)
    %eq3A_13 = arith.constant 0 : i32
    %eq3A_14 = arith.cmpi eq, %arg0, %eq3A_13 : i32
    %lt3A_15 = arith.constant 10 : i32
    %lt3A_16 = arith.cmpi slt, %arg1, %lt3A_15 : i32
    %and3A = arith.andi %eq3A_14, %lt3A_16 : i1
    %convert_element_type3A_17 = arith.extui %and3A : i1 to i32
    %cond3A_18 = arith.constant 0 : i32
    %cond3A_19 = arith.cmpi ne, %convert_element_type3A_17, %cond3A_18 : i32
    scf.if %cond3A_19 {
      %mul3A_28 = arith.constant 1000 : i32
      %mul3A_29 = arith.muli %arg1, %mul3A_28 : i32
      "tpu.region"() ({
        %run_scoped3A = tpu.sem_alloc : memref<!tpu.dma_semaphore, #tpu.memory_space<semaphore_mem>>
        %dma_start3A = arith.constant 0 : i32
        %dma_start3A_30 = tpu.memref_slice %arg7[%mul3A_29, %dma_start3A] : memref<10000x160xf32, #tpu.memory_space<hbm>> -> memref<1000x160xf32, #tpu.memory_space<hbm>>
        %dma_start3A_31 = arith.constant 0 : i32
        %dma_start3A_32 = tpu.memref_slice %arg9[%mul3A_29, %dma_start3A_31] : memref<10000x160xf32, #tpu.memory_space<vmem_shared>> -> memref<1000x160xf32, #tpu.memory_space<vmem_shared>>
        tpu.enqueue_dma source(%dma_start3A_32 : memref<1000x160xf32, #tpu.memory_space<vmem_shared>>) target(%dma_start3A_30 : memref<1000x160xf32, #tpu.memory_space<hbm>>) target_semaphore(%run_scoped3A : memref<!tpu.dma_semaphore, #tpu.memory_space<semaphore_mem>>)
        %dma_wait3A = arith.constant 0 : i32
        %dma_wait3A_33 = tpu.memref_slice %arg7[%mul3A_29, %dma_wait3A] : memref<10000x160xf32, #tpu.memory_space<hbm>> -> memref<1000x160xf32, #tpu.memory_space<hbm>>
        %dma_wait3A_34 = arith.constant 0 : i32
        %dma_wait3A_35 = tpu.memref_slice %arg9[%mul3A_29, %dma_wait3A_34] : memref<10000x160xf32, #tpu.memory_space<vmem_shared>> -> memref<1000x160xf32, #tpu.memory_space<vmem_shared>>
        tpu.wait_dma2 semaphore(%run_scoped3A : memref<!tpu.dma_semaphore, #tpu.memory_space<semaphore_mem>>) src(%dma_wait3A_35 : memref<1000x160xf32, #tpu.memory_space<vmem_shared>>) dst(%dma_wait3A_33 : memref<1000x160xf32, #tpu.memory_space<hbm>>)
        tpu.yield
      }) : () -> ()
    } else {
    }
    %eq3A_20 = arith.constant 1 : i32
    %eq3A_21 = arith.cmpi eq, %arg0, %eq3A_20 : i32
    %lt3A_22 = arith.constant 10 : i32
    %lt3A_23 = arith.cmpi slt, %arg1, %lt3A_22 : i32
    %and3A_24 = arith.andi %eq3A_21, %lt3A_23 : i1
    %convert_element_type3A_25 = arith.extui %and3A_24 : i1 to i32
    %cond3A_26 = arith.constant 0 : i32
    %cond3A_27 = arith.cmpi ne, %convert_element_type3A_25, %cond3A_26 : i32
    scf.if %cond3A_27 {
      %mul3A_28 = arith.constant 1000 : i32
      %mul3A_29 = arith.muli %arg1, %mul3A_28 : i32
      "tpu.region"() ({
        %run_scoped3A = tpu.sem_alloc : memref<!tpu.dma_semaphore, #tpu.memory_space<semaphore_mem>>
        %dma_start3A = arith.constant 0 : i32
        %dma_start3A_30 = tpu.memref_slice %arg8[%mul3A_29, %dma_start3A] : memref<10000x160xf32, #tpu.memory_space<hbm>> -> memref<1000x160xf32, #tpu.memory_space<hbm>>
        %dma_start3A_31 = arith.constant 0 : i32
        %dma_start3A_32 = tpu.memref_slice %arg9[%mul3A_29, %dma_start3A_31] : memref<10000x160xf32, #tpu.memory_space<vmem_shared>> -> memref<1000x160xf32, #tpu.memory_space<vmem_shared>>
        tpu.enqueue_dma source(%dma_start3A_32 : memref<1000x160xf32, #tpu.memory_space<vmem_shared>>) target(%dma_start3A_30 : memref<1000x160xf32, #tpu.memory_space<hbm>>) target_semaphore(%run_scoped3A : memref<!tpu.dma_semaphore, #tpu.memory_space<semaphore_mem>>)
        %dma_wait3A = arith.constant 0 : i32
        %dma_wait3A_33 = tpu.memref_slice %arg8[%mul3A_29, %dma_wait3A] : memref<10000x160xf32, #tpu.memory_space<hbm>> -> memref<1000x160xf32, #tpu.memory_space<hbm>>
        %dma_wait3A_34 = arith.constant 0 : i32
        %dma_wait3A_35 = tpu.memref_slice %arg9[%mul3A_29, %dma_wait3A_34] : memref<10000x160xf32, #tpu.memory_space<vmem_shared>> -> memref<1000x160xf32, #tpu.memory_space<vmem_shared>>
        tpu.wait_dma2 semaphore(%run_scoped3A : memref<!tpu.dma_semaphore, #tpu.memory_space<semaphore_mem>>) src(%dma_wait3A_35 : memref<1000x160xf32, #tpu.memory_space<vmem_shared>>) dst(%dma_wait3A_33 : memref<1000x160xf32, #tpu.memory_space<hbm>>)
        tpu.yield
      }) : () -> ()
    } else {
    }
    return
  }
}

#map = affine_map<(d0, d1) -> (0, 0)>
#map1 = affine_map<(d0, d1) -> (0)>
module attributes {stable_mosaic.version = 14 : i64} {
  func.func @_sc_aggregate_body(%arg0: i32, %arg1: i32, %arg2: memref<10000x160xf32, #tpu.memory_space<hbm>>, %arg3: memref<10000x160xf32, #tpu.memory_space<hbm>>, %arg4: memref<160000xi32, #tpu.memory_space<hbm>>, %arg5: memref<160000xi32, #tpu.memory_space<hbm>>, %arg6: memref<1000x160xf32, #tpu.memory_space<hbm>>, %arg7: memref<10000x160xf32, #tpu.memory_space<hbm>>, %arg8: memref<10000x160xf32, #tpu.memory_space<hbm>>, %arg9: memref<10000x160xf32, #tpu.memory_space<vmem_shared>>, %arg10: memref<80xi32, #tpu.memory_space<vmem>>, %arg11: memref<80xi32, #tpu.memory_space<vmem>>, %arg12: memref<80xi32, #tpu.memory_space<vmem>>, %arg13: memref<80xi32, #tpu.memory_space<vmem>>, %arg14: memref<80x160xf32, #tpu.memory_space<vmem>>, %arg15: memref<80x160xf32, #tpu.memory_space<vmem>>, %arg16: memref<!tpu.dma_semaphore, #tpu.memory_space<semaphore_mem>>, %arg17: memref<!tpu.dma_semaphore, #tpu.memory_space<semaphore_mem>>, %arg18: memref<!tpu.dma_semaphore, #tpu.memory_space<semaphore_mem>>, %arg19: memref<!tpu.dma_semaphore, #tpu.memory_space<semaphore_mem>>, %arg20: memref<!tpu.dma_semaphore, #tpu.memory_space<semaphore_mem>>, %arg21: memref<!tpu.dma_semaphore, #tpu.memory_space<semaphore_mem>>) attributes {dimension_semantics = [#tpu.dimension_semantics<core_parallel>, #tpu.dimension_semantics<subcore_parallel>], iteration_bounds = array<i64: 2, 16>, scalar_prefetch = 0 : i64, scratch_operands = 13 : i64, tpu.core_type = #tpu.core_type<sc_vector_subcore>, window_params = [{transform_indices = #map}, {transform_indices = #map}, {transform_indices = #map1}, {transform_indices = #map1}, {transform_indices = #map}, {transform_indices = #map}, {transform_indices = #map}]} {
    %lt3A = arith.constant 10 : i32
    %lt3A_0 = arith.cmpi slt, %arg1, %lt3A : i32
    %convert_element_type3A = arith.extui %lt3A_0 : i1 to i32
    %cond3A = arith.constant 0 : i32
    %cond3A_1 = arith.cmpi ne, %convert_element_type3A, %cond3A : i32
    scf.if %cond3A_1 {
      %mul3A_28 = arith.constant 1000 : i32
      %mul3A_29 = arith.muli %arg1, %mul3A_28 : i32
      "tpu.region"() ({
        %run_scoped3A = tpu.sem_alloc : memref<!tpu.dma_semaphore, #tpu.memory_space<semaphore_mem>>
        %dma_start3A = arith.constant 0 : i32
        %dma_start3A_30 = tpu.memref_slice %arg9[%mul3A_29, %dma_start3A] : memref<10000x160xf32, #tpu.memory_space<vmem_shared>> -> memref<1000x160xf32, #tpu.memory_space<vmem_shared>>
        tpu.enqueue_dma source(%arg6 : memref<1000x160xf32, #tpu.memory_space<hbm>>) target(%dma_start3A_30 : memref<1000x160xf32, #tpu.memory_space<vmem_shared>>) target_semaphore(%run_scoped3A : memref<!tpu.dma_semaphore, #tpu.memory_space<semaphore_mem>>)
        %dma_wait3A = arith.constant 0 : i32
        %dma_wait3A_31 = tpu.memref_slice %arg9[%mul3A_29, %dma_wait3A] : memref<10000x160xf32, #tpu.memory_space<vmem_shared>> -> memref<1000x160xf32, #tpu.memory_space<vmem_shared>>
        tpu.wait_dma2 semaphore(%run_scoped3A : memref<!tpu.dma_semaphore, #tpu.memory_space<semaphore_mem>>) src(%arg6 : memref<1000x160xf32, #tpu.memory_space<hbm>>) dst(%dma_wait3A_31 : memref<1000x160xf32, #tpu.memory_space<vmem_shared>>)
        tpu.yield
      }) : () -> ()
    } else {
    }
    %barrier3A = arith.constant 0 : index
    tpu.barrier barrier_id(%barrier3A)
    %mul3A = arith.constant 10000 : i32
    %mul3A_2 = arith.muli %arg1, %mul3A : i32
    %eq3A = arith.constant 0 : i32
    %eq3A_3 = arith.cmpi eq, %arg0, %eq3A : i32
    %convert_element_type3A_4 = arith.extui %eq3A_3 : i1 to i32
    %cond3A_5 = arith.constant 0 : i32
    %cond3A_6 = arith.cmpi ne, %convert_element_type3A_4, %cond3A_5 : i32
    scf.if %cond3A_6 {
      %add3A = arith.constant 0 : i32
      %add3A_28 = arith.addi %mul3A_2, %add3A : i32
      %multiple_of3A = tpu.assume_multiple %add3A_28, 8 : i32
      %dma_start3A = tpu.memref_slice %arg4[%multiple_of3A] : memref<160000xi32, #tpu.memory_space<hbm>> -> memref<80xi32, #tpu.memory_space<hbm>>
      %dma_start3A_29 = tpu.memref_slice %arg4[%multiple_of3A] : memref<160000xi32, #tpu.memory_space<hbm>> -> memref<80xi32, #tpu.memory_space<hbm>>
      tpu.enqueue_dma source(%dma_start3A_29 : memref<80xi32, #tpu.memory_space<hbm>>) target(%arg10 : memref<80xi32, #tpu.memory_space<vmem>>) target_semaphore(%arg16 : memref<!tpu.dma_semaphore, #tpu.memory_space<semaphore_mem>>)
      %dma_start3A_30 = tpu.memref_slice %arg5[%multiple_of3A] : memref<160000xi32, #tpu.memory_space<hbm>> -> memref<80xi32, #tpu.memory_space<hbm>>
      %dma_start3A_31 = tpu.memref_slice %arg5[%multiple_of3A] : memref<160000xi32, #tpu.memory_space<hbm>> -> memref<80xi32, #tpu.memory_space<hbm>>
      tpu.enqueue_dma source(%dma_start3A_31 : memref<80xi32, #tpu.memory_space<hbm>>) target(%arg12 : memref<80xi32, #tpu.memory_space<vmem>>) target_semaphore(%arg18 : memref<!tpu.dma_semaphore, #tpu.memory_space<semaphore_mem>>)
      %dma_wait3A = arith.constant 0 : i32
      %dma_wait3A_32 = tpu.memref_slice %arg4[%dma_wait3A] : memref<160000xi32, #tpu.memory_space<hbm>> -> memref<80xi32, #tpu.memory_space<hbm>>
      %dma_wait3A_33 = arith.constant 0 : i32
      %dma_wait3A_34 = tpu.memref_slice %arg4[%dma_wait3A_33] : memref<160000xi32, #tpu.memory_space<hbm>> -> memref<80xi32, #tpu.memory_space<hbm>>
      tpu.wait_dma2 semaphore(%arg16 : memref<!tpu.dma_semaphore, #tpu.memory_space<semaphore_mem>>) src(%dma_wait3A_34 : memref<80xi32, #tpu.memory_space<hbm>>) dst(%arg10 : memref<80xi32, #tpu.memory_space<vmem>>)
      %dma_start3A_35 = arith.constant 0 : i32
      %dma_start3A_36 = arith.constant 0 : i32
      %dma_start3A_37 = tpu.memref_slice %arg2[%dma_start3A_35, %dma_start3A_36] : memref<10000x160xf32, #tpu.memory_space<hbm>> -> memref<10000x160xf32, #tpu.memory_space<hbm>>
      tpu.enqueue_indirect_dma source(%dma_start3A_37 : memref<10000x160xf32, #tpu.memory_space<hbm>>) target(%arg14 : memref<80x160xf32, #tpu.memory_space<vmem>>) offsets(%arg10 : memref<80xi32, #tpu.memory_space<vmem>>) semaphore(%arg20 : memref<!tpu.dma_semaphore, #tpu.memory_space<semaphore_mem>>)
      %add3A_38 = arith.constant 80 : i32
      %add3A_39 = arith.addi %mul3A_2, %add3A_38 : i32
      %multiple_of3A_40 = tpu.assume_multiple %add3A_39, 8 : i32
      %dma_start3A_41 = tpu.memref_slice %arg4[%multiple_of3A_40] : memref<160000xi32, #tpu.memory_space<hbm>> -> memref<80xi32, #tpu.memory_space<hbm>>
      %dma_start3A_42 = tpu.memref_slice %arg4[%multiple_of3A_40] : memref<160000xi32, #tpu.memory_space<hbm>> -> memref<80xi32, #tpu.memory_space<hbm>>
      tpu.enqueue_dma source(%dma_start3A_42 : memref<80xi32, #tpu.memory_space<hbm>>) target(%arg11 : memref<80xi32, #tpu.memory_space<vmem>>) target_semaphore(%arg17 : memref<!tpu.dma_semaphore, #tpu.memory_space<semaphore_mem>>)
      %dma_start3A_43 = tpu.memref_slice %arg5[%multiple_of3A_40] : memref<160000xi32, #tpu.memory_space<hbm>> -> memref<80xi32, #tpu.memory_space<hbm>>
      %dma_start3A_44 = tpu.memref_slice %arg5[%multiple_of3A_40] : memref<160000xi32, #tpu.memory_space<hbm>> -> memref<80xi32, #tpu.memory_space<hbm>>
      tpu.enqueue_dma source(%dma_start3A_44 : memref<80xi32, #tpu.memory_space<hbm>>) target(%arg13 : memref<80xi32, #tpu.memory_space<vmem>>) target_semaphore(%arg19 : memref<!tpu.dma_semaphore, #tpu.memory_space<semaphore_mem>>)
      %scan3A = arith.constant 0 : i32
      %scan3A_45 = arith.constant 0 : i32
      %scan3A_46 = arith.constant 125 : i32
      %scan3A_47 = arith.addi %scan3A_45, %scan3A_46 : i32
      %scan3A_48 = arith.constant 1 : i32
      scf.for %scan3A_50 = %scan3A_45 to %scan3A_47 step %scan3A_48  : i32 {
        %jit3A = arith.constant 2 : i32
        %eq3A_51 = arith.constant 0 : i32
        %eq3A_52 = arith.cmpi eq, %jit3A, %eq3A_51 : i32
        %jit3A_53 = arith.constant 1 : i32
        %select_n3A = arith.select %eq3A_52, %jit3A_53, %jit3A : i32
        %rem3A = arith.remsi %scan3A_50, %select_n3A : i32
        %ne3A = arith.constant 0 : i32
        %ne3A_54 = arith.cmpi ne, %rem3A, %ne3A : i32
        %lt3A_55 = arith.constant 0 : i32
        %lt3A_56 = arith.cmpi slt, %rem3A, %lt3A_55 : i32
        %lt3A_57 = arith.constant 0 : i32
        %lt3A_58 = arith.cmpi slt, %select_n3A, %lt3A_57 : i32
        %ne3A_59 = arith.xori %lt3A_56, %lt3A_58 : i1
        %and3A_60 = arith.andi %ne3A_59, %ne3A_54 : i1
        %add3A_61 = arith.addi %rem3A, %select_n3A : i32
        %select_n3A_62 = arith.select %and3A_60, %add3A_61, %rem3A : i32
        %eq3A_63 = arith.constant 0 : i32
        %eq3A_64 = arith.cmpi eq, %select_n3A_62, %eq3A_63 : i32
        %convert_element_type3A_65 = arith.extui %eq3A_64 : i1 to i32
        %cond3A_66 = arith.constant 0 : i32
        %cond3A_67 = arith.cmpi ne, %convert_element_type3A_65, %cond3A_66 : i32
        scf.if %cond3A_67 {
          %add3A_89 = arith.constant 1 : i32
          %add3A_90 = arith.addi %scan3A_50, %add3A_89 : i32
          %lt3A_91 = arith.constant 125 : i32
          %lt3A_92 = arith.cmpi slt, %add3A_90, %lt3A_91 : i32
          %convert_element_type3A_93 = arith.extui %lt3A_92 : i1 to i32
          %cond3A_94 = arith.constant 0 : i32
          %cond3A_95 = arith.cmpi ne, %convert_element_type3A_93, %cond3A_94 : i32
          scf.if %cond3A_95 {
            %dma_wait3A_110 = arith.constant 0 : i32
            %dma_wait3A_111 = tpu.memref_slice %arg4[%dma_wait3A_110] : memref<160000xi32, #tpu.memory_space<hbm>> -> memref<80xi32, #tpu.memory_space<hbm>>
            %dma_wait3A_112 = arith.constant 0 : i32
            %dma_wait3A_113 = tpu.memref_slice %arg4[%dma_wait3A_112] : memref<160000xi32, #tpu.memory_space<hbm>> -> memref<80xi32, #tpu.memory_space<hbm>>
            tpu.wait_dma2 semaphore(%arg17 : memref<!tpu.dma_semaphore, #tpu.memory_space<semaphore_mem>>) src(%dma_wait3A_113 : memref<80xi32, #tpu.memory_space<hbm>>) dst(%arg11 : memref<80xi32, #tpu.memory_space<vmem>>)
            %dma_start3A_114 = arith.constant 0 : i32
            %dma_start3A_115 = arith.constant 0 : i32
            %dma_start3A_116 = tpu.memref_slice %arg2[%dma_start3A_114, %dma_start3A_115] : memref<10000x160xf32, #tpu.memory_space<hbm>> -> memref<10000x160xf32, #tpu.memory_space<hbm>>
            tpu.enqueue_indirect_dma source(%dma_start3A_116 : memref<10000x160xf32, #tpu.memory_space<hbm>>) target(%arg15 : memref<80x160xf32, #tpu.memory_space<vmem>>) offsets(%arg11 : memref<80xi32, #tpu.memory_space<vmem>>) semaphore(%arg21 : memref<!tpu.dma_semaphore, #tpu.memory_space<semaphore_mem>>)
          } else {
          }
          %dma_wait3A_96 = arith.constant 0 : i32
          %dma_wait3A_97 = arith.constant 0 : i32
          %dma_wait3A_98 = tpu.memref_slice %arg2[%dma_wait3A_96, %dma_wait3A_97] : memref<10000x160xf32, #tpu.memory_space<hbm>> -> memref<10000x160xf32, #tpu.memory_space<hbm>>
          tpu.wait_indirect_dma semaphore(%arg20 : memref<!tpu.dma_semaphore, #tpu.memory_space<semaphore_mem>>) src(%dma_wait3A_98 : memref<10000x160xf32, #tpu.memory_space<hbm>>) dst(%arg14 : memref<80x160xf32, #tpu.memory_space<vmem>>)
          %dma_wait3A_99 = arith.constant 0 : i32
          %dma_wait3A_100 = tpu.memref_slice %arg5[%dma_wait3A_99] : memref<160000xi32, #tpu.memory_space<hbm>> -> memref<80xi32, #tpu.memory_space<hbm>>
          %dma_wait3A_101 = arith.constant 0 : i32
          %dma_wait3A_102 = tpu.memref_slice %arg5[%dma_wait3A_101] : memref<160000xi32, #tpu.memory_space<hbm>> -> memref<80xi32, #tpu.memory_space<hbm>>
          tpu.wait_dma2 semaphore(%arg18 : memref<!tpu.dma_semaphore, #tpu.memory_space<semaphore_mem>>) src(%dma_wait3A_102 : memref<80xi32, #tpu.memory_space<hbm>>) dst(%arg12 : memref<80xi32, #tpu.memory_space<vmem>>)
          "tpu.region"() ({
            %run_scoped3A = tpu.sem_alloc : memref<!tpu.dma_semaphore, #tpu.memory_space<semaphore_mem>>
            %dma_start3A_110 = arith.constant 0 : i32
            %dma_start3A_111 = arith.constant 0 : i32
            %dma_start3A_112 = tpu.memref_slice %arg9[%dma_start3A_110, %dma_start3A_111] : memref<10000x160xf32, #tpu.memory_space<vmem_shared>> -> memref<10000x160xf32, #tpu.memory_space<vmem_shared>>
            tpu.enqueue_indirect_dma source(%arg14 : memref<80x160xf32, #tpu.memory_space<vmem>>) target(%dma_start3A_112 : memref<10000x160xf32, #tpu.memory_space<vmem_shared>>) offsets(%arg12 : memref<80xi32, #tpu.memory_space<vmem>>) semaphore(%run_scoped3A : memref<!tpu.dma_semaphore, #tpu.memory_space<semaphore_mem>>) {add = true}
            %dma_wait3A_113 = arith.constant 0 : i32
            %dma_wait3A_114 = arith.constant 0 : i32
            %dma_wait3A_115 = tpu.memref_slice %arg9[%dma_wait3A_113, %dma_wait3A_114] : memref<10000x160xf32, #tpu.memory_space<vmem_shared>> -> memref<10000x160xf32, #tpu.memory_space<vmem_shared>>
            tpu.wait_indirect_dma semaphore(%run_scoped3A : memref<!tpu.dma_semaphore, #tpu.memory_space<semaphore_mem>>) src(%arg14 : memref<80x160xf32, #tpu.memory_space<vmem>>) dst(%dma_wait3A_115 : memref<10000x160xf32, #tpu.memory_space<vmem_shared>>)
            tpu.yield
          }) : () -> ()
          %add3A_103 = arith.constant 2 : i32
          %add3A_104 = arith.addi %scan3A_50, %add3A_103 : i32
          %lt3A_105 = arith.constant 125 : i32
          %lt3A_106 = arith.cmpi slt, %add3A_104, %lt3A_105 : i32
          %convert_element_type3A_107 = arith.extui %lt3A_106 : i1 to i32
          %cond3A_108 = arith.constant 0 : i32
          %cond3A_109 = arith.cmpi ne, %convert_element_type3A_107, %cond3A_108 : i32
          scf.if %cond3A_109 {
            %add3A_110 = arith.constant 2 : i32
            %add3A_111 = arith.addi %scan3A_50, %add3A_110 : i32
            %mul3A_112 = arith.constant 80 : i32
            %mul3A_113 = arith.muli %add3A_111, %mul3A_112 : i32
            %add3A_114 = arith.addi %mul3A_2, %mul3A_113 : i32
            %multiple_of3A_115 = tpu.assume_multiple %add3A_114, 8 : i32
            %dma_start3A_116 = tpu.memref_slice %arg4[%multiple_of3A_115] : memref<160000xi32, #tpu.memory_space<hbm>> -> memref<80xi32, #tpu.memory_space<hbm>>
            %dma_start3A_117 = tpu.memref_slice %arg4[%multiple_of3A_115] : memref<160000xi32, #tpu.memory_space<hbm>> -> memref<80xi32, #tpu.memory_space<hbm>>
            tpu.enqueue_dma source(%dma_start3A_117 : memref<80xi32, #tpu.memory_space<hbm>>) target(%arg10 : memref<80xi32, #tpu.memory_space<vmem>>) target_semaphore(%arg16 : memref<!tpu.dma_semaphore, #tpu.memory_space<semaphore_mem>>)
            %dma_start3A_118 = tpu.memref_slice %arg5[%multiple_of3A_115] : memref<160000xi32, #tpu.memory_space<hbm>> -> memref<80xi32, #tpu.memory_space<hbm>>
            %dma_start3A_119 = tpu.memref_slice %arg5[%multiple_of3A_115] : memref<160000xi32, #tpu.memory_space<hbm>> -> memref<80xi32, #tpu.memory_space<hbm>>
            tpu.enqueue_dma source(%dma_start3A_119 : memref<80xi32, #tpu.memory_space<hbm>>) target(%arg12 : memref<80xi32, #tpu.memory_space<vmem>>) target_semaphore(%arg18 : memref<!tpu.dma_semaphore, #tpu.memory_space<semaphore_mem>>)
          } else {
          }
        } else {
        }
        %jit3A_68 = arith.constant 2 : i32
        %eq3A_69 = arith.constant 0 : i32
        %eq3A_70 = arith.cmpi eq, %jit3A_68, %eq3A_69 : i32
        %jit3A_71 = arith.constant 1 : i32
        %select_n3A_72 = arith.select %eq3A_70, %jit3A_71, %jit3A_68 : i32
        %rem3A_73 = arith.remsi %scan3A_50, %select_n3A_72 : i32
        %ne3A_74 = arith.constant 0 : i32
        %ne3A_75 = arith.cmpi ne, %rem3A_73, %ne3A_74 : i32
        %lt3A_76 = arith.constant 0 : i32
        %lt3A_77 = arith.cmpi slt, %rem3A_73, %lt3A_76 : i32
        %lt3A_78 = arith.constant 0 : i32
        %lt3A_79 = arith.cmpi slt, %select_n3A_72, %lt3A_78 : i32
        %ne3A_80 = arith.xori %lt3A_77, %lt3A_79 : i1
        %and3A_81 = arith.andi %ne3A_80, %ne3A_75 : i1
        %add3A_82 = arith.addi %rem3A_73, %select_n3A_72 : i32
        %select_n3A_83 = arith.select %and3A_81, %add3A_82, %rem3A_73 : i32
        %eq3A_84 = arith.constant 1 : i32
        %eq3A_85 = arith.cmpi eq, %select_n3A_83, %eq3A_84 : i32
        %convert_element_type3A_86 = arith.extui %eq3A_85 : i1 to i32
        %cond3A_87 = arith.constant 0 : i32
        %cond3A_88 = arith.cmpi ne, %convert_element_type3A_86, %cond3A_87 : i32
        scf.if %cond3A_88 {
          %add3A_89 = arith.constant 1 : i32
          %add3A_90 = arith.addi %scan3A_50, %add3A_89 : i32
          %lt3A_91 = arith.constant 125 : i32
          %lt3A_92 = arith.cmpi slt, %add3A_90, %lt3A_91 : i32
          %convert_element_type3A_93 = arith.extui %lt3A_92 : i1 to i32
          %cond3A_94 = arith.constant 0 : i32
          %cond3A_95 = arith.cmpi ne, %convert_element_type3A_93, %cond3A_94 : i32
          scf.if %cond3A_95 {
            %dma_wait3A_110 = arith.constant 0 : i32
            %dma_wait3A_111 = tpu.memref_slice %arg4[%dma_wait3A_110] : memref<160000xi32, #tpu.memory_space<hbm>> -> memref<80xi32, #tpu.memory_space<hbm>>
            %dma_wait3A_112 = arith.constant 0 : i32
            %dma_wait3A_113 = tpu.memref_slice %arg4[%dma_wait3A_112] : memref<160000xi32, #tpu.memory_space<hbm>> -> memref<80xi32, #tpu.memory_space<hbm>>
            tpu.wait_dma2 semaphore(%arg16 : memref<!tpu.dma_semaphore, #tpu.memory_space<semaphore_mem>>) src(%dma_wait3A_113 : memref<80xi32, #tpu.memory_space<hbm>>) dst(%arg10 : memref<80xi32, #tpu.memory_space<vmem>>)
            %dma_start3A_114 = arith.constant 0 : i32
            %dma_start3A_115 = arith.constant 0 : i32
            %dma_start3A_116 = tpu.memref_slice %arg2[%dma_start3A_114, %dma_start3A_115] : memref<10000x160xf32, #tpu.memory_space<hbm>> -> memref<10000x160xf32, #tpu.memory_space<hbm>>
            tpu.enqueue_indirect_dma source(%dma_start3A_116 : memref<10000x160xf32, #tpu.memory_space<hbm>>) target(%arg14 : memref<80x160xf32, #tpu.memory_space<vmem>>) offsets(%arg10 : memref<80xi32, #tpu.memory_space<vmem>>) semaphore(%arg20 : memref<!tpu.dma_semaphore, #tpu.memory_space<semaphore_mem>>)
          } else {
          }
          %dma_wait3A_96 = arith.constant 0 : i32
          %dma_wait3A_97 = arith.constant 0 : i32
          %dma_wait3A_98 = tpu.memref_slice %arg2[%dma_wait3A_96, %dma_wait3A_97] : memref<10000x160xf32, #tpu.memory_space<hbm>> -> memref<10000x160xf32, #tpu.memory_space<hbm>>
          tpu.wait_indirect_dma semaphore(%arg21 : memref<!tpu.dma_semaphore, #tpu.memory_space<semaphore_mem>>) src(%dma_wait3A_98 : memref<10000x160xf32, #tpu.memory_space<hbm>>) dst(%arg15 : memref<80x160xf32, #tpu.memory_space<vmem>>)
          %dma_wait3A_99 = arith.constant 0 : i32
          %dma_wait3A_100 = tpu.memref_slice %arg5[%dma_wait3A_99] : memref<160000xi32, #tpu.memory_space<hbm>> -> memref<80xi32, #tpu.memory_space<hbm>>
          %dma_wait3A_101 = arith.constant 0 : i32
          %dma_wait3A_102 = tpu.memref_slice %arg5[%dma_wait3A_101] : memref<160000xi32, #tpu.memory_space<hbm>> -> memref<80xi32, #tpu.memory_space<hbm>>
          tpu.wait_dma2 semaphore(%arg19 : memref<!tpu.dma_semaphore, #tpu.memory_space<semaphore_mem>>) src(%dma_wait3A_102 : memref<80xi32, #tpu.memory_space<hbm>>) dst(%arg13 : memref<80xi32, #tpu.memory_space<vmem>>)
          "tpu.region"() ({
            %run_scoped3A = tpu.sem_alloc : memref<!tpu.dma_semaphore, #tpu.memory_space<semaphore_mem>>
            %dma_start3A_110 = arith.constant 0 : i32
            %dma_start3A_111 = arith.constant 0 : i32
            %dma_start3A_112 = tpu.memref_slice %arg9[%dma_start3A_110, %dma_start3A_111] : memref<10000x160xf32, #tpu.memory_space<vmem_shared>> -> memref<10000x160xf32, #tpu.memory_space<vmem_shared>>
            tpu.enqueue_indirect_dma source(%arg15 : memref<80x160xf32, #tpu.memory_space<vmem>>) target(%dma_start3A_112 : memref<10000x160xf32, #tpu.memory_space<vmem_shared>>) offsets(%arg13 : memref<80xi32, #tpu.memory_space<vmem>>) semaphore(%run_scoped3A : memref<!tpu.dma_semaphore, #tpu.memory_space<semaphore_mem>>) {add = true}
            %dma_wait3A_113 = arith.constant 0 : i32
            %dma_wait3A_114 = arith.constant 0 : i32
            %dma_wait3A_115 = tpu.memref_slice %arg9[%dma_wait3A_113, %dma_wait3A_114] : memref<10000x160xf32, #tpu.memory_space<vmem_shared>> -> memref<10000x160xf32, #tpu.memory_space<vmem_shared>>
            tpu.wait_indirect_dma semaphore(%run_scoped3A : memref<!tpu.dma_semaphore, #tpu.memory_space<semaphore_mem>>) src(%arg15 : memref<80x160xf32, #tpu.memory_space<vmem>>) dst(%dma_wait3A_115 : memref<10000x160xf32, #tpu.memory_space<vmem_shared>>)
            tpu.yield
          }) : () -> ()
          %add3A_103 = arith.constant 2 : i32
          %add3A_104 = arith.addi %scan3A_50, %add3A_103 : i32
          %lt3A_105 = arith.constant 125 : i32
          %lt3A_106 = arith.cmpi slt, %add3A_104, %lt3A_105 : i32
          %convert_element_type3A_107 = arith.extui %lt3A_106 : i1 to i32
          %cond3A_108 = arith.constant 0 : i32
          %cond3A_109 = arith.cmpi ne, %convert_element_type3A_107, %cond3A_108 : i32
          scf.if %cond3A_109 {
            %add3A_110 = arith.constant 2 : i32
            %add3A_111 = arith.addi %scan3A_50, %add3A_110 : i32
            %mul3A_112 = arith.constant 80 : i32
            %mul3A_113 = arith.muli %add3A_111, %mul3A_112 : i32
            %add3A_114 = arith.addi %mul3A_2, %mul3A_113 : i32
            %multiple_of3A_115 = tpu.assume_multiple %add3A_114, 8 : i32
            %dma_start3A_116 = tpu.memref_slice %arg4[%multiple_of3A_115] : memref<160000xi32, #tpu.memory_space<hbm>> -> memref<80xi32, #tpu.memory_space<hbm>>
            %dma_start3A_117 = tpu.memref_slice %arg4[%multiple_of3A_115] : memref<160000xi32, #tpu.memory_space<hbm>> -> memref<80xi32, #tpu.memory_space<hbm>>
            tpu.enqueue_dma source(%dma_start3A_117 : memref<80xi32, #tpu.memory_space<hbm>>) target(%arg11 : memref<80xi32, #tpu.memory_space<vmem>>) target_semaphore(%arg17 : memref<!tpu.dma_semaphore, #tpu.memory_space<semaphore_mem>>)
            %dma_start3A_118 = tpu.memref_slice %arg5[%multiple_of3A_115] : memref<160000xi32, #tpu.memory_space<hbm>> -> memref<80xi32, #tpu.memory_space<hbm>>
            %dma_start3A_119 = tpu.memref_slice %arg5[%multiple_of3A_115] : memref<160000xi32, #tpu.memory_space<hbm>> -> memref<80xi32, #tpu.memory_space<hbm>>
            tpu.enqueue_dma source(%dma_start3A_119 : memref<80xi32, #tpu.memory_space<hbm>>) target(%arg13 : memref<80xi32, #tpu.memory_space<vmem>>) target_semaphore(%arg19 : memref<!tpu.dma_semaphore, #tpu.memory_space<semaphore_mem>>)
          } else {
          }
        } else {
        }
      }
      %scan3A_49 = arith.constant 125 : i32
    } else {
    }
    %eq3A_7 = arith.constant 1 : i32
    %eq3A_8 = arith.cmpi eq, %arg0, %eq3A_7 : i32
    %convert_element_type3A_9 = arith.extui %eq3A_8 : i1 to i32
    %cond3A_10 = arith.constant 0 : i32
    %cond3A_11 = arith.cmpi ne, %convert_element_type3A_9, %cond3A_10 : i32
    scf.if %cond3A_11 {
      %add3A = arith.constant 0 : i32
      %add3A_28 = arith.addi %mul3A_2, %add3A : i32
      %multiple_of3A = tpu.assume_multiple %add3A_28, 8 : i32
      %dma_start3A = tpu.memref_slice %arg4[%multiple_of3A] : memref<160000xi32, #tpu.memory_space<hbm>> -> memref<80xi32, #tpu.memory_space<hbm>>
      %dma_start3A_29 = tpu.memref_slice %arg4[%multiple_of3A] : memref<160000xi32, #tpu.memory_space<hbm>> -> memref<80xi32, #tpu.memory_space<hbm>>
      tpu.enqueue_dma source(%dma_start3A_29 : memref<80xi32, #tpu.memory_space<hbm>>) target(%arg10 : memref<80xi32, #tpu.memory_space<vmem>>) target_semaphore(%arg16 : memref<!tpu.dma_semaphore, #tpu.memory_space<semaphore_mem>>)
      %dma_start3A_30 = tpu.memref_slice %arg5[%multiple_of3A] : memref<160000xi32, #tpu.memory_space<hbm>> -> memref<80xi32, #tpu.memory_space<hbm>>
      %dma_start3A_31 = tpu.memref_slice %arg5[%multiple_of3A] : memref<160000xi32, #tpu.memory_space<hbm>> -> memref<80xi32, #tpu.memory_space<hbm>>
      tpu.enqueue_dma source(%dma_start3A_31 : memref<80xi32, #tpu.memory_space<hbm>>) target(%arg12 : memref<80xi32, #tpu.memory_space<vmem>>) target_semaphore(%arg18 : memref<!tpu.dma_semaphore, #tpu.memory_space<semaphore_mem>>)
      %dma_wait3A = arith.constant 0 : i32
      %dma_wait3A_32 = tpu.memref_slice %arg4[%dma_wait3A] : memref<160000xi32, #tpu.memory_space<hbm>> -> memref<80xi32, #tpu.memory_space<hbm>>
      %dma_wait3A_33 = arith.constant 0 : i32
      %dma_wait3A_34 = tpu.memref_slice %arg4[%dma_wait3A_33] : memref<160000xi32, #tpu.memory_space<hbm>> -> memref<80xi32, #tpu.memory_space<hbm>>
      tpu.wait_dma2 semaphore(%arg16 : memref<!tpu.dma_semaphore, #tpu.memory_space<semaphore_mem>>) src(%dma_wait3A_34 : memref<80xi32, #tpu.memory_space<hbm>>) dst(%arg10 : memref<80xi32, #tpu.memory_space<vmem>>)
      %dma_start3A_35 = arith.constant 0 : i32
      %dma_start3A_36 = arith.constant 0 : i32
      %dma_start3A_37 = tpu.memref_slice %arg3[%dma_start3A_35, %dma_start3A_36] : memref<10000x160xf32, #tpu.memory_space<hbm>> -> memref<10000x160xf32, #tpu.memory_space<hbm>>
      tpu.enqueue_indirect_dma source(%dma_start3A_37 : memref<10000x160xf32, #tpu.memory_space<hbm>>) target(%arg14 : memref<80x160xf32, #tpu.memory_space<vmem>>) offsets(%arg10 : memref<80xi32, #tpu.memory_space<vmem>>) semaphore(%arg20 : memref<!tpu.dma_semaphore, #tpu.memory_space<semaphore_mem>>)
      %add3A_38 = arith.constant 80 : i32
      %add3A_39 = arith.addi %mul3A_2, %add3A_38 : i32
      %multiple_of3A_40 = tpu.assume_multiple %add3A_39, 8 : i32
      %dma_start3A_41 = tpu.memref_slice %arg4[%multiple_of3A_40] : memref<160000xi32, #tpu.memory_space<hbm>> -> memref<80xi32, #tpu.memory_space<hbm>>
      %dma_start3A_42 = tpu.memref_slice %arg4[%multiple_of3A_40] : memref<160000xi32, #tpu.memory_space<hbm>> -> memref<80xi32, #tpu.memory_space<hbm>>
      tpu.enqueue_dma source(%dma_start3A_42 : memref<80xi32, #tpu.memory_space<hbm>>) target(%arg11 : memref<80xi32, #tpu.memory_space<vmem>>) target_semaphore(%arg17 : memref<!tpu.dma_semaphore, #tpu.memory_space<semaphore_mem>>)
      %dma_start3A_43 = tpu.memref_slice %arg5[%multiple_of3A_40] : memref<160000xi32, #tpu.memory_space<hbm>> -> memref<80xi32, #tpu.memory_space<hbm>>
      %dma_start3A_44 = tpu.memref_slice %arg5[%multiple_of3A_40] : memref<160000xi32, #tpu.memory_space<hbm>> -> memref<80xi32, #tpu.memory_space<hbm>>
      tpu.enqueue_dma source(%dma_start3A_44 : memref<80xi32, #tpu.memory_space<hbm>>) target(%arg13 : memref<80xi32, #tpu.memory_space<vmem>>) target_semaphore(%arg19 : memref<!tpu.dma_semaphore, #tpu.memory_space<semaphore_mem>>)
      %scan3A = arith.constant 0 : i32
      %scan3A_45 = arith.constant 0 : i32
      %scan3A_46 = arith.constant 125 : i32
      %scan3A_47 = arith.addi %scan3A_45, %scan3A_46 : i32
      %scan3A_48 = arith.constant 1 : i32
      scf.for %scan3A_50 = %scan3A_45 to %scan3A_47 step %scan3A_48  : i32 {
        %jit3A = arith.constant 2 : i32
        %eq3A_51 = arith.constant 0 : i32
        %eq3A_52 = arith.cmpi eq, %jit3A, %eq3A_51 : i32
        %jit3A_53 = arith.constant 1 : i32
        %select_n3A = arith.select %eq3A_52, %jit3A_53, %jit3A : i32
        %rem3A = arith.remsi %scan3A_50, %select_n3A : i32
        %ne3A = arith.constant 0 : i32
        %ne3A_54 = arith.cmpi ne, %rem3A, %ne3A : i32
        %lt3A_55 = arith.constant 0 : i32
        %lt3A_56 = arith.cmpi slt, %rem3A, %lt3A_55 : i32
        %lt3A_57 = arith.constant 0 : i32
        %lt3A_58 = arith.cmpi slt, %select_n3A, %lt3A_57 : i32
        %ne3A_59 = arith.xori %lt3A_56, %lt3A_58 : i1
        %and3A_60 = arith.andi %ne3A_59, %ne3A_54 : i1
        %add3A_61 = arith.addi %rem3A, %select_n3A : i32
        %select_n3A_62 = arith.select %and3A_60, %add3A_61, %rem3A : i32
        %eq3A_63 = arith.constant 0 : i32
        %eq3A_64 = arith.cmpi eq, %select_n3A_62, %eq3A_63 : i32
        %convert_element_type3A_65 = arith.extui %eq3A_64 : i1 to i32
        %cond3A_66 = arith.constant 0 : i32
        %cond3A_67 = arith.cmpi ne, %convert_element_type3A_65, %cond3A_66 : i32
        scf.if %cond3A_67 {
          %add3A_89 = arith.constant 1 : i32
          %add3A_90 = arith.addi %scan3A_50, %add3A_89 : i32
          %lt3A_91 = arith.constant 125 : i32
          %lt3A_92 = arith.cmpi slt, %add3A_90, %lt3A_91 : i32
          %convert_element_type3A_93 = arith.extui %lt3A_92 : i1 to i32
          %cond3A_94 = arith.constant 0 : i32
          %cond3A_95 = arith.cmpi ne, %convert_element_type3A_93, %cond3A_94 : i32
          scf.if %cond3A_95 {
            %dma_wait3A_110 = arith.constant 0 : i32
            %dma_wait3A_111 = tpu.memref_slice %arg4[%dma_wait3A_110] : memref<160000xi32, #tpu.memory_space<hbm>> -> memref<80xi32, #tpu.memory_space<hbm>>
            %dma_wait3A_112 = arith.constant 0 : i32
            %dma_wait3A_113 = tpu.memref_slice %arg4[%dma_wait3A_112] : memref<160000xi32, #tpu.memory_space<hbm>> -> memref<80xi32, #tpu.memory_space<hbm>>
            tpu.wait_dma2 semaphore(%arg17 : memref<!tpu.dma_semaphore, #tpu.memory_space<semaphore_mem>>) src(%dma_wait3A_113 : memref<80xi32, #tpu.memory_space<hbm>>) dst(%arg11 : memref<80xi32, #tpu.memory_space<vmem>>)
            %dma_start3A_114 = arith.constant 0 : i32
            %dma_start3A_115 = arith.constant 0 : i32
            %dma_start3A_116 = tpu.memref_slice %arg3[%dma_start3A_114, %dma_start3A_115] : memref<10000x160xf32, #tpu.memory_space<hbm>> -> memref<10000x160xf32, #tpu.memory_space<hbm>>
            tpu.enqueue_indirect_dma source(%dma_start3A_116 : memref<10000x160xf32, #tpu.memory_space<hbm>>) target(%arg15 : memref<80x160xf32, #tpu.memory_space<vmem>>) offsets(%arg11 : memref<80xi32, #tpu.memory_space<vmem>>) semaphore(%arg21 : memref<!tpu.dma_semaphore, #tpu.memory_space<semaphore_mem>>)
          } else {
          }
          %dma_wait3A_96 = arith.constant 0 : i32
          %dma_wait3A_97 = arith.constant 0 : i32
          %dma_wait3A_98 = tpu.memref_slice %arg3[%dma_wait3A_96, %dma_wait3A_97] : memref<10000x160xf32, #tpu.memory_space<hbm>> -> memref<10000x160xf32, #tpu.memory_space<hbm>>
          tpu.wait_indirect_dma semaphore(%arg20 : memref<!tpu.dma_semaphore, #tpu.memory_space<semaphore_mem>>) src(%dma_wait3A_98 : memref<10000x160xf32, #tpu.memory_space<hbm>>) dst(%arg14 : memref<80x160xf32, #tpu.memory_space<vmem>>)
          %dma_wait3A_99 = arith.constant 0 : i32
          %dma_wait3A_100 = tpu.memref_slice %arg5[%dma_wait3A_99] : memref<160000xi32, #tpu.memory_space<hbm>> -> memref<80xi32, #tpu.memory_space<hbm>>
          %dma_wait3A_101 = arith.constant 0 : i32
          %dma_wait3A_102 = tpu.memref_slice %arg5[%dma_wait3A_101] : memref<160000xi32, #tpu.memory_space<hbm>> -> memref<80xi32, #tpu.memory_space<hbm>>
          tpu.wait_dma2 semaphore(%arg18 : memref<!tpu.dma_semaphore, #tpu.memory_space<semaphore_mem>>) src(%dma_wait3A_102 : memref<80xi32, #tpu.memory_space<hbm>>) dst(%arg12 : memref<80xi32, #tpu.memory_space<vmem>>)
          "tpu.region"() ({
            %run_scoped3A = tpu.sem_alloc : memref<!tpu.dma_semaphore, #tpu.memory_space<semaphore_mem>>
            %dma_start3A_110 = arith.constant 0 : i32
            %dma_start3A_111 = arith.constant 0 : i32
            %dma_start3A_112 = tpu.memref_slice %arg9[%dma_start3A_110, %dma_start3A_111] : memref<10000x160xf32, #tpu.memory_space<vmem_shared>> -> memref<10000x160xf32, #tpu.memory_space<vmem_shared>>
            tpu.enqueue_indirect_dma source(%arg14 : memref<80x160xf32, #tpu.memory_space<vmem>>) target(%dma_start3A_112 : memref<10000x160xf32, #tpu.memory_space<vmem_shared>>) offsets(%arg12 : memref<80xi32, #tpu.memory_space<vmem>>) semaphore(%run_scoped3A : memref<!tpu.dma_semaphore, #tpu.memory_space<semaphore_mem>>) {add = true}
            %dma_wait3A_113 = arith.constant 0 : i32
            %dma_wait3A_114 = arith.constant 0 : i32
            %dma_wait3A_115 = tpu.memref_slice %arg9[%dma_wait3A_113, %dma_wait3A_114] : memref<10000x160xf32, #tpu.memory_space<vmem_shared>> -> memref<10000x160xf32, #tpu.memory_space<vmem_shared>>
            tpu.wait_indirect_dma semaphore(%run_scoped3A : memref<!tpu.dma_semaphore, #tpu.memory_space<semaphore_mem>>) src(%arg14 : memref<80x160xf32, #tpu.memory_space<vmem>>) dst(%dma_wait3A_115 : memref<10000x160xf32, #tpu.memory_space<vmem_shared>>)
            tpu.yield
          }) : () -> ()
          %add3A_103 = arith.constant 2 : i32
          %add3A_104 = arith.addi %scan3A_50, %add3A_103 : i32
          %lt3A_105 = arith.constant 125 : i32
          %lt3A_106 = arith.cmpi slt, %add3A_104, %lt3A_105 : i32
          %convert_element_type3A_107 = arith.extui %lt3A_106 : i1 to i32
          %cond3A_108 = arith.constant 0 : i32
          %cond3A_109 = arith.cmpi ne, %convert_element_type3A_107, %cond3A_108 : i32
          scf.if %cond3A_109 {
            %add3A_110 = arith.constant 2 : i32
            %add3A_111 = arith.addi %scan3A_50, %add3A_110 : i32
            %mul3A_112 = arith.constant 80 : i32
            %mul3A_113 = arith.muli %add3A_111, %mul3A_112 : i32
            %add3A_114 = arith.addi %mul3A_2, %mul3A_113 : i32
            %multiple_of3A_115 = tpu.assume_multiple %add3A_114, 8 : i32
            %dma_start3A_116 = tpu.memref_slice %arg4[%multiple_of3A_115] : memref<160000xi32, #tpu.memory_space<hbm>> -> memref<80xi32, #tpu.memory_space<hbm>>
            %dma_start3A_117 = tpu.memref_slice %arg4[%multiple_of3A_115] : memref<160000xi32, #tpu.memory_space<hbm>> -> memref<80xi32, #tpu.memory_space<hbm>>
            tpu.enqueue_dma source(%dma_start3A_117 : memref<80xi32, #tpu.memory_space<hbm>>) target(%arg10 : memref<80xi32, #tpu.memory_space<vmem>>) target_semaphore(%arg16 : memref<!tpu.dma_semaphore, #tpu.memory_space<semaphore_mem>>)
            %dma_start3A_118 = tpu.memref_slice %arg5[%multiple_of3A_115] : memref<160000xi32, #tpu.memory_space<hbm>> -> memref<80xi32, #tpu.memory_space<hbm>>
            %dma_start3A_119 = tpu.memref_slice %arg5[%multiple_of3A_115] : memref<160000xi32, #tpu.memory_space<hbm>> -> memref<80xi32, #tpu.memory_space<hbm>>
            tpu.enqueue_dma source(%dma_start3A_119 : memref<80xi32, #tpu.memory_space<hbm>>) target(%arg12 : memref<80xi32, #tpu.memory_space<vmem>>) target_semaphore(%arg18 : memref<!tpu.dma_semaphore, #tpu.memory_space<semaphore_mem>>)
          } else {
          }
        } else {
        }
        %jit3A_68 = arith.constant 2 : i32
        %eq3A_69 = arith.constant 0 : i32
        %eq3A_70 = arith.cmpi eq, %jit3A_68, %eq3A_69 : i32
        %jit3A_71 = arith.constant 1 : i32
        %select_n3A_72 = arith.select %eq3A_70, %jit3A_71, %jit3A_68 : i32
        %rem3A_73 = arith.remsi %scan3A_50, %select_n3A_72 : i32
        %ne3A_74 = arith.constant 0 : i32
        %ne3A_75 = arith.cmpi ne, %rem3A_73, %ne3A_74 : i32
        %lt3A_76 = arith.constant 0 : i32
        %lt3A_77 = arith.cmpi slt, %rem3A_73, %lt3A_76 : i32
        %lt3A_78 = arith.constant 0 : i32
        %lt3A_79 = arith.cmpi slt, %select_n3A_72, %lt3A_78 : i32
        %ne3A_80 = arith.xori %lt3A_77, %lt3A_79 : i1
        %and3A_81 = arith.andi %ne3A_80, %ne3A_75 : i1
        %add3A_82 = arith.addi %rem3A_73, %select_n3A_72 : i32
        %select_n3A_83 = arith.select %and3A_81, %add3A_82, %rem3A_73 : i32
        %eq3A_84 = arith.constant 1 : i32
        %eq3A_85 = arith.cmpi eq, %select_n3A_83, %eq3A_84 : i32
        %convert_element_type3A_86 = arith.extui %eq3A_85 : i1 to i32
        %cond3A_87 = arith.constant 0 : i32
        %cond3A_88 = arith.cmpi ne, %convert_element_type3A_86, %cond3A_87 : i32
        scf.if %cond3A_88 {
          %add3A_89 = arith.constant 1 : i32
          %add3A_90 = arith.addi %scan3A_50, %add3A_89 : i32
          %lt3A_91 = arith.constant 125 : i32
          %lt3A_92 = arith.cmpi slt, %add3A_90, %lt3A_91 : i32
          %convert_element_type3A_93 = arith.extui %lt3A_92 : i1 to i32
          %cond3A_94 = arith.constant 0 : i32
          %cond3A_95 = arith.cmpi ne, %convert_element_type3A_93, %cond3A_94 : i32
          scf.if %cond3A_95 {
            %dma_wait3A_110 = arith.constant 0 : i32
            %dma_wait3A_111 = tpu.memref_slice %arg4[%dma_wait3A_110] : memref<160000xi32, #tpu.memory_space<hbm>> -> memref<80xi32, #tpu.memory_space<hbm>>
            %dma_wait3A_112 = arith.constant 0 : i32
            %dma_wait3A_113 = tpu.memref_slice %arg4[%dma_wait3A_112] : memref<160000xi32, #tpu.memory_space<hbm>> -> memref<80xi32, #tpu.memory_space<hbm>>
            tpu.wait_dma2 semaphore(%arg16 : memref<!tpu.dma_semaphore, #tpu.memory_space<semaphore_mem>>) src(%dma_wait3A_113 : memref<80xi32, #tpu.memory_space<hbm>>) dst(%arg10 : memref<80xi32, #tpu.memory_space<vmem>>)
            %dma_start3A_114 = arith.constant 0 : i32
            %dma_start3A_115 = arith.constant 0 : i32
            %dma_start3A_116 = tpu.memref_slice %arg3[%dma_start3A_114, %dma_start3A_115] : memref<10000x160xf32, #tpu.memory_space<hbm>> -> memref<10000x160xf32, #tpu.memory_space<hbm>>
            tpu.enqueue_indirect_dma source(%dma_start3A_116 : memref<10000x160xf32, #tpu.memory_space<hbm>>) target(%arg14 : memref<80x160xf32, #tpu.memory_space<vmem>>) offsets(%arg10 : memref<80xi32, #tpu.memory_space<vmem>>) semaphore(%arg20 : memref<!tpu.dma_semaphore, #tpu.memory_space<semaphore_mem>>)
          } else {
          }
          %dma_wait3A_96 = arith.constant 0 : i32
          %dma_wait3A_97 = arith.constant 0 : i32
          %dma_wait3A_98 = tpu.memref_slice %arg3[%dma_wait3A_96, %dma_wait3A_97] : memref<10000x160xf32, #tpu.memory_space<hbm>> -> memref<10000x160xf32, #tpu.memory_space<hbm>>
          tpu.wait_indirect_dma semaphore(%arg21 : memref<!tpu.dma_semaphore, #tpu.memory_space<semaphore_mem>>) src(%dma_wait3A_98 : memref<10000x160xf32, #tpu.memory_space<hbm>>) dst(%arg15 : memref<80x160xf32, #tpu.memory_space<vmem>>)
          %dma_wait3A_99 = arith.constant 0 : i32
          %dma_wait3A_100 = tpu.memref_slice %arg5[%dma_wait3A_99] : memref<160000xi32, #tpu.memory_space<hbm>> -> memref<80xi32, #tpu.memory_space<hbm>>
          %dma_wait3A_101 = arith.constant 0 : i32
          %dma_wait3A_102 = tpu.memref_slice %arg5[%dma_wait3A_101] : memref<160000xi32, #tpu.memory_space<hbm>> -> memref<80xi32, #tpu.memory_space<hbm>>
          tpu.wait_dma2 semaphore(%arg19 : memref<!tpu.dma_semaphore, #tpu.memory_space<semaphore_mem>>) src(%dma_wait3A_102 : memref<80xi32, #tpu.memory_space<hbm>>) dst(%arg13 : memref<80xi32, #tpu.memory_space<vmem>>)
          "tpu.region"() ({
            %run_scoped3A = tpu.sem_alloc : memref<!tpu.dma_semaphore, #tpu.memory_space<semaphore_mem>>
            %dma_start3A_110 = arith.constant 0 : i32
            %dma_start3A_111 = arith.constant 0 : i32
            %dma_start3A_112 = tpu.memref_slice %arg9[%dma_start3A_110, %dma_start3A_111] : memref<10000x160xf32, #tpu.memory_space<vmem_shared>> -> memref<10000x160xf32, #tpu.memory_space<vmem_shared>>
            tpu.enqueue_indirect_dma source(%arg15 : memref<80x160xf32, #tpu.memory_space<vmem>>) target(%dma_start3A_112 : memref<10000x160xf32, #tpu.memory_space<vmem_shared>>) offsets(%arg13 : memref<80xi32, #tpu.memory_space<vmem>>) semaphore(%run_scoped3A : memref<!tpu.dma_semaphore, #tpu.memory_space<semaphore_mem>>) {add = true}
            %dma_wait3A_113 = arith.constant 0 : i32
            %dma_wait3A_114 = arith.constant 0 : i32
            %dma_wait3A_115 = tpu.memref_slice %arg9[%dma_wait3A_113, %dma_wait3A_114] : memref<10000x160xf32, #tpu.memory_space<vmem_shared>> -> memref<10000x160xf32, #tpu.memory_space<vmem_shared>>
            tpu.wait_indirect_dma semaphore(%run_scoped3A : memref<!tpu.dma_semaphore, #tpu.memory_space<semaphore_mem>>) src(%arg15 : memref<80x160xf32, #tpu.memory_space<vmem>>) dst(%dma_wait3A_115 : memref<10000x160xf32, #tpu.memory_space<vmem_shared>>)
            tpu.yield
          }) : () -> ()
          %add3A_103 = arith.constant 2 : i32
          %add3A_104 = arith.addi %scan3A_50, %add3A_103 : i32
          %lt3A_105 = arith.constant 125 : i32
          %lt3A_106 = arith.cmpi slt, %add3A_104, %lt3A_105 : i32
          %convert_element_type3A_107 = arith.extui %lt3A_106 : i1 to i32
          %cond3A_108 = arith.constant 0 : i32
          %cond3A_109 = arith.cmpi ne, %convert_element_type3A_107, %cond3A_108 : i32
          scf.if %cond3A_109 {
            %add3A_110 = arith.constant 2 : i32
            %add3A_111 = arith.addi %scan3A_50, %add3A_110 : i32
            %mul3A_112 = arith.constant 80 : i32
            %mul3A_113 = arith.muli %add3A_111, %mul3A_112 : i32
            %add3A_114 = arith.addi %mul3A_2, %mul3A_113 : i32
            %multiple_of3A_115 = tpu.assume_multiple %add3A_114, 8 : i32
            %dma_start3A_116 = tpu.memref_slice %arg4[%multiple_of3A_115] : memref<160000xi32, #tpu.memory_space<hbm>> -> memref<80xi32, #tpu.memory_space<hbm>>
            %dma_start3A_117 = tpu.memref_slice %arg4[%multiple_of3A_115] : memref<160000xi32, #tpu.memory_space<hbm>> -> memref<80xi32, #tpu.memory_space<hbm>>
            tpu.enqueue_dma source(%dma_start3A_117 : memref<80xi32, #tpu.memory_space<hbm>>) target(%arg11 : memref<80xi32, #tpu.memory_space<vmem>>) target_semaphore(%arg17 : memref<!tpu.dma_semaphore, #tpu.memory_space<semaphore_mem>>)
            %dma_start3A_118 = tpu.memref_slice %arg5[%multiple_of3A_115] : memref<160000xi32, #tpu.memory_space<hbm>> -> memref<80xi32, #tpu.memory_space<hbm>>
            %dma_start3A_119 = tpu.memref_slice %arg5[%multiple_of3A_115] : memref<160000xi32, #tpu.memory_space<hbm>> -> memref<80xi32, #tpu.memory_space<hbm>>
            tpu.enqueue_dma source(%dma_start3A_119 : memref<80xi32, #tpu.memory_space<hbm>>) target(%arg13 : memref<80xi32, #tpu.memory_space<vmem>>) target_semaphore(%arg19 : memref<!tpu.dma_semaphore, #tpu.memory_space<semaphore_mem>>)
          } else {
          }
        } else {
        }
      }
      %scan3A_49 = arith.constant 125 : i32
    } else {
    }
    %barrier3A_12 = arith.constant 0 : index
    tpu.barrier barrier_id(%barrier3A_12)
    %eq3A_13 = arith.constant 0 : i32
    %eq3A_14 = arith.cmpi eq, %arg0, %eq3A_13 : i32
    %lt3A_15 = arith.constant 10 : i32
    %lt3A_16 = arith.cmpi slt, %arg1, %lt3A_15 : i32
    %and3A = arith.andi %eq3A_14, %lt3A_16 : i1
    %convert_element_type3A_17 = arith.extui %and3A : i1 to i32
    %cond3A_18 = arith.constant 0 : i32
    %cond3A_19 = arith.cmpi ne, %convert_element_type3A_17, %cond3A_18 : i32
    scf.if %cond3A_19 {
      %mul3A_28 = arith.constant 1000 : i32
      %mul3A_29 = arith.muli %arg1, %mul3A_28 : i32
      "tpu.region"() ({
        %run_scoped3A = tpu.sem_alloc : memref<!tpu.dma_semaphore, #tpu.memory_space<semaphore_mem>>
        %dma_start3A = arith.constant 0 : i32
        %dma_start3A_30 = tpu.memref_slice %arg7[%mul3A_29, %dma_start3A] : memref<10000x160xf32, #tpu.memory_space<hbm>> -> memref<1000x160xf32, #tpu.memory_space<hbm>>
        %dma_start3A_31 = arith.constant 0 : i32
        %dma_start3A_32 = tpu.memref_slice %arg9[%mul3A_29, %dma_start3A_31] : memref<10000x160xf32, #tpu.memory_space<vmem_shared>> -> memref<1000x160xf32, #tpu.memory_space<vmem_shared>>
        tpu.enqueue_dma source(%dma_start3A_32 : memref<1000x160xf32, #tpu.memory_space<vmem_shared>>) target(%dma_start3A_30 : memref<1000x160xf32, #tpu.memory_space<hbm>>) target_semaphore(%run_scoped3A : memref<!tpu.dma_semaphore, #tpu.memory_space<semaphore_mem>>)
        %dma_wait3A = arith.constant 0 : i32
        %dma_wait3A_33 = tpu.memref_slice %arg7[%mul3A_29, %dma_wait3A] : memref<10000x160xf32, #tpu.memory_space<hbm>> -> memref<1000x160xf32, #tpu.memory_space<hbm>>
        %dma_wait3A_34 = arith.constant 0 : i32
        %dma_wait3A_35 = tpu.memref_slice %arg9[%mul3A_29, %dma_wait3A_34] : memref<10000x160xf32, #tpu.memory_space<vmem_shared>> -> memref<1000x160xf32, #tpu.memory_space<vmem_shared>>
        tpu.wait_dma2 semaphore(%run_scoped3A : memref<!tpu.dma_semaphore, #tpu.memory_space<semaphore_mem>>) src(%dma_wait3A_35 : memref<1000x160xf32, #tpu.memory_space<vmem_shared>>) dst(%dma_wait3A_33 : memref<1000x160xf32, #tpu.memory_space<hbm>>)
        tpu.yield
      }) : () -> ()
    } else {
    }
    %eq3A_20 = arith.constant 1 : i32
    %eq3A_21 = arith.cmpi eq, %arg0, %eq3A_20 : i32
    %lt3A_22 = arith.constant 10 : i32
    %lt3A_23 = arith.cmpi slt, %arg1, %lt3A_22 : i32
    %and3A_24 = arith.andi %eq3A_21, %lt3A_23 : i1
    %convert_element_type3A_25 = arith.extui %and3A_24 : i1 to i32
    %cond3A_26 = arith.constant 0 : i32
    %cond3A_27 = arith.cmpi ne, %convert_element_type3A_25, %cond3A_26 : i32
    scf.if %cond3A_27 {
      %mul3A_28 = arith.constant 1000 : i32
      %mul3A_29 = arith.muli %arg1, %mul3A_28 : i32
      "tpu.region"() ({
        %run_scoped3A = tpu.sem_alloc : memref<!tpu.dma_semaphore, #tpu.memory_space<semaphore_mem>>
        %dma_start3A = arith.constant 0 : i32
        %dma_start3A_30 = tpu.memref_slice %arg8[%mul3A_29, %dma_start3A] : memref<10000x160xf32, #tpu.memory_space<hbm>> -> memref<1000x160xf32, #tpu.memory_space<hbm>>
        %dma_start3A_31 = arith.constant 0 : i32
        %dma_start3A_32 = tpu.memref_slice %arg9[%mul3A_29, %dma_start3A_31] : memref<10000x160xf32, #tpu.memory_space<vmem_shared>> -> memref<1000x160xf32, #tpu.memory_space<vmem_shared>>
        tpu.enqueue_dma source(%dma_start3A_32 : memref<1000x160xf32, #tpu.memory_space<vmem_shared>>) target(%dma_start3A_30 : memref<1000x160xf32, #tpu.memory_space<hbm>>) target_semaphore(%run_scoped3A : memref<!tpu.dma_semaphore, #tpu.memory_space<semaphore_mem>>)
        %dma_wait3A = arith.constant 0 : i32
        %dma_wait3A_33 = tpu.memref_slice %arg8[%mul3A_29, %dma_wait3A] : memref<10000x160xf32, #tpu.memory_space<hbm>> -> memref<1000x160xf32, #tpu.memory_space<hbm>>
        %dma_wait3A_34 = arith.constant 0 : i32
        %dma_wait3A_35 = tpu.memref_slice %arg9[%mul3A_29, %dma_wait3A_34] : memref<10000x160xf32, #tpu.memory_space<vmem_shared>> -> memref<1000x160xf32, #tpu.memory_space<vmem_shared>>
        tpu.wait_dma2 semaphore(%run_scoped3A : memref<!tpu.dma_semaphore, #tpu.memory_space<semaphore_mem>>) src(%dma_wait3A_35 : memref<1000x160xf32, #tpu.memory_space<vmem_shared>>) dst(%dma_wait3A_33 : memref<1000x160xf32, #tpu.memory_space<hbm>>)
        tpu.yield
      }) : () -> ()
    } else {
    }
    return
  }
}

#map = affine_map<(d0, d1) -> (0, 0)>
#map1 = affine_map<(d0, d1) -> (0)>
module attributes {stable_mosaic.version = 14 : i64} {
  func.func @_sc_aggregate_body(%arg0: i32, %arg1: i32, %arg2: memref<10000x160xf32, #tpu.memory_space<hbm>>, %arg3: memref<10000x160xf32, #tpu.memory_space<hbm>>, %arg4: memref<160000xi32, #tpu.memory_space<hbm>>, %arg5: memref<160000xi32, #tpu.memory_space<hbm>>, %arg6: memref<1000x160xf32, #tpu.memory_space<hbm>>, %arg7: memref<10000x160xf32, #tpu.memory_space<hbm>>, %arg8: memref<10000x160xf32, #tpu.memory_space<hbm>>, %arg9: memref<10000x160xf32, #tpu.memory_space<vmem_shared>>, %arg10: memref<80xi32, #tpu.memory_space<vmem>>, %arg11: memref<80xi32, #tpu.memory_space<vmem>>, %arg12: memref<80xi32, #tpu.memory_space<vmem>>, %arg13: memref<80xi32, #tpu.memory_space<vmem>>, %arg14: memref<80x160xf32, #tpu.memory_space<vmem>>, %arg15: memref<80x160xf32, #tpu.memory_space<vmem>>, %arg16: memref<!tpu.dma_semaphore, #tpu.memory_space<semaphore_mem>>, %arg17: memref<!tpu.dma_semaphore, #tpu.memory_space<semaphore_mem>>, %arg18: memref<!tpu.dma_semaphore, #tpu.memory_space<semaphore_mem>>, %arg19: memref<!tpu.dma_semaphore, #tpu.memory_space<semaphore_mem>>, %arg20: memref<!tpu.dma_semaphore, #tpu.memory_space<semaphore_mem>>, %arg21: memref<!tpu.dma_semaphore, #tpu.memory_space<semaphore_mem>>) attributes {dimension_semantics = [#tpu.dimension_semantics<core_parallel>, #tpu.dimension_semantics<subcore_parallel>], iteration_bounds = array<i64: 2, 16>, scalar_prefetch = 0 : i64, scratch_operands = 13 : i64, tpu.core_type = #tpu.core_type<sc_vector_subcore>, window_params = [{transform_indices = #map}, {transform_indices = #map}, {transform_indices = #map1}, {transform_indices = #map1}, {transform_indices = #map}, {transform_indices = #map}, {transform_indices = #map}]} {
    %lt3A = arith.constant 10 : i32
    %lt3A_0 = arith.cmpi slt, %arg1, %lt3A : i32
    %convert_element_type3A = arith.extui %lt3A_0 : i1 to i32
    %cond3A = arith.constant 0 : i32
    %cond3A_1 = arith.cmpi ne, %convert_element_type3A, %cond3A : i32
    scf.if %cond3A_1 {
      %mul3A_28 = arith.constant 1000 : i32
      %mul3A_29 = arith.muli %arg1, %mul3A_28 : i32
      "tpu.region"() ({
        %run_scoped3A = tpu.sem_alloc : memref<!tpu.dma_semaphore, #tpu.memory_space<semaphore_mem>>
        %dma_start3A = arith.constant 0 : i32
        %dma_start3A_30 = tpu.memref_slice %arg9[%mul3A_29, %dma_start3A] : memref<10000x160xf32, #tpu.memory_space<vmem_shared>> -> memref<1000x160xf32, #tpu.memory_space<vmem_shared>>
        tpu.enqueue_dma source(%arg6 : memref<1000x160xf32, #tpu.memory_space<hbm>>) target(%dma_start3A_30 : memref<1000x160xf32, #tpu.memory_space<vmem_shared>>) target_semaphore(%run_scoped3A : memref<!tpu.dma_semaphore, #tpu.memory_space<semaphore_mem>>)
        %dma_wait3A = arith.constant 0 : i32
        %dma_wait3A_31 = tpu.memref_slice %arg9[%mul3A_29, %dma_wait3A] : memref<10000x160xf32, #tpu.memory_space<vmem_shared>> -> memref<1000x160xf32, #tpu.memory_space<vmem_shared>>
        tpu.wait_dma2 semaphore(%run_scoped3A : memref<!tpu.dma_semaphore, #tpu.memory_space<semaphore_mem>>) src(%arg6 : memref<1000x160xf32, #tpu.memory_space<hbm>>) dst(%dma_wait3A_31 : memref<1000x160xf32, #tpu.memory_space<vmem_shared>>)
        tpu.yield
      }) : () -> ()
    } else {
    }
    %barrier3A = arith.constant 0 : index
    tpu.barrier barrier_id(%barrier3A)
    %mul3A = arith.constant 10000 : i32
    %mul3A_2 = arith.muli %arg1, %mul3A : i32
    %eq3A = arith.constant 0 : i32
    %eq3A_3 = arith.cmpi eq, %arg0, %eq3A : i32
    %convert_element_type3A_4 = arith.extui %eq3A_3 : i1 to i32
    %cond3A_5 = arith.constant 0 : i32
    %cond3A_6 = arith.cmpi ne, %convert_element_type3A_4, %cond3A_5 : i32
    scf.if %cond3A_6 {
      %add3A = arith.constant 0 : i32
      %add3A_28 = arith.addi %mul3A_2, %add3A : i32
      %multiple_of3A = tpu.assume_multiple %add3A_28, 8 : i32
      %dma_start3A = tpu.memref_slice %arg4[%multiple_of3A] : memref<160000xi32, #tpu.memory_space<hbm>> -> memref<80xi32, #tpu.memory_space<hbm>>
      %dma_start3A_29 = tpu.memref_slice %arg4[%multiple_of3A] : memref<160000xi32, #tpu.memory_space<hbm>> -> memref<80xi32, #tpu.memory_space<hbm>>
      tpu.enqueue_dma source(%dma_start3A_29 : memref<80xi32, #tpu.memory_space<hbm>>) target(%arg10 : memref<80xi32, #tpu.memory_space<vmem>>) target_semaphore(%arg16 : memref<!tpu.dma_semaphore, #tpu.memory_space<semaphore_mem>>)
      %dma_start3A_30 = tpu.memref_slice %arg5[%multiple_of3A] : memref<160000xi32, #tpu.memory_space<hbm>> -> memref<80xi32, #tpu.memory_space<hbm>>
      %dma_start3A_31 = tpu.memref_slice %arg5[%multiple_of3A] : memref<160000xi32, #tpu.memory_space<hbm>> -> memref<80xi32, #tpu.memory_space<hbm>>
      tpu.enqueue_dma source(%dma_start3A_31 : memref<80xi32, #tpu.memory_space<hbm>>) target(%arg12 : memref<80xi32, #tpu.memory_space<vmem>>) target_semaphore(%arg18 : memref<!tpu.dma_semaphore, #tpu.memory_space<semaphore_mem>>)
      %dma_wait3A = arith.constant 0 : i32
      %dma_wait3A_32 = tpu.memref_slice %arg4[%dma_wait3A] : memref<160000xi32, #tpu.memory_space<hbm>> -> memref<80xi32, #tpu.memory_space<hbm>>
      %dma_wait3A_33 = arith.constant 0 : i32
      %dma_wait3A_34 = tpu.memref_slice %arg4[%dma_wait3A_33] : memref<160000xi32, #tpu.memory_space<hbm>> -> memref<80xi32, #tpu.memory_space<hbm>>
      tpu.wait_dma2 semaphore(%arg16 : memref<!tpu.dma_semaphore, #tpu.memory_space<semaphore_mem>>) src(%dma_wait3A_34 : memref<80xi32, #tpu.memory_space<hbm>>) dst(%arg10 : memref<80xi32, #tpu.memory_space<vmem>>)
      %dma_start3A_35 = arith.constant 0 : i32
      %dma_start3A_36 = arith.constant 0 : i32
      %dma_start3A_37 = tpu.memref_slice %arg2[%dma_start3A_35, %dma_start3A_36] : memref<10000x160xf32, #tpu.memory_space<hbm>> -> memref<10000x160xf32, #tpu.memory_space<hbm>>
      tpu.enqueue_indirect_dma source(%dma_start3A_37 : memref<10000x160xf32, #tpu.memory_space<hbm>>) target(%arg14 : memref<80x160xf32, #tpu.memory_space<vmem>>) offsets(%arg10 : memref<80xi32, #tpu.memory_space<vmem>>) semaphore(%arg20 : memref<!tpu.dma_semaphore, #tpu.memory_space<semaphore_mem>>)
      %add3A_38 = arith.constant 80 : i32
      %add3A_39 = arith.addi %mul3A_2, %add3A_38 : i32
      %multiple_of3A_40 = tpu.assume_multiple %add3A_39, 8 : i32
      %dma_start3A_41 = tpu.memref_slice %arg4[%multiple_of3A_40] : memref<160000xi32, #tpu.memory_space<hbm>> -> memref<80xi32, #tpu.memory_space<hbm>>
      %dma_start3A_42 = tpu.memref_slice %arg4[%multiple_of3A_40] : memref<160000xi32, #tpu.memory_space<hbm>> -> memref<80xi32, #tpu.memory_space<hbm>>
      tpu.enqueue_dma source(%dma_start3A_42 : memref<80xi32, #tpu.memory_space<hbm>>) target(%arg11 : memref<80xi32, #tpu.memory_space<vmem>>) target_semaphore(%arg17 : memref<!tpu.dma_semaphore, #tpu.memory_space<semaphore_mem>>)
      %dma_start3A_43 = tpu.memref_slice %arg5[%multiple_of3A_40] : memref<160000xi32, #tpu.memory_space<hbm>> -> memref<80xi32, #tpu.memory_space<hbm>>
      %dma_start3A_44 = tpu.memref_slice %arg5[%multiple_of3A_40] : memref<160000xi32, #tpu.memory_space<hbm>> -> memref<80xi32, #tpu.memory_space<hbm>>
      tpu.enqueue_dma source(%dma_start3A_44 : memref<80xi32, #tpu.memory_space<hbm>>) target(%arg13 : memref<80xi32, #tpu.memory_space<vmem>>) target_semaphore(%arg19 : memref<!tpu.dma_semaphore, #tpu.memory_space<semaphore_mem>>)
      %scan3A = arith.constant 0 : i32
      %scan3A_45 = arith.constant 0 : i32
      %scan3A_46 = arith.constant 125 : i32
      %scan3A_47 = arith.addi %scan3A_45, %scan3A_46 : i32
      %scan3A_48 = arith.constant 1 : i32
      scf.for %scan3A_50 = %scan3A_45 to %scan3A_47 step %scan3A_48  : i32 {
        %jit3A = arith.constant 2 : i32
        %eq3A_51 = arith.constant 0 : i32
        %eq3A_52 = arith.cmpi eq, %jit3A, %eq3A_51 : i32
        %jit3A_53 = arith.constant 1 : i32
        %select_n3A = arith.select %eq3A_52, %jit3A_53, %jit3A : i32
        %rem3A = arith.remsi %scan3A_50, %select_n3A : i32
        %ne3A = arith.constant 0 : i32
        %ne3A_54 = arith.cmpi ne, %rem3A, %ne3A : i32
        %lt3A_55 = arith.constant 0 : i32
        %lt3A_56 = arith.cmpi slt, %rem3A, %lt3A_55 : i32
        %lt3A_57 = arith.constant 0 : i32
        %lt3A_58 = arith.cmpi slt, %select_n3A, %lt3A_57 : i32
        %ne3A_59 = arith.xori %lt3A_56, %lt3A_58 : i1
        %and3A_60 = arith.andi %ne3A_59, %ne3A_54 : i1
        %add3A_61 = arith.addi %rem3A, %select_n3A : i32
        %select_n3A_62 = arith.select %and3A_60, %add3A_61, %rem3A : i32
        %eq3A_63 = arith.constant 0 : i32
        %eq3A_64 = arith.cmpi eq, %select_n3A_62, %eq3A_63 : i32
        %convert_element_type3A_65 = arith.extui %eq3A_64 : i1 to i32
        %cond3A_66 = arith.constant 0 : i32
        %cond3A_67 = arith.cmpi ne, %convert_element_type3A_65, %cond3A_66 : i32
        scf.if %cond3A_67 {
          %add3A_89 = arith.constant 1 : i32
          %add3A_90 = arith.addi %scan3A_50, %add3A_89 : i32
          %lt3A_91 = arith.constant 125 : i32
          %lt3A_92 = arith.cmpi slt, %add3A_90, %lt3A_91 : i32
          %convert_element_type3A_93 = arith.extui %lt3A_92 : i1 to i32
          %cond3A_94 = arith.constant 0 : i32
          %cond3A_95 = arith.cmpi ne, %convert_element_type3A_93, %cond3A_94 : i32
          scf.if %cond3A_95 {
            %dma_wait3A_110 = arith.constant 0 : i32
            %dma_wait3A_111 = tpu.memref_slice %arg4[%dma_wait3A_110] : memref<160000xi32, #tpu.memory_space<hbm>> -> memref<80xi32, #tpu.memory_space<hbm>>
            %dma_wait3A_112 = arith.constant 0 : i32
            %dma_wait3A_113 = tpu.memref_slice %arg4[%dma_wait3A_112] : memref<160000xi32, #tpu.memory_space<hbm>> -> memref<80xi32, #tpu.memory_space<hbm>>
            tpu.wait_dma2 semaphore(%arg17 : memref<!tpu.dma_semaphore, #tpu.memory_space<semaphore_mem>>) src(%dma_wait3A_113 : memref<80xi32, #tpu.memory_space<hbm>>) dst(%arg11 : memref<80xi32, #tpu.memory_space<vmem>>)
            %dma_start3A_114 = arith.constant 0 : i32
            %dma_start3A_115 = arith.constant 0 : i32
            %dma_start3A_116 = tpu.memref_slice %arg2[%dma_start3A_114, %dma_start3A_115] : memref<10000x160xf32, #tpu.memory_space<hbm>> -> memref<10000x160xf32, #tpu.memory_space<hbm>>
            tpu.enqueue_indirect_dma source(%dma_start3A_116 : memref<10000x160xf32, #tpu.memory_space<hbm>>) target(%arg15 : memref<80x160xf32, #tpu.memory_space<vmem>>) offsets(%arg11 : memref<80xi32, #tpu.memory_space<vmem>>) semaphore(%arg21 : memref<!tpu.dma_semaphore, #tpu.memory_space<semaphore_mem>>)
          } else {
          }
          %dma_wait3A_96 = arith.constant 0 : i32
          %dma_wait3A_97 = arith.constant 0 : i32
          %dma_wait3A_98 = tpu.memref_slice %arg2[%dma_wait3A_96, %dma_wait3A_97] : memref<10000x160xf32, #tpu.memory_space<hbm>> -> memref<10000x160xf32, #tpu.memory_space<hbm>>
          tpu.wait_indirect_dma semaphore(%arg20 : memref<!tpu.dma_semaphore, #tpu.memory_space<semaphore_mem>>) src(%dma_wait3A_98 : memref<10000x160xf32, #tpu.memory_space<hbm>>) dst(%arg14 : memref<80x160xf32, #tpu.memory_space<vmem>>)
          %dma_wait3A_99 = arith.constant 0 : i32
          %dma_wait3A_100 = tpu.memref_slice %arg5[%dma_wait3A_99] : memref<160000xi32, #tpu.memory_space<hbm>> -> memref<80xi32, #tpu.memory_space<hbm>>
          %dma_wait3A_101 = arith.constant 0 : i32
          %dma_wait3A_102 = tpu.memref_slice %arg5[%dma_wait3A_101] : memref<160000xi32, #tpu.memory_space<hbm>> -> memref<80xi32, #tpu.memory_space<hbm>>
          tpu.wait_dma2 semaphore(%arg18 : memref<!tpu.dma_semaphore, #tpu.memory_space<semaphore_mem>>) src(%dma_wait3A_102 : memref<80xi32, #tpu.memory_space<hbm>>) dst(%arg12 : memref<80xi32, #tpu.memory_space<vmem>>)
          "tpu.region"() ({
            %run_scoped3A = tpu.sem_alloc : memref<!tpu.dma_semaphore, #tpu.memory_space<semaphore_mem>>
            %dma_start3A_110 = arith.constant 0 : i32
            %dma_start3A_111 = arith.constant 0 : i32
            %dma_start3A_112 = tpu.memref_slice %arg9[%dma_start3A_110, %dma_start3A_111] : memref<10000x160xf32, #tpu.memory_space<vmem_shared>> -> memref<10000x160xf32, #tpu.memory_space<vmem_shared>>
            tpu.enqueue_indirect_dma source(%arg14 : memref<80x160xf32, #tpu.memory_space<vmem>>) target(%dma_start3A_112 : memref<10000x160xf32, #tpu.memory_space<vmem_shared>>) offsets(%arg12 : memref<80xi32, #tpu.memory_space<vmem>>) semaphore(%run_scoped3A : memref<!tpu.dma_semaphore, #tpu.memory_space<semaphore_mem>>) {add = true}
            %dma_wait3A_113 = arith.constant 0 : i32
            %dma_wait3A_114 = arith.constant 0 : i32
            %dma_wait3A_115 = tpu.memref_slice %arg9[%dma_wait3A_113, %dma_wait3A_114] : memref<10000x160xf32, #tpu.memory_space<vmem_shared>> -> memref<10000x160xf32, #tpu.memory_space<vmem_shared>>
            tpu.wait_indirect_dma semaphore(%run_scoped3A : memref<!tpu.dma_semaphore, #tpu.memory_space<semaphore_mem>>) src(%arg14 : memref<80x160xf32, #tpu.memory_space<vmem>>) dst(%dma_wait3A_115 : memref<10000x160xf32, #tpu.memory_space<vmem_shared>>)
            tpu.yield
          }) : () -> ()
          %add3A_103 = arith.constant 2 : i32
          %add3A_104 = arith.addi %scan3A_50, %add3A_103 : i32
          %lt3A_105 = arith.constant 125 : i32
          %lt3A_106 = arith.cmpi slt, %add3A_104, %lt3A_105 : i32
          %convert_element_type3A_107 = arith.extui %lt3A_106 : i1 to i32
          %cond3A_108 = arith.constant 0 : i32
          %cond3A_109 = arith.cmpi ne, %convert_element_type3A_107, %cond3A_108 : i32
          scf.if %cond3A_109 {
            %add3A_110 = arith.constant 2 : i32
            %add3A_111 = arith.addi %scan3A_50, %add3A_110 : i32
            %mul3A_112 = arith.constant 80 : i32
            %mul3A_113 = arith.muli %add3A_111, %mul3A_112 : i32
            %add3A_114 = arith.addi %mul3A_2, %mul3A_113 : i32
            %multiple_of3A_115 = tpu.assume_multiple %add3A_114, 8 : i32
            %dma_start3A_116 = tpu.memref_slice %arg4[%multiple_of3A_115] : memref<160000xi32, #tpu.memory_space<hbm>> -> memref<80xi32, #tpu.memory_space<hbm>>
            %dma_start3A_117 = tpu.memref_slice %arg4[%multiple_of3A_115] : memref<160000xi32, #tpu.memory_space<hbm>> -> memref<80xi32, #tpu.memory_space<hbm>>
            tpu.enqueue_dma source(%dma_start3A_117 : memref<80xi32, #tpu.memory_space<hbm>>) target(%arg10 : memref<80xi32, #tpu.memory_space<vmem>>) target_semaphore(%arg16 : memref<!tpu.dma_semaphore, #tpu.memory_space<semaphore_mem>>)
            %dma_start3A_118 = tpu.memref_slice %arg5[%multiple_of3A_115] : memref<160000xi32, #tpu.memory_space<hbm>> -> memref<80xi32, #tpu.memory_space<hbm>>
            %dma_start3A_119 = tpu.memref_slice %arg5[%multiple_of3A_115] : memref<160000xi32, #tpu.memory_space<hbm>> -> memref<80xi32, #tpu.memory_space<hbm>>
            tpu.enqueue_dma source(%dma_start3A_119 : memref<80xi32, #tpu.memory_space<hbm>>) target(%arg12 : memref<80xi32, #tpu.memory_space<vmem>>) target_semaphore(%arg18 : memref<!tpu.dma_semaphore, #tpu.memory_space<semaphore_mem>>)
          } else {
          }
        } else {
        }
        %jit3A_68 = arith.constant 2 : i32
        %eq3A_69 = arith.constant 0 : i32
        %eq3A_70 = arith.cmpi eq, %jit3A_68, %eq3A_69 : i32
        %jit3A_71 = arith.constant 1 : i32
        %select_n3A_72 = arith.select %eq3A_70, %jit3A_71, %jit3A_68 : i32
        %rem3A_73 = arith.remsi %scan3A_50, %select_n3A_72 : i32
        %ne3A_74 = arith.constant 0 : i32
        %ne3A_75 = arith.cmpi ne, %rem3A_73, %ne3A_74 : i32
        %lt3A_76 = arith.constant 0 : i32
        %lt3A_77 = arith.cmpi slt, %rem3A_73, %lt3A_76 : i32
        %lt3A_78 = arith.constant 0 : i32
        %lt3A_79 = arith.cmpi slt, %select_n3A_72, %lt3A_78 : i32
        %ne3A_80 = arith.xori %lt3A_77, %lt3A_79 : i1
        %and3A_81 = arith.andi %ne3A_80, %ne3A_75 : i1
        %add3A_82 = arith.addi %rem3A_73, %select_n3A_72 : i32
        %select_n3A_83 = arith.select %and3A_81, %add3A_82, %rem3A_73 : i32
        %eq3A_84 = arith.constant 1 : i32
        %eq3A_85 = arith.cmpi eq, %select_n3A_83, %eq3A_84 : i32
        %convert_element_type3A_86 = arith.extui %eq3A_85 : i1 to i32
        %cond3A_87 = arith.constant 0 : i32
        %cond3A_88 = arith.cmpi ne, %convert_element_type3A_86, %cond3A_87 : i32
        scf.if %cond3A_88 {
          %add3A_89 = arith.constant 1 : i32
          %add3A_90 = arith.addi %scan3A_50, %add3A_89 : i32
          %lt3A_91 = arith.constant 125 : i32
          %lt3A_92 = arith.cmpi slt, %add3A_90, %lt3A_91 : i32
          %convert_element_type3A_93 = arith.extui %lt3A_92 : i1 to i32
          %cond3A_94 = arith.constant 0 : i32
          %cond3A_95 = arith.cmpi ne, %convert_element_type3A_93, %cond3A_94 : i32
          scf.if %cond3A_95 {
            %dma_wait3A_110 = arith.constant 0 : i32
            %dma_wait3A_111 = tpu.memref_slice %arg4[%dma_wait3A_110] : memref<160000xi32, #tpu.memory_space<hbm>> -> memref<80xi32, #tpu.memory_space<hbm>>
            %dma_wait3A_112 = arith.constant 0 : i32
            %dma_wait3A_113 = tpu.memref_slice %arg4[%dma_wait3A_112] : memref<160000xi32, #tpu.memory_space<hbm>> -> memref<80xi32, #tpu.memory_space<hbm>>
            tpu.wait_dma2 semaphore(%arg16 : memref<!tpu.dma_semaphore, #tpu.memory_space<semaphore_mem>>) src(%dma_wait3A_113 : memref<80xi32, #tpu.memory_space<hbm>>) dst(%arg10 : memref<80xi32, #tpu.memory_space<vmem>>)
            %dma_start3A_114 = arith.constant 0 : i32
            %dma_start3A_115 = arith.constant 0 : i32
            %dma_start3A_116 = tpu.memref_slice %arg2[%dma_start3A_114, %dma_start3A_115] : memref<10000x160xf32, #tpu.memory_space<hbm>> -> memref<10000x160xf32, #tpu.memory_space<hbm>>
            tpu.enqueue_indirect_dma source(%dma_start3A_116 : memref<10000x160xf32, #tpu.memory_space<hbm>>) target(%arg14 : memref<80x160xf32, #tpu.memory_space<vmem>>) offsets(%arg10 : memref<80xi32, #tpu.memory_space<vmem>>) semaphore(%arg20 : memref<!tpu.dma_semaphore, #tpu.memory_space<semaphore_mem>>)
          } else {
          }
          %dma_wait3A_96 = arith.constant 0 : i32
          %dma_wait3A_97 = arith.constant 0 : i32
          %dma_wait3A_98 = tpu.memref_slice %arg2[%dma_wait3A_96, %dma_wait3A_97] : memref<10000x160xf32, #tpu.memory_space<hbm>> -> memref<10000x160xf32, #tpu.memory_space<hbm>>
          tpu.wait_indirect_dma semaphore(%arg21 : memref<!tpu.dma_semaphore, #tpu.memory_space<semaphore_mem>>) src(%dma_wait3A_98 : memref<10000x160xf32, #tpu.memory_space<hbm>>) dst(%arg15 : memref<80x160xf32, #tpu.memory_space<vmem>>)
          %dma_wait3A_99 = arith.constant 0 : i32
          %dma_wait3A_100 = tpu.memref_slice %arg5[%dma_wait3A_99] : memref<160000xi32, #tpu.memory_space<hbm>> -> memref<80xi32, #tpu.memory_space<hbm>>
          %dma_wait3A_101 = arith.constant 0 : i32
          %dma_wait3A_102 = tpu.memref_slice %arg5[%dma_wait3A_101] : memref<160000xi32, #tpu.memory_space<hbm>> -> memref<80xi32, #tpu.memory_space<hbm>>
          tpu.wait_dma2 semaphore(%arg19 : memref<!tpu.dma_semaphore, #tpu.memory_space<semaphore_mem>>) src(%dma_wait3A_102 : memref<80xi32, #tpu.memory_space<hbm>>) dst(%arg13 : memref<80xi32, #tpu.memory_space<vmem>>)
          "tpu.region"() ({
            %run_scoped3A = tpu.sem_alloc : memref<!tpu.dma_semaphore, #tpu.memory_space<semaphore_mem>>
            %dma_start3A_110 = arith.constant 0 : i32
            %dma_start3A_111 = arith.constant 0 : i32
            %dma_start3A_112 = tpu.memref_slice %arg9[%dma_start3A_110, %dma_start3A_111] : memref<10000x160xf32, #tpu.memory_space<vmem_shared>> -> memref<10000x160xf32, #tpu.memory_space<vmem_shared>>
            tpu.enqueue_indirect_dma source(%arg15 : memref<80x160xf32, #tpu.memory_space<vmem>>) target(%dma_start3A_112 : memref<10000x160xf32, #tpu.memory_space<vmem_shared>>) offsets(%arg13 : memref<80xi32, #tpu.memory_space<vmem>>) semaphore(%run_scoped3A : memref<!tpu.dma_semaphore, #tpu.memory_space<semaphore_mem>>) {add = true}
            %dma_wait3A_113 = arith.constant 0 : i32
            %dma_wait3A_114 = arith.constant 0 : i32
            %dma_wait3A_115 = tpu.memref_slice %arg9[%dma_wait3A_113, %dma_wait3A_114] : memref<10000x160xf32, #tpu.memory_space<vmem_shared>> -> memref<10000x160xf32, #tpu.memory_space<vmem_shared>>
            tpu.wait_indirect_dma semaphore(%run_scoped3A : memref<!tpu.dma_semaphore, #tpu.memory_space<semaphore_mem>>) src(%arg15 : memref<80x160xf32, #tpu.memory_space<vmem>>) dst(%dma_wait3A_115 : memref<10000x160xf32, #tpu.memory_space<vmem_shared>>)
            tpu.yield
          }) : () -> ()
          %add3A_103 = arith.constant 2 : i32
          %add3A_104 = arith.addi %scan3A_50, %add3A_103 : i32
          %lt3A_105 = arith.constant 125 : i32
          %lt3A_106 = arith.cmpi slt, %add3A_104, %lt3A_105 : i32
          %convert_element_type3A_107 = arith.extui %lt3A_106 : i1 to i32
          %cond3A_108 = arith.constant 0 : i32
          %cond3A_109 = arith.cmpi ne, %convert_element_type3A_107, %cond3A_108 : i32
          scf.if %cond3A_109 {
            %add3A_110 = arith.constant 2 : i32
            %add3A_111 = arith.addi %scan3A_50, %add3A_110 : i32
            %mul3A_112 = arith.constant 80 : i32
            %mul3A_113 = arith.muli %add3A_111, %mul3A_112 : i32
            %add3A_114 = arith.addi %mul3A_2, %mul3A_113 : i32
            %multiple_of3A_115 = tpu.assume_multiple %add3A_114, 8 : i32
            %dma_start3A_116 = tpu.memref_slice %arg4[%multiple_of3A_115] : memref<160000xi32, #tpu.memory_space<hbm>> -> memref<80xi32, #tpu.memory_space<hbm>>
            %dma_start3A_117 = tpu.memref_slice %arg4[%multiple_of3A_115] : memref<160000xi32, #tpu.memory_space<hbm>> -> memref<80xi32, #tpu.memory_space<hbm>>
            tpu.enqueue_dma source(%dma_start3A_117 : memref<80xi32, #tpu.memory_space<hbm>>) target(%arg11 : memref<80xi32, #tpu.memory_space<vmem>>) target_semaphore(%arg17 : memref<!tpu.dma_semaphore, #tpu.memory_space<semaphore_mem>>)
            %dma_start3A_118 = tpu.memref_slice %arg5[%multiple_of3A_115] : memref<160000xi32, #tpu.memory_space<hbm>> -> memref<80xi32, #tpu.memory_space<hbm>>
            %dma_start3A_119 = tpu.memref_slice %arg5[%multiple_of3A_115] : memref<160000xi32, #tpu.memory_space<hbm>> -> memref<80xi32, #tpu.memory_space<hbm>>
            tpu.enqueue_dma source(%dma_start3A_119 : memref<80xi32, #tpu.memory_space<hbm>>) target(%arg13 : memref<80xi32, #tpu.memory_space<vmem>>) target_semaphore(%arg19 : memref<!tpu.dma_semaphore, #tpu.memory_space<semaphore_mem>>)
          } else {
          }
        } else {
        }
      }
      %scan3A_49 = arith.constant 125 : i32
    } else {
    }
    %eq3A_7 = arith.constant 1 : i32
    %eq3A_8 = arith.cmpi eq, %arg0, %eq3A_7 : i32
    %convert_element_type3A_9 = arith.extui %eq3A_8 : i1 to i32
    %cond3A_10 = arith.constant 0 : i32
    %cond3A_11 = arith.cmpi ne, %convert_element_type3A_9, %cond3A_10 : i32
    scf.if %cond3A_11 {
      %add3A = arith.constant 0 : i32
      %add3A_28 = arith.addi %mul3A_2, %add3A : i32
      %multiple_of3A = tpu.assume_multiple %add3A_28, 8 : i32
      %dma_start3A = tpu.memref_slice %arg4[%multiple_of3A] : memref<160000xi32, #tpu.memory_space<hbm>> -> memref<80xi32, #tpu.memory_space<hbm>>
      %dma_start3A_29 = tpu.memref_slice %arg4[%multiple_of3A] : memref<160000xi32, #tpu.memory_space<hbm>> -> memref<80xi32, #tpu.memory_space<hbm>>
      tpu.enqueue_dma source(%dma_start3A_29 : memref<80xi32, #tpu.memory_space<hbm>>) target(%arg10 : memref<80xi32, #tpu.memory_space<vmem>>) target_semaphore(%arg16 : memref<!tpu.dma_semaphore, #tpu.memory_space<semaphore_mem>>)
      %dma_start3A_30 = tpu.memref_slice %arg5[%multiple_of3A] : memref<160000xi32, #tpu.memory_space<hbm>> -> memref<80xi32, #tpu.memory_space<hbm>>
      %dma_start3A_31 = tpu.memref_slice %arg5[%multiple_of3A] : memref<160000xi32, #tpu.memory_space<hbm>> -> memref<80xi32, #tpu.memory_space<hbm>>
      tpu.enqueue_dma source(%dma_start3A_31 : memref<80xi32, #tpu.memory_space<hbm>>) target(%arg12 : memref<80xi32, #tpu.memory_space<vmem>>) target_semaphore(%arg18 : memref<!tpu.dma_semaphore, #tpu.memory_space<semaphore_mem>>)
      %dma_wait3A = arith.constant 0 : i32
      %dma_wait3A_32 = tpu.memref_slice %arg4[%dma_wait3A] : memref<160000xi32, #tpu.memory_space<hbm>> -> memref<80xi32, #tpu.memory_space<hbm>>
      %dma_wait3A_33 = arith.constant 0 : i32
      %dma_wait3A_34 = tpu.memref_slice %arg4[%dma_wait3A_33] : memref<160000xi32, #tpu.memory_space<hbm>> -> memref<80xi32, #tpu.memory_space<hbm>>
      tpu.wait_dma2 semaphore(%arg16 : memref<!tpu.dma_semaphore, #tpu.memory_space<semaphore_mem>>) src(%dma_wait3A_34 : memref<80xi32, #tpu.memory_space<hbm>>) dst(%arg10 : memref<80xi32, #tpu.memory_space<vmem>>)
      %dma_start3A_35 = arith.constant 0 : i32
      %dma_start3A_36 = arith.constant 0 : i32
      %dma_start3A_37 = tpu.memref_slice %arg3[%dma_start3A_35, %dma_start3A_36] : memref<10000x160xf32, #tpu.memory_space<hbm>> -> memref<10000x160xf32, #tpu.memory_space<hbm>>
      tpu.enqueue_indirect_dma source(%dma_start3A_37 : memref<10000x160xf32, #tpu.memory_space<hbm>>) target(%arg14 : memref<80x160xf32, #tpu.memory_space<vmem>>) offsets(%arg10 : memref<80xi32, #tpu.memory_space<vmem>>) semaphore(%arg20 : memref<!tpu.dma_semaphore, #tpu.memory_space<semaphore_mem>>)
      %add3A_38 = arith.constant 80 : i32
      %add3A_39 = arith.addi %mul3A_2, %add3A_38 : i32
      %multiple_of3A_40 = tpu.assume_multiple %add3A_39, 8 : i32
      %dma_start3A_41 = tpu.memref_slice %arg4[%multiple_of3A_40] : memref<160000xi32, #tpu.memory_space<hbm>> -> memref<80xi32, #tpu.memory_space<hbm>>
      %dma_start3A_42 = tpu.memref_slice %arg4[%multiple_of3A_40] : memref<160000xi32, #tpu.memory_space<hbm>> -> memref<80xi32, #tpu.memory_space<hbm>>
      tpu.enqueue_dma source(%dma_start3A_42 : memref<80xi32, #tpu.memory_space<hbm>>) target(%arg11 : memref<80xi32, #tpu.memory_space<vmem>>) target_semaphore(%arg17 : memref<!tpu.dma_semaphore, #tpu.memory_space<semaphore_mem>>)
      %dma_start3A_43 = tpu.memref_slice %arg5[%multiple_of3A_40] : memref<160000xi32, #tpu.memory_space<hbm>> -> memref<80xi32, #tpu.memory_space<hbm>>
      %dma_start3A_44 = tpu.memref_slice %arg5[%multiple_of3A_40] : memref<160000xi32, #tpu.memory_space<hbm>> -> memref<80xi32, #tpu.memory_space<hbm>>
      tpu.enqueue_dma source(%dma_start3A_44 : memref<80xi32, #tpu.memory_space<hbm>>) target(%arg13 : memref<80xi32, #tpu.memory_space<vmem>>) target_semaphore(%arg19 : memref<!tpu.dma_semaphore, #tpu.memory_space<semaphore_mem>>)
      %scan3A = arith.constant 0 : i32
      %scan3A_45 = arith.constant 0 : i32
      %scan3A_46 = arith.constant 125 : i32
      %scan3A_47 = arith.addi %scan3A_45, %scan3A_46 : i32
      %scan3A_48 = arith.constant 1 : i32
      scf.for %scan3A_50 = %scan3A_45 to %scan3A_47 step %scan3A_48  : i32 {
        %jit3A = arith.constant 2 : i32
        %eq3A_51 = arith.constant 0 : i32
        %eq3A_52 = arith.cmpi eq, %jit3A, %eq3A_51 : i32
        %jit3A_53 = arith.constant 1 : i32
        %select_n3A = arith.select %eq3A_52, %jit3A_53, %jit3A : i32
        %rem3A = arith.remsi %scan3A_50, %select_n3A : i32
        %ne3A = arith.constant 0 : i32
        %ne3A_54 = arith.cmpi ne, %rem3A, %ne3A : i32
        %lt3A_55 = arith.constant 0 : i32
        %lt3A_56 = arith.cmpi slt, %rem3A, %lt3A_55 : i32
        %lt3A_57 = arith.constant 0 : i32
        %lt3A_58 = arith.cmpi slt, %select_n3A, %lt3A_57 : i32
        %ne3A_59 = arith.xori %lt3A_56, %lt3A_58 : i1
        %and3A_60 = arith.andi %ne3A_59, %ne3A_54 : i1
        %add3A_61 = arith.addi %rem3A, %select_n3A : i32
        %select_n3A_62 = arith.select %and3A_60, %add3A_61, %rem3A : i32
        %eq3A_63 = arith.constant 0 : i32
        %eq3A_64 = arith.cmpi eq, %select_n3A_62, %eq3A_63 : i32
        %convert_element_type3A_65 = arith.extui %eq3A_64 : i1 to i32
        %cond3A_66 = arith.constant 0 : i32
        %cond3A_67 = arith.cmpi ne, %convert_element_type3A_65, %cond3A_66 : i32
        scf.if %cond3A_67 {
          %add3A_89 = arith.constant 1 : i32
          %add3A_90 = arith.addi %scan3A_50, %add3A_89 : i32
          %lt3A_91 = arith.constant 125 : i32
          %lt3A_92 = arith.cmpi slt, %add3A_90, %lt3A_91 : i32
          %convert_element_type3A_93 = arith.extui %lt3A_92 : i1 to i32
          %cond3A_94 = arith.constant 0 : i32
          %cond3A_95 = arith.cmpi ne, %convert_element_type3A_93, %cond3A_94 : i32
          scf.if %cond3A_95 {
            %dma_wait3A_110 = arith.constant 0 : i32
            %dma_wait3A_111 = tpu.memref_slice %arg4[%dma_wait3A_110] : memref<160000xi32, #tpu.memory_space<hbm>> -> memref<80xi32, #tpu.memory_space<hbm>>
            %dma_wait3A_112 = arith.constant 0 : i32
            %dma_wait3A_113 = tpu.memref_slice %arg4[%dma_wait3A_112] : memref<160000xi32, #tpu.memory_space<hbm>> -> memref<80xi32, #tpu.memory_space<hbm>>
            tpu.wait_dma2 semaphore(%arg17 : memref<!tpu.dma_semaphore, #tpu.memory_space<semaphore_mem>>) src(%dma_wait3A_113 : memref<80xi32, #tpu.memory_space<hbm>>) dst(%arg11 : memref<80xi32, #tpu.memory_space<vmem>>)
            %dma_start3A_114 = arith.constant 0 : i32
            %dma_start3A_115 = arith.constant 0 : i32
            %dma_start3A_116 = tpu.memref_slice %arg3[%dma_start3A_114, %dma_start3A_115] : memref<10000x160xf32, #tpu.memory_space<hbm>> -> memref<10000x160xf32, #tpu.memory_space<hbm>>
            tpu.enqueue_indirect_dma source(%dma_start3A_116 : memref<10000x160xf32, #tpu.memory_space<hbm>>) target(%arg15 : memref<80x160xf32, #tpu.memory_space<vmem>>) offsets(%arg11 : memref<80xi32, #tpu.memory_space<vmem>>) semaphore(%arg21 : memref<!tpu.dma_semaphore, #tpu.memory_space<semaphore_mem>>)
          } else {
          }
          %dma_wait3A_96 = arith.constant 0 : i32
          %dma_wait3A_97 = arith.constant 0 : i32
          %dma_wait3A_98 = tpu.memref_slice %arg3[%dma_wait3A_96, %dma_wait3A_97] : memref<10000x160xf32, #tpu.memory_space<hbm>> -> memref<10000x160xf32, #tpu.memory_space<hbm>>
          tpu.wait_indirect_dma semaphore(%arg20 : memref<!tpu.dma_semaphore, #tpu.memory_space<semaphore_mem>>) src(%dma_wait3A_98 : memref<10000x160xf32, #tpu.memory_space<hbm>>) dst(%arg14 : memref<80x160xf32, #tpu.memory_space<vmem>>)
          %dma_wait3A_99 = arith.constant 0 : i32
          %dma_wait3A_100 = tpu.memref_slice %arg5[%dma_wait3A_99] : memref<160000xi32, #tpu.memory_space<hbm>> -> memref<80xi32, #tpu.memory_space<hbm>>
          %dma_wait3A_101 = arith.constant 0 : i32
          %dma_wait3A_102 = tpu.memref_slice %arg5[%dma_wait3A_101] : memref<160000xi32, #tpu.memory_space<hbm>> -> memref<80xi32, #tpu.memory_space<hbm>>
          tpu.wait_dma2 semaphore(%arg18 : memref<!tpu.dma_semaphore, #tpu.memory_space<semaphore_mem>>) src(%dma_wait3A_102 : memref<80xi32, #tpu.memory_space<hbm>>) dst(%arg12 : memref<80xi32, #tpu.memory_space<vmem>>)
          "tpu.region"() ({
            %run_scoped3A = tpu.sem_alloc : memref<!tpu.dma_semaphore, #tpu.memory_space<semaphore_mem>>
            %dma_start3A_110 = arith.constant 0 : i32
            %dma_start3A_111 = arith.constant 0 : i32
            %dma_start3A_112 = tpu.memref_slice %arg9[%dma_start3A_110, %dma_start3A_111] : memref<10000x160xf32, #tpu.memory_space<vmem_shared>> -> memref<10000x160xf32, #tpu.memory_space<vmem_shared>>
            tpu.enqueue_indirect_dma source(%arg14 : memref<80x160xf32, #tpu.memory_space<vmem>>) target(%dma_start3A_112 : memref<10000x160xf32, #tpu.memory_space<vmem_shared>>) offsets(%arg12 : memref<80xi32, #tpu.memory_space<vmem>>) semaphore(%run_scoped3A : memref<!tpu.dma_semaphore, #tpu.memory_space<semaphore_mem>>) {add = true}
            %dma_wait3A_113 = arith.constant 0 : i32
            %dma_wait3A_114 = arith.constant 0 : i32
            %dma_wait3A_115 = tpu.memref_slice %arg9[%dma_wait3A_113, %dma_wait3A_114] : memref<10000x160xf32, #tpu.memory_space<vmem_shared>> -> memref<10000x160xf32, #tpu.memory_space<vmem_shared>>
            tpu.wait_indirect_dma semaphore(%run_scoped3A : memref<!tpu.dma_semaphore, #tpu.memory_space<semaphore_mem>>) src(%arg14 : memref<80x160xf32, #tpu.memory_space<vmem>>) dst(%dma_wait3A_115 : memref<10000x160xf32, #tpu.memory_space<vmem_shared>>)
            tpu.yield
          }) : () -> ()
          %add3A_103 = arith.constant 2 : i32
          %add3A_104 = arith.addi %scan3A_50, %add3A_103 : i32
          %lt3A_105 = arith.constant 125 : i32
          %lt3A_106 = arith.cmpi slt, %add3A_104, %lt3A_105 : i32
          %convert_element_type3A_107 = arith.extui %lt3A_106 : i1 to i32
          %cond3A_108 = arith.constant 0 : i32
          %cond3A_109 = arith.cmpi ne, %convert_element_type3A_107, %cond3A_108 : i32
          scf.if %cond3A_109 {
            %add3A_110 = arith.constant 2 : i32
            %add3A_111 = arith.addi %scan3A_50, %add3A_110 : i32
            %mul3A_112 = arith.constant 80 : i32
            %mul3A_113 = arith.muli %add3A_111, %mul3A_112 : i32
            %add3A_114 = arith.addi %mul3A_2, %mul3A_113 : i32
            %multiple_of3A_115 = tpu.assume_multiple %add3A_114, 8 : i32
            %dma_start3A_116 = tpu.memref_slice %arg4[%multiple_of3A_115] : memref<160000xi32, #tpu.memory_space<hbm>> -> memref<80xi32, #tpu.memory_space<hbm>>
            %dma_start3A_117 = tpu.memref_slice %arg4[%multiple_of3A_115] : memref<160000xi32, #tpu.memory_space<hbm>> -> memref<80xi32, #tpu.memory_space<hbm>>
            tpu.enqueue_dma source(%dma_start3A_117 : memref<80xi32, #tpu.memory_space<hbm>>) target(%arg10 : memref<80xi32, #tpu.memory_space<vmem>>) target_semaphore(%arg16 : memref<!tpu.dma_semaphore, #tpu.memory_space<semaphore_mem>>)
            %dma_start3A_118 = tpu.memref_slice %arg5[%multiple_of3A_115] : memref<160000xi32, #tpu.memory_space<hbm>> -> memref<80xi32, #tpu.memory_space<hbm>>
            %dma_start3A_119 = tpu.memref_slice %arg5[%multiple_of3A_115] : memref<160000xi32, #tpu.memory_space<hbm>> -> memref<80xi32, #tpu.memory_space<hbm>>
            tpu.enqueue_dma source(%dma_start3A_119 : memref<80xi32, #tpu.memory_space<hbm>>) target(%arg12 : memref<80xi32, #tpu.memory_space<vmem>>) target_semaphore(%arg18 : memref<!tpu.dma_semaphore, #tpu.memory_space<semaphore_mem>>)
          } else {
          }
        } else {
        }
        %jit3A_68 = arith.constant 2 : i32
        %eq3A_69 = arith.constant 0 : i32
        %eq3A_70 = arith.cmpi eq, %jit3A_68, %eq3A_69 : i32
        %jit3A_71 = arith.constant 1 : i32
        %select_n3A_72 = arith.select %eq3A_70, %jit3A_71, %jit3A_68 : i32
        %rem3A_73 = arith.remsi %scan3A_50, %select_n3A_72 : i32
        %ne3A_74 = arith.constant 0 : i32
        %ne3A_75 = arith.cmpi ne, %rem3A_73, %ne3A_74 : i32
        %lt3A_76 = arith.constant 0 : i32
        %lt3A_77 = arith.cmpi slt, %rem3A_73, %lt3A_76 : i32
        %lt3A_78 = arith.constant 0 : i32
        %lt3A_79 = arith.cmpi slt, %select_n3A_72, %lt3A_78 : i32
        %ne3A_80 = arith.xori %lt3A_77, %lt3A_79 : i1
        %and3A_81 = arith.andi %ne3A_80, %ne3A_75 : i1
        %add3A_82 = arith.addi %rem3A_73, %select_n3A_72 : i32
        %select_n3A_83 = arith.select %and3A_81, %add3A_82, %rem3A_73 : i32
        %eq3A_84 = arith.constant 1 : i32
        %eq3A_85 = arith.cmpi eq, %select_n3A_83, %eq3A_84 : i32
        %convert_element_type3A_86 = arith.extui %eq3A_85 : i1 to i32
        %cond3A_87 = arith.constant 0 : i32
        %cond3A_88 = arith.cmpi ne, %convert_element_type3A_86, %cond3A_87 : i32
        scf.if %cond3A_88 {
          %add3A_89 = arith.constant 1 : i32
          %add3A_90 = arith.addi %scan3A_50, %add3A_89 : i32
          %lt3A_91 = arith.constant 125 : i32
          %lt3A_92 = arith.cmpi slt, %add3A_90, %lt3A_91 : i32
          %convert_element_type3A_93 = arith.extui %lt3A_92 : i1 to i32
          %cond3A_94 = arith.constant 0 : i32
          %cond3A_95 = arith.cmpi ne, %convert_element_type3A_93, %cond3A_94 : i32
          scf.if %cond3A_95 {
            %dma_wait3A_110 = arith.constant 0 : i32
            %dma_wait3A_111 = tpu.memref_slice %arg4[%dma_wait3A_110] : memref<160000xi32, #tpu.memory_space<hbm>> -> memref<80xi32, #tpu.memory_space<hbm>>
            %dma_wait3A_112 = arith.constant 0 : i32
            %dma_wait3A_113 = tpu.memref_slice %arg4[%dma_wait3A_112] : memref<160000xi32, #tpu.memory_space<hbm>> -> memref<80xi32, #tpu.memory_space<hbm>>
            tpu.wait_dma2 semaphore(%arg16 : memref<!tpu.dma_semaphore, #tpu.memory_space<semaphore_mem>>) src(%dma_wait3A_113 : memref<80xi32, #tpu.memory_space<hbm>>) dst(%arg10 : memref<80xi32, #tpu.memory_space<vmem>>)
            %dma_start3A_114 = arith.constant 0 : i32
            %dma_start3A_115 = arith.constant 0 : i32
            %dma_start3A_116 = tpu.memref_slice %arg3[%dma_start3A_114, %dma_start3A_115] : memref<10000x160xf32, #tpu.memory_space<hbm>> -> memref<10000x160xf32, #tpu.memory_space<hbm>>
            tpu.enqueue_indirect_dma source(%dma_start3A_116 : memref<10000x160xf32, #tpu.memory_space<hbm>>) target(%arg14 : memref<80x160xf32, #tpu.memory_space<vmem>>) offsets(%arg10 : memref<80xi32, #tpu.memory_space<vmem>>) semaphore(%arg20 : memref<!tpu.dma_semaphore, #tpu.memory_space<semaphore_mem>>)
          } else {
          }
          %dma_wait3A_96 = arith.constant 0 : i32
          %dma_wait3A_97 = arith.constant 0 : i32
          %dma_wait3A_98 = tpu.memref_slice %arg3[%dma_wait3A_96, %dma_wait3A_97] : memref<10000x160xf32, #tpu.memory_space<hbm>> -> memref<10000x160xf32, #tpu.memory_space<hbm>>
          tpu.wait_indirect_dma semaphore(%arg21 : memref<!tpu.dma_semaphore, #tpu.memory_space<semaphore_mem>>) src(%dma_wait3A_98 : memref<10000x160xf32, #tpu.memory_space<hbm>>) dst(%arg15 : memref<80x160xf32, #tpu.memory_space<vmem>>)
          %dma_wait3A_99 = arith.constant 0 : i32
          %dma_wait3A_100 = tpu.memref_slice %arg5[%dma_wait3A_99] : memref<160000xi32, #tpu.memory_space<hbm>> -> memref<80xi32, #tpu.memory_space<hbm>>
          %dma_wait3A_101 = arith.constant 0 : i32
          %dma_wait3A_102 = tpu.memref_slice %arg5[%dma_wait3A_101] : memref<160000xi32, #tpu.memory_space<hbm>> -> memref<80xi32, #tpu.memory_space<hbm>>
          tpu.wait_dma2 semaphore(%arg19 : memref<!tpu.dma_semaphore, #tpu.memory_space<semaphore_mem>>) src(%dma_wait3A_102 : memref<80xi32, #tpu.memory_space<hbm>>) dst(%arg13 : memref<80xi32, #tpu.memory_space<vmem>>)
          "tpu.region"() ({
            %run_scoped3A = tpu.sem_alloc : memref<!tpu.dma_semaphore, #tpu.memory_space<semaphore_mem>>
            %dma_start3A_110 = arith.constant 0 : i32
            %dma_start3A_111 = arith.constant 0 : i32
            %dma_start3A_112 = tpu.memref_slice %arg9[%dma_start3A_110, %dma_start3A_111] : memref<10000x160xf32, #tpu.memory_space<vmem_shared>> -> memref<10000x160xf32, #tpu.memory_space<vmem_shared>>
            tpu.enqueue_indirect_dma source(%arg15 : memref<80x160xf32, #tpu.memory_space<vmem>>) target(%dma_start3A_112 : memref<10000x160xf32, #tpu.memory_space<vmem_shared>>) offsets(%arg13 : memref<80xi32, #tpu.memory_space<vmem>>) semaphore(%run_scoped3A : memref<!tpu.dma_semaphore, #tpu.memory_space<semaphore_mem>>) {add = true}
            %dma_wait3A_113 = arith.constant 0 : i32
            %dma_wait3A_114 = arith.constant 0 : i32
            %dma_wait3A_115 = tpu.memref_slice %arg9[%dma_wait3A_113, %dma_wait3A_114] : memref<10000x160xf32, #tpu.memory_space<vmem_shared>> -> memref<10000x160xf32, #tpu.memory_space<vmem_shared>>
            tpu.wait_indirect_dma semaphore(%run_scoped3A : memref<!tpu.dma_semaphore, #tpu.memory_space<semaphore_mem>>) src(%arg15 : memref<80x160xf32, #tpu.memory_space<vmem>>) dst(%dma_wait3A_115 : memref<10000x160xf32, #tpu.memory_space<vmem_shared>>)
            tpu.yield
          }) : () -> ()
          %add3A_103 = arith.constant 2 : i32
          %add3A_104 = arith.addi %scan3A_50, %add3A_103 : i32
          %lt3A_105 = arith.constant 125 : i32
          %lt3A_106 = arith.cmpi slt, %add3A_104, %lt3A_105 : i32
          %convert_element_type3A_107 = arith.extui %lt3A_106 : i1 to i32
          %cond3A_108 = arith.constant 0 : i32
          %cond3A_109 = arith.cmpi ne, %convert_element_type3A_107, %cond3A_108 : i32
          scf.if %cond3A_109 {
            %add3A_110 = arith.constant 2 : i32
            %add3A_111 = arith.addi %scan3A_50, %add3A_110 : i32
            %mul3A_112 = arith.constant 80 : i32
            %mul3A_113 = arith.muli %add3A_111, %mul3A_112 : i32
            %add3A_114 = arith.addi %mul3A_2, %mul3A_113 : i32
            %multiple_of3A_115 = tpu.assume_multiple %add3A_114, 8 : i32
            %dma_start3A_116 = tpu.memref_slice %arg4[%multiple_of3A_115] : memref<160000xi32, #tpu.memory_space<hbm>> -> memref<80xi32, #tpu.memory_space<hbm>>
            %dma_start3A_117 = tpu.memref_slice %arg4[%multiple_of3A_115] : memref<160000xi32, #tpu.memory_space<hbm>> -> memref<80xi32, #tpu.memory_space<hbm>>
            tpu.enqueue_dma source(%dma_start3A_117 : memref<80xi32, #tpu.memory_space<hbm>>) target(%arg11 : memref<80xi32, #tpu.memory_space<vmem>>) target_semaphore(%arg17 : memref<!tpu.dma_semaphore, #tpu.memory_space<semaphore_mem>>)
            %dma_start3A_118 = tpu.memref_slice %arg5[%multiple_of3A_115] : memref<160000xi32, #tpu.memory_space<hbm>> -> memref<80xi32, #tpu.memory_space<hbm>>
            %dma_start3A_119 = tpu.memref_slice %arg5[%multiple_of3A_115] : memref<160000xi32, #tpu.memory_space<hbm>> -> memref<80xi32, #tpu.memory_space<hbm>>
            tpu.enqueue_dma source(%dma_start3A_119 : memref<80xi32, #tpu.memory_space<hbm>>) target(%arg13 : memref<80xi32, #tpu.memory_space<vmem>>) target_semaphore(%arg19 : memref<!tpu.dma_semaphore, #tpu.memory_space<semaphore_mem>>)
          } else {
          }
        } else {
        }
      }
      %scan3A_49 = arith.constant 125 : i32
    } else {
    }
    %barrier3A_12 = arith.constant 0 : index
    tpu.barrier barrier_id(%barrier3A_12)
    %eq3A_13 = arith.constant 0 : i32
    %eq3A_14 = arith.cmpi eq, %arg0, %eq3A_13 : i32
    %lt3A_15 = arith.constant 10 : i32
    %lt3A_16 = arith.cmpi slt, %arg1, %lt3A_15 : i32
    %and3A = arith.andi %eq3A_14, %lt3A_16 : i1
    %convert_element_type3A_17 = arith.extui %and3A : i1 to i32
    %cond3A_18 = arith.constant 0 : i32
    %cond3A_19 = arith.cmpi ne, %convert_element_type3A_17, %cond3A_18 : i32
    scf.if %cond3A_19 {
      %mul3A_28 = arith.constant 1000 : i32
      %mul3A_29 = arith.muli %arg1, %mul3A_28 : i32
      "tpu.region"() ({
        %run_scoped3A = tpu.sem_alloc : memref<!tpu.dma_semaphore, #tpu.memory_space<semaphore_mem>>
        %dma_start3A = arith.constant 0 : i32
        %dma_start3A_30 = tpu.memref_slice %arg7[%mul3A_29, %dma_start3A] : memref<10000x160xf32, #tpu.memory_space<hbm>> -> memref<1000x160xf32, #tpu.memory_space<hbm>>
        %dma_start3A_31 = arith.constant 0 : i32
        %dma_start3A_32 = tpu.memref_slice %arg9[%mul3A_29, %dma_start3A_31] : memref<10000x160xf32, #tpu.memory_space<vmem_shared>> -> memref<1000x160xf32, #tpu.memory_space<vmem_shared>>
        tpu.enqueue_dma source(%dma_start3A_32 : memref<1000x160xf32, #tpu.memory_space<vmem_shared>>) target(%dma_start3A_30 : memref<1000x160xf32, #tpu.memory_space<hbm>>) target_semaphore(%run_scoped3A : memref<!tpu.dma_semaphore, #tpu.memory_space<semaphore_mem>>)
        %dma_wait3A = arith.constant 0 : i32
        %dma_wait3A_33 = tpu.memref_slice %arg7[%mul3A_29, %dma_wait3A] : memref<10000x160xf32, #tpu.memory_space<hbm>> -> memref<1000x160xf32, #tpu.memory_space<hbm>>
        %dma_wait3A_34 = arith.constant 0 : i32
        %dma_wait3A_35 = tpu.memref_slice %arg9[%mul3A_29, %dma_wait3A_34] : memref<10000x160xf32, #tpu.memory_space<vmem_shared>> -> memref<1000x160xf32, #tpu.memory_space<vmem_shared>>
        tpu.wait_dma2 semaphore(%run_scoped3A : memref<!tpu.dma_semaphore, #tpu.memory_space<semaphore_mem>>) src(%dma_wait3A_35 : memref<1000x160xf32, #tpu.memory_space<vmem_shared>>) dst(%dma_wait3A_33 : memref<1000x160xf32, #tpu.memory_space<hbm>>)
        tpu.yield
      }) : () -> ()
    } else {
    }
    %eq3A_20 = arith.constant 1 : i32
    %eq3A_21 = arith.cmpi eq, %arg0, %eq3A_20 : i32
    %lt3A_22 = arith.constant 10 : i32
    %lt3A_23 = arith.cmpi slt, %arg1, %lt3A_22 : i32
    %and3A_24 = arith.andi %eq3A_21, %lt3A_23 : i1
    %convert_element_type3A_25 = arith.extui %and3A_24 : i1 to i32
    %cond3A_26 = arith.constant 0 : i32
    %cond3A_27 = arith.cmpi ne, %convert_element_type3A_25, %cond3A_26 : i32
    scf.if %cond3A_27 {
      %mul3A_28 = arith.constant 1000 : i32
      %mul3A_29 = arith.muli %arg1, %mul3A_28 : i32
      "tpu.region"() ({
        %run_scoped3A = tpu.sem_alloc : memref<!tpu.dma_semaphore, #tpu.memory_space<semaphore_mem>>
        %dma_start3A = arith.constant 0 : i32
        %dma_start3A_30 = tpu.memref_slice %arg8[%mul3A_29, %dma_start3A] : memref<10000x160xf32, #tpu.memory_space<hbm>> -> memref<1000x160xf32, #tpu.memory_space<hbm>>
        %dma_start3A_31 = arith.constant 0 : i32
        %dma_start3A_32 = tpu.memref_slice %arg9[%mul3A_29, %dma_start3A_31] : memref<10000x160xf32, #tpu.memory_space<vmem_shared>> -> memref<1000x160xf32, #tpu.memory_space<vmem_shared>>
        tpu.enqueue_dma source(%dma_start3A_32 : memref<1000x160xf32, #tpu.memory_space<vmem_shared>>) target(%dma_start3A_30 : memref<1000x160xf32, #tpu.memory_space<hbm>>) target_semaphore(%run_scoped3A : memref<!tpu.dma_semaphore, #tpu.memory_space<semaphore_mem>>)
        %dma_wait3A = arith.constant 0 : i32
        %dma_wait3A_33 = tpu.memref_slice %arg8[%mul3A_29, %dma_wait3A] : memref<10000x160xf32, #tpu.memory_space<hbm>> -> memref<1000x160xf32, #tpu.memory_space<hbm>>
        %dma_wait3A_34 = arith.constant 0 : i32
        %dma_wait3A_35 = tpu.memref_slice %arg9[%mul3A_29, %dma_wait3A_34] : memref<10000x160xf32, #tpu.memory_space<vmem_shared>> -> memref<1000x160xf32, #tpu.memory_space<vmem_shared>>
        tpu.wait_dma2 semaphore(%run_scoped3A : memref<!tpu.dma_semaphore, #tpu.memory_space<semaphore_mem>>) src(%dma_wait3A_35 : memref<1000x160xf32, #tpu.memory_space<vmem_shared>>) dst(%dma_wait3A_33 : memref<1000x160xf32, #tpu.memory_space<hbm>>)
        tpu.yield
      }) : () -> ()
    } else {
    }
    return
  }
}

#map = affine_map<(d0, d1) -> (0)>
#map1 = affine_map<(d0, d1) -> (0, 0)>
module attributes {stable_mosaic.version = 14 : i64} {
  func.func @_sc_edge_scalars_body(%arg0: i32, %arg1: i32, %arg2: memref<160000xi32, #tpu.memory_space<hbm>>, %arg3: memref<160000x16xf32, #tpu.memory_space<hbm>>, %arg4: memref<1000x16xf32, #tpu.memory_space<hbm>>, %arg5: memref<10000x16xf32, #tpu.memory_space<hbm>>, %arg6: memref<10000x16xf32, #tpu.memory_space<hbm>>, %arg7: memref<10000x16xf32, #tpu.memory_space<vmem_shared>>, %arg8: memref<128xi32, #tpu.memory_space<vmem>>, %arg9: memref<128xi32, #tpu.memory_space<vmem>>, %arg10: memref<128x16xf32, #tpu.memory_space<vmem>>, %arg11: memref<128x16xf32, #tpu.memory_space<vmem>>, %arg12: memref<!tpu.dma_semaphore, #tpu.memory_space<semaphore_mem>>, %arg13: memref<!tpu.dma_semaphore, #tpu.memory_space<semaphore_mem>>, %arg14: memref<!tpu.dma_semaphore, #tpu.memory_space<semaphore_mem>>, %arg15: memref<!tpu.dma_semaphore, #tpu.memory_space<semaphore_mem>>) attributes {dimension_semantics = [#tpu.dimension_semantics<core_parallel>, #tpu.dimension_semantics<subcore_parallel>], iteration_bounds = array<i64: 2, 16>, scalar_prefetch = 0 : i64, scratch_operands = 9 : i64, tpu.core_type = #tpu.core_type<sc_vector_subcore>, window_params = [{transform_indices = #map}, {transform_indices = #map1}, {transform_indices = #map1}, {transform_indices = #map1}, {transform_indices = #map1}]} {
    %mul3A = arith.constant 16 : i32
    %mul3A_0 = arith.muli %arg0, %mul3A : i32
    %add3A = arith.addi %mul3A_0, %arg1 : i32
    %lt3A = arith.constant 10 : i32
    %lt3A_1 = arith.cmpi slt, %arg1, %lt3A : i32
    %convert_element_type3A = arith.extui %lt3A_1 : i1 to i32
    %cond3A = arith.constant 0 : i32
    %cond3A_2 = arith.cmpi ne, %convert_element_type3A, %cond3A : i32
    scf.if %cond3A_2 {
      %mul3A_25 = arith.constant 1000 : i32
      %mul3A_26 = arith.muli %arg1, %mul3A_25 : i32
      "tpu.region"() ({
        %run_scoped3A = tpu.sem_alloc : memref<!tpu.dma_semaphore, #tpu.memory_space<semaphore_mem>>
        %dma_start3A = arith.constant 0 : i32
        %dma_start3A_27 = tpu.memref_slice %arg7[%mul3A_26, %dma_start3A] : memref<10000x16xf32, #tpu.memory_space<vmem_shared>> -> memref<1000x16xf32, #tpu.memory_space<vmem_shared>>
        tpu.enqueue_dma source(%arg4 : memref<1000x16xf32, #tpu.memory_space<hbm>>) target(%dma_start3A_27 : memref<1000x16xf32, #tpu.memory_space<vmem_shared>>) target_semaphore(%run_scoped3A : memref<!tpu.dma_semaphore, #tpu.memory_space<semaphore_mem>>)
        %dma_wait3A = arith.constant 0 : i32
        %dma_wait3A_28 = tpu.memref_slice %arg7[%mul3A_26, %dma_wait3A] : memref<10000x16xf32, #tpu.memory_space<vmem_shared>> -> memref<1000x16xf32, #tpu.memory_space<vmem_shared>>
        tpu.wait_dma2 semaphore(%run_scoped3A : memref<!tpu.dma_semaphore, #tpu.memory_space<semaphore_mem>>) src(%arg4 : memref<1000x16xf32, #tpu.memory_space<hbm>>) dst(%dma_wait3A_28 : memref<1000x16xf32, #tpu.memory_space<vmem_shared>>)
        tpu.yield
      }) : () -> ()
    } else {
    }
    %barrier3A = arith.constant 0 : index
    tpu.barrier barrier_id(%barrier3A)
    %mul3A_3 = arith.constant 6400 : i32
    %mul3A_4 = arith.muli %add3A, %mul3A_3 : i32
    %lt3A_5 = arith.constant 25 : i32
    %lt3A_6 = arith.cmpi slt, %add3A, %lt3A_5 : i32
    %convert_element_type3A_7 = arith.extui %lt3A_6 : i1 to i32
    %cond3A_8 = arith.constant 0 : i32
    %cond3A_9 = arith.cmpi ne, %convert_element_type3A_7, %cond3A_8 : i32
    scf.if %cond3A_9 {
      %add3A_25 = arith.constant 0 : i32
      %add3A_26 = arith.addi %mul3A_4, %add3A_25 : i32
      %multiple_of3A = tpu.assume_multiple %add3A_26, 8 : i32
      %dma_start3A = tpu.memref_slice %arg2[%multiple_of3A] : memref<160000xi32, #tpu.memory_space<hbm>> -> memref<128xi32, #tpu.memory_space<hbm>>
      %dma_start3A_27 = tpu.memref_slice %arg2[%multiple_of3A] : memref<160000xi32, #tpu.memory_space<hbm>> -> memref<128xi32, #tpu.memory_space<hbm>>
      tpu.enqueue_dma source(%dma_start3A_27 : memref<128xi32, #tpu.memory_space<hbm>>) target(%arg8 : memref<128xi32, #tpu.memory_space<vmem>>) target_semaphore(%arg12 : memref<!tpu.dma_semaphore, #tpu.memory_space<semaphore_mem>>)
      %dma_start3A_28 = arith.constant 0 : i32
      %dma_start3A_29 = tpu.memref_slice %arg3[%multiple_of3A, %dma_start3A_28] : memref<160000x16xf32, #tpu.memory_space<hbm>> -> memref<128x16xf32, #tpu.memory_space<hbm>>
      %dma_start3A_30 = arith.constant 0 : i32
      %dma_start3A_31 = tpu.memref_slice %arg3[%multiple_of3A, %dma_start3A_30] : memref<160000x16xf32, #tpu.memory_space<hbm>> -> memref<128x16xf32, #tpu.memory_space<hbm>>
      tpu.enqueue_dma source(%dma_start3A_31 : memref<128x16xf32, #tpu.memory_space<hbm>>) target(%arg10 : memref<128x16xf32, #tpu.memory_space<vmem>>) target_semaphore(%arg14 : memref<!tpu.dma_semaphore, #tpu.memory_space<semaphore_mem>>)
      %add3A_32 = arith.constant 128 : i32
      %add3A_33 = arith.addi %mul3A_4, %add3A_32 : i32
      %multiple_of3A_34 = tpu.assume_multiple %add3A_33, 8 : i32
      %dma_start3A_35 = tpu.memref_slice %arg2[%multiple_of3A_34] : memref<160000xi32, #tpu.memory_space<hbm>> -> memref<128xi32, #tpu.memory_space<hbm>>
      %dma_start3A_36 = tpu.memref_slice %arg2[%multiple_of3A_34] : memref<160000xi32, #tpu.memory_space<hbm>> -> memref<128xi32, #tpu.memory_space<hbm>>
      tpu.enqueue_dma source(%dma_start3A_36 : memref<128xi32, #tpu.memory_space<hbm>>) target(%arg9 : memref<128xi32, #tpu.memory_space<vmem>>) target_semaphore(%arg13 : memref<!tpu.dma_semaphore, #tpu.memory_space<semaphore_mem>>)
      %dma_start3A_37 = arith.constant 0 : i32
      %dma_start3A_38 = tpu.memref_slice %arg3[%multiple_of3A_34, %dma_start3A_37] : memref<160000x16xf32, #tpu.memory_space<hbm>> -> memref<128x16xf32, #tpu.memory_space<hbm>>
      %dma_start3A_39 = arith.constant 0 : i32
      %dma_start3A_40 = tpu.memref_slice %arg3[%multiple_of3A_34, %dma_start3A_39] : memref<160000x16xf32, #tpu.memory_space<hbm>> -> memref<128x16xf32, #tpu.memory_space<hbm>>
      tpu.enqueue_dma source(%dma_start3A_40 : memref<128x16xf32, #tpu.memory_space<hbm>>) target(%arg11 : memref<128x16xf32, #tpu.memory_space<vmem>>) target_semaphore(%arg15 : memref<!tpu.dma_semaphore, #tpu.memory_space<semaphore_mem>>)
      %scan3A = arith.constant 0 : i32
      %scan3A_41 = arith.constant 0 : i32
      %scan3A_42 = arith.constant 50 : i32
      %scan3A_43 = arith.addi %scan3A_41, %scan3A_42 : i32
      %scan3A_44 = arith.constant 1 : i32
      scf.for %scan3A_46 = %scan3A_41 to %scan3A_43 step %scan3A_44  : i32 {
        %jit3A = arith.constant 2 : i32
        %eq3A_47 = arith.constant 0 : i32
        %eq3A_48 = arith.cmpi eq, %jit3A, %eq3A_47 : i32
        %jit3A_49 = arith.constant 1 : i32
        %select_n3A = arith.select %eq3A_48, %jit3A_49, %jit3A : i32
        %rem3A = arith.remsi %scan3A_46, %select_n3A : i32
        %ne3A = arith.constant 0 : i32
        %ne3A_50 = arith.cmpi ne, %rem3A, %ne3A : i32
        %lt3A_51 = arith.constant 0 : i32
        %lt3A_52 = arith.cmpi slt, %rem3A, %lt3A_51 : i32
        %lt3A_53 = arith.constant 0 : i32
        %lt3A_54 = arith.cmpi slt, %select_n3A, %lt3A_53 : i32
        %ne3A_55 = arith.xori %lt3A_52, %lt3A_54 : i1
        %and3A_56 = arith.andi %ne3A_55, %ne3A_50 : i1
        %add3A_57 = arith.addi %rem3A, %select_n3A : i32
        %select_n3A_58 = arith.select %and3A_56, %add3A_57, %rem3A : i32
        %eq3A_59 = arith.constant 0 : i32
        %eq3A_60 = arith.cmpi eq, %select_n3A_58, %eq3A_59 : i32
        %convert_element_type3A_61 = arith.extui %eq3A_60 : i1 to i32
        %cond3A_62 = arith.constant 0 : i32
        %cond3A_63 = arith.cmpi ne, %convert_element_type3A_61, %cond3A_62 : i32
        scf.if %cond3A_63 {
          %dma_wait3A = arith.constant 0 : i32
          %dma_wait3A_85 = tpu.memref_slice %arg2[%dma_wait3A] : memref<160000xi32, #tpu.memory_space<hbm>> -> memref<128xi32, #tpu.memory_space<hbm>>
          %dma_wait3A_86 = arith.constant 0 : i32
          %dma_wait3A_87 = tpu.memref_slice %arg2[%dma_wait3A_86] : memref<160000xi32, #tpu.memory_space<hbm>> -> memref<128xi32, #tpu.memory_space<hbm>>
          tpu.wait_dma2 semaphore(%arg12 : memref<!tpu.dma_semaphore, #tpu.memory_space<semaphore_mem>>) src(%dma_wait3A_87 : memref<128xi32, #tpu.memory_space<hbm>>) dst(%arg8 : memref<128xi32, #tpu.memory_space<vmem>>)
          %dma_wait3A_88 = arith.constant 0 : i32
          %dma_wait3A_89 = arith.constant 0 : i32
          %dma_wait3A_90 = tpu.memref_slice %arg3[%dma_wait3A_88, %dma_wait3A_89] : memref<160000x16xf32, #tpu.memory_space<hbm>> -> memref<128x16xf32, #tpu.memory_space<hbm>>
          %dma_wait3A_91 = arith.constant 0 : i32
          %dma_wait3A_92 = arith.constant 0 : i32
          %dma_wait3A_93 = tpu.memref_slice %arg3[%dma_wait3A_91, %dma_wait3A_92] : memref<160000x16xf32, #tpu.memory_space<hbm>> -> memref<128x16xf32, #tpu.memory_space<hbm>>
          tpu.wait_dma2 semaphore(%arg14 : memref<!tpu.dma_semaphore, #tpu.memory_space<semaphore_mem>>) src(%dma_wait3A_93 : memref<128x16xf32, #tpu.memory_space<hbm>>) dst(%arg10 : memref<128x16xf32, #tpu.memory_space<vmem>>)
          "tpu.region"() ({
            %run_scoped3A = tpu.sem_alloc : memref<!tpu.dma_semaphore, #tpu.memory_space<semaphore_mem>>
            %dma_start3A_101 = arith.constant 0 : i32
            %dma_start3A_102 = arith.constant 0 : i32
            %dma_start3A_103 = tpu.memref_slice %arg7[%dma_start3A_101, %dma_start3A_102] : memref<10000x16xf32, #tpu.memory_space<vmem_shared>> -> memref<10000x16xf32, #tpu.memory_space<vmem_shared>>
            tpu.enqueue_indirect_dma source(%arg10 : memref<128x16xf32, #tpu.memory_space<vmem>>) target(%dma_start3A_103 : memref<10000x16xf32, #tpu.memory_space<vmem_shared>>) offsets(%arg8 : memref<128xi32, #tpu.memory_space<vmem>>) semaphore(%run_scoped3A : memref<!tpu.dma_semaphore, #tpu.memory_space<semaphore_mem>>) {add = true}
            %dma_wait3A_104 = arith.constant 0 : i32
            %dma_wait3A_105 = arith.constant 0 : i32
            %dma_wait3A_106 = tpu.memref_slice %arg7[%dma_wait3A_104, %dma_wait3A_105] : memref<10000x16xf32, #tpu.memory_space<vmem_shared>> -> memref<10000x16xf32, #tpu.memory_space<vmem_shared>>
            tpu.wait_indirect_dma semaphore(%run_scoped3A : memref<!tpu.dma_semaphore, #tpu.memory_space<semaphore_mem>>) src(%arg10 : memref<128x16xf32, #tpu.memory_space<vmem>>) dst(%dma_wait3A_106 : memref<10000x16xf32, #tpu.memory_space<vmem_shared>>)
            tpu.yield
          }) : () -> ()
          %add3A_94 = arith.constant 2 : i32
          %add3A_95 = arith.addi %scan3A_46, %add3A_94 : i32
          %lt3A_96 = arith.constant 50 : i32
          %lt3A_97 = arith.cmpi slt, %add3A_95, %lt3A_96 : i32
          %convert_element_type3A_98 = arith.extui %lt3A_97 : i1 to i32
          %cond3A_99 = arith.constant 0 : i32
          %cond3A_100 = arith.cmpi ne, %convert_element_type3A_98, %cond3A_99 : i32
          scf.if %cond3A_100 {
            %add3A_101 = arith.constant 2 : i32
            %add3A_102 = arith.addi %scan3A_46, %add3A_101 : i32
            %mul3A_103 = arith.constant 128 : i32
            %mul3A_104 = arith.muli %add3A_102, %mul3A_103 : i32
            %add3A_105 = arith.addi %mul3A_4, %mul3A_104 : i32
            %multiple_of3A_106 = tpu.assume_multiple %add3A_105, 8 : i32
            %dma_start3A_107 = tpu.memref_slice %arg2[%multiple_of3A_106] : memref<160000xi32, #tpu.memory_space<hbm>> -> memref<128xi32, #tpu.memory_space<hbm>>
            %dma_start3A_108 = tpu.memref_slice %arg2[%multiple_of3A_106] : memref<160000xi32, #tpu.memory_space<hbm>> -> memref<128xi32, #tpu.memory_space<hbm>>
            tpu.enqueue_dma source(%dma_start3A_108 : memref<128xi32, #tpu.memory_space<hbm>>) target(%arg8 : memref<128xi32, #tpu.memory_space<vmem>>) target_semaphore(%arg12 : memref<!tpu.dma_semaphore, #tpu.memory_space<semaphore_mem>>)
            %dma_start3A_109 = arith.constant 0 : i32
            %dma_start3A_110 = tpu.memref_slice %arg3[%multiple_of3A_106, %dma_start3A_109] : memref<160000x16xf32, #tpu.memory_space<hbm>> -> memref<128x16xf32, #tpu.memory_space<hbm>>
            %dma_start3A_111 = arith.constant 0 : i32
            %dma_start3A_112 = tpu.memref_slice %arg3[%multiple_of3A_106, %dma_start3A_111] : memref<160000x16xf32, #tpu.memory_space<hbm>> -> memref<128x16xf32, #tpu.memory_space<hbm>>
            tpu.enqueue_dma source(%dma_start3A_112 : memref<128x16xf32, #tpu.memory_space<hbm>>) target(%arg10 : memref<128x16xf32, #tpu.memory_space<vmem>>) target_semaphore(%arg14 : memref<!tpu.dma_semaphore, #tpu.memory_space<semaphore_mem>>)
          } else {
          }
        } else {
        }
        %jit3A_64 = arith.constant 2 : i32
        %eq3A_65 = arith.constant 0 : i32
        %eq3A_66 = arith.cmpi eq, %jit3A_64, %eq3A_65 : i32
        %jit3A_67 = arith.constant 1 : i32
        %select_n3A_68 = arith.select %eq3A_66, %jit3A_67, %jit3A_64 : i32
        %rem3A_69 = arith.remsi %scan3A_46, %select_n3A_68 : i32
        %ne3A_70 = arith.constant 0 : i32
        %ne3A_71 = arith.cmpi ne, %rem3A_69, %ne3A_70 : i32
        %lt3A_72 = arith.constant 0 : i32
        %lt3A_73 = arith.cmpi slt, %rem3A_69, %lt3A_72 : i32
        %lt3A_74 = arith.constant 0 : i32
        %lt3A_75 = arith.cmpi slt, %select_n3A_68, %lt3A_74 : i32
        %ne3A_76 = arith.xori %lt3A_73, %lt3A_75 : i1
        %and3A_77 = arith.andi %ne3A_76, %ne3A_71 : i1
        %add3A_78 = arith.addi %rem3A_69, %select_n3A_68 : i32
        %select_n3A_79 = arith.select %and3A_77, %add3A_78, %rem3A_69 : i32
        %eq3A_80 = arith.constant 1 : i32
        %eq3A_81 = arith.cmpi eq, %select_n3A_79, %eq3A_80 : i32
        %convert_element_type3A_82 = arith.extui %eq3A_81 : i1 to i32
        %cond3A_83 = arith.constant 0 : i32
        %cond3A_84 = arith.cmpi ne, %convert_element_type3A_82, %cond3A_83 : i32
        scf.if %cond3A_84 {
          %dma_wait3A = arith.constant 0 : i32
          %dma_wait3A_85 = tpu.memref_slice %arg2[%dma_wait3A] : memref<160000xi32, #tpu.memory_space<hbm>> -> memref<128xi32, #tpu.memory_space<hbm>>
          %dma_wait3A_86 = arith.constant 0 : i32
          %dma_wait3A_87 = tpu.memref_slice %arg2[%dma_wait3A_86] : memref<160000xi32, #tpu.memory_space<hbm>> -> memref<128xi32, #tpu.memory_space<hbm>>
          tpu.wait_dma2 semaphore(%arg13 : memref<!tpu.dma_semaphore, #tpu.memory_space<semaphore_mem>>) src(%dma_wait3A_87 : memref<128xi32, #tpu.memory_space<hbm>>) dst(%arg9 : memref<128xi32, #tpu.memory_space<vmem>>)
          %dma_wait3A_88 = arith.constant 0 : i32
          %dma_wait3A_89 = arith.constant 0 : i32
          %dma_wait3A_90 = tpu.memref_slice %arg3[%dma_wait3A_88, %dma_wait3A_89] : memref<160000x16xf32, #tpu.memory_space<hbm>> -> memref<128x16xf32, #tpu.memory_space<hbm>>
          %dma_wait3A_91 = arith.constant 0 : i32
          %dma_wait3A_92 = arith.constant 0 : i32
          %dma_wait3A_93 = tpu.memref_slice %arg3[%dma_wait3A_91, %dma_wait3A_92] : memref<160000x16xf32, #tpu.memory_space<hbm>> -> memref<128x16xf32, #tpu.memory_space<hbm>>
          tpu.wait_dma2 semaphore(%arg15 : memref<!tpu.dma_semaphore, #tpu.memory_space<semaphore_mem>>) src(%dma_wait3A_93 : memref<128x16xf32, #tpu.memory_space<hbm>>) dst(%arg11 : memref<128x16xf32, #tpu.memory_space<vmem>>)
          "tpu.region"() ({
            %run_scoped3A = tpu.sem_alloc : memref<!tpu.dma_semaphore, #tpu.memory_space<semaphore_mem>>
            %dma_start3A_101 = arith.constant 0 : i32
            %dma_start3A_102 = arith.constant 0 : i32
            %dma_start3A_103 = tpu.memref_slice %arg7[%dma_start3A_101, %dma_start3A_102] : memref<10000x16xf32, #tpu.memory_space<vmem_shared>> -> memref<10000x16xf32, #tpu.memory_space<vmem_shared>>
            tpu.enqueue_indirect_dma source(%arg11 : memref<128x16xf32, #tpu.memory_space<vmem>>) target(%dma_start3A_103 : memref<10000x16xf32, #tpu.memory_space<vmem_shared>>) offsets(%arg9 : memref<128xi32, #tpu.memory_space<vmem>>) semaphore(%run_scoped3A : memref<!tpu.dma_semaphore, #tpu.memory_space<semaphore_mem>>) {add = true}
            %dma_wait3A_104 = arith.constant 0 : i32
            %dma_wait3A_105 = arith.constant 0 : i32
            %dma_wait3A_106 = tpu.memref_slice %arg7[%dma_wait3A_104, %dma_wait3A_105] : memref<10000x16xf32, #tpu.memory_space<vmem_shared>> -> memref<10000x16xf32, #tpu.memory_space<vmem_shared>>
            tpu.wait_indirect_dma semaphore(%run_scoped3A : memref<!tpu.dma_semaphore, #tpu.memory_space<semaphore_mem>>) src(%arg11 : memref<128x16xf32, #tpu.memory_space<vmem>>) dst(%dma_wait3A_106 : memref<10000x16xf32, #tpu.memory_space<vmem_shared>>)
            tpu.yield
          }) : () -> ()
          %add3A_94 = arith.constant 2 : i32
          %add3A_95 = arith.addi %scan3A_46, %add3A_94 : i32
          %lt3A_96 = arith.constant 50 : i32
          %lt3A_97 = arith.cmpi slt, %add3A_95, %lt3A_96 : i32
          %convert_element_type3A_98 = arith.extui %lt3A_97 : i1 to i32
          %cond3A_99 = arith.constant 0 : i32
          %cond3A_100 = arith.cmpi ne, %convert_element_type3A_98, %cond3A_99 : i32
          scf.if %cond3A_100 {
            %add3A_101 = arith.constant 2 : i32
            %add3A_102 = arith.addi %scan3A_46, %add3A_101 : i32
            %mul3A_103 = arith.constant 128 : i32
            %mul3A_104 = arith.muli %add3A_102, %mul3A_103 : i32
            %add3A_105 = arith.addi %mul3A_4, %mul3A_104 : i32
            %multiple_of3A_106 = tpu.assume_multiple %add3A_105, 8 : i32
            %dma_start3A_107 = tpu.memref_slice %arg2[%multiple_of3A_106] : memref<160000xi32, #tpu.memory_space<hbm>> -> memref<128xi32, #tpu.memory_space<hbm>>
            %dma_start3A_108 = tpu.memref_slice %arg2[%multiple_of3A_106] : memref<160000xi32, #tpu.memory_space<hbm>> -> memref<128xi32, #tpu.memory_space<hbm>>
            tpu.enqueue_dma source(%dma_start3A_108 : memref<128xi32, #tpu.memory_space<hbm>>) target(%arg9 : memref<128xi32, #tpu.memory_space<vmem>>) target_semaphore(%arg13 : memref<!tpu.dma_semaphore, #tpu.memory_space<semaphore_mem>>)
            %dma_start3A_109 = arith.constant 0 : i32
            %dma_start3A_110 = tpu.memref_slice %arg3[%multiple_of3A_106, %dma_start3A_109] : memref<160000x16xf32, #tpu.memory_space<hbm>> -> memref<128x16xf32, #tpu.memory_space<hbm>>
            %dma_start3A_111 = arith.constant 0 : i32
            %dma_start3A_112 = tpu.memref_slice %arg3[%multiple_of3A_106, %dma_start3A_111] : memref<160000x16xf32, #tpu.memory_space<hbm>> -> memref<128x16xf32, #tpu.memory_space<hbm>>
            tpu.enqueue_dma source(%dma_start3A_112 : memref<128x16xf32, #tpu.memory_space<hbm>>) target(%arg11 : memref<128x16xf32, #tpu.memory_space<vmem>>) target_semaphore(%arg15 : memref<!tpu.dma_semaphore, #tpu.memory_space<semaphore_mem>>)
          } else {
          }
        } else {
        }
      }
      %scan3A_45 = arith.constant 50 : i32
    } else {
    }
    %barrier3A_10 = arith.constant 0 : index
    tpu.barrier barrier_id(%barrier3A_10)
    %eq3A = arith.constant 0 : i32
    %eq3A_11 = arith.cmpi eq, %arg0, %eq3A : i32
    %lt3A_12 = arith.constant 10 : i32
    %lt3A_13 = arith.cmpi slt, %arg1, %lt3A_12 : i32
    %and3A = arith.andi %eq3A_11, %lt3A_13 : i1
    %convert_element_type3A_14 = arith.extui %and3A : i1 to i32
    %cond3A_15 = arith.constant 0 : i32
    %cond3A_16 = arith.cmpi ne, %convert_element_type3A_14, %cond3A_15 : i32
    scf.if %cond3A_16 {
      %mul3A_25 = arith.constant 1000 : i32
      %mul3A_26 = arith.muli %arg1, %mul3A_25 : i32
      "tpu.region"() ({
        %run_scoped3A = tpu.sem_alloc : memref<!tpu.dma_semaphore, #tpu.memory_space<semaphore_mem>>
        %dma_start3A = arith.constant 0 : i32
        %dma_start3A_27 = tpu.memref_slice %arg5[%mul3A_26, %dma_start3A] : memref<10000x16xf32, #tpu.memory_space<hbm>> -> memref<1000x16xf32, #tpu.memory_space<hbm>>
        %dma_start3A_28 = arith.constant 0 : i32
        %dma_start3A_29 = tpu.memref_slice %arg7[%mul3A_26, %dma_start3A_28] : memref<10000x16xf32, #tpu.memory_space<vmem_shared>> -> memref<1000x16xf32, #tpu.memory_space<vmem_shared>>
        tpu.enqueue_dma source(%dma_start3A_29 : memref<1000x16xf32, #tpu.memory_space<vmem_shared>>) target(%dma_start3A_27 : memref<1000x16xf32, #tpu.memory_space<hbm>>) target_semaphore(%run_scoped3A : memref<!tpu.dma_semaphore, #tpu.memory_space<semaphore_mem>>)
        %dma_wait3A = arith.constant 0 : i32
        %dma_wait3A_30 = tpu.memref_slice %arg5[%mul3A_26, %dma_wait3A] : memref<10000x16xf32, #tpu.memory_space<hbm>> -> memref<1000x16xf32, #tpu.memory_space<hbm>>
        %dma_wait3A_31 = arith.constant 0 : i32
        %dma_wait3A_32 = tpu.memref_slice %arg7[%mul3A_26, %dma_wait3A_31] : memref<10000x16xf32, #tpu.memory_space<vmem_shared>> -> memref<1000x16xf32, #tpu.memory_space<vmem_shared>>
        tpu.wait_dma2 semaphore(%run_scoped3A : memref<!tpu.dma_semaphore, #tpu.memory_space<semaphore_mem>>) src(%dma_wait3A_32 : memref<1000x16xf32, #tpu.memory_space<vmem_shared>>) dst(%dma_wait3A_30 : memref<1000x16xf32, #tpu.memory_space<hbm>>)
        tpu.yield
      }) : () -> ()
    } else {
    }
    %eq3A_17 = arith.constant 1 : i32
    %eq3A_18 = arith.cmpi eq, %arg0, %eq3A_17 : i32
    %lt3A_19 = arith.constant 10 : i32
    %lt3A_20 = arith.cmpi slt, %arg1, %lt3A_19 : i32
    %and3A_21 = arith.andi %eq3A_18, %lt3A_20 : i1
    %convert_element_type3A_22 = arith.extui %and3A_21 : i1 to i32
    %cond3A_23 = arith.constant 0 : i32
    %cond3A_24 = arith.cmpi ne, %convert_element_type3A_22, %cond3A_23 : i32
    scf.if %cond3A_24 {
      %mul3A_25 = arith.constant 1000 : i32
      %mul3A_26 = arith.muli %arg1, %mul3A_25 : i32
      "tpu.region"() ({
        %run_scoped3A = tpu.sem_alloc : memref<!tpu.dma_semaphore, #tpu.memory_space<semaphore_mem>>
        %dma_start3A = arith.constant 0 : i32
        %dma_start3A_27 = tpu.memref_slice %arg6[%mul3A_26, %dma_start3A] : memref<10000x16xf32, #tpu.memory_space<hbm>> -> memref<1000x16xf32, #tpu.memory_space<hbm>>
        %dma_start3A_28 = arith.constant 0 : i32
        %dma_start3A_29 = tpu.memref_slice %arg7[%mul3A_26, %dma_start3A_28] : memref<10000x16xf32, #tpu.memory_space<vmem_shared>> -> memref<1000x16xf32, #tpu.memory_space<vmem_shared>>
        tpu.enqueue_dma source(%dma_start3A_29 : memref<1000x16xf32, #tpu.memory_space<vmem_shared>>) target(%dma_start3A_27 : memref<1000x16xf32, #tpu.memory_space<hbm>>) target_semaphore(%run_scoped3A : memref<!tpu.dma_semaphore, #tpu.memory_space<semaphore_mem>>)
        %dma_wait3A = arith.constant 0 : i32
        %dma_wait3A_30 = tpu.memref_slice %arg6[%mul3A_26, %dma_wait3A] : memref<10000x16xf32, #tpu.memory_space<hbm>> -> memref<1000x16xf32, #tpu.memory_space<hbm>>
        %dma_wait3A_31 = arith.constant 0 : i32
        %dma_wait3A_32 = tpu.memref_slice %arg7[%mul3A_26, %dma_wait3A_31] : memref<10000x16xf32, #tpu.memory_space<vmem_shared>> -> memref<1000x16xf32, #tpu.memory_space<vmem_shared>>
        tpu.wait_dma2 semaphore(%run_scoped3A : memref<!tpu.dma_semaphore, #tpu.memory_space<semaphore_mem>>) src(%dma_wait3A_32 : memref<1000x16xf32, #tpu.memory_space<vmem_shared>>) dst(%dma_wait3A_30 : memref<1000x16xf32, #tpu.memory_space<hbm>>)
        tpu.yield
      }) : () -> ()
    } else {
    }
    return
  }
}

#map = affine_map<(d0, d1) -> (0, 0)>
#map1 = affine_map<(d0, d1) -> (0)>
module attributes {stable_mosaic.version = 14 : i64} {
  func.func @_sc_aggregate_body(%arg0: i32, %arg1: i32, %arg2: memref<10000x160xf32, #tpu.memory_space<hbm>>, %arg3: memref<10000x160xf32, #tpu.memory_space<hbm>>, %arg4: memref<160000xi32, #tpu.memory_space<hbm>>, %arg5: memref<160000xi32, #tpu.memory_space<hbm>>, %arg6: memref<1000x160xf32, #tpu.memory_space<hbm>>, %arg7: memref<10000x160xf32, #tpu.memory_space<hbm>>, %arg8: memref<10000x160xf32, #tpu.memory_space<hbm>>, %arg9: memref<10000x160xf32, #tpu.memory_space<vmem_shared>>, %arg10: memref<80xi32, #tpu.memory_space<vmem>>, %arg11: memref<80xi32, #tpu.memory_space<vmem>>, %arg12: memref<80xi32, #tpu.memory_space<vmem>>, %arg13: memref<80xi32, #tpu.memory_space<vmem>>, %arg14: memref<80x160xf32, #tpu.memory_space<vmem>>, %arg15: memref<80x160xf32, #tpu.memory_space<vmem>>, %arg16: memref<!tpu.dma_semaphore, #tpu.memory_space<semaphore_mem>>, %arg17: memref<!tpu.dma_semaphore, #tpu.memory_space<semaphore_mem>>, %arg18: memref<!tpu.dma_semaphore, #tpu.memory_space<semaphore_mem>>, %arg19: memref<!tpu.dma_semaphore, #tpu.memory_space<semaphore_mem>>, %arg20: memref<!tpu.dma_semaphore, #tpu.memory_space<semaphore_mem>>, %arg21: memref<!tpu.dma_semaphore, #tpu.memory_space<semaphore_mem>>) attributes {dimension_semantics = [#tpu.dimension_semantics<core_parallel>, #tpu.dimension_semantics<subcore_parallel>], iteration_bounds = array<i64: 2, 16>, scalar_prefetch = 0 : i64, scratch_operands = 13 : i64, tpu.core_type = #tpu.core_type<sc_vector_subcore>, window_params = [{transform_indices = #map}, {transform_indices = #map}, {transform_indices = #map1}, {transform_indices = #map1}, {transform_indices = #map}, {transform_indices = #map}, {transform_indices = #map}]} {
    %lt3A = arith.constant 10 : i32
    %lt3A_0 = arith.cmpi slt, %arg1, %lt3A : i32
    %convert_element_type3A = arith.extui %lt3A_0 : i1 to i32
    %cond3A = arith.constant 0 : i32
    %cond3A_1 = arith.cmpi ne, %convert_element_type3A, %cond3A : i32
    scf.if %cond3A_1 {
      %mul3A_28 = arith.constant 1000 : i32
      %mul3A_29 = arith.muli %arg1, %mul3A_28 : i32
      "tpu.region"() ({
        %run_scoped3A = tpu.sem_alloc : memref<!tpu.dma_semaphore, #tpu.memory_space<semaphore_mem>>
        %dma_start3A = arith.constant 0 : i32
        %dma_start3A_30 = tpu.memref_slice %arg9[%mul3A_29, %dma_start3A] : memref<10000x160xf32, #tpu.memory_space<vmem_shared>> -> memref<1000x160xf32, #tpu.memory_space<vmem_shared>>
        tpu.enqueue_dma source(%arg6 : memref<1000x160xf32, #tpu.memory_space<hbm>>) target(%dma_start3A_30 : memref<1000x160xf32, #tpu.memory_space<vmem_shared>>) target_semaphore(%run_scoped3A : memref<!tpu.dma_semaphore, #tpu.memory_space<semaphore_mem>>)
        %dma_wait3A = arith.constant 0 : i32
        %dma_wait3A_31 = tpu.memref_slice %arg9[%mul3A_29, %dma_wait3A] : memref<10000x160xf32, #tpu.memory_space<vmem_shared>> -> memref<1000x160xf32, #tpu.memory_space<vmem_shared>>
        tpu.wait_dma2 semaphore(%run_scoped3A : memref<!tpu.dma_semaphore, #tpu.memory_space<semaphore_mem>>) src(%arg6 : memref<1000x160xf32, #tpu.memory_space<hbm>>) dst(%dma_wait3A_31 : memref<1000x160xf32, #tpu.memory_space<vmem_shared>>)
        tpu.yield
      }) : () -> ()
    } else {
    }
    %barrier3A = arith.constant 0 : index
    tpu.barrier barrier_id(%barrier3A)
    %mul3A = arith.constant 10000 : i32
    %mul3A_2 = arith.muli %arg1, %mul3A : i32
    %eq3A = arith.constant 0 : i32
    %eq3A_3 = arith.cmpi eq, %arg0, %eq3A : i32
    %convert_element_type3A_4 = arith.extui %eq3A_3 : i1 to i32
    %cond3A_5 = arith.constant 0 : i32
    %cond3A_6 = arith.cmpi ne, %convert_element_type3A_4, %cond3A_5 : i32
    scf.if %cond3A_6 {
      %add3A = arith.constant 0 : i32
      %add3A_28 = arith.addi %mul3A_2, %add3A : i32
      %multiple_of3A = tpu.assume_multiple %add3A_28, 8 : i32
      %dma_start3A = tpu.memref_slice %arg4[%multiple_of3A] : memref<160000xi32, #tpu.memory_space<hbm>> -> memref<80xi32, #tpu.memory_space<hbm>>
      %dma_start3A_29 = tpu.memref_slice %arg4[%multiple_of3A] : memref<160000xi32, #tpu.memory_space<hbm>> -> memref<80xi32, #tpu.memory_space<hbm>>
      tpu.enqueue_dma source(%dma_start3A_29 : memref<80xi32, #tpu.memory_space<hbm>>) target(%arg10 : memref<80xi32, #tpu.memory_space<vmem>>) target_semaphore(%arg16 : memref<!tpu.dma_semaphore, #tpu.memory_space<semaphore_mem>>)
      %dma_start3A_30 = tpu.memref_slice %arg5[%multiple_of3A] : memref<160000xi32, #tpu.memory_space<hbm>> -> memref<80xi32, #tpu.memory_space<hbm>>
      %dma_start3A_31 = tpu.memref_slice %arg5[%multiple_of3A] : memref<160000xi32, #tpu.memory_space<hbm>> -> memref<80xi32, #tpu.memory_space<hbm>>
      tpu.enqueue_dma source(%dma_start3A_31 : memref<80xi32, #tpu.memory_space<hbm>>) target(%arg12 : memref<80xi32, #tpu.memory_space<vmem>>) target_semaphore(%arg18 : memref<!tpu.dma_semaphore, #tpu.memory_space<semaphore_mem>>)
      %dma_wait3A = arith.constant 0 : i32
      %dma_wait3A_32 = tpu.memref_slice %arg4[%dma_wait3A] : memref<160000xi32, #tpu.memory_space<hbm>> -> memref<80xi32, #tpu.memory_space<hbm>>
      %dma_wait3A_33 = arith.constant 0 : i32
      %dma_wait3A_34 = tpu.memref_slice %arg4[%dma_wait3A_33] : memref<160000xi32, #tpu.memory_space<hbm>> -> memref<80xi32, #tpu.memory_space<hbm>>
      tpu.wait_dma2 semaphore(%arg16 : memref<!tpu.dma_semaphore, #tpu.memory_space<semaphore_mem>>) src(%dma_wait3A_34 : memref<80xi32, #tpu.memory_space<hbm>>) dst(%arg10 : memref<80xi32, #tpu.memory_space<vmem>>)
      %dma_start3A_35 = arith.constant 0 : i32
      %dma_start3A_36 = arith.constant 0 : i32
      %dma_start3A_37 = tpu.memref_slice %arg2[%dma_start3A_35, %dma_start3A_36] : memref<10000x160xf32, #tpu.memory_space<hbm>> -> memref<10000x160xf32, #tpu.memory_space<hbm>>
      tpu.enqueue_indirect_dma source(%dma_start3A_37 : memref<10000x160xf32, #tpu.memory_space<hbm>>) target(%arg14 : memref<80x160xf32, #tpu.memory_space<vmem>>) offsets(%arg10 : memref<80xi32, #tpu.memory_space<vmem>>) semaphore(%arg20 : memref<!tpu.dma_semaphore, #tpu.memory_space<semaphore_mem>>)
      %add3A_38 = arith.constant 80 : i32
      %add3A_39 = arith.addi %mul3A_2, %add3A_38 : i32
      %multiple_of3A_40 = tpu.assume_multiple %add3A_39, 8 : i32
      %dma_start3A_41 = tpu.memref_slice %arg4[%multiple_of3A_40] : memref<160000xi32, #tpu.memory_space<hbm>> -> memref<80xi32, #tpu.memory_space<hbm>>
      %dma_start3A_42 = tpu.memref_slice %arg4[%multiple_of3A_40] : memref<160000xi32, #tpu.memory_space<hbm>> -> memref<80xi32, #tpu.memory_space<hbm>>
      tpu.enqueue_dma source(%dma_start3A_42 : memref<80xi32, #tpu.memory_space<hbm>>) target(%arg11 : memref<80xi32, #tpu.memory_space<vmem>>) target_semaphore(%arg17 : memref<!tpu.dma_semaphore, #tpu.memory_space<semaphore_mem>>)
      %dma_start3A_43 = tpu.memref_slice %arg5[%multiple_of3A_40] : memref<160000xi32, #tpu.memory_space<hbm>> -> memref<80xi32, #tpu.memory_space<hbm>>
      %dma_start3A_44 = tpu.memref_slice %arg5[%multiple_of3A_40] : memref<160000xi32, #tpu.memory_space<hbm>> -> memref<80xi32, #tpu.memory_space<hbm>>
      tpu.enqueue_dma source(%dma_start3A_44 : memref<80xi32, #tpu.memory_space<hbm>>) target(%arg13 : memref<80xi32, #tpu.memory_space<vmem>>) target_semaphore(%arg19 : memref<!tpu.dma_semaphore, #tpu.memory_space<semaphore_mem>>)
      %scan3A = arith.constant 0 : i32
      %scan3A_45 = arith.constant 0 : i32
      %scan3A_46 = arith.constant 125 : i32
      %scan3A_47 = arith.addi %scan3A_45, %scan3A_46 : i32
      %scan3A_48 = arith.constant 1 : i32
      scf.for %scan3A_50 = %scan3A_45 to %scan3A_47 step %scan3A_48  : i32 {
        %jit3A = arith.constant 2 : i32
        %eq3A_51 = arith.constant 0 : i32
        %eq3A_52 = arith.cmpi eq, %jit3A, %eq3A_51 : i32
        %jit3A_53 = arith.constant 1 : i32
        %select_n3A = arith.select %eq3A_52, %jit3A_53, %jit3A : i32
        %rem3A = arith.remsi %scan3A_50, %select_n3A : i32
        %ne3A = arith.constant 0 : i32
        %ne3A_54 = arith.cmpi ne, %rem3A, %ne3A : i32
        %lt3A_55 = arith.constant 0 : i32
        %lt3A_56 = arith.cmpi slt, %rem3A, %lt3A_55 : i32
        %lt3A_57 = arith.constant 0 : i32
        %lt3A_58 = arith.cmpi slt, %select_n3A, %lt3A_57 : i32
        %ne3A_59 = arith.xori %lt3A_56, %lt3A_58 : i1
        %and3A_60 = arith.andi %ne3A_59, %ne3A_54 : i1
        %add3A_61 = arith.addi %rem3A, %select_n3A : i32
        %select_n3A_62 = arith.select %and3A_60, %add3A_61, %rem3A : i32
        %eq3A_63 = arith.constant 0 : i32
        %eq3A_64 = arith.cmpi eq, %select_n3A_62, %eq3A_63 : i32
        %convert_element_type3A_65 = arith.extui %eq3A_64 : i1 to i32
        %cond3A_66 = arith.constant 0 : i32
        %cond3A_67 = arith.cmpi ne, %convert_element_type3A_65, %cond3A_66 : i32
        scf.if %cond3A_67 {
          %add3A_89 = arith.constant 1 : i32
          %add3A_90 = arith.addi %scan3A_50, %add3A_89 : i32
          %lt3A_91 = arith.constant 125 : i32
          %lt3A_92 = arith.cmpi slt, %add3A_90, %lt3A_91 : i32
          %convert_element_type3A_93 = arith.extui %lt3A_92 : i1 to i32
          %cond3A_94 = arith.constant 0 : i32
          %cond3A_95 = arith.cmpi ne, %convert_element_type3A_93, %cond3A_94 : i32
          scf.if %cond3A_95 {
            %dma_wait3A_110 = arith.constant 0 : i32
            %dma_wait3A_111 = tpu.memref_slice %arg4[%dma_wait3A_110] : memref<160000xi32, #tpu.memory_space<hbm>> -> memref<80xi32, #tpu.memory_space<hbm>>
            %dma_wait3A_112 = arith.constant 0 : i32
            %dma_wait3A_113 = tpu.memref_slice %arg4[%dma_wait3A_112] : memref<160000xi32, #tpu.memory_space<hbm>> -> memref<80xi32, #tpu.memory_space<hbm>>
            tpu.wait_dma2 semaphore(%arg17 : memref<!tpu.dma_semaphore, #tpu.memory_space<semaphore_mem>>) src(%dma_wait3A_113 : memref<80xi32, #tpu.memory_space<hbm>>) dst(%arg11 : memref<80xi32, #tpu.memory_space<vmem>>)
            %dma_start3A_114 = arith.constant 0 : i32
            %dma_start3A_115 = arith.constant 0 : i32
            %dma_start3A_116 = tpu.memref_slice %arg2[%dma_start3A_114, %dma_start3A_115] : memref<10000x160xf32, #tpu.memory_space<hbm>> -> memref<10000x160xf32, #tpu.memory_space<hbm>>
            tpu.enqueue_indirect_dma source(%dma_start3A_116 : memref<10000x160xf32, #tpu.memory_space<hbm>>) target(%arg15 : memref<80x160xf32, #tpu.memory_space<vmem>>) offsets(%arg11 : memref<80xi32, #tpu.memory_space<vmem>>) semaphore(%arg21 : memref<!tpu.dma_semaphore, #tpu.memory_space<semaphore_mem>>)
          } else {
          }
          %dma_wait3A_96 = arith.constant 0 : i32
          %dma_wait3A_97 = arith.constant 0 : i32
          %dma_wait3A_98 = tpu.memref_slice %arg2[%dma_wait3A_96, %dma_wait3A_97] : memref<10000x160xf32, #tpu.memory_space<hbm>> -> memref<10000x160xf32, #tpu.memory_space<hbm>>
          tpu.wait_indirect_dma semaphore(%arg20 : memref<!tpu.dma_semaphore, #tpu.memory_space<semaphore_mem>>) src(%dma_wait3A_98 : memref<10000x160xf32, #tpu.memory_space<hbm>>) dst(%arg14 : memref<80x160xf32, #tpu.memory_space<vmem>>)
          %dma_wait3A_99 = arith.constant 0 : i32
          %dma_wait3A_100 = tpu.memref_slice %arg5[%dma_wait3A_99] : memref<160000xi32, #tpu.memory_space<hbm>> -> memref<80xi32, #tpu.memory_space<hbm>>
          %dma_wait3A_101 = arith.constant 0 : i32
          %dma_wait3A_102 = tpu.memref_slice %arg5[%dma_wait3A_101] : memref<160000xi32, #tpu.memory_space<hbm>> -> memref<80xi32, #tpu.memory_space<hbm>>
          tpu.wait_dma2 semaphore(%arg18 : memref<!tpu.dma_semaphore, #tpu.memory_space<semaphore_mem>>) src(%dma_wait3A_102 : memref<80xi32, #tpu.memory_space<hbm>>) dst(%arg12 : memref<80xi32, #tpu.memory_space<vmem>>)
          "tpu.region"() ({
            %run_scoped3A = tpu.sem_alloc : memref<!tpu.dma_semaphore, #tpu.memory_space<semaphore_mem>>
            %dma_start3A_110 = arith.constant 0 : i32
            %dma_start3A_111 = arith.constant 0 : i32
            %dma_start3A_112 = tpu.memref_slice %arg9[%dma_start3A_110, %dma_start3A_111] : memref<10000x160xf32, #tpu.memory_space<vmem_shared>> -> memref<10000x160xf32, #tpu.memory_space<vmem_shared>>
            tpu.enqueue_indirect_dma source(%arg14 : memref<80x160xf32, #tpu.memory_space<vmem>>) target(%dma_start3A_112 : memref<10000x160xf32, #tpu.memory_space<vmem_shared>>) offsets(%arg12 : memref<80xi32, #tpu.memory_space<vmem>>) semaphore(%run_scoped3A : memref<!tpu.dma_semaphore, #tpu.memory_space<semaphore_mem>>) {add = true}
            %dma_wait3A_113 = arith.constant 0 : i32
            %dma_wait3A_114 = arith.constant 0 : i32
            %dma_wait3A_115 = tpu.memref_slice %arg9[%dma_wait3A_113, %dma_wait3A_114] : memref<10000x160xf32, #tpu.memory_space<vmem_shared>> -> memref<10000x160xf32, #tpu.memory_space<vmem_shared>>
            tpu.wait_indirect_dma semaphore(%run_scoped3A : memref<!tpu.dma_semaphore, #tpu.memory_space<semaphore_mem>>) src(%arg14 : memref<80x160xf32, #tpu.memory_space<vmem>>) dst(%dma_wait3A_115 : memref<10000x160xf32, #tpu.memory_space<vmem_shared>>)
            tpu.yield
          }) : () -> ()
          %add3A_103 = arith.constant 2 : i32
          %add3A_104 = arith.addi %scan3A_50, %add3A_103 : i32
          %lt3A_105 = arith.constant 125 : i32
          %lt3A_106 = arith.cmpi slt, %add3A_104, %lt3A_105 : i32
          %convert_element_type3A_107 = arith.extui %lt3A_106 : i1 to i32
          %cond3A_108 = arith.constant 0 : i32
          %cond3A_109 = arith.cmpi ne, %convert_element_type3A_107, %cond3A_108 : i32
          scf.if %cond3A_109 {
            %add3A_110 = arith.constant 2 : i32
            %add3A_111 = arith.addi %scan3A_50, %add3A_110 : i32
            %mul3A_112 = arith.constant 80 : i32
            %mul3A_113 = arith.muli %add3A_111, %mul3A_112 : i32
            %add3A_114 = arith.addi %mul3A_2, %mul3A_113 : i32
            %multiple_of3A_115 = tpu.assume_multiple %add3A_114, 8 : i32
            %dma_start3A_116 = tpu.memref_slice %arg4[%multiple_of3A_115] : memref<160000xi32, #tpu.memory_space<hbm>> -> memref<80xi32, #tpu.memory_space<hbm>>
            %dma_start3A_117 = tpu.memref_slice %arg4[%multiple_of3A_115] : memref<160000xi32, #tpu.memory_space<hbm>> -> memref<80xi32, #tpu.memory_space<hbm>>
            tpu.enqueue_dma source(%dma_start3A_117 : memref<80xi32, #tpu.memory_space<hbm>>) target(%arg10 : memref<80xi32, #tpu.memory_space<vmem>>) target_semaphore(%arg16 : memref<!tpu.dma_semaphore, #tpu.memory_space<semaphore_mem>>)
            %dma_start3A_118 = tpu.memref_slice %arg5[%multiple_of3A_115] : memref<160000xi32, #tpu.memory_space<hbm>> -> memref<80xi32, #tpu.memory_space<hbm>>
            %dma_start3A_119 = tpu.memref_slice %arg5[%multiple_of3A_115] : memref<160000xi32, #tpu.memory_space<hbm>> -> memref<80xi32, #tpu.memory_space<hbm>>
            tpu.enqueue_dma source(%dma_start3A_119 : memref<80xi32, #tpu.memory_space<hbm>>) target(%arg12 : memref<80xi32, #tpu.memory_space<vmem>>) target_semaphore(%arg18 : memref<!tpu.dma_semaphore, #tpu.memory_space<semaphore_mem>>)
          } else {
          }
        } else {
        }
        %jit3A_68 = arith.constant 2 : i32
        %eq3A_69 = arith.constant 0 : i32
        %eq3A_70 = arith.cmpi eq, %jit3A_68, %eq3A_69 : i32
        %jit3A_71 = arith.constant 1 : i32
        %select_n3A_72 = arith.select %eq3A_70, %jit3A_71, %jit3A_68 : i32
        %rem3A_73 = arith.remsi %scan3A_50, %select_n3A_72 : i32
        %ne3A_74 = arith.constant 0 : i32
        %ne3A_75 = arith.cmpi ne, %rem3A_73, %ne3A_74 : i32
        %lt3A_76 = arith.constant 0 : i32
        %lt3A_77 = arith.cmpi slt, %rem3A_73, %lt3A_76 : i32
        %lt3A_78 = arith.constant 0 : i32
        %lt3A_79 = arith.cmpi slt, %select_n3A_72, %lt3A_78 : i32
        %ne3A_80 = arith.xori %lt3A_77, %lt3A_79 : i1
        %and3A_81 = arith.andi %ne3A_80, %ne3A_75 : i1
        %add3A_82 = arith.addi %rem3A_73, %select_n3A_72 : i32
        %select_n3A_83 = arith.select %and3A_81, %add3A_82, %rem3A_73 : i32
        %eq3A_84 = arith.constant 1 : i32
        %eq3A_85 = arith.cmpi eq, %select_n3A_83, %eq3A_84 : i32
        %convert_element_type3A_86 = arith.extui %eq3A_85 : i1 to i32
        %cond3A_87 = arith.constant 0 : i32
        %cond3A_88 = arith.cmpi ne, %convert_element_type3A_86, %cond3A_87 : i32
        scf.if %cond3A_88 {
          %add3A_89 = arith.constant 1 : i32
          %add3A_90 = arith.addi %scan3A_50, %add3A_89 : i32
          %lt3A_91 = arith.constant 125 : i32
          %lt3A_92 = arith.cmpi slt, %add3A_90, %lt3A_91 : i32
          %convert_element_type3A_93 = arith.extui %lt3A_92 : i1 to i32
          %cond3A_94 = arith.constant 0 : i32
          %cond3A_95 = arith.cmpi ne, %convert_element_type3A_93, %cond3A_94 : i32
          scf.if %cond3A_95 {
            %dma_wait3A_110 = arith.constant 0 : i32
            %dma_wait3A_111 = tpu.memref_slice %arg4[%dma_wait3A_110] : memref<160000xi32, #tpu.memory_space<hbm>> -> memref<80xi32, #tpu.memory_space<hbm>>
            %dma_wait3A_112 = arith.constant 0 : i32
            %dma_wait3A_113 = tpu.memref_slice %arg4[%dma_wait3A_112] : memref<160000xi32, #tpu.memory_space<hbm>> -> memref<80xi32, #tpu.memory_space<hbm>>
            tpu.wait_dma2 semaphore(%arg16 : memref<!tpu.dma_semaphore, #tpu.memory_space<semaphore_mem>>) src(%dma_wait3A_113 : memref<80xi32, #tpu.memory_space<hbm>>) dst(%arg10 : memref<80xi32, #tpu.memory_space<vmem>>)
            %dma_start3A_114 = arith.constant 0 : i32
            %dma_start3A_115 = arith.constant 0 : i32
            %dma_start3A_116 = tpu.memref_slice %arg2[%dma_start3A_114, %dma_start3A_115] : memref<10000x160xf32, #tpu.memory_space<hbm>> -> memref<10000x160xf32, #tpu.memory_space<hbm>>
            tpu.enqueue_indirect_dma source(%dma_start3A_116 : memref<10000x160xf32, #tpu.memory_space<hbm>>) target(%arg14 : memref<80x160xf32, #tpu.memory_space<vmem>>) offsets(%arg10 : memref<80xi32, #tpu.memory_space<vmem>>) semaphore(%arg20 : memref<!tpu.dma_semaphore, #tpu.memory_space<semaphore_mem>>)
          } else {
          }
          %dma_wait3A_96 = arith.constant 0 : i32
          %dma_wait3A_97 = arith.constant 0 : i32
          %dma_wait3A_98 = tpu.memref_slice %arg2[%dma_wait3A_96, %dma_wait3A_97] : memref<10000x160xf32, #tpu.memory_space<hbm>> -> memref<10000x160xf32, #tpu.memory_space<hbm>>
          tpu.wait_indirect_dma semaphore(%arg21 : memref<!tpu.dma_semaphore, #tpu.memory_space<semaphore_mem>>) src(%dma_wait3A_98 : memref<10000x160xf32, #tpu.memory_space<hbm>>) dst(%arg15 : memref<80x160xf32, #tpu.memory_space<vmem>>)
          %dma_wait3A_99 = arith.constant 0 : i32
          %dma_wait3A_100 = tpu.memref_slice %arg5[%dma_wait3A_99] : memref<160000xi32, #tpu.memory_space<hbm>> -> memref<80xi32, #tpu.memory_space<hbm>>
          %dma_wait3A_101 = arith.constant 0 : i32
          %dma_wait3A_102 = tpu.memref_slice %arg5[%dma_wait3A_101] : memref<160000xi32, #tpu.memory_space<hbm>> -> memref<80xi32, #tpu.memory_space<hbm>>
          tpu.wait_dma2 semaphore(%arg19 : memref<!tpu.dma_semaphore, #tpu.memory_space<semaphore_mem>>) src(%dma_wait3A_102 : memref<80xi32, #tpu.memory_space<hbm>>) dst(%arg13 : memref<80xi32, #tpu.memory_space<vmem>>)
          "tpu.region"() ({
            %run_scoped3A = tpu.sem_alloc : memref<!tpu.dma_semaphore, #tpu.memory_space<semaphore_mem>>
            %dma_start3A_110 = arith.constant 0 : i32
            %dma_start3A_111 = arith.constant 0 : i32
            %dma_start3A_112 = tpu.memref_slice %arg9[%dma_start3A_110, %dma_start3A_111] : memref<10000x160xf32, #tpu.memory_space<vmem_shared>> -> memref<10000x160xf32, #tpu.memory_space<vmem_shared>>
            tpu.enqueue_indirect_dma source(%arg15 : memref<80x160xf32, #tpu.memory_space<vmem>>) target(%dma_start3A_112 : memref<10000x160xf32, #tpu.memory_space<vmem_shared>>) offsets(%arg13 : memref<80xi32, #tpu.memory_space<vmem>>) semaphore(%run_scoped3A : memref<!tpu.dma_semaphore, #tpu.memory_space<semaphore_mem>>) {add = true}
            %dma_wait3A_113 = arith.constant 0 : i32
            %dma_wait3A_114 = arith.constant 0 : i32
            %dma_wait3A_115 = tpu.memref_slice %arg9[%dma_wait3A_113, %dma_wait3A_114] : memref<10000x160xf32, #tpu.memory_space<vmem_shared>> -> memref<10000x160xf32, #tpu.memory_space<vmem_shared>>
            tpu.wait_indirect_dma semaphore(%run_scoped3A : memref<!tpu.dma_semaphore, #tpu.memory_space<semaphore_mem>>) src(%arg15 : memref<80x160xf32, #tpu.memory_space<vmem>>) dst(%dma_wait3A_115 : memref<10000x160xf32, #tpu.memory_space<vmem_shared>>)
            tpu.yield
          }) : () -> ()
          %add3A_103 = arith.constant 2 : i32
          %add3A_104 = arith.addi %scan3A_50, %add3A_103 : i32
          %lt3A_105 = arith.constant 125 : i32
          %lt3A_106 = arith.cmpi slt, %add3A_104, %lt3A_105 : i32
          %convert_element_type3A_107 = arith.extui %lt3A_106 : i1 to i32
          %cond3A_108 = arith.constant 0 : i32
          %cond3A_109 = arith.cmpi ne, %convert_element_type3A_107, %cond3A_108 : i32
          scf.if %cond3A_109 {
            %add3A_110 = arith.constant 2 : i32
            %add3A_111 = arith.addi %scan3A_50, %add3A_110 : i32
            %mul3A_112 = arith.constant 80 : i32
            %mul3A_113 = arith.muli %add3A_111, %mul3A_112 : i32
            %add3A_114 = arith.addi %mul3A_2, %mul3A_113 : i32
            %multiple_of3A_115 = tpu.assume_multiple %add3A_114, 8 : i32
            %dma_start3A_116 = tpu.memref_slice %arg4[%multiple_of3A_115] : memref<160000xi32, #tpu.memory_space<hbm>> -> memref<80xi32, #tpu.memory_space<hbm>>
            %dma_start3A_117 = tpu.memref_slice %arg4[%multiple_of3A_115] : memref<160000xi32, #tpu.memory_space<hbm>> -> memref<80xi32, #tpu.memory_space<hbm>>
            tpu.enqueue_dma source(%dma_start3A_117 : memref<80xi32, #tpu.memory_space<hbm>>) target(%arg11 : memref<80xi32, #tpu.memory_space<vmem>>) target_semaphore(%arg17 : memref<!tpu.dma_semaphore, #tpu.memory_space<semaphore_mem>>)
            %dma_start3A_118 = tpu.memref_slice %arg5[%multiple_of3A_115] : memref<160000xi32, #tpu.memory_space<hbm>> -> memref<80xi32, #tpu.memory_space<hbm>>
            %dma_start3A_119 = tpu.memref_slice %arg5[%multiple_of3A_115] : memref<160000xi32, #tpu.memory_space<hbm>> -> memref<80xi32, #tpu.memory_space<hbm>>
            tpu.enqueue_dma source(%dma_start3A_119 : memref<80xi32, #tpu.memory_space<hbm>>) target(%arg13 : memref<80xi32, #tpu.memory_space<vmem>>) target_semaphore(%arg19 : memref<!tpu.dma_semaphore, #tpu.memory_space<semaphore_mem>>)
          } else {
          }
        } else {
        }
      }
      %scan3A_49 = arith.constant 125 : i32
    } else {
    }
    %eq3A_7 = arith.constant 1 : i32
    %eq3A_8 = arith.cmpi eq, %arg0, %eq3A_7 : i32
    %convert_element_type3A_9 = arith.extui %eq3A_8 : i1 to i32
    %cond3A_10 = arith.constant 0 : i32
    %cond3A_11 = arith.cmpi ne, %convert_element_type3A_9, %cond3A_10 : i32
    scf.if %cond3A_11 {
      %add3A = arith.constant 0 : i32
      %add3A_28 = arith.addi %mul3A_2, %add3A : i32
      %multiple_of3A = tpu.assume_multiple %add3A_28, 8 : i32
      %dma_start3A = tpu.memref_slice %arg4[%multiple_of3A] : memref<160000xi32, #tpu.memory_space<hbm>> -> memref<80xi32, #tpu.memory_space<hbm>>
      %dma_start3A_29 = tpu.memref_slice %arg4[%multiple_of3A] : memref<160000xi32, #tpu.memory_space<hbm>> -> memref<80xi32, #tpu.memory_space<hbm>>
      tpu.enqueue_dma source(%dma_start3A_29 : memref<80xi32, #tpu.memory_space<hbm>>) target(%arg10 : memref<80xi32, #tpu.memory_space<vmem>>) target_semaphore(%arg16 : memref<!tpu.dma_semaphore, #tpu.memory_space<semaphore_mem>>)
      %dma_start3A_30 = tpu.memref_slice %arg5[%multiple_of3A] : memref<160000xi32, #tpu.memory_space<hbm>> -> memref<80xi32, #tpu.memory_space<hbm>>
      %dma_start3A_31 = tpu.memref_slice %arg5[%multiple_of3A] : memref<160000xi32, #tpu.memory_space<hbm>> -> memref<80xi32, #tpu.memory_space<hbm>>
      tpu.enqueue_dma source(%dma_start3A_31 : memref<80xi32, #tpu.memory_space<hbm>>) target(%arg12 : memref<80xi32, #tpu.memory_space<vmem>>) target_semaphore(%arg18 : memref<!tpu.dma_semaphore, #tpu.memory_space<semaphore_mem>>)
      %dma_wait3A = arith.constant 0 : i32
      %dma_wait3A_32 = tpu.memref_slice %arg4[%dma_wait3A] : memref<160000xi32, #tpu.memory_space<hbm>> -> memref<80xi32, #tpu.memory_space<hbm>>
      %dma_wait3A_33 = arith.constant 0 : i32
      %dma_wait3A_34 = tpu.memref_slice %arg4[%dma_wait3A_33] : memref<160000xi32, #tpu.memory_space<hbm>> -> memref<80xi32, #tpu.memory_space<hbm>>
      tpu.wait_dma2 semaphore(%arg16 : memref<!tpu.dma_semaphore, #tpu.memory_space<semaphore_mem>>) src(%dma_wait3A_34 : memref<80xi32, #tpu.memory_space<hbm>>) dst(%arg10 : memref<80xi32, #tpu.memory_space<vmem>>)
      %dma_start3A_35 = arith.constant 0 : i32
      %dma_start3A_36 = arith.constant 0 : i32
      %dma_start3A_37 = tpu.memref_slice %arg3[%dma_start3A_35, %dma_start3A_36] : memref<10000x160xf32, #tpu.memory_space<hbm>> -> memref<10000x160xf32, #tpu.memory_space<hbm>>
      tpu.enqueue_indirect_dma source(%dma_start3A_37 : memref<10000x160xf32, #tpu.memory_space<hbm>>) target(%arg14 : memref<80x160xf32, #tpu.memory_space<vmem>>) offsets(%arg10 : memref<80xi32, #tpu.memory_space<vmem>>) semaphore(%arg20 : memref<!tpu.dma_semaphore, #tpu.memory_space<semaphore_mem>>)
      %add3A_38 = arith.constant 80 : i32
      %add3A_39 = arith.addi %mul3A_2, %add3A_38 : i32
      %multiple_of3A_40 = tpu.assume_multiple %add3A_39, 8 : i32
      %dma_start3A_41 = tpu.memref_slice %arg4[%multiple_of3A_40] : memref<160000xi32, #tpu.memory_space<hbm>> -> memref<80xi32, #tpu.memory_space<hbm>>
      %dma_start3A_42 = tpu.memref_slice %arg4[%multiple_of3A_40] : memref<160000xi32, #tpu.memory_space<hbm>> -> memref<80xi32, #tpu.memory_space<hbm>>
      tpu.enqueue_dma source(%dma_start3A_42 : memref<80xi32, #tpu.memory_space<hbm>>) target(%arg11 : memref<80xi32, #tpu.memory_space<vmem>>) target_semaphore(%arg17 : memref<!tpu.dma_semaphore, #tpu.memory_space<semaphore_mem>>)
      %dma_start3A_43 = tpu.memref_slice %arg5[%multiple_of3A_40] : memref<160000xi32, #tpu.memory_space<hbm>> -> memref<80xi32, #tpu.memory_space<hbm>>
      %dma_start3A_44 = tpu.memref_slice %arg5[%multiple_of3A_40] : memref<160000xi32, #tpu.memory_space<hbm>> -> memref<80xi32, #tpu.memory_space<hbm>>
      tpu.enqueue_dma source(%dma_start3A_44 : memref<80xi32, #tpu.memory_space<hbm>>) target(%arg13 : memref<80xi32, #tpu.memory_space<vmem>>) target_semaphore(%arg19 : memref<!tpu.dma_semaphore, #tpu.memory_space<semaphore_mem>>)
      %scan3A = arith.constant 0 : i32
      %scan3A_45 = arith.constant 0 : i32
      %scan3A_46 = arith.constant 125 : i32
      %scan3A_47 = arith.addi %scan3A_45, %scan3A_46 : i32
      %scan3A_48 = arith.constant 1 : i32
      scf.for %scan3A_50 = %scan3A_45 to %scan3A_47 step %scan3A_48  : i32 {
        %jit3A = arith.constant 2 : i32
        %eq3A_51 = arith.constant 0 : i32
        %eq3A_52 = arith.cmpi eq, %jit3A, %eq3A_51 : i32
        %jit3A_53 = arith.constant 1 : i32
        %select_n3A = arith.select %eq3A_52, %jit3A_53, %jit3A : i32
        %rem3A = arith.remsi %scan3A_50, %select_n3A : i32
        %ne3A = arith.constant 0 : i32
        %ne3A_54 = arith.cmpi ne, %rem3A, %ne3A : i32
        %lt3A_55 = arith.constant 0 : i32
        %lt3A_56 = arith.cmpi slt, %rem3A, %lt3A_55 : i32
        %lt3A_57 = arith.constant 0 : i32
        %lt3A_58 = arith.cmpi slt, %select_n3A, %lt3A_57 : i32
        %ne3A_59 = arith.xori %lt3A_56, %lt3A_58 : i1
        %and3A_60 = arith.andi %ne3A_59, %ne3A_54 : i1
        %add3A_61 = arith.addi %rem3A, %select_n3A : i32
        %select_n3A_62 = arith.select %and3A_60, %add3A_61, %rem3A : i32
        %eq3A_63 = arith.constant 0 : i32
        %eq3A_64 = arith.cmpi eq, %select_n3A_62, %eq3A_63 : i32
        %convert_element_type3A_65 = arith.extui %eq3A_64 : i1 to i32
        %cond3A_66 = arith.constant 0 : i32
        %cond3A_67 = arith.cmpi ne, %convert_element_type3A_65, %cond3A_66 : i32
        scf.if %cond3A_67 {
          %add3A_89 = arith.constant 1 : i32
          %add3A_90 = arith.addi %scan3A_50, %add3A_89 : i32
          %lt3A_91 = arith.constant 125 : i32
          %lt3A_92 = arith.cmpi slt, %add3A_90, %lt3A_91 : i32
          %convert_element_type3A_93 = arith.extui %lt3A_92 : i1 to i32
          %cond3A_94 = arith.constant 0 : i32
          %cond3A_95 = arith.cmpi ne, %convert_element_type3A_93, %cond3A_94 : i32
          scf.if %cond3A_95 {
            %dma_wait3A_110 = arith.constant 0 : i32
            %dma_wait3A_111 = tpu.memref_slice %arg4[%dma_wait3A_110] : memref<160000xi32, #tpu.memory_space<hbm>> -> memref<80xi32, #tpu.memory_space<hbm>>
            %dma_wait3A_112 = arith.constant 0 : i32
            %dma_wait3A_113 = tpu.memref_slice %arg4[%dma_wait3A_112] : memref<160000xi32, #tpu.memory_space<hbm>> -> memref<80xi32, #tpu.memory_space<hbm>>
            tpu.wait_dma2 semaphore(%arg17 : memref<!tpu.dma_semaphore, #tpu.memory_space<semaphore_mem>>) src(%dma_wait3A_113 : memref<80xi32, #tpu.memory_space<hbm>>) dst(%arg11 : memref<80xi32, #tpu.memory_space<vmem>>)
            %dma_start3A_114 = arith.constant 0 : i32
            %dma_start3A_115 = arith.constant 0 : i32
            %dma_start3A_116 = tpu.memref_slice %arg3[%dma_start3A_114, %dma_start3A_115] : memref<10000x160xf32, #tpu.memory_space<hbm>> -> memref<10000x160xf32, #tpu.memory_space<hbm>>
            tpu.enqueue_indirect_dma source(%dma_start3A_116 : memref<10000x160xf32, #tpu.memory_space<hbm>>) target(%arg15 : memref<80x160xf32, #tpu.memory_space<vmem>>) offsets(%arg11 : memref<80xi32, #tpu.memory_space<vmem>>) semaphore(%arg21 : memref<!tpu.dma_semaphore, #tpu.memory_space<semaphore_mem>>)
          } else {
          }
          %dma_wait3A_96 = arith.constant 0 : i32
          %dma_wait3A_97 = arith.constant 0 : i32
          %dma_wait3A_98 = tpu.memref_slice %arg3[%dma_wait3A_96, %dma_wait3A_97] : memref<10000x160xf32, #tpu.memory_space<hbm>> -> memref<10000x160xf32, #tpu.memory_space<hbm>>
          tpu.wait_indirect_dma semaphore(%arg20 : memref<!tpu.dma_semaphore, #tpu.memory_space<semaphore_mem>>) src(%dma_wait3A_98 : memref<10000x160xf32, #tpu.memory_space<hbm>>) dst(%arg14 : memref<80x160xf32, #tpu.memory_space<vmem>>)
          %dma_wait3A_99 = arith.constant 0 : i32
          %dma_wait3A_100 = tpu.memref_slice %arg5[%dma_wait3A_99] : memref<160000xi32, #tpu.memory_space<hbm>> -> memref<80xi32, #tpu.memory_space<hbm>>
          %dma_wait3A_101 = arith.constant 0 : i32
          %dma_wait3A_102 = tpu.memref_slice %arg5[%dma_wait3A_101] : memref<160000xi32, #tpu.memory_space<hbm>> -> memref<80xi32, #tpu.memory_space<hbm>>
          tpu.wait_dma2 semaphore(%arg18 : memref<!tpu.dma_semaphore, #tpu.memory_space<semaphore_mem>>) src(%dma_wait3A_102 : memref<80xi32, #tpu.memory_space<hbm>>) dst(%arg12 : memref<80xi32, #tpu.memory_space<vmem>>)
          "tpu.region"() ({
            %run_scoped3A = tpu.sem_alloc : memref<!tpu.dma_semaphore, #tpu.memory_space<semaphore_mem>>
            %dma_start3A_110 = arith.constant 0 : i32
            %dma_start3A_111 = arith.constant 0 : i32
            %dma_start3A_112 = tpu.memref_slice %arg9[%dma_start3A_110, %dma_start3A_111] : memref<10000x160xf32, #tpu.memory_space<vmem_shared>> -> memref<10000x160xf32, #tpu.memory_space<vmem_shared>>
            tpu.enqueue_indirect_dma source(%arg14 : memref<80x160xf32, #tpu.memory_space<vmem>>) target(%dma_start3A_112 : memref<10000x160xf32, #tpu.memory_space<vmem_shared>>) offsets(%arg12 : memref<80xi32, #tpu.memory_space<vmem>>) semaphore(%run_scoped3A : memref<!tpu.dma_semaphore, #tpu.memory_space<semaphore_mem>>) {add = true}
            %dma_wait3A_113 = arith.constant 0 : i32
            %dma_wait3A_114 = arith.constant 0 : i32
            %dma_wait3A_115 = tpu.memref_slice %arg9[%dma_wait3A_113, %dma_wait3A_114] : memref<10000x160xf32, #tpu.memory_space<vmem_shared>> -> memref<10000x160xf32, #tpu.memory_space<vmem_shared>>
            tpu.wait_indirect_dma semaphore(%run_scoped3A : memref<!tpu.dma_semaphore, #tpu.memory_space<semaphore_mem>>) src(%arg14 : memref<80x160xf32, #tpu.memory_space<vmem>>) dst(%dma_wait3A_115 : memref<10000x160xf32, #tpu.memory_space<vmem_shared>>)
            tpu.yield
          }) : () -> ()
          %add3A_103 = arith.constant 2 : i32
          %add3A_104 = arith.addi %scan3A_50, %add3A_103 : i32
          %lt3A_105 = arith.constant 125 : i32
          %lt3A_106 = arith.cmpi slt, %add3A_104, %lt3A_105 : i32
          %convert_element_type3A_107 = arith.extui %lt3A_106 : i1 to i32
          %cond3A_108 = arith.constant 0 : i32
          %cond3A_109 = arith.cmpi ne, %convert_element_type3A_107, %cond3A_108 : i32
          scf.if %cond3A_109 {
            %add3A_110 = arith.constant 2 : i32
            %add3A_111 = arith.addi %scan3A_50, %add3A_110 : i32
            %mul3A_112 = arith.constant 80 : i32
            %mul3A_113 = arith.muli %add3A_111, %mul3A_112 : i32
            %add3A_114 = arith.addi %mul3A_2, %mul3A_113 : i32
            %multiple_of3A_115 = tpu.assume_multiple %add3A_114, 8 : i32
            %dma_start3A_116 = tpu.memref_slice %arg4[%multiple_of3A_115] : memref<160000xi32, #tpu.memory_space<hbm>> -> memref<80xi32, #tpu.memory_space<hbm>>
            %dma_start3A_117 = tpu.memref_slice %arg4[%multiple_of3A_115] : memref<160000xi32, #tpu.memory_space<hbm>> -> memref<80xi32, #tpu.memory_space<hbm>>
            tpu.enqueue_dma source(%dma_start3A_117 : memref<80xi32, #tpu.memory_space<hbm>>) target(%arg10 : memref<80xi32, #tpu.memory_space<vmem>>) target_semaphore(%arg16 : memref<!tpu.dma_semaphore, #tpu.memory_space<semaphore_mem>>)
            %dma_start3A_118 = tpu.memref_slice %arg5[%multiple_of3A_115] : memref<160000xi32, #tpu.memory_space<hbm>> -> memref<80xi32, #tpu.memory_space<hbm>>
            %dma_start3A_119 = tpu.memref_slice %arg5[%multiple_of3A_115] : memref<160000xi32, #tpu.memory_space<hbm>> -> memref<80xi32, #tpu.memory_space<hbm>>
            tpu.enqueue_dma source(%dma_start3A_119 : memref<80xi32, #tpu.memory_space<hbm>>) target(%arg12 : memref<80xi32, #tpu.memory_space<vmem>>) target_semaphore(%arg18 : memref<!tpu.dma_semaphore, #tpu.memory_space<semaphore_mem>>)
          } else {
          }
        } else {
        }
        %jit3A_68 = arith.constant 2 : i32
        %eq3A_69 = arith.constant 0 : i32
        %eq3A_70 = arith.cmpi eq, %jit3A_68, %eq3A_69 : i32
        %jit3A_71 = arith.constant 1 : i32
        %select_n3A_72 = arith.select %eq3A_70, %jit3A_71, %jit3A_68 : i32
        %rem3A_73 = arith.remsi %scan3A_50, %select_n3A_72 : i32
        %ne3A_74 = arith.constant 0 : i32
        %ne3A_75 = arith.cmpi ne, %rem3A_73, %ne3A_74 : i32
        %lt3A_76 = arith.constant 0 : i32
        %lt3A_77 = arith.cmpi slt, %rem3A_73, %lt3A_76 : i32
        %lt3A_78 = arith.constant 0 : i32
        %lt3A_79 = arith.cmpi slt, %select_n3A_72, %lt3A_78 : i32
        %ne3A_80 = arith.xori %lt3A_77, %lt3A_79 : i1
        %and3A_81 = arith.andi %ne3A_80, %ne3A_75 : i1
        %add3A_82 = arith.addi %rem3A_73, %select_n3A_72 : i32
        %select_n3A_83 = arith.select %and3A_81, %add3A_82, %rem3A_73 : i32
        %eq3A_84 = arith.constant 1 : i32
        %eq3A_85 = arith.cmpi eq, %select_n3A_83, %eq3A_84 : i32
        %convert_element_type3A_86 = arith.extui %eq3A_85 : i1 to i32
        %cond3A_87 = arith.constant 0 : i32
        %cond3A_88 = arith.cmpi ne, %convert_element_type3A_86, %cond3A_87 : i32
        scf.if %cond3A_88 {
          %add3A_89 = arith.constant 1 : i32
          %add3A_90 = arith.addi %scan3A_50, %add3A_89 : i32
          %lt3A_91 = arith.constant 125 : i32
          %lt3A_92 = arith.cmpi slt, %add3A_90, %lt3A_91 : i32
          %convert_element_type3A_93 = arith.extui %lt3A_92 : i1 to i32
          %cond3A_94 = arith.constant 0 : i32
          %cond3A_95 = arith.cmpi ne, %convert_element_type3A_93, %cond3A_94 : i32
          scf.if %cond3A_95 {
            %dma_wait3A_110 = arith.constant 0 : i32
            %dma_wait3A_111 = tpu.memref_slice %arg4[%dma_wait3A_110] : memref<160000xi32, #tpu.memory_space<hbm>> -> memref<80xi32, #tpu.memory_space<hbm>>
            %dma_wait3A_112 = arith.constant 0 : i32
            %dma_wait3A_113 = tpu.memref_slice %arg4[%dma_wait3A_112] : memref<160000xi32, #tpu.memory_space<hbm>> -> memref<80xi32, #tpu.memory_space<hbm>>
            tpu.wait_dma2 semaphore(%arg16 : memref<!tpu.dma_semaphore, #tpu.memory_space<semaphore_mem>>) src(%dma_wait3A_113 : memref<80xi32, #tpu.memory_space<hbm>>) dst(%arg10 : memref<80xi32, #tpu.memory_space<vmem>>)
            %dma_start3A_114 = arith.constant 0 : i32
            %dma_start3A_115 = arith.constant 0 : i32
            %dma_start3A_116 = tpu.memref_slice %arg3[%dma_start3A_114, %dma_start3A_115] : memref<10000x160xf32, #tpu.memory_space<hbm>> -> memref<10000x160xf32, #tpu.memory_space<hbm>>
            tpu.enqueue_indirect_dma source(%dma_start3A_116 : memref<10000x160xf32, #tpu.memory_space<hbm>>) target(%arg14 : memref<80x160xf32, #tpu.memory_space<vmem>>) offsets(%arg10 : memref<80xi32, #tpu.memory_space<vmem>>) semaphore(%arg20 : memref<!tpu.dma_semaphore, #tpu.memory_space<semaphore_mem>>)
          } else {
          }
          %dma_wait3A_96 = arith.constant 0 : i32
          %dma_wait3A_97 = arith.constant 0 : i32
          %dma_wait3A_98 = tpu.memref_slice %arg3[%dma_wait3A_96, %dma_wait3A_97] : memref<10000x160xf32, #tpu.memory_space<hbm>> -> memref<10000x160xf32, #tpu.memory_space<hbm>>
          tpu.wait_indirect_dma semaphore(%arg21 : memref<!tpu.dma_semaphore, #tpu.memory_space<semaphore_mem>>) src(%dma_wait3A_98 : memref<10000x160xf32, #tpu.memory_space<hbm>>) dst(%arg15 : memref<80x160xf32, #tpu.memory_space<vmem>>)
          %dma_wait3A_99 = arith.constant 0 : i32
          %dma_wait3A_100 = tpu.memref_slice %arg5[%dma_wait3A_99] : memref<160000xi32, #tpu.memory_space<hbm>> -> memref<80xi32, #tpu.memory_space<hbm>>
          %dma_wait3A_101 = arith.constant 0 : i32
          %dma_wait3A_102 = tpu.memref_slice %arg5[%dma_wait3A_101] : memref<160000xi32, #tpu.memory_space<hbm>> -> memref<80xi32, #tpu.memory_space<hbm>>
          tpu.wait_dma2 semaphore(%arg19 : memref<!tpu.dma_semaphore, #tpu.memory_space<semaphore_mem>>) src(%dma_wait3A_102 : memref<80xi32, #tpu.memory_space<hbm>>) dst(%arg13 : memref<80xi32, #tpu.memory_space<vmem>>)
          "tpu.region"() ({
            %run_scoped3A = tpu.sem_alloc : memref<!tpu.dma_semaphore, #tpu.memory_space<semaphore_mem>>
            %dma_start3A_110 = arith.constant 0 : i32
            %dma_start3A_111 = arith.constant 0 : i32
            %dma_start3A_112 = tpu.memref_slice %arg9[%dma_start3A_110, %dma_start3A_111] : memref<10000x160xf32, #tpu.memory_space<vmem_shared>> -> memref<10000x160xf32, #tpu.memory_space<vmem_shared>>
            tpu.enqueue_indirect_dma source(%arg15 : memref<80x160xf32, #tpu.memory_space<vmem>>) target(%dma_start3A_112 : memref<10000x160xf32, #tpu.memory_space<vmem_shared>>) offsets(%arg13 : memref<80xi32, #tpu.memory_space<vmem>>) semaphore(%run_scoped3A : memref<!tpu.dma_semaphore, #tpu.memory_space<semaphore_mem>>) {add = true}
            %dma_wait3A_113 = arith.constant 0 : i32
            %dma_wait3A_114 = arith.constant 0 : i32
            %dma_wait3A_115 = tpu.memref_slice %arg9[%dma_wait3A_113, %dma_wait3A_114] : memref<10000x160xf32, #tpu.memory_space<vmem_shared>> -> memref<10000x160xf32, #tpu.memory_space<vmem_shared>>
            tpu.wait_indirect_dma semaphore(%run_scoped3A : memref<!tpu.dma_semaphore, #tpu.memory_space<semaphore_mem>>) src(%arg15 : memref<80x160xf32, #tpu.memory_space<vmem>>) dst(%dma_wait3A_115 : memref<10000x160xf32, #tpu.memory_space<vmem_shared>>)
            tpu.yield
          }) : () -> ()
          %add3A_103 = arith.constant 2 : i32
          %add3A_104 = arith.addi %scan3A_50, %add3A_103 : i32
          %lt3A_105 = arith.constant 125 : i32
          %lt3A_106 = arith.cmpi slt, %add3A_104, %lt3A_105 : i32
          %convert_element_type3A_107 = arith.extui %lt3A_106 : i1 to i32
          %cond3A_108 = arith.constant 0 : i32
          %cond3A_109 = arith.cmpi ne, %convert_element_type3A_107, %cond3A_108 : i32
          scf.if %cond3A_109 {
            %add3A_110 = arith.constant 2 : i32
            %add3A_111 = arith.addi %scan3A_50, %add3A_110 : i32
            %mul3A_112 = arith.constant 80 : i32
            %mul3A_113 = arith.muli %add3A_111, %mul3A_112 : i32
            %add3A_114 = arith.addi %mul3A_2, %mul3A_113 : i32
            %multiple_of3A_115 = tpu.assume_multiple %add3A_114, 8 : i32
            %dma_start3A_116 = tpu.memref_slice %arg4[%multiple_of3A_115] : memref<160000xi32, #tpu.memory_space<hbm>> -> memref<80xi32, #tpu.memory_space<hbm>>
            %dma_start3A_117 = tpu.memref_slice %arg4[%multiple_of3A_115] : memref<160000xi32, #tpu.memory_space<hbm>> -> memref<80xi32, #tpu.memory_space<hbm>>
            tpu.enqueue_dma source(%dma_start3A_117 : memref<80xi32, #tpu.memory_space<hbm>>) target(%arg11 : memref<80xi32, #tpu.memory_space<vmem>>) target_semaphore(%arg17 : memref<!tpu.dma_semaphore, #tpu.memory_space<semaphore_mem>>)
            %dma_start3A_118 = tpu.memref_slice %arg5[%multiple_of3A_115] : memref<160000xi32, #tpu.memory_space<hbm>> -> memref<80xi32, #tpu.memory_space<hbm>>
            %dma_start3A_119 = tpu.memref_slice %arg5[%multiple_of3A_115] : memref<160000xi32, #tpu.memory_space<hbm>> -> memref<80xi32, #tpu.memory_space<hbm>>
            tpu.enqueue_dma source(%dma_start3A_119 : memref<80xi32, #tpu.memory_space<hbm>>) target(%arg13 : memref<80xi32, #tpu.memory_space<vmem>>) target_semaphore(%arg19 : memref<!tpu.dma_semaphore, #tpu.memory_space<semaphore_mem>>)
          } else {
          }
        } else {
        }
      }
      %scan3A_49 = arith.constant 125 : i32
    } else {
    }
    %barrier3A_12 = arith.constant 0 : index
    tpu.barrier barrier_id(%barrier3A_12)
    %eq3A_13 = arith.constant 0 : i32
    %eq3A_14 = arith.cmpi eq, %arg0, %eq3A_13 : i32
    %lt3A_15 = arith.constant 10 : i32
    %lt3A_16 = arith.cmpi slt, %arg1, %lt3A_15 : i32
    %and3A = arith.andi %eq3A_14, %lt3A_16 : i1
    %convert_element_type3A_17 = arith.extui %and3A : i1 to i32
    %cond3A_18 = arith.constant 0 : i32
    %cond3A_19 = arith.cmpi ne, %convert_element_type3A_17, %cond3A_18 : i32
    scf.if %cond3A_19 {
      %mul3A_28 = arith.constant 1000 : i32
      %mul3A_29 = arith.muli %arg1, %mul3A_28 : i32
      "tpu.region"() ({
        %run_scoped3A = tpu.sem_alloc : memref<!tpu.dma_semaphore, #tpu.memory_space<semaphore_mem>>
        %dma_start3A = arith.constant 0 : i32
        %dma_start3A_30 = tpu.memref_slice %arg7[%mul3A_29, %dma_start3A] : memref<10000x160xf32, #tpu.memory_space<hbm>> -> memref<1000x160xf32, #tpu.memory_space<hbm>>
        %dma_start3A_31 = arith.constant 0 : i32
        %dma_start3A_32 = tpu.memref_slice %arg9[%mul3A_29, %dma_start3A_31] : memref<10000x160xf32, #tpu.memory_space<vmem_shared>> -> memref<1000x160xf32, #tpu.memory_space<vmem_shared>>
        tpu.enqueue_dma source(%dma_start3A_32 : memref<1000x160xf32, #tpu.memory_space<vmem_shared>>) target(%dma_start3A_30 : memref<1000x160xf32, #tpu.memory_space<hbm>>) target_semaphore(%run_scoped3A : memref<!tpu.dma_semaphore, #tpu.memory_space<semaphore_mem>>)
        %dma_wait3A = arith.constant 0 : i32
        %dma_wait3A_33 = tpu.memref_slice %arg7[%mul3A_29, %dma_wait3A] : memref<10000x160xf32, #tpu.memory_space<hbm>> -> memref<1000x160xf32, #tpu.memory_space<hbm>>
        %dma_wait3A_34 = arith.constant 0 : i32
        %dma_wait3A_35 = tpu.memref_slice %arg9[%mul3A_29, %dma_wait3A_34] : memref<10000x160xf32, #tpu.memory_space<vmem_shared>> -> memref<1000x160xf32, #tpu.memory_space<vmem_shared>>
        tpu.wait_dma2 semaphore(%run_scoped3A : memref<!tpu.dma_semaphore, #tpu.memory_space<semaphore_mem>>) src(%dma_wait3A_35 : memref<1000x160xf32, #tpu.memory_space<vmem_shared>>) dst(%dma_wait3A_33 : memref<1000x160xf32, #tpu.memory_space<hbm>>)
        tpu.yield
      }) : () -> ()
    } else {
    }
    %eq3A_20 = arith.constant 1 : i32
    %eq3A_21 = arith.cmpi eq, %arg0, %eq3A_20 : i32
    %lt3A_22 = arith.constant 10 : i32
    %lt3A_23 = arith.cmpi slt, %arg1, %lt3A_22 : i32
    %and3A_24 = arith.andi %eq3A_21, %lt3A_23 : i1
    %convert_element_type3A_25 = arith.extui %and3A_24 : i1 to i32
    %cond3A_26 = arith.constant 0 : i32
    %cond3A_27 = arith.cmpi ne, %convert_element_type3A_25, %cond3A_26 : i32
    scf.if %cond3A_27 {
      %mul3A_28 = arith.constant 1000 : i32
      %mul3A_29 = arith.muli %arg1, %mul3A_28 : i32
      "tpu.region"() ({
        %run_scoped3A = tpu.sem_alloc : memref<!tpu.dma_semaphore, #tpu.memory_space<semaphore_mem>>
        %dma_start3A = arith.constant 0 : i32
        %dma_start3A_30 = tpu.memref_slice %arg8[%mul3A_29, %dma_start3A] : memref<10000x160xf32, #tpu.memory_space<hbm>> -> memref<1000x160xf32, #tpu.memory_space<hbm>>
        %dma_start3A_31 = arith.constant 0 : i32
        %dma_start3A_32 = tpu.memref_slice %arg9[%mul3A_29, %dma_start3A_31] : memref<10000x160xf32, #tpu.memory_space<vmem_shared>> -> memref<1000x160xf32, #tpu.memory_space<vmem_shared>>
        tpu.enqueue_dma source(%dma_start3A_32 : memref<1000x160xf32, #tpu.memory_space<vmem_shared>>) target(%dma_start3A_30 : memref<1000x160xf32, #tpu.memory_space<hbm>>) target_semaphore(%run_scoped3A : memref<!tpu.dma_semaphore, #tpu.memory_space<semaphore_mem>>)
        %dma_wait3A = arith.constant 0 : i32
        %dma_wait3A_33 = tpu.memref_slice %arg8[%mul3A_29, %dma_wait3A] : memref<10000x160xf32, #tpu.memory_space<hbm>> -> memref<1000x160xf32, #tpu.memory_space<hbm>>
        %dma_wait3A_34 = arith.constant 0 : i32
        %dma_wait3A_35 = tpu.memref_slice %arg9[%mul3A_29, %dma_wait3A_34] : memref<10000x160xf32, #tpu.memory_space<vmem_shared>> -> memref<1000x160xf32, #tpu.memory_space<vmem_shared>>
        tpu.wait_dma2 semaphore(%run_scoped3A : memref<!tpu.dma_semaphore, #tpu.memory_space<semaphore_mem>>) src(%dma_wait3A_35 : memref<1000x160xf32, #tpu.memory_space<vmem_shared>>) dst(%dma_wait3A_33 : memref<1000x160xf32, #tpu.memory_space<hbm>>)
        tpu.yield
      }) : () -> ()
    } else {
    }
    return
  }
}

#map = affine_map<(d0, d1) -> (0, 0)>
#map1 = affine_map<(d0, d1) -> (0)>
module attributes {stable_mosaic.version = 14 : i64} {
  func.func @_sc_aggregate_body(%arg0: i32, %arg1: i32, %arg2: memref<10000x160xf32, #tpu.memory_space<hbm>>, %arg3: memref<10000x160xf32, #tpu.memory_space<hbm>>, %arg4: memref<160000xi32, #tpu.memory_space<hbm>>, %arg5: memref<160000xi32, #tpu.memory_space<hbm>>, %arg6: memref<1000x160xf32, #tpu.memory_space<hbm>>, %arg7: memref<10000x160xf32, #tpu.memory_space<hbm>>, %arg8: memref<10000x160xf32, #tpu.memory_space<hbm>>, %arg9: memref<10000x160xf32, #tpu.memory_space<vmem_shared>>, %arg10: memref<80xi32, #tpu.memory_space<vmem>>, %arg11: memref<80xi32, #tpu.memory_space<vmem>>, %arg12: memref<80xi32, #tpu.memory_space<vmem>>, %arg13: memref<80xi32, #tpu.memory_space<vmem>>, %arg14: memref<80x160xf32, #tpu.memory_space<vmem>>, %arg15: memref<80x160xf32, #tpu.memory_space<vmem>>, %arg16: memref<!tpu.dma_semaphore, #tpu.memory_space<semaphore_mem>>, %arg17: memref<!tpu.dma_semaphore, #tpu.memory_space<semaphore_mem>>, %arg18: memref<!tpu.dma_semaphore, #tpu.memory_space<semaphore_mem>>, %arg19: memref<!tpu.dma_semaphore, #tpu.memory_space<semaphore_mem>>, %arg20: memref<!tpu.dma_semaphore, #tpu.memory_space<semaphore_mem>>, %arg21: memref<!tpu.dma_semaphore, #tpu.memory_space<semaphore_mem>>) attributes {dimension_semantics = [#tpu.dimension_semantics<core_parallel>, #tpu.dimension_semantics<subcore_parallel>], iteration_bounds = array<i64: 2, 16>, scalar_prefetch = 0 : i64, scratch_operands = 13 : i64, tpu.core_type = #tpu.core_type<sc_vector_subcore>, window_params = [{transform_indices = #map}, {transform_indices = #map}, {transform_indices = #map1}, {transform_indices = #map1}, {transform_indices = #map}, {transform_indices = #map}, {transform_indices = #map}]} {
    %lt3A = arith.constant 10 : i32
    %lt3A_0 = arith.cmpi slt, %arg1, %lt3A : i32
    %convert_element_type3A = arith.extui %lt3A_0 : i1 to i32
    %cond3A = arith.constant 0 : i32
    %cond3A_1 = arith.cmpi ne, %convert_element_type3A, %cond3A : i32
    scf.if %cond3A_1 {
      %mul3A_28 = arith.constant 1000 : i32
      %mul3A_29 = arith.muli %arg1, %mul3A_28 : i32
      "tpu.region"() ({
        %run_scoped3A = tpu.sem_alloc : memref<!tpu.dma_semaphore, #tpu.memory_space<semaphore_mem>>
        %dma_start3A = arith.constant 0 : i32
        %dma_start3A_30 = tpu.memref_slice %arg9[%mul3A_29, %dma_start3A] : memref<10000x160xf32, #tpu.memory_space<vmem_shared>> -> memref<1000x160xf32, #tpu.memory_space<vmem_shared>>
        tpu.enqueue_dma source(%arg6 : memref<1000x160xf32, #tpu.memory_space<hbm>>) target(%dma_start3A_30 : memref<1000x160xf32, #tpu.memory_space<vmem_shared>>) target_semaphore(%run_scoped3A : memref<!tpu.dma_semaphore, #tpu.memory_space<semaphore_mem>>)
        %dma_wait3A = arith.constant 0 : i32
        %dma_wait3A_31 = tpu.memref_slice %arg9[%mul3A_29, %dma_wait3A] : memref<10000x160xf32, #tpu.memory_space<vmem_shared>> -> memref<1000x160xf32, #tpu.memory_space<vmem_shared>>
        tpu.wait_dma2 semaphore(%run_scoped3A : memref<!tpu.dma_semaphore, #tpu.memory_space<semaphore_mem>>) src(%arg6 : memref<1000x160xf32, #tpu.memory_space<hbm>>) dst(%dma_wait3A_31 : memref<1000x160xf32, #tpu.memory_space<vmem_shared>>)
        tpu.yield
      }) : () -> ()
    } else {
    }
    %barrier3A = arith.constant 0 : index
    tpu.barrier barrier_id(%barrier3A)
    %mul3A = arith.constant 10000 : i32
    %mul3A_2 = arith.muli %arg1, %mul3A : i32
    %eq3A = arith.constant 0 : i32
    %eq3A_3 = arith.cmpi eq, %arg0, %eq3A : i32
    %convert_element_type3A_4 = arith.extui %eq3A_3 : i1 to i32
    %cond3A_5 = arith.constant 0 : i32
    %cond3A_6 = arith.cmpi ne, %convert_element_type3A_4, %cond3A_5 : i32
    scf.if %cond3A_6 {
      %add3A = arith.constant 0 : i32
      %add3A_28 = arith.addi %mul3A_2, %add3A : i32
      %multiple_of3A = tpu.assume_multiple %add3A_28, 8 : i32
      %dma_start3A = tpu.memref_slice %arg4[%multiple_of3A] : memref<160000xi32, #tpu.memory_space<hbm>> -> memref<80xi32, #tpu.memory_space<hbm>>
      %dma_start3A_29 = tpu.memref_slice %arg4[%multiple_of3A] : memref<160000xi32, #tpu.memory_space<hbm>> -> memref<80xi32, #tpu.memory_space<hbm>>
      tpu.enqueue_dma source(%dma_start3A_29 : memref<80xi32, #tpu.memory_space<hbm>>) target(%arg10 : memref<80xi32, #tpu.memory_space<vmem>>) target_semaphore(%arg16 : memref<!tpu.dma_semaphore, #tpu.memory_space<semaphore_mem>>)
      %dma_start3A_30 = tpu.memref_slice %arg5[%multiple_of3A] : memref<160000xi32, #tpu.memory_space<hbm>> -> memref<80xi32, #tpu.memory_space<hbm>>
      %dma_start3A_31 = tpu.memref_slice %arg5[%multiple_of3A] : memref<160000xi32, #tpu.memory_space<hbm>> -> memref<80xi32, #tpu.memory_space<hbm>>
      tpu.enqueue_dma source(%dma_start3A_31 : memref<80xi32, #tpu.memory_space<hbm>>) target(%arg12 : memref<80xi32, #tpu.memory_space<vmem>>) target_semaphore(%arg18 : memref<!tpu.dma_semaphore, #tpu.memory_space<semaphore_mem>>)
      %dma_wait3A = arith.constant 0 : i32
      %dma_wait3A_32 = tpu.memref_slice %arg4[%dma_wait3A] : memref<160000xi32, #tpu.memory_space<hbm>> -> memref<80xi32, #tpu.memory_space<hbm>>
      %dma_wait3A_33 = arith.constant 0 : i32
      %dma_wait3A_34 = tpu.memref_slice %arg4[%dma_wait3A_33] : memref<160000xi32, #tpu.memory_space<hbm>> -> memref<80xi32, #tpu.memory_space<hbm>>
      tpu.wait_dma2 semaphore(%arg16 : memref<!tpu.dma_semaphore, #tpu.memory_space<semaphore_mem>>) src(%dma_wait3A_34 : memref<80xi32, #tpu.memory_space<hbm>>) dst(%arg10 : memref<80xi32, #tpu.memory_space<vmem>>)
      %dma_start3A_35 = arith.constant 0 : i32
      %dma_start3A_36 = arith.constant 0 : i32
      %dma_start3A_37 = tpu.memref_slice %arg2[%dma_start3A_35, %dma_start3A_36] : memref<10000x160xf32, #tpu.memory_space<hbm>> -> memref<10000x160xf32, #tpu.memory_space<hbm>>
      tpu.enqueue_indirect_dma source(%dma_start3A_37 : memref<10000x160xf32, #tpu.memory_space<hbm>>) target(%arg14 : memref<80x160xf32, #tpu.memory_space<vmem>>) offsets(%arg10 : memref<80xi32, #tpu.memory_space<vmem>>) semaphore(%arg20 : memref<!tpu.dma_semaphore, #tpu.memory_space<semaphore_mem>>)
      %add3A_38 = arith.constant 80 : i32
      %add3A_39 = arith.addi %mul3A_2, %add3A_38 : i32
      %multiple_of3A_40 = tpu.assume_multiple %add3A_39, 8 : i32
      %dma_start3A_41 = tpu.memref_slice %arg4[%multiple_of3A_40] : memref<160000xi32, #tpu.memory_space<hbm>> -> memref<80xi32, #tpu.memory_space<hbm>>
      %dma_start3A_42 = tpu.memref_slice %arg4[%multiple_of3A_40] : memref<160000xi32, #tpu.memory_space<hbm>> -> memref<80xi32, #tpu.memory_space<hbm>>
      tpu.enqueue_dma source(%dma_start3A_42 : memref<80xi32, #tpu.memory_space<hbm>>) target(%arg11 : memref<80xi32, #tpu.memory_space<vmem>>) target_semaphore(%arg17 : memref<!tpu.dma_semaphore, #tpu.memory_space<semaphore_mem>>)
      %dma_start3A_43 = tpu.memref_slice %arg5[%multiple_of3A_40] : memref<160000xi32, #tpu.memory_space<hbm>> -> memref<80xi32, #tpu.memory_space<hbm>>
      %dma_start3A_44 = tpu.memref_slice %arg5[%multiple_of3A_40] : memref<160000xi32, #tpu.memory_space<hbm>> -> memref<80xi32, #tpu.memory_space<hbm>>
      tpu.enqueue_dma source(%dma_start3A_44 : memref<80xi32, #tpu.memory_space<hbm>>) target(%arg13 : memref<80xi32, #tpu.memory_space<vmem>>) target_semaphore(%arg19 : memref<!tpu.dma_semaphore, #tpu.memory_space<semaphore_mem>>)
      %scan3A = arith.constant 0 : i32
      %scan3A_45 = arith.constant 0 : i32
      %scan3A_46 = arith.constant 125 : i32
      %scan3A_47 = arith.addi %scan3A_45, %scan3A_46 : i32
      %scan3A_48 = arith.constant 1 : i32
      scf.for %scan3A_50 = %scan3A_45 to %scan3A_47 step %scan3A_48  : i32 {
        %jit3A = arith.constant 2 : i32
        %eq3A_51 = arith.constant 0 : i32
        %eq3A_52 = arith.cmpi eq, %jit3A, %eq3A_51 : i32
        %jit3A_53 = arith.constant 1 : i32
        %select_n3A = arith.select %eq3A_52, %jit3A_53, %jit3A : i32
        %rem3A = arith.remsi %scan3A_50, %select_n3A : i32
        %ne3A = arith.constant 0 : i32
        %ne3A_54 = arith.cmpi ne, %rem3A, %ne3A : i32
        %lt3A_55 = arith.constant 0 : i32
        %lt3A_56 = arith.cmpi slt, %rem3A, %lt3A_55 : i32
        %lt3A_57 = arith.constant 0 : i32
        %lt3A_58 = arith.cmpi slt, %select_n3A, %lt3A_57 : i32
        %ne3A_59 = arith.xori %lt3A_56, %lt3A_58 : i1
        %and3A_60 = arith.andi %ne3A_59, %ne3A_54 : i1
        %add3A_61 = arith.addi %rem3A, %select_n3A : i32
        %select_n3A_62 = arith.select %and3A_60, %add3A_61, %rem3A : i32
        %eq3A_63 = arith.constant 0 : i32
        %eq3A_64 = arith.cmpi eq, %select_n3A_62, %eq3A_63 : i32
        %convert_element_type3A_65 = arith.extui %eq3A_64 : i1 to i32
        %cond3A_66 = arith.constant 0 : i32
        %cond3A_67 = arith.cmpi ne, %convert_element_type3A_65, %cond3A_66 : i32
        scf.if %cond3A_67 {
          %add3A_89 = arith.constant 1 : i32
          %add3A_90 = arith.addi %scan3A_50, %add3A_89 : i32
          %lt3A_91 = arith.constant 125 : i32
          %lt3A_92 = arith.cmpi slt, %add3A_90, %lt3A_91 : i32
          %convert_element_type3A_93 = arith.extui %lt3A_92 : i1 to i32
          %cond3A_94 = arith.constant 0 : i32
          %cond3A_95 = arith.cmpi ne, %convert_element_type3A_93, %cond3A_94 : i32
          scf.if %cond3A_95 {
            %dma_wait3A_110 = arith.constant 0 : i32
            %dma_wait3A_111 = tpu.memref_slice %arg4[%dma_wait3A_110] : memref<160000xi32, #tpu.memory_space<hbm>> -> memref<80xi32, #tpu.memory_space<hbm>>
            %dma_wait3A_112 = arith.constant 0 : i32
            %dma_wait3A_113 = tpu.memref_slice %arg4[%dma_wait3A_112] : memref<160000xi32, #tpu.memory_space<hbm>> -> memref<80xi32, #tpu.memory_space<hbm>>
            tpu.wait_dma2 semaphore(%arg17 : memref<!tpu.dma_semaphore, #tpu.memory_space<semaphore_mem>>) src(%dma_wait3A_113 : memref<80xi32, #tpu.memory_space<hbm>>) dst(%arg11 : memref<80xi32, #tpu.memory_space<vmem>>)
            %dma_start3A_114 = arith.constant 0 : i32
            %dma_start3A_115 = arith.constant 0 : i32
            %dma_start3A_116 = tpu.memref_slice %arg2[%dma_start3A_114, %dma_start3A_115] : memref<10000x160xf32, #tpu.memory_space<hbm>> -> memref<10000x160xf32, #tpu.memory_space<hbm>>
            tpu.enqueue_indirect_dma source(%dma_start3A_116 : memref<10000x160xf32, #tpu.memory_space<hbm>>) target(%arg15 : memref<80x160xf32, #tpu.memory_space<vmem>>) offsets(%arg11 : memref<80xi32, #tpu.memory_space<vmem>>) semaphore(%arg21 : memref<!tpu.dma_semaphore, #tpu.memory_space<semaphore_mem>>)
          } else {
          }
          %dma_wait3A_96 = arith.constant 0 : i32
          %dma_wait3A_97 = arith.constant 0 : i32
          %dma_wait3A_98 = tpu.memref_slice %arg2[%dma_wait3A_96, %dma_wait3A_97] : memref<10000x160xf32, #tpu.memory_space<hbm>> -> memref<10000x160xf32, #tpu.memory_space<hbm>>
          tpu.wait_indirect_dma semaphore(%arg20 : memref<!tpu.dma_semaphore, #tpu.memory_space<semaphore_mem>>) src(%dma_wait3A_98 : memref<10000x160xf32, #tpu.memory_space<hbm>>) dst(%arg14 : memref<80x160xf32, #tpu.memory_space<vmem>>)
          %dma_wait3A_99 = arith.constant 0 : i32
          %dma_wait3A_100 = tpu.memref_slice %arg5[%dma_wait3A_99] : memref<160000xi32, #tpu.memory_space<hbm>> -> memref<80xi32, #tpu.memory_space<hbm>>
          %dma_wait3A_101 = arith.constant 0 : i32
          %dma_wait3A_102 = tpu.memref_slice %arg5[%dma_wait3A_101] : memref<160000xi32, #tpu.memory_space<hbm>> -> memref<80xi32, #tpu.memory_space<hbm>>
          tpu.wait_dma2 semaphore(%arg18 : memref<!tpu.dma_semaphore, #tpu.memory_space<semaphore_mem>>) src(%dma_wait3A_102 : memref<80xi32, #tpu.memory_space<hbm>>) dst(%arg12 : memref<80xi32, #tpu.memory_space<vmem>>)
          "tpu.region"() ({
            %run_scoped3A = tpu.sem_alloc : memref<!tpu.dma_semaphore, #tpu.memory_space<semaphore_mem>>
            %dma_start3A_110 = arith.constant 0 : i32
            %dma_start3A_111 = arith.constant 0 : i32
            %dma_start3A_112 = tpu.memref_slice %arg9[%dma_start3A_110, %dma_start3A_111] : memref<10000x160xf32, #tpu.memory_space<vmem_shared>> -> memref<10000x160xf32, #tpu.memory_space<vmem_shared>>
            tpu.enqueue_indirect_dma source(%arg14 : memref<80x160xf32, #tpu.memory_space<vmem>>) target(%dma_start3A_112 : memref<10000x160xf32, #tpu.memory_space<vmem_shared>>) offsets(%arg12 : memref<80xi32, #tpu.memory_space<vmem>>) semaphore(%run_scoped3A : memref<!tpu.dma_semaphore, #tpu.memory_space<semaphore_mem>>) {add = true}
            %dma_wait3A_113 = arith.constant 0 : i32
            %dma_wait3A_114 = arith.constant 0 : i32
            %dma_wait3A_115 = tpu.memref_slice %arg9[%dma_wait3A_113, %dma_wait3A_114] : memref<10000x160xf32, #tpu.memory_space<vmem_shared>> -> memref<10000x160xf32, #tpu.memory_space<vmem_shared>>
            tpu.wait_indirect_dma semaphore(%run_scoped3A : memref<!tpu.dma_semaphore, #tpu.memory_space<semaphore_mem>>) src(%arg14 : memref<80x160xf32, #tpu.memory_space<vmem>>) dst(%dma_wait3A_115 : memref<10000x160xf32, #tpu.memory_space<vmem_shared>>)
            tpu.yield
          }) : () -> ()
          %add3A_103 = arith.constant 2 : i32
          %add3A_104 = arith.addi %scan3A_50, %add3A_103 : i32
          %lt3A_105 = arith.constant 125 : i32
          %lt3A_106 = arith.cmpi slt, %add3A_104, %lt3A_105 : i32
          %convert_element_type3A_107 = arith.extui %lt3A_106 : i1 to i32
          %cond3A_108 = arith.constant 0 : i32
          %cond3A_109 = arith.cmpi ne, %convert_element_type3A_107, %cond3A_108 : i32
          scf.if %cond3A_109 {
            %add3A_110 = arith.constant 2 : i32
            %add3A_111 = arith.addi %scan3A_50, %add3A_110 : i32
            %mul3A_112 = arith.constant 80 : i32
            %mul3A_113 = arith.muli %add3A_111, %mul3A_112 : i32
            %add3A_114 = arith.addi %mul3A_2, %mul3A_113 : i32
            %multiple_of3A_115 = tpu.assume_multiple %add3A_114, 8 : i32
            %dma_start3A_116 = tpu.memref_slice %arg4[%multiple_of3A_115] : memref<160000xi32, #tpu.memory_space<hbm>> -> memref<80xi32, #tpu.memory_space<hbm>>
            %dma_start3A_117 = tpu.memref_slice %arg4[%multiple_of3A_115] : memref<160000xi32, #tpu.memory_space<hbm>> -> memref<80xi32, #tpu.memory_space<hbm>>
            tpu.enqueue_dma source(%dma_start3A_117 : memref<80xi32, #tpu.memory_space<hbm>>) target(%arg10 : memref<80xi32, #tpu.memory_space<vmem>>) target_semaphore(%arg16 : memref<!tpu.dma_semaphore, #tpu.memory_space<semaphore_mem>>)
            %dma_start3A_118 = tpu.memref_slice %arg5[%multiple_of3A_115] : memref<160000xi32, #tpu.memory_space<hbm>> -> memref<80xi32, #tpu.memory_space<hbm>>
            %dma_start3A_119 = tpu.memref_slice %arg5[%multiple_of3A_115] : memref<160000xi32, #tpu.memory_space<hbm>> -> memref<80xi32, #tpu.memory_space<hbm>>
            tpu.enqueue_dma source(%dma_start3A_119 : memref<80xi32, #tpu.memory_space<hbm>>) target(%arg12 : memref<80xi32, #tpu.memory_space<vmem>>) target_semaphore(%arg18 : memref<!tpu.dma_semaphore, #tpu.memory_space<semaphore_mem>>)
          } else {
          }
        } else {
        }
        %jit3A_68 = arith.constant 2 : i32
        %eq3A_69 = arith.constant 0 : i32
        %eq3A_70 = arith.cmpi eq, %jit3A_68, %eq3A_69 : i32
        %jit3A_71 = arith.constant 1 : i32
        %select_n3A_72 = arith.select %eq3A_70, %jit3A_71, %jit3A_68 : i32
        %rem3A_73 = arith.remsi %scan3A_50, %select_n3A_72 : i32
        %ne3A_74 = arith.constant 0 : i32
        %ne3A_75 = arith.cmpi ne, %rem3A_73, %ne3A_74 : i32
        %lt3A_76 = arith.constant 0 : i32
        %lt3A_77 = arith.cmpi slt, %rem3A_73, %lt3A_76 : i32
        %lt3A_78 = arith.constant 0 : i32
        %lt3A_79 = arith.cmpi slt, %select_n3A_72, %lt3A_78 : i32
        %ne3A_80 = arith.xori %lt3A_77, %lt3A_79 : i1
        %and3A_81 = arith.andi %ne3A_80, %ne3A_75 : i1
        %add3A_82 = arith.addi %rem3A_73, %select_n3A_72 : i32
        %select_n3A_83 = arith.select %and3A_81, %add3A_82, %rem3A_73 : i32
        %eq3A_84 = arith.constant 1 : i32
        %eq3A_85 = arith.cmpi eq, %select_n3A_83, %eq3A_84 : i32
        %convert_element_type3A_86 = arith.extui %eq3A_85 : i1 to i32
        %cond3A_87 = arith.constant 0 : i32
        %cond3A_88 = arith.cmpi ne, %convert_element_type3A_86, %cond3A_87 : i32
        scf.if %cond3A_88 {
          %add3A_89 = arith.constant 1 : i32
          %add3A_90 = arith.addi %scan3A_50, %add3A_89 : i32
          %lt3A_91 = arith.constant 125 : i32
          %lt3A_92 = arith.cmpi slt, %add3A_90, %lt3A_91 : i32
          %convert_element_type3A_93 = arith.extui %lt3A_92 : i1 to i32
          %cond3A_94 = arith.constant 0 : i32
          %cond3A_95 = arith.cmpi ne, %convert_element_type3A_93, %cond3A_94 : i32
          scf.if %cond3A_95 {
            %dma_wait3A_110 = arith.constant 0 : i32
            %dma_wait3A_111 = tpu.memref_slice %arg4[%dma_wait3A_110] : memref<160000xi32, #tpu.memory_space<hbm>> -> memref<80xi32, #tpu.memory_space<hbm>>
            %dma_wait3A_112 = arith.constant 0 : i32
            %dma_wait3A_113 = tpu.memref_slice %arg4[%dma_wait3A_112] : memref<160000xi32, #tpu.memory_space<hbm>> -> memref<80xi32, #tpu.memory_space<hbm>>
            tpu.wait_dma2 semaphore(%arg16 : memref<!tpu.dma_semaphore, #tpu.memory_space<semaphore_mem>>) src(%dma_wait3A_113 : memref<80xi32, #tpu.memory_space<hbm>>) dst(%arg10 : memref<80xi32, #tpu.memory_space<vmem>>)
            %dma_start3A_114 = arith.constant 0 : i32
            %dma_start3A_115 = arith.constant 0 : i32
            %dma_start3A_116 = tpu.memref_slice %arg2[%dma_start3A_114, %dma_start3A_115] : memref<10000x160xf32, #tpu.memory_space<hbm>> -> memref<10000x160xf32, #tpu.memory_space<hbm>>
            tpu.enqueue_indirect_dma source(%dma_start3A_116 : memref<10000x160xf32, #tpu.memory_space<hbm>>) target(%arg14 : memref<80x160xf32, #tpu.memory_space<vmem>>) offsets(%arg10 : memref<80xi32, #tpu.memory_space<vmem>>) semaphore(%arg20 : memref<!tpu.dma_semaphore, #tpu.memory_space<semaphore_mem>>)
          } else {
          }
          %dma_wait3A_96 = arith.constant 0 : i32
          %dma_wait3A_97 = arith.constant 0 : i32
          %dma_wait3A_98 = tpu.memref_slice %arg2[%dma_wait3A_96, %dma_wait3A_97] : memref<10000x160xf32, #tpu.memory_space<hbm>> -> memref<10000x160xf32, #tpu.memory_space<hbm>>
          tpu.wait_indirect_dma semaphore(%arg21 : memref<!tpu.dma_semaphore, #tpu.memory_space<semaphore_mem>>) src(%dma_wait3A_98 : memref<10000x160xf32, #tpu.memory_space<hbm>>) dst(%arg15 : memref<80x160xf32, #tpu.memory_space<vmem>>)
          %dma_wait3A_99 = arith.constant 0 : i32
          %dma_wait3A_100 = tpu.memref_slice %arg5[%dma_wait3A_99] : memref<160000xi32, #tpu.memory_space<hbm>> -> memref<80xi32, #tpu.memory_space<hbm>>
          %dma_wait3A_101 = arith.constant 0 : i32
          %dma_wait3A_102 = tpu.memref_slice %arg5[%dma_wait3A_101] : memref<160000xi32, #tpu.memory_space<hbm>> -> memref<80xi32, #tpu.memory_space<hbm>>
          tpu.wait_dma2 semaphore(%arg19 : memref<!tpu.dma_semaphore, #tpu.memory_space<semaphore_mem>>) src(%dma_wait3A_102 : memref<80xi32, #tpu.memory_space<hbm>>) dst(%arg13 : memref<80xi32, #tpu.memory_space<vmem>>)
          "tpu.region"() ({
            %run_scoped3A = tpu.sem_alloc : memref<!tpu.dma_semaphore, #tpu.memory_space<semaphore_mem>>
            %dma_start3A_110 = arith.constant 0 : i32
            %dma_start3A_111 = arith.constant 0 : i32
            %dma_start3A_112 = tpu.memref_slice %arg9[%dma_start3A_110, %dma_start3A_111] : memref<10000x160xf32, #tpu.memory_space<vmem_shared>> -> memref<10000x160xf32, #tpu.memory_space<vmem_shared>>
            tpu.enqueue_indirect_dma source(%arg15 : memref<80x160xf32, #tpu.memory_space<vmem>>) target(%dma_start3A_112 : memref<10000x160xf32, #tpu.memory_space<vmem_shared>>) offsets(%arg13 : memref<80xi32, #tpu.memory_space<vmem>>) semaphore(%run_scoped3A : memref<!tpu.dma_semaphore, #tpu.memory_space<semaphore_mem>>) {add = true}
            %dma_wait3A_113 = arith.constant 0 : i32
            %dma_wait3A_114 = arith.constant 0 : i32
            %dma_wait3A_115 = tpu.memref_slice %arg9[%dma_wait3A_113, %dma_wait3A_114] : memref<10000x160xf32, #tpu.memory_space<vmem_shared>> -> memref<10000x160xf32, #tpu.memory_space<vmem_shared>>
            tpu.wait_indirect_dma semaphore(%run_scoped3A : memref<!tpu.dma_semaphore, #tpu.memory_space<semaphore_mem>>) src(%arg15 : memref<80x160xf32, #tpu.memory_space<vmem>>) dst(%dma_wait3A_115 : memref<10000x160xf32, #tpu.memory_space<vmem_shared>>)
            tpu.yield
          }) : () -> ()
          %add3A_103 = arith.constant 2 : i32
          %add3A_104 = arith.addi %scan3A_50, %add3A_103 : i32
          %lt3A_105 = arith.constant 125 : i32
          %lt3A_106 = arith.cmpi slt, %add3A_104, %lt3A_105 : i32
          %convert_element_type3A_107 = arith.extui %lt3A_106 : i1 to i32
          %cond3A_108 = arith.constant 0 : i32
          %cond3A_109 = arith.cmpi ne, %convert_element_type3A_107, %cond3A_108 : i32
          scf.if %cond3A_109 {
            %add3A_110 = arith.constant 2 : i32
            %add3A_111 = arith.addi %scan3A_50, %add3A_110 : i32
            %mul3A_112 = arith.constant 80 : i32
            %mul3A_113 = arith.muli %add3A_111, %mul3A_112 : i32
            %add3A_114 = arith.addi %mul3A_2, %mul3A_113 : i32
            %multiple_of3A_115 = tpu.assume_multiple %add3A_114, 8 : i32
            %dma_start3A_116 = tpu.memref_slice %arg4[%multiple_of3A_115] : memref<160000xi32, #tpu.memory_space<hbm>> -> memref<80xi32, #tpu.memory_space<hbm>>
            %dma_start3A_117 = tpu.memref_slice %arg4[%multiple_of3A_115] : memref<160000xi32, #tpu.memory_space<hbm>> -> memref<80xi32, #tpu.memory_space<hbm>>
            tpu.enqueue_dma source(%dma_start3A_117 : memref<80xi32, #tpu.memory_space<hbm>>) target(%arg11 : memref<80xi32, #tpu.memory_space<vmem>>) target_semaphore(%arg17 : memref<!tpu.dma_semaphore, #tpu.memory_space<semaphore_mem>>)
            %dma_start3A_118 = tpu.memref_slice %arg5[%multiple_of3A_115] : memref<160000xi32, #tpu.memory_space<hbm>> -> memref<80xi32, #tpu.memory_space<hbm>>
            %dma_start3A_119 = tpu.memref_slice %arg5[%multiple_of3A_115] : memref<160000xi32, #tpu.memory_space<hbm>> -> memref<80xi32, #tpu.memory_space<hbm>>
            tpu.enqueue_dma source(%dma_start3A_119 : memref<80xi32, #tpu.memory_space<hbm>>) target(%arg13 : memref<80xi32, #tpu.memory_space<vmem>>) target_semaphore(%arg19 : memref<!tpu.dma_semaphore, #tpu.memory_space<semaphore_mem>>)
          } else {
          }
        } else {
        }
      }
      %scan3A_49 = arith.constant 125 : i32
    } else {
    }
    %eq3A_7 = arith.constant 1 : i32
    %eq3A_8 = arith.cmpi eq, %arg0, %eq3A_7 : i32
    %convert_element_type3A_9 = arith.extui %eq3A_8 : i1 to i32
    %cond3A_10 = arith.constant 0 : i32
    %cond3A_11 = arith.cmpi ne, %convert_element_type3A_9, %cond3A_10 : i32
    scf.if %cond3A_11 {
      %add3A = arith.constant 0 : i32
      %add3A_28 = arith.addi %mul3A_2, %add3A : i32
      %multiple_of3A = tpu.assume_multiple %add3A_28, 8 : i32
      %dma_start3A = tpu.memref_slice %arg4[%multiple_of3A] : memref<160000xi32, #tpu.memory_space<hbm>> -> memref<80xi32, #tpu.memory_space<hbm>>
      %dma_start3A_29 = tpu.memref_slice %arg4[%multiple_of3A] : memref<160000xi32, #tpu.memory_space<hbm>> -> memref<80xi32, #tpu.memory_space<hbm>>
      tpu.enqueue_dma source(%dma_start3A_29 : memref<80xi32, #tpu.memory_space<hbm>>) target(%arg10 : memref<80xi32, #tpu.memory_space<vmem>>) target_semaphore(%arg16 : memref<!tpu.dma_semaphore, #tpu.memory_space<semaphore_mem>>)
      %dma_start3A_30 = tpu.memref_slice %arg5[%multiple_of3A] : memref<160000xi32, #tpu.memory_space<hbm>> -> memref<80xi32, #tpu.memory_space<hbm>>
      %dma_start3A_31 = tpu.memref_slice %arg5[%multiple_of3A] : memref<160000xi32, #tpu.memory_space<hbm>> -> memref<80xi32, #tpu.memory_space<hbm>>
      tpu.enqueue_dma source(%dma_start3A_31 : memref<80xi32, #tpu.memory_space<hbm>>) target(%arg12 : memref<80xi32, #tpu.memory_space<vmem>>) target_semaphore(%arg18 : memref<!tpu.dma_semaphore, #tpu.memory_space<semaphore_mem>>)
      %dma_wait3A = arith.constant 0 : i32
      %dma_wait3A_32 = tpu.memref_slice %arg4[%dma_wait3A] : memref<160000xi32, #tpu.memory_space<hbm>> -> memref<80xi32, #tpu.memory_space<hbm>>
      %dma_wait3A_33 = arith.constant 0 : i32
      %dma_wait3A_34 = tpu.memref_slice %arg4[%dma_wait3A_33] : memref<160000xi32, #tpu.memory_space<hbm>> -> memref<80xi32, #tpu.memory_space<hbm>>
      tpu.wait_dma2 semaphore(%arg16 : memref<!tpu.dma_semaphore, #tpu.memory_space<semaphore_mem>>) src(%dma_wait3A_34 : memref<80xi32, #tpu.memory_space<hbm>>) dst(%arg10 : memref<80xi32, #tpu.memory_space<vmem>>)
      %dma_start3A_35 = arith.constant 0 : i32
      %dma_start3A_36 = arith.constant 0 : i32
      %dma_start3A_37 = tpu.memref_slice %arg3[%dma_start3A_35, %dma_start3A_36] : memref<10000x160xf32, #tpu.memory_space<hbm>> -> memref<10000x160xf32, #tpu.memory_space<hbm>>
      tpu.enqueue_indirect_dma source(%dma_start3A_37 : memref<10000x160xf32, #tpu.memory_space<hbm>>) target(%arg14 : memref<80x160xf32, #tpu.memory_space<vmem>>) offsets(%arg10 : memref<80xi32, #tpu.memory_space<vmem>>) semaphore(%arg20 : memref<!tpu.dma_semaphore, #tpu.memory_space<semaphore_mem>>)
      %add3A_38 = arith.constant 80 : i32
      %add3A_39 = arith.addi %mul3A_2, %add3A_38 : i32
      %multiple_of3A_40 = tpu.assume_multiple %add3A_39, 8 : i32
      %dma_start3A_41 = tpu.memref_slice %arg4[%multiple_of3A_40] : memref<160000xi32, #tpu.memory_space<hbm>> -> memref<80xi32, #tpu.memory_space<hbm>>
      %dma_start3A_42 = tpu.memref_slice %arg4[%multiple_of3A_40] : memref<160000xi32, #tpu.memory_space<hbm>> -> memref<80xi32, #tpu.memory_space<hbm>>
      tpu.enqueue_dma source(%dma_start3A_42 : memref<80xi32, #tpu.memory_space<hbm>>) target(%arg11 : memref<80xi32, #tpu.memory_space<vmem>>) target_semaphore(%arg17 : memref<!tpu.dma_semaphore, #tpu.memory_space<semaphore_mem>>)
      %dma_start3A_43 = tpu.memref_slice %arg5[%multiple_of3A_40] : memref<160000xi32, #tpu.memory_space<hbm>> -> memref<80xi32, #tpu.memory_space<hbm>>
      %dma_start3A_44 = tpu.memref_slice %arg5[%multiple_of3A_40] : memref<160000xi32, #tpu.memory_space<hbm>> -> memref<80xi32, #tpu.memory_space<hbm>>
      tpu.enqueue_dma source(%dma_start3A_44 : memref<80xi32, #tpu.memory_space<hbm>>) target(%arg13 : memref<80xi32, #tpu.memory_space<vmem>>) target_semaphore(%arg19 : memref<!tpu.dma_semaphore, #tpu.memory_space<semaphore_mem>>)
      %scan3A = arith.constant 0 : i32
      %scan3A_45 = arith.constant 0 : i32
      %scan3A_46 = arith.constant 125 : i32
      %scan3A_47 = arith.addi %scan3A_45, %scan3A_46 : i32
      %scan3A_48 = arith.constant 1 : i32
      scf.for %scan3A_50 = %scan3A_45 to %scan3A_47 step %scan3A_48  : i32 {
        %jit3A = arith.constant 2 : i32
        %eq3A_51 = arith.constant 0 : i32
        %eq3A_52 = arith.cmpi eq, %jit3A, %eq3A_51 : i32
        %jit3A_53 = arith.constant 1 : i32
        %select_n3A = arith.select %eq3A_52, %jit3A_53, %jit3A : i32
        %rem3A = arith.remsi %scan3A_50, %select_n3A : i32
        %ne3A = arith.constant 0 : i32
        %ne3A_54 = arith.cmpi ne, %rem3A, %ne3A : i32
        %lt3A_55 = arith.constant 0 : i32
        %lt3A_56 = arith.cmpi slt, %rem3A, %lt3A_55 : i32
        %lt3A_57 = arith.constant 0 : i32
        %lt3A_58 = arith.cmpi slt, %select_n3A, %lt3A_57 : i32
        %ne3A_59 = arith.xori %lt3A_56, %lt3A_58 : i1
        %and3A_60 = arith.andi %ne3A_59, %ne3A_54 : i1
        %add3A_61 = arith.addi %rem3A, %select_n3A : i32
        %select_n3A_62 = arith.select %and3A_60, %add3A_61, %rem3A : i32
        %eq3A_63 = arith.constant 0 : i32
        %eq3A_64 = arith.cmpi eq, %select_n3A_62, %eq3A_63 : i32
        %convert_element_type3A_65 = arith.extui %eq3A_64 : i1 to i32
        %cond3A_66 = arith.constant 0 : i32
        %cond3A_67 = arith.cmpi ne, %convert_element_type3A_65, %cond3A_66 : i32
        scf.if %cond3A_67 {
          %add3A_89 = arith.constant 1 : i32
          %add3A_90 = arith.addi %scan3A_50, %add3A_89 : i32
          %lt3A_91 = arith.constant 125 : i32
          %lt3A_92 = arith.cmpi slt, %add3A_90, %lt3A_91 : i32
          %convert_element_type3A_93 = arith.extui %lt3A_92 : i1 to i32
          %cond3A_94 = arith.constant 0 : i32
          %cond3A_95 = arith.cmpi ne, %convert_element_type3A_93, %cond3A_94 : i32
          scf.if %cond3A_95 {
            %dma_wait3A_110 = arith.constant 0 : i32
            %dma_wait3A_111 = tpu.memref_slice %arg4[%dma_wait3A_110] : memref<160000xi32, #tpu.memory_space<hbm>> -> memref<80xi32, #tpu.memory_space<hbm>>
            %dma_wait3A_112 = arith.constant 0 : i32
            %dma_wait3A_113 = tpu.memref_slice %arg4[%dma_wait3A_112] : memref<160000xi32, #tpu.memory_space<hbm>> -> memref<80xi32, #tpu.memory_space<hbm>>
            tpu.wait_dma2 semaphore(%arg17 : memref<!tpu.dma_semaphore, #tpu.memory_space<semaphore_mem>>) src(%dma_wait3A_113 : memref<80xi32, #tpu.memory_space<hbm>>) dst(%arg11 : memref<80xi32, #tpu.memory_space<vmem>>)
            %dma_start3A_114 = arith.constant 0 : i32
            %dma_start3A_115 = arith.constant 0 : i32
            %dma_start3A_116 = tpu.memref_slice %arg3[%dma_start3A_114, %dma_start3A_115] : memref<10000x160xf32, #tpu.memory_space<hbm>> -> memref<10000x160xf32, #tpu.memory_space<hbm>>
            tpu.enqueue_indirect_dma source(%dma_start3A_116 : memref<10000x160xf32, #tpu.memory_space<hbm>>) target(%arg15 : memref<80x160xf32, #tpu.memory_space<vmem>>) offsets(%arg11 : memref<80xi32, #tpu.memory_space<vmem>>) semaphore(%arg21 : memref<!tpu.dma_semaphore, #tpu.memory_space<semaphore_mem>>)
          } else {
          }
          %dma_wait3A_96 = arith.constant 0 : i32
          %dma_wait3A_97 = arith.constant 0 : i32
          %dma_wait3A_98 = tpu.memref_slice %arg3[%dma_wait3A_96, %dma_wait3A_97] : memref<10000x160xf32, #tpu.memory_space<hbm>> -> memref<10000x160xf32, #tpu.memory_space<hbm>>
          tpu.wait_indirect_dma semaphore(%arg20 : memref<!tpu.dma_semaphore, #tpu.memory_space<semaphore_mem>>) src(%dma_wait3A_98 : memref<10000x160xf32, #tpu.memory_space<hbm>>) dst(%arg14 : memref<80x160xf32, #tpu.memory_space<vmem>>)
          %dma_wait3A_99 = arith.constant 0 : i32
          %dma_wait3A_100 = tpu.memref_slice %arg5[%dma_wait3A_99] : memref<160000xi32, #tpu.memory_space<hbm>> -> memref<80xi32, #tpu.memory_space<hbm>>
          %dma_wait3A_101 = arith.constant 0 : i32
          %dma_wait3A_102 = tpu.memref_slice %arg5[%dma_wait3A_101] : memref<160000xi32, #tpu.memory_space<hbm>> -> memref<80xi32, #tpu.memory_space<hbm>>
          tpu.wait_dma2 semaphore(%arg18 : memref<!tpu.dma_semaphore, #tpu.memory_space<semaphore_mem>>) src(%dma_wait3A_102 : memref<80xi32, #tpu.memory_space<hbm>>) dst(%arg12 : memref<80xi32, #tpu.memory_space<vmem>>)
          "tpu.region"() ({
            %run_scoped3A = tpu.sem_alloc : memref<!tpu.dma_semaphore, #tpu.memory_space<semaphore_mem>>
            %dma_start3A_110 = arith.constant 0 : i32
            %dma_start3A_111 = arith.constant 0 : i32
            %dma_start3A_112 = tpu.memref_slice %arg9[%dma_start3A_110, %dma_start3A_111] : memref<10000x160xf32, #tpu.memory_space<vmem_shared>> -> memref<10000x160xf32, #tpu.memory_space<vmem_shared>>
            tpu.enqueue_indirect_dma source(%arg14 : memref<80x160xf32, #tpu.memory_space<vmem>>) target(%dma_start3A_112 : memref<10000x160xf32, #tpu.memory_space<vmem_shared>>) offsets(%arg12 : memref<80xi32, #tpu.memory_space<vmem>>) semaphore(%run_scoped3A : memref<!tpu.dma_semaphore, #tpu.memory_space<semaphore_mem>>) {add = true}
            %dma_wait3A_113 = arith.constant 0 : i32
            %dma_wait3A_114 = arith.constant 0 : i32
            %dma_wait3A_115 = tpu.memref_slice %arg9[%dma_wait3A_113, %dma_wait3A_114] : memref<10000x160xf32, #tpu.memory_space<vmem_shared>> -> memref<10000x160xf32, #tpu.memory_space<vmem_shared>>
            tpu.wait_indirect_dma semaphore(%run_scoped3A : memref<!tpu.dma_semaphore, #tpu.memory_space<semaphore_mem>>) src(%arg14 : memref<80x160xf32, #tpu.memory_space<vmem>>) dst(%dma_wait3A_115 : memref<10000x160xf32, #tpu.memory_space<vmem_shared>>)
            tpu.yield
          }) : () -> ()
          %add3A_103 = arith.constant 2 : i32
          %add3A_104 = arith.addi %scan3A_50, %add3A_103 : i32
          %lt3A_105 = arith.constant 125 : i32
          %lt3A_106 = arith.cmpi slt, %add3A_104, %lt3A_105 : i32
          %convert_element_type3A_107 = arith.extui %lt3A_106 : i1 to i32
          %cond3A_108 = arith.constant 0 : i32
          %cond3A_109 = arith.cmpi ne, %convert_element_type3A_107, %cond3A_108 : i32
          scf.if %cond3A_109 {
            %add3A_110 = arith.constant 2 : i32
            %add3A_111 = arith.addi %scan3A_50, %add3A_110 : i32
            %mul3A_112 = arith.constant 80 : i32
            %mul3A_113 = arith.muli %add3A_111, %mul3A_112 : i32
            %add3A_114 = arith.addi %mul3A_2, %mul3A_113 : i32
            %multiple_of3A_115 = tpu.assume_multiple %add3A_114, 8 : i32
            %dma_start3A_116 = tpu.memref_slice %arg4[%multiple_of3A_115] : memref<160000xi32, #tpu.memory_space<hbm>> -> memref<80xi32, #tpu.memory_space<hbm>>
            %dma_start3A_117 = tpu.memref_slice %arg4[%multiple_of3A_115] : memref<160000xi32, #tpu.memory_space<hbm>> -> memref<80xi32, #tpu.memory_space<hbm>>
            tpu.enqueue_dma source(%dma_start3A_117 : memref<80xi32, #tpu.memory_space<hbm>>) target(%arg10 : memref<80xi32, #tpu.memory_space<vmem>>) target_semaphore(%arg16 : memref<!tpu.dma_semaphore, #tpu.memory_space<semaphore_mem>>)
            %dma_start3A_118 = tpu.memref_slice %arg5[%multiple_of3A_115] : memref<160000xi32, #tpu.memory_space<hbm>> -> memref<80xi32, #tpu.memory_space<hbm>>
            %dma_start3A_119 = tpu.memref_slice %arg5[%multiple_of3A_115] : memref<160000xi32, #tpu.memory_space<hbm>> -> memref<80xi32, #tpu.memory_space<hbm>>
            tpu.enqueue_dma source(%dma_start3A_119 : memref<80xi32, #tpu.memory_space<hbm>>) target(%arg12 : memref<80xi32, #tpu.memory_space<vmem>>) target_semaphore(%arg18 : memref<!tpu.dma_semaphore, #tpu.memory_space<semaphore_mem>>)
          } else {
          }
        } else {
        }
        %jit3A_68 = arith.constant 2 : i32
        %eq3A_69 = arith.constant 0 : i32
        %eq3A_70 = arith.cmpi eq, %jit3A_68, %eq3A_69 : i32
        %jit3A_71 = arith.constant 1 : i32
        %select_n3A_72 = arith.select %eq3A_70, %jit3A_71, %jit3A_68 : i32
        %rem3A_73 = arith.remsi %scan3A_50, %select_n3A_72 : i32
        %ne3A_74 = arith.constant 0 : i32
        %ne3A_75 = arith.cmpi ne, %rem3A_73, %ne3A_74 : i32
        %lt3A_76 = arith.constant 0 : i32
        %lt3A_77 = arith.cmpi slt, %rem3A_73, %lt3A_76 : i32
        %lt3A_78 = arith.constant 0 : i32
        %lt3A_79 = arith.cmpi slt, %select_n3A_72, %lt3A_78 : i32
        %ne3A_80 = arith.xori %lt3A_77, %lt3A_79 : i1
        %and3A_81 = arith.andi %ne3A_80, %ne3A_75 : i1
        %add3A_82 = arith.addi %rem3A_73, %select_n3A_72 : i32
        %select_n3A_83 = arith.select %and3A_81, %add3A_82, %rem3A_73 : i32
        %eq3A_84 = arith.constant 1 : i32
        %eq3A_85 = arith.cmpi eq, %select_n3A_83, %eq3A_84 : i32
        %convert_element_type3A_86 = arith.extui %eq3A_85 : i1 to i32
        %cond3A_87 = arith.constant 0 : i32
        %cond3A_88 = arith.cmpi ne, %convert_element_type3A_86, %cond3A_87 : i32
        scf.if %cond3A_88 {
          %add3A_89 = arith.constant 1 : i32
          %add3A_90 = arith.addi %scan3A_50, %add3A_89 : i32
          %lt3A_91 = arith.constant 125 : i32
          %lt3A_92 = arith.cmpi slt, %add3A_90, %lt3A_91 : i32
          %convert_element_type3A_93 = arith.extui %lt3A_92 : i1 to i32
          %cond3A_94 = arith.constant 0 : i32
          %cond3A_95 = arith.cmpi ne, %convert_element_type3A_93, %cond3A_94 : i32
          scf.if %cond3A_95 {
            %dma_wait3A_110 = arith.constant 0 : i32
            %dma_wait3A_111 = tpu.memref_slice %arg4[%dma_wait3A_110] : memref<160000xi32, #tpu.memory_space<hbm>> -> memref<80xi32, #tpu.memory_space<hbm>>
            %dma_wait3A_112 = arith.constant 0 : i32
            %dma_wait3A_113 = tpu.memref_slice %arg4[%dma_wait3A_112] : memref<160000xi32, #tpu.memory_space<hbm>> -> memref<80xi32, #tpu.memory_space<hbm>>
            tpu.wait_dma2 semaphore(%arg16 : memref<!tpu.dma_semaphore, #tpu.memory_space<semaphore_mem>>) src(%dma_wait3A_113 : memref<80xi32, #tpu.memory_space<hbm>>) dst(%arg10 : memref<80xi32, #tpu.memory_space<vmem>>)
            %dma_start3A_114 = arith.constant 0 : i32
            %dma_start3A_115 = arith.constant 0 : i32
            %dma_start3A_116 = tpu.memref_slice %arg3[%dma_start3A_114, %dma_start3A_115] : memref<10000x160xf32, #tpu.memory_space<hbm>> -> memref<10000x160xf32, #tpu.memory_space<hbm>>
            tpu.enqueue_indirect_dma source(%dma_start3A_116 : memref<10000x160xf32, #tpu.memory_space<hbm>>) target(%arg14 : memref<80x160xf32, #tpu.memory_space<vmem>>) offsets(%arg10 : memref<80xi32, #tpu.memory_space<vmem>>) semaphore(%arg20 : memref<!tpu.dma_semaphore, #tpu.memory_space<semaphore_mem>>)
          } else {
          }
          %dma_wait3A_96 = arith.constant 0 : i32
          %dma_wait3A_97 = arith.constant 0 : i32
          %dma_wait3A_98 = tpu.memref_slice %arg3[%dma_wait3A_96, %dma_wait3A_97] : memref<10000x160xf32, #tpu.memory_space<hbm>> -> memref<10000x160xf32, #tpu.memory_space<hbm>>
          tpu.wait_indirect_dma semaphore(%arg21 : memref<!tpu.dma_semaphore, #tpu.memory_space<semaphore_mem>>) src(%dma_wait3A_98 : memref<10000x160xf32, #tpu.memory_space<hbm>>) dst(%arg15 : memref<80x160xf32, #tpu.memory_space<vmem>>)
          %dma_wait3A_99 = arith.constant 0 : i32
          %dma_wait3A_100 = tpu.memref_slice %arg5[%dma_wait3A_99] : memref<160000xi32, #tpu.memory_space<hbm>> -> memref<80xi32, #tpu.memory_space<hbm>>
          %dma_wait3A_101 = arith.constant 0 : i32
          %dma_wait3A_102 = tpu.memref_slice %arg5[%dma_wait3A_101] : memref<160000xi32, #tpu.memory_space<hbm>> -> memref<80xi32, #tpu.memory_space<hbm>>
          tpu.wait_dma2 semaphore(%arg19 : memref<!tpu.dma_semaphore, #tpu.memory_space<semaphore_mem>>) src(%dma_wait3A_102 : memref<80xi32, #tpu.memory_space<hbm>>) dst(%arg13 : memref<80xi32, #tpu.memory_space<vmem>>)
          "tpu.region"() ({
            %run_scoped3A = tpu.sem_alloc : memref<!tpu.dma_semaphore, #tpu.memory_space<semaphore_mem>>
            %dma_start3A_110 = arith.constant 0 : i32
            %dma_start3A_111 = arith.constant 0 : i32
            %dma_start3A_112 = tpu.memref_slice %arg9[%dma_start3A_110, %dma_start3A_111] : memref<10000x160xf32, #tpu.memory_space<vmem_shared>> -> memref<10000x160xf32, #tpu.memory_space<vmem_shared>>
            tpu.enqueue_indirect_dma source(%arg15 : memref<80x160xf32, #tpu.memory_space<vmem>>) target(%dma_start3A_112 : memref<10000x160xf32, #tpu.memory_space<vmem_shared>>) offsets(%arg13 : memref<80xi32, #tpu.memory_space<vmem>>) semaphore(%run_scoped3A : memref<!tpu.dma_semaphore, #tpu.memory_space<semaphore_mem>>) {add = true}
            %dma_wait3A_113 = arith.constant 0 : i32
            %dma_wait3A_114 = arith.constant 0 : i32
            %dma_wait3A_115 = tpu.memref_slice %arg9[%dma_wait3A_113, %dma_wait3A_114] : memref<10000x160xf32, #tpu.memory_space<vmem_shared>> -> memref<10000x160xf32, #tpu.memory_space<vmem_shared>>
            tpu.wait_indirect_dma semaphore(%run_scoped3A : memref<!tpu.dma_semaphore, #tpu.memory_space<semaphore_mem>>) src(%arg15 : memref<80x160xf32, #tpu.memory_space<vmem>>) dst(%dma_wait3A_115 : memref<10000x160xf32, #tpu.memory_space<vmem_shared>>)
            tpu.yield
          }) : () -> ()
          %add3A_103 = arith.constant 2 : i32
          %add3A_104 = arith.addi %scan3A_50, %add3A_103 : i32
          %lt3A_105 = arith.constant 125 : i32
          %lt3A_106 = arith.cmpi slt, %add3A_104, %lt3A_105 : i32
          %convert_element_type3A_107 = arith.extui %lt3A_106 : i1 to i32
          %cond3A_108 = arith.constant 0 : i32
          %cond3A_109 = arith.cmpi ne, %convert_element_type3A_107, %cond3A_108 : i32
          scf.if %cond3A_109 {
            %add3A_110 = arith.constant 2 : i32
            %add3A_111 = arith.addi %scan3A_50, %add3A_110 : i32
            %mul3A_112 = arith.constant 80 : i32
            %mul3A_113 = arith.muli %add3A_111, %mul3A_112 : i32
            %add3A_114 = arith.addi %mul3A_2, %mul3A_113 : i32
            %multiple_of3A_115 = tpu.assume_multiple %add3A_114, 8 : i32
            %dma_start3A_116 = tpu.memref_slice %arg4[%multiple_of3A_115] : memref<160000xi32, #tpu.memory_space<hbm>> -> memref<80xi32, #tpu.memory_space<hbm>>
            %dma_start3A_117 = tpu.memref_slice %arg4[%multiple_of3A_115] : memref<160000xi32, #tpu.memory_space<hbm>> -> memref<80xi32, #tpu.memory_space<hbm>>
            tpu.enqueue_dma source(%dma_start3A_117 : memref<80xi32, #tpu.memory_space<hbm>>) target(%arg11 : memref<80xi32, #tpu.memory_space<vmem>>) target_semaphore(%arg17 : memref<!tpu.dma_semaphore, #tpu.memory_space<semaphore_mem>>)
            %dma_start3A_118 = tpu.memref_slice %arg5[%multiple_of3A_115] : memref<160000xi32, #tpu.memory_space<hbm>> -> memref<80xi32, #tpu.memory_space<hbm>>
            %dma_start3A_119 = tpu.memref_slice %arg5[%multiple_of3A_115] : memref<160000xi32, #tpu.memory_space<hbm>> -> memref<80xi32, #tpu.memory_space<hbm>>
            tpu.enqueue_dma source(%dma_start3A_119 : memref<80xi32, #tpu.memory_space<hbm>>) target(%arg13 : memref<80xi32, #tpu.memory_space<vmem>>) target_semaphore(%arg19 : memref<!tpu.dma_semaphore, #tpu.memory_space<semaphore_mem>>)
          } else {
          }
        } else {
        }
      }
      %scan3A_49 = arith.constant 125 : i32
    } else {
    }
    %barrier3A_12 = arith.constant 0 : index
    tpu.barrier barrier_id(%barrier3A_12)
    %eq3A_13 = arith.constant 0 : i32
    %eq3A_14 = arith.cmpi eq, %arg0, %eq3A_13 : i32
    %lt3A_15 = arith.constant 10 : i32
    %lt3A_16 = arith.cmpi slt, %arg1, %lt3A_15 : i32
    %and3A = arith.andi %eq3A_14, %lt3A_16 : i1
    %convert_element_type3A_17 = arith.extui %and3A : i1 to i32
    %cond3A_18 = arith.constant 0 : i32
    %cond3A_19 = arith.cmpi ne, %convert_element_type3A_17, %cond3A_18 : i32
    scf.if %cond3A_19 {
      %mul3A_28 = arith.constant 1000 : i32
      %mul3A_29 = arith.muli %arg1, %mul3A_28 : i32
      "tpu.region"() ({
        %run_scoped3A = tpu.sem_alloc : memref<!tpu.dma_semaphore, #tpu.memory_space<semaphore_mem>>
        %dma_start3A = arith.constant 0 : i32
        %dma_start3A_30 = tpu.memref_slice %arg7[%mul3A_29, %dma_start3A] : memref<10000x160xf32, #tpu.memory_space<hbm>> -> memref<1000x160xf32, #tpu.memory_space<hbm>>
        %dma_start3A_31 = arith.constant 0 : i32
        %dma_start3A_32 = tpu.memref_slice %arg9[%mul3A_29, %dma_start3A_31] : memref<10000x160xf32, #tpu.memory_space<vmem_shared>> -> memref<1000x160xf32, #tpu.memory_space<vmem_shared>>
        tpu.enqueue_dma source(%dma_start3A_32 : memref<1000x160xf32, #tpu.memory_space<vmem_shared>>) target(%dma_start3A_30 : memref<1000x160xf32, #tpu.memory_space<hbm>>) target_semaphore(%run_scoped3A : memref<!tpu.dma_semaphore, #tpu.memory_space<semaphore_mem>>)
        %dma_wait3A = arith.constant 0 : i32
        %dma_wait3A_33 = tpu.memref_slice %arg7[%mul3A_29, %dma_wait3A] : memref<10000x160xf32, #tpu.memory_space<hbm>> -> memref<1000x160xf32, #tpu.memory_space<hbm>>
        %dma_wait3A_34 = arith.constant 0 : i32
        %dma_wait3A_35 = tpu.memref_slice %arg9[%mul3A_29, %dma_wait3A_34] : memref<10000x160xf32, #tpu.memory_space<vmem_shared>> -> memref<1000x160xf32, #tpu.memory_space<vmem_shared>>
        tpu.wait_dma2 semaphore(%run_scoped3A : memref<!tpu.dma_semaphore, #tpu.memory_space<semaphore_mem>>) src(%dma_wait3A_35 : memref<1000x160xf32, #tpu.memory_space<vmem_shared>>) dst(%dma_wait3A_33 : memref<1000x160xf32, #tpu.memory_space<hbm>>)
        tpu.yield
      }) : () -> ()
    } else {
    }
    %eq3A_20 = arith.constant 1 : i32
    %eq3A_21 = arith.cmpi eq, %arg0, %eq3A_20 : i32
    %lt3A_22 = arith.constant 10 : i32
    %lt3A_23 = arith.cmpi slt, %arg1, %lt3A_22 : i32
    %and3A_24 = arith.andi %eq3A_21, %lt3A_23 : i1
    %convert_element_type3A_25 = arith.extui %and3A_24 : i1 to i32
    %cond3A_26 = arith.constant 0 : i32
    %cond3A_27 = arith.cmpi ne, %convert_element_type3A_25, %cond3A_26 : i32
    scf.if %cond3A_27 {
      %mul3A_28 = arith.constant 1000 : i32
      %mul3A_29 = arith.muli %arg1, %mul3A_28 : i32
      "tpu.region"() ({
        %run_scoped3A = tpu.sem_alloc : memref<!tpu.dma_semaphore, #tpu.memory_space<semaphore_mem>>
        %dma_start3A = arith.constant 0 : i32
        %dma_start3A_30 = tpu.memref_slice %arg8[%mul3A_29, %dma_start3A] : memref<10000x160xf32, #tpu.memory_space<hbm>> -> memref<1000x160xf32, #tpu.memory_space<hbm>>
        %dma_start3A_31 = arith.constant 0 : i32
        %dma_start3A_32 = tpu.memref_slice %arg9[%mul3A_29, %dma_start3A_31] : memref<10000x160xf32, #tpu.memory_space<vmem_shared>> -> memref<1000x160xf32, #tpu.memory_space<vmem_shared>>
        tpu.enqueue_dma source(%dma_start3A_32 : memref<1000x160xf32, #tpu.memory_space<vmem_shared>>) target(%dma_start3A_30 : memref<1000x160xf32, #tpu.memory_space<hbm>>) target_semaphore(%run_scoped3A : memref<!tpu.dma_semaphore, #tpu.memory_space<semaphore_mem>>)
        %dma_wait3A = arith.constant 0 : i32
        %dma_wait3A_33 = tpu.memref_slice %arg8[%mul3A_29, %dma_wait3A] : memref<10000x160xf32, #tpu.memory_space<hbm>> -> memref<1000x160xf32, #tpu.memory_space<hbm>>
        %dma_wait3A_34 = arith.constant 0 : i32
        %dma_wait3A_35 = tpu.memref_slice %arg9[%mul3A_29, %dma_wait3A_34] : memref<10000x160xf32, #tpu.memory_space<vmem_shared>> -> memref<1000x160xf32, #tpu.memory_space<vmem_shared>>
        tpu.wait_dma2 semaphore(%run_scoped3A : memref<!tpu.dma_semaphore, #tpu.memory_space<semaphore_mem>>) src(%dma_wait3A_35 : memref<1000x160xf32, #tpu.memory_space<vmem_shared>>) dst(%dma_wait3A_33 : memref<1000x160xf32, #tpu.memory_space<hbm>>)
        tpu.yield
      }) : () -> ()
    } else {
    }
    return
  }
}

module attributes {stable_mosaic.version = 14 : i64} {
  func.func @_tc_mlp_body(%arg0: i32, %arg1: memref<2000x160xf32, #tpu.memory_space<vmem>>, %arg2: memref<2000x160xf32, #tpu.memory_space<vmem>>, %arg3: memref<2000x16xf32, #tpu.memory_space<vmem>>, %arg4: memref<2000x16xf32, #tpu.memory_space<vmem>>, %arg5: memref<2x300xf32, #tpu.memory_space<vmem>>, %arg6: memref<1x300xf32, #tpu.memory_space<vmem>>, %arg7: memref<1x300xf32, #tpu.memory_space<vmem>>, %arg8: memref<300x600xf32, #tpu.memory_space<vmem>>, %arg9: memref<1x600xf32, #tpu.memory_space<vmem>>, %arg10: memref<600x300xf32, #tpu.memory_space<vmem>>, %arg11: memref<1x300xf32, #tpu.memory_space<vmem>>, %arg12: memref<2000x160xf32, #tpu.memory_space<vmem>>, %arg13: memref<2000x160xf32, #tpu.memory_space<vmem>>, %arg14: memref<2x300xf32, #tpu.memory_space<vmem>>) attributes {dimension_semantics = [#tpu.dimension_semantics<arbitrary>], iteration_bounds = array<i64: 5>, scalar_prefetch = 0 : i64, scratch_operands = 0 : i64, tpu.core_type = #tpu.core_type<tc>, window_params = [{transform_indices = @transform_0, window_bounds = array<i64: 2000, 160>}, {transform_indices = @transform_1, window_bounds = array<i64: 2000, 160>}, {transform_indices = @transform_2, window_bounds = array<i64: 2000, 16>}, {transform_indices = @transform_3, window_bounds = array<i64: 2000, 16>}, {pipeline_mode = #tpu.pipeline_mode<synchronous>, transform_indices = @transform_4, window_bounds = array<i64: 2, 300>}, {pipeline_mode = #tpu.pipeline_mode<synchronous>, transform_indices = @transform_5, window_bounds = array<i64: 1, 300>}, {pipeline_mode = #tpu.pipeline_mode<synchronous>, transform_indices = @transform_6, window_bounds = array<i64: 1, 300>}, {pipeline_mode = #tpu.pipeline_mode<synchronous>, transform_indices = @transform_7, window_bounds = array<i64: 300, 600>}, {pipeline_mode = #tpu.pipeline_mode<synchronous>, transform_indices = @transform_8, window_bounds = array<i64: 1, 600>}, {pipeline_mode = #tpu.pipeline_mode<synchronous>, transform_indices = @transform_9, window_bounds = array<i64: 600, 300>}, {pipeline_mode = #tpu.pipeline_mode<synchronous>, transform_indices = @transform_10, window_bounds = array<i64: 1, 300>}, {transform_indices = @transform_11, window_bounds = array<i64: 2000, 160>}, {transform_indices = @transform_12, window_bounds = array<i64: 2000, 160>}, {pipeline_mode = #tpu.pipeline_mode<synchronous>, transform_indices = @transform_13, window_bounds = array<i64: 2, 300>}]} {
    %get3A = arith.constant 0 : index
    %get3A_0 = arith.constant 0 : index
    %get3A_1 = vector.load %arg5[%get3A, %get3A_0] : memref<2x300xf32, #tpu.memory_space<vmem>>, vector<1x300xf32>
    %mul3A = arith.constant 9.99999974E-5 : f32
    %mul3A_2 = vector.broadcast %mul3A : f32 to vector<1x300xf32>
    %mul3A_3 = arith.mulf %get3A_1, %mul3A_2 : vector<1x300xf32>
    %get3A_4 = arith.constant 1 : index
    %get3A_5 = arith.constant 0 : index
    %get3A_6 = vector.load %arg5[%get3A_4, %get3A_5] : memref<2x300xf32, #tpu.memory_space<vmem>>, vector<1x300xf32>
    %mul3A_7 = arith.constant 9.99999974E-5 : f32
    %mul3A_8 = vector.broadcast %mul3A_7 : f32 to vector<1x300xf32>
    %mul3A_9 = arith.mulf %get3A_6, %mul3A_8 : vector<1x300xf32>
    %mul3A_10 = arith.mulf %mul3A_3, %mul3A_3 : vector<1x300xf32>
    %sub3A = arith.subf %mul3A_9, %mul3A_10 : vector<1x300xf32>
    %get3A_11 = arith.constant 0 : index
    %get3A_12 = arith.constant 0 : index
    %get3A_13 = vector.load %arg6[%get3A_11, %get3A_12] : memref<1x300xf32, #tpu.memory_space<vmem>>, vector<1x300xf32>
    %add3A = arith.constant 9.99999974E-6 : f32
    %add3A_14 = vector.broadcast %add3A : f32 to vector<1x300xf32>
    %add3A_15 = arith.addf %sub3A, %add3A_14 : vector<1x300xf32>
    %rsqrt3A = math.rsqrt %add3A_15 : vector<1x300xf32>
    %mul3A_16 = arith.mulf %get3A_13, %rsqrt3A : vector<1x300xf32>
    %get3A_17 = arith.constant 0 : index
    %get3A_18 = arith.constant 0 : index
    %get3A_19 = vector.load %arg7[%get3A_17, %get3A_18] : memref<1x300xf32, #tpu.memory_space<vmem>>, vector<1x300xf32>
    %mul3A_20 = arith.mulf %mul3A_3, %mul3A_16 : vector<1x300xf32>
    %sub3A_21 = arith.subf %get3A_19, %mul3A_20 : vector<1x300xf32>
    %get3A_22 = arith.constant 0 : index
    %get3A_23 = arith.constant 0 : index
    %get3A_24 = vector.load %arg3[%get3A_22, %get3A_23] : memref<2000x16xf32, #tpu.memory_space<vmem>>, vector<2000x1xf32>
    %get3A_25 = arith.constant 0 : index
    %get3A_26 = arith.constant 0 : index
    %get3A_27 = vector.load %arg4[%get3A_25, %get3A_26] : memref<2000x16xf32, #tpu.memory_space<vmem>>, vector<2000x1xf32>
    %add3A_28 = arith.addf %get3A_24, %get3A_27 : vector<2000x1xf32>
    %get3A_29 = arith.constant 0 : index
    %get3A_30 = arith.constant 1 : index
    %get3A_31 = vector.load %arg3[%get3A_29, %get3A_30] : memref<2000x16xf32, #tpu.memory_space<vmem>>, vector<2000x1xf32>
    %get3A_32 = arith.constant 0 : index
    %get3A_33 = arith.constant 1 : index
    %get3A_34 = vector.load %arg4[%get3A_32, %get3A_33] : memref<2000x16xf32, #tpu.memory_space<vmem>>, vector<2000x1xf32>
    %add3A_35 = arith.addf %get3A_31, %get3A_34 : vector<2000x1xf32>
    %get3A_36 = arith.constant 0 : index
    %get3A_37 = arith.constant 0 : index
    %get3A_38 = vector.load %arg1[%get3A_36, %get3A_37] : memref<2000x160xf32, #tpu.memory_space<vmem>>, vector<2000x160xf32>
    %slice3A = vector.extract_strided_slice %get3A_38 {offsets = [0, 0], sizes = [2000, 150], strides = [1, 1]} : vector<2000x160xf32> to vector<2000x150xf32>
    %get3A_39 = arith.constant 0 : index
    %get3A_40 = arith.constant 0 : index
    %get3A_41 = vector.load %arg2[%get3A_39, %get3A_40] : memref<2000x160xf32, #tpu.memory_space<vmem>>, vector<2000x160xf32>
    %slice3A_42 = vector.extract_strided_slice %get3A_41 {offsets = [0, 0], sizes = [2000, 150], strides = [1, 1]} : vector<2000x160xf32> to vector<2000x150xf32>
    %concatenate3A = tpu.concatenate %slice3A, %slice3A_42 in 1 : vector<2000x150xf32>, vector<2000x150xf32> -> vector<2000x300xf32>
    %mul3A_43 = vector.broadcast %mul3A_16 : vector<1x300xf32> to vector<2000x300xf32>
    %mul3A_44 = arith.mulf %concatenate3A, %mul3A_43 : vector<2000x300xf32>
    %mul3A_45 = vector.broadcast %add3A_35 : vector<2000x1xf32> to vector<2000x300xf32>
    %mul3A_46 = vector.broadcast %sub3A_21 : vector<1x300xf32> to vector<2000x300xf32>
    %mul3A_47 = arith.mulf %mul3A_45, %mul3A_46 : vector<2000x300xf32>
    %add3A_48 = arith.addf %mul3A_44, %mul3A_47 : vector<2000x300xf32>
    %add3A_49 = vector.broadcast %add3A_28 : vector<2000x1xf32> to vector<2000x300xf32>
    %add3A_50 = arith.addf %add3A_48, %add3A_49 : vector<2000x300xf32>
    %get3A_51 = arith.constant 0 : index
    %get3A_52 = arith.constant 0 : index
    %get3A_53 = vector.load %arg8[%get3A_51, %get3A_52] : memref<300x600xf32, #tpu.memory_space<vmem>>, vector<300x600xf32>
    %dot_general3A = arith.constant dense<0.000000e+00> : vector<2000x600xf32>
    %dot_general3A_54 = tpu.matmul %add3A_50, %get3A_53, %dot_general3A {dimension_numbers = #tpu.dot_dimension_numbers<[1], [0], [0], [1], [0, 0, 1, 1], [], []>, transpose_lhs_hint = false} : vector<2000x300xf32>, vector<300x600xf32>, vector<2000x600xf32> -> vector<2000x600xf32>
    %get3A_55 = arith.constant 0 : index
    %get3A_56 = arith.constant 0 : index
    %get3A_57 = vector.load %arg9[%get3A_55, %get3A_56] : memref<1x600xf32, #tpu.memory_space<vmem>>, vector<1x600xf32>
    %add3A_58 = vector.broadcast %get3A_57 : vector<1x600xf32> to vector<2000x600xf32>
    %add3A_59 = arith.addf %dot_general3A_54, %add3A_58 : vector<2000x600xf32>
    %max3A = arith.constant 0.000000e+00 : f32
    %max3A_60 = vector.broadcast %max3A : f32 to vector<2000x600xf32>
    %max3A_61 = arith.maximumf %add3A_59, %max3A_60 : vector<2000x600xf32>
    %get3A_62 = arith.constant 0 : index
    %get3A_63 = arith.constant 0 : index
    %get3A_64 = vector.load %arg10[%get3A_62, %get3A_63] : memref<600x300xf32, #tpu.memory_space<vmem>>, vector<600x300xf32>
    %dot_general3A_65 = arith.constant dense<0.000000e+00> : vector<2000x300xf32>
    %dot_general3A_66 = tpu.matmul %max3A_61, %get3A_64, %dot_general3A_65 {dimension_numbers = #tpu.dot_dimension_numbers<[1], [0], [0], [1], [0, 0, 1, 1], [], []>, transpose_lhs_hint = false} : vector<2000x600xf32>, vector<600x300xf32>, vector<2000x300xf32> -> vector<2000x300xf32>
    %get3A_67 = arith.constant 0 : index
    %get3A_68 = arith.constant 0 : index
    %get3A_69 = vector.load %arg11[%get3A_67, %get3A_68] : memref<1x300xf32, #tpu.memory_space<vmem>>, vector<1x300xf32>
    %add3A_70 = vector.broadcast %get3A_69 : vector<1x300xf32> to vector<2000x300xf32>
    %add3A_71 = arith.addf %dot_general3A_66, %add3A_70 : vector<2000x300xf32>
    %broadcast_in_dim3A = arith.constant 0.000000e+00 : f32
    %broadcast_in_dim3A_72 = vector.broadcast %broadcast_in_dim3A : f32 to vector<2000x10xf32>
    %slice3A_73 = vector.extract_strided_slice %add3A_71 {offsets = [0, 0], sizes = [2000, 150], strides = [1, 1]} : vector<2000x300xf32> to vector<2000x150xf32>
    %concatenate3A_74 = tpu.concatenate %slice3A_73, %broadcast_in_dim3A_72 in 1 : vector<2000x150xf32>, vector<2000x10xf32> -> vector<2000x160xf32>
    %swap3A = arith.constant 0 : index
    %swap3A_75 = arith.constant 0 : index
    %swap3A_76 = vector.load %arg12[%swap3A, %swap3A_75] : memref<2000x160xf32, #tpu.memory_space<vmem>>, vector<2000x160xf32>
    tpu.vector_store %arg12[%swap3A, %swap3A_75], %concatenate3A_74 {strides = array<i32>} : memref<2000x160xf32, #tpu.memory_space<vmem>>, vector<2000x160xf32>,
    %slice3A_77 = vector.extract_strided_slice %add3A_71 {offsets = [0, 150], sizes = [2000, 150], strides = [1, 1]} : vector<2000x300xf32> to vector<2000x150xf32>
    %concatenate3A_78 = tpu.concatenate %slice3A_77, %broadcast_in_dim3A_72 in 1 : vector<2000x150xf32>, vector<2000x10xf32> -> vector<2000x160xf32>
    %swap3A_79 = arith.constant 0 : index
    %swap3A_80 = arith.constant 0 : index
    %swap3A_81 = vector.load %arg13[%swap3A_79, %swap3A_80] : memref<2000x160xf32, #tpu.memory_space<vmem>>, vector<2000x160xf32>
    tpu.vector_store %arg13[%swap3A_79, %swap3A_80], %concatenate3A_78 {strides = array<i32>} : memref<2000x160xf32, #tpu.memory_space<vmem>>, vector<2000x160xf32>,
    %eq3A = arith.constant 0 : i32
    %eq3A_82 = arith.cmpi eq, %arg0, %eq3A : i32
    %convert_element_type3A = arith.extui %eq3A_82 : i1 to i32
    %cond3A = arith.constant 0 : i32
    %cond3A_83 = arith.cmpi ne, %convert_element_type3A, %cond3A : i32
    scf.if %cond3A_83 {
      %broadcast_in_dim3A_104 = arith.constant 0.000000e+00 : f32
      %broadcast_in_dim3A_105 = vector.broadcast %broadcast_in_dim3A_104 : f32 to vector<2x300xf32>
      %swap3A_106 = arith.constant 0 : index
      %swap3A_107 = arith.constant 0 : index
      %swap3A_108 = vector.load %arg14[%swap3A_106, %swap3A_107] : memref<2x300xf32, #tpu.memory_space<vmem>>, vector<2x300xf32>
      tpu.vector_store %arg14[%swap3A_106, %swap3A_107], %broadcast_in_dim3A_105 {strides = array<i32>} : memref<2x300xf32, #tpu.memory_space<vmem>>, vector<2x300xf32>,
    } else {
    }
    %get3A_84 = arith.constant 0 : index
    %get3A_85 = arith.constant 0 : index
    %get3A_86 = vector.load %arg14[%get3A_84, %get3A_85] : memref<2x300xf32, #tpu.memory_space<vmem>>, vector<1x300xf32>
    %reduce_sum3A = arith.constant dense<0.000000e+00> : vector<300xf32>
    %reduce_sum3A_87 = vector.multi_reduction <add>, %add3A_71, %reduce_sum3A [0] : vector<2000x300xf32> to vector<300xf32>
    %broadcast_in_dim3A_88 = vector.shape_cast %reduce_sum3A_87 : vector<300xf32> to vector<1x300xf32>
    %add3A_89 = arith.addf %get3A_86, %broadcast_in_dim3A_88 : vector<1x300xf32>
    %swap3A_90 = arith.constant 0 : index
    %swap3A_91 = arith.constant 0 : index
    %swap3A_92 = vector.load %arg14[%swap3A_90, %swap3A_91] : memref<2x300xf32, #tpu.memory_space<vmem>>, vector<1x300xf32>
    tpu.vector_store %arg14[%swap3A_90, %swap3A_91], %add3A_89 {strides = array<i32>} : memref<2x300xf32, #tpu.memory_space<vmem>>, vector<1x300xf32>,
    %get3A_93 = arith.constant 1 : index
    %get3A_94 = arith.constant 0 : index
    %get3A_95 = vector.load %arg14[%get3A_93, %get3A_94] : memref<2x300xf32, #tpu.memory_space<vmem>>, vector<1x300xf32>
    %mul3A_96 = arith.mulf %add3A_71, %add3A_71 : vector<2000x300xf32>
    %reduce_sum3A_97 = arith.constant dense<0.000000e+00> : vector<300xf32>
    %reduce_sum3A_98 = vector.multi_reduction <add>, %mul3A_96, %reduce_sum3A_97 [0] : vector<2000x300xf32> to vector<300xf32>
    %broadcast_in_dim3A_99 = vector.shape_cast %reduce_sum3A_98 : vector<300xf32> to vector<1x300xf32>
    %add3A_100 = arith.addf %get3A_95, %broadcast_in_dim3A_99 : vector<1x300xf32>
    %swap3A_101 = arith.constant 1 : index
    %swap3A_102 = arith.constant 0 : index
    %swap3A_103 = vector.load %arg14[%swap3A_101, %swap3A_102] : memref<2x300xf32, #tpu.memory_space<vmem>>, vector<1x300xf32>
    tpu.vector_store %arg14[%swap3A_101, %swap3A_102], %add3A_100 {strides = array<i32>} : memref<2x300xf32, #tpu.memory_space<vmem>>, vector<1x300xf32>,
    return
  }
  func.func @transform_0(%arg0: i32) -> (i32, i32) {
    %c0_i32 = arith.constant 0 : i32
    %c0_i32_0 = arith.constant 0 : i32
    return %arg0, %c0_i32 : i32, i32
  }
  func.func @transform_1(%arg0: i32) -> (i32, i32) {
    %c0_i32 = arith.constant 0 : i32
    %c0_i32_0 = arith.constant 0 : i32
    return %arg0, %c0_i32 : i32, i32
  }
  func.func @transform_2(%arg0: i32) -> (i32, i32) {
    %c0_i32 = arith.constant 0 : i32
    %c0_i32_0 = arith.constant 0 : i32
    return %arg0, %c0_i32 : i32, i32
  }
  func.func @transform_3(%arg0: i32) -> (i32, i32) {
    %c0_i32 = arith.constant 0 : i32
    %c0_i32_0 = arith.constant 0 : i32
    return %arg0, %c0_i32 : i32, i32
  }
  func.func @transform_4(%arg0: i32) -> (i32, i32) {
    %c0_i32 = arith.constant 0 : i32
    %c0_i32_0 = arith.constant 0 : i32
    %c0_i32_1 = arith.constant 0 : i32
    return %c0_i32, %c0_i32_0 : i32, i32
  }
  func.func @transform_5(%arg0: i32) -> (i32, i32) {
    %c0_i32 = arith.constant 0 : i32
    %c0_i32_0 = arith.constant 0 : i32
    %c0_i32_1 = arith.constant 0 : i32
    return %c0_i32, %c0_i32_0 : i32, i32
  }
  func.func @transform_6(%arg0: i32) -> (i32, i32) {
    %c0_i32 = arith.constant 0 : i32
    %c0_i32_0 = arith.constant 0 : i32
    %c0_i32_1 = arith.constant 0 : i32
    return %c0_i32, %c0_i32_0 : i32, i32
  }
  func.func @transform_7(%arg0: i32) -> (i32, i32) {
    %c0_i32 = arith.constant 0 : i32
    %c0_i32_0 = arith.constant 0 : i32
    %c0_i32_1 = arith.constant 0 : i32
    return %c0_i32, %c0_i32_0 : i32, i32
  }
  func.func @transform_8(%arg0: i32) -> (i32, i32) {
    %c0_i32 = arith.constant 0 : i32
    %c0_i32_0 = arith.constant 0 : i32
    %c0_i32_1 = arith.constant 0 : i32
    return %c0_i32, %c0_i32_0 : i32, i32
  }
  func.func @transform_9(%arg0: i32) -> (i32, i32) {
    %c0_i32 = arith.constant 0 : i32
    %c0_i32_0 = arith.constant 0 : i32
    %c0_i32_1 = arith.constant 0 : i32
    return %c0_i32, %c0_i32_0 : i32, i32
  }
  func.func @transform_10(%arg0: i32) -> (i32, i32) {
    %c0_i32 = arith.constant 0 : i32
    %c0_i32_0 = arith.constant 0 : i32
    %c0_i32_1 = arith.constant 0 : i32
    return %c0_i32, %c0_i32_0 : i32, i32
  }
  func.func @transform_11(%arg0: i32) -> (i32, i32) {
    %c0_i32 = arith.constant 0 : i32
    %c0_i32_0 = arith.constant 0 : i32
    return %arg0, %c0_i32 : i32, i32
  }
  func.func @transform_12(%arg0: i32) -> (i32, i32) {
    %c0_i32 = arith.constant 0 : i32
    %c0_i32_0 = arith.constant 0 : i32
    return %arg0, %c0_i32 : i32, i32
  }
  func.func @transform_13(%arg0: i32) -> (i32, i32) {
    %c0_i32 = arith.constant 0 : i32
    %c0_i32_0 = arith.constant 0 : i32
    %c0_i32_1 = arith.constant 0 : i32
    return %c0_i32, %c0_i32_0 : i32, i32
  }
}

module attributes {stable_mosaic.version = 14 : i64} {
  func.func @_tc_mlp_final_body(%arg0: i32, %arg1: memref<2000x160xf32, #tpu.memory_space<vmem>>, %arg2: memref<2000x160xf32, #tpu.memory_space<vmem>>, %arg3: memref<2000x16xf32, #tpu.memory_space<vmem>>, %arg4: memref<2000x16xf32, #tpu.memory_space<vmem>>, %arg5: memref<2x300xf32, #tpu.memory_space<vmem>>, %arg6: memref<1x300xf32, #tpu.memory_space<vmem>>, %arg7: memref<1x300xf32, #tpu.memory_space<vmem>>, %arg8: memref<300x600xf32, #tpu.memory_space<vmem>>, %arg9: memref<1x600xf32, #tpu.memory_space<vmem>>, %arg10: memref<600x300xf32, #tpu.memory_space<vmem>>, %arg11: memref<1x300xf32, #tpu.memory_space<vmem>>, %arg12: memref<1x300xf32, #tpu.memory_space<vmem>>, %arg13: memref<1x300xf32, #tpu.memory_space<vmem>>, %arg14: memref<2000x1xf32, #tpu.memory_space<vmem>>, %arg15: memref<300x64xf32, #tpu.memory_space<vmem>>, %arg16: memref<1x64xf32, #tpu.memory_space<vmem>>, %arg17: memref<2000x160xf32, #tpu.memory_space<vmem>>, %arg18: memref<2000x160xf32, #tpu.memory_space<vmem>>, %arg19: memref<2x300xf32, #tpu.memory_space<vmem>>, %arg20: memref<64x64xf32, #tpu.memory_space<vmem>>, %arg21: memref<64x150xf32, #tpu.memory_space<vmem>>, %arg22: memref<64x150xf32, #tpu.memory_space<vmem>>, %arg23: memref<64x1xf32, #tpu.memory_space<vmem>>) attributes {dimension_semantics = [#tpu.dimension_semantics<arbitrary>], iteration_bounds = array<i64: 5>, scalar_prefetch = 0 : i64, scratch_operands = 3 : i64, tpu.core_type = #tpu.core_type<tc>, window_params = [{transform_indices = @transform_0, window_bounds = array<i64: 2000, 160>}, {transform_indices = @transform_1, window_bounds = array<i64: 2000, 160>}, {transform_indices = @transform_2, window_bounds = array<i64: 2000, 16>}, {transform_indices = @transform_3, window_bounds = array<i64: 2000, 16>}, {pipeline_mode = #tpu.pipeline_mode<synchronous>, transform_indices = @transform_4, window_bounds = array<i64: 2, 300>}, {pipeline_mode = #tpu.pipeline_mode<synchronous>, transform_indices = @transform_5, window_bounds = array<i64: 1, 300>}, {pipeline_mode = #tpu.pipeline_mode<synchronous>, transform_indices = @transform_6, window_bounds = array<i64: 1, 300>}, {pipeline_mode = #tpu.pipeline_mode<synchronous>, transform_indices = @transform_7, window_bounds = array<i64: 300, 600>}, {pipeline_mode = #tpu.pipeline_mode<synchronous>, transform_indices = @transform_8, window_bounds = array<i64: 1, 600>}, {pipeline_mode = #tpu.pipeline_mode<synchronous>, transform_indices = @transform_9, window_bounds = array<i64: 600, 300>}, {pipeline_mode = #tpu.pipeline_mode<synchronous>, transform_indices = @transform_10, window_bounds = array<i64: 1, 300>}, {pipeline_mode = #tpu.pipeline_mode<synchronous>, transform_indices = @transform_11, window_bounds = array<i64: 1, 300>}, {pipeline_mode = #tpu.pipeline_mode<synchronous>, transform_indices = @transform_12, window_bounds = array<i64: 1, 300>}, {transform_indices = @transform_13, window_bounds = array<i64: 2000, 1>}, {pipeline_mode = #tpu.pipeline_mode<synchronous>, transform_indices = @transform_14, window_bounds = array<i64: 300, 64>}, {pipeline_mode = #tpu.pipeline_mode<synchronous>, transform_indices = @transform_15, window_bounds = array<i64: 1, 64>}, {transform_indices = @transform_16, window_bounds = array<i64: 2000, 160>}, {transform_indices = @transform_17, window_bounds = array<i64: 2000, 160>}, {pipeline_mode = #tpu.pipeline_mode<synchronous>, transform_indices = @transform_18, window_bounds = array<i64: 2, 300>}, {pipeline_mode = #tpu.pipeline_mode<synchronous>, transform_indices = @transform_19, window_bounds = array<i64: 64, 64>}]} {
    %get3A = arith.constant 0 : index
    %get3A_0 = arith.constant 0 : index
    %get3A_1 = vector.load %arg5[%get3A, %get3A_0] : memref<2x300xf32, #tpu.memory_space<vmem>>, vector<1x300xf32>
    %mul3A = arith.constant 9.99999974E-5 : f32
    %mul3A_2 = vector.broadcast %mul3A : f32 to vector<1x300xf32>
    %mul3A_3 = arith.mulf %get3A_1, %mul3A_2 : vector<1x300xf32>
    %get3A_4 = arith.constant 1 : index
    %get3A_5 = arith.constant 0 : index
    %get3A_6 = vector.load %arg5[%get3A_4, %get3A_5] : memref<2x300xf32, #tpu.memory_space<vmem>>, vector<1x300xf32>
    %mul3A_7 = arith.constant 9.99999974E-5 : f32
    %mul3A_8 = vector.broadcast %mul3A_7 : f32 to vector<1x300xf32>
    %mul3A_9 = arith.mulf %get3A_6, %mul3A_8 : vector<1x300xf32>
    %mul3A_10 = arith.mulf %mul3A_3, %mul3A_3 : vector<1x300xf32>
    %sub3A = arith.subf %mul3A_9, %mul3A_10 : vector<1x300xf32>
    %get3A_11 = arith.constant 0 : index
    %get3A_12 = arith.constant 0 : index
    %get3A_13 = vector.load %arg6[%get3A_11, %get3A_12] : memref<1x300xf32, #tpu.memory_space<vmem>>, vector<1x300xf32>
    %add3A = arith.constant 9.99999974E-6 : f32
    %add3A_14 = vector.broadcast %add3A : f32 to vector<1x300xf32>
    %add3A_15 = arith.addf %sub3A, %add3A_14 : vector<1x300xf32>
    %rsqrt3A = math.rsqrt %add3A_15 : vector<1x300xf32>
    %mul3A_16 = arith.mulf %get3A_13, %rsqrt3A : vector<1x300xf32>
    %get3A_17 = arith.constant 0 : index
    %get3A_18 = arith.constant 0 : index
    %get3A_19 = vector.load %arg7[%get3A_17, %get3A_18] : memref<1x300xf32, #tpu.memory_space<vmem>>, vector<1x300xf32>
    %mul3A_20 = arith.mulf %mul3A_3, %mul3A_16 : vector<1x300xf32>
    %sub3A_21 = arith.subf %get3A_19, %mul3A_20 : vector<1x300xf32>
    %get3A_22 = arith.constant 0 : index
    %get3A_23 = arith.constant 0 : index
    %get3A_24 = vector.load %arg3[%get3A_22, %get3A_23] : memref<2000x16xf32, #tpu.memory_space<vmem>>, vector<2000x1xf32>
    %get3A_25 = arith.constant 0 : index
    %get3A_26 = arith.constant 0 : index
    %get3A_27 = vector.load %arg4[%get3A_25, %get3A_26] : memref<2000x16xf32, #tpu.memory_space<vmem>>, vector<2000x1xf32>
    %add3A_28 = arith.addf %get3A_24, %get3A_27 : vector<2000x1xf32>
    %get3A_29 = arith.constant 0 : index
    %get3A_30 = arith.constant 1 : index
    %get3A_31 = vector.load %arg3[%get3A_29, %get3A_30] : memref<2000x16xf32, #tpu.memory_space<vmem>>, vector<2000x1xf32>
    %get3A_32 = arith.constant 0 : index
    %get3A_33 = arith.constant 1 : index
    %get3A_34 = vector.load %arg4[%get3A_32, %get3A_33] : memref<2000x16xf32, #tpu.memory_space<vmem>>, vector<2000x1xf32>
    %add3A_35 = arith.addf %get3A_31, %get3A_34 : vector<2000x1xf32>
    %get3A_36 = arith.constant 0 : index
    %get3A_37 = arith.constant 0 : index
    %get3A_38 = vector.load %arg1[%get3A_36, %get3A_37] : memref<2000x160xf32, #tpu.memory_space<vmem>>, vector<2000x160xf32>
    %slice3A = vector.extract_strided_slice %get3A_38 {offsets = [0, 0], sizes = [2000, 150], strides = [1, 1]} : vector<2000x160xf32> to vector<2000x150xf32>
    %get3A_39 = arith.constant 0 : index
    %get3A_40 = arith.constant 0 : index
    %get3A_41 = vector.load %arg2[%get3A_39, %get3A_40] : memref<2000x160xf32, #tpu.memory_space<vmem>>, vector<2000x160xf32>
    %slice3A_42 = vector.extract_strided_slice %get3A_41 {offsets = [0, 0], sizes = [2000, 150], strides = [1, 1]} : vector<2000x160xf32> to vector<2000x150xf32>
    %concatenate3A = tpu.concatenate %slice3A, %slice3A_42 in 1 : vector<2000x150xf32>, vector<2000x150xf32> -> vector<2000x300xf32>
    %mul3A_43 = vector.broadcast %mul3A_16 : vector<1x300xf32> to vector<2000x300xf32>
    %mul3A_44 = arith.mulf %concatenate3A, %mul3A_43 : vector<2000x300xf32>
    %mul3A_45 = vector.broadcast %add3A_35 : vector<2000x1xf32> to vector<2000x300xf32>
    %mul3A_46 = vector.broadcast %sub3A_21 : vector<1x300xf32> to vector<2000x300xf32>
    %mul3A_47 = arith.mulf %mul3A_45, %mul3A_46 : vector<2000x300xf32>
    %add3A_48 = arith.addf %mul3A_44, %mul3A_47 : vector<2000x300xf32>
    %add3A_49 = vector.broadcast %add3A_28 : vector<2000x1xf32> to vector<2000x300xf32>
    %add3A_50 = arith.addf %add3A_48, %add3A_49 : vector<2000x300xf32>
    %get3A_51 = arith.constant 0 : index
    %get3A_52 = arith.constant 0 : index
    %get3A_53 = vector.load %arg8[%get3A_51, %get3A_52] : memref<300x600xf32, #tpu.memory_space<vmem>>, vector<300x600xf32>
    %dot_general3A = arith.constant dense<0.000000e+00> : vector<2000x600xf32>
    %dot_general3A_54 = tpu.matmul %add3A_50, %get3A_53, %dot_general3A {dimension_numbers = #tpu.dot_dimension_numbers<[1], [0], [0], [1], [0, 0, 1, 1], [], []>, transpose_lhs_hint = false} : vector<2000x300xf32>, vector<300x600xf32>, vector<2000x600xf32> -> vector<2000x600xf32>
    %get3A_55 = arith.constant 0 : index
    %get3A_56 = arith.constant 0 : index
    %get3A_57 = vector.load %arg9[%get3A_55, %get3A_56] : memref<1x600xf32, #tpu.memory_space<vmem>>, vector<1x600xf32>
    %add3A_58 = vector.broadcast %get3A_57 : vector<1x600xf32> to vector<2000x600xf32>
    %add3A_59 = arith.addf %dot_general3A_54, %add3A_58 : vector<2000x600xf32>
    %max3A = arith.constant 0.000000e+00 : f32
    %max3A_60 = vector.broadcast %max3A : f32 to vector<2000x600xf32>
    %max3A_61 = arith.maximumf %add3A_59, %max3A_60 : vector<2000x600xf32>
    %get3A_62 = arith.constant 0 : index
    %get3A_63 = arith.constant 0 : index
    %get3A_64 = vector.load %arg10[%get3A_62, %get3A_63] : memref<600x300xf32, #tpu.memory_space<vmem>>, vector<600x300xf32>
    %dot_general3A_65 = arith.constant dense<0.000000e+00> : vector<2000x300xf32>
    %dot_general3A_66 = tpu.matmul %max3A_61, %get3A_64, %dot_general3A_65 {dimension_numbers = #tpu.dot_dimension_numbers<[1], [0], [0], [1], [0, 0, 1, 1], [], []>, transpose_lhs_hint = false} : vector<2000x600xf32>, vector<600x300xf32>, vector<2000x300xf32> -> vector<2000x300xf32>
    %get3A_67 = arith.constant 0 : index
    %get3A_68 = arith.constant 0 : index
    %get3A_69 = vector.load %arg11[%get3A_67, %get3A_68] : memref<1x300xf32, #tpu.memory_space<vmem>>, vector<1x300xf32>
    %add3A_70 = vector.broadcast %get3A_69 : vector<1x300xf32> to vector<2000x300xf32>
    %add3A_71 = arith.addf %dot_general3A_66, %add3A_70 : vector<2000x300xf32>
    %broadcast_in_dim3A = arith.constant 0.000000e+00 : f32
    %broadcast_in_dim3A_72 = vector.broadcast %broadcast_in_dim3A : f32 to vector<2000x10xf32>
    %slice3A_73 = vector.extract_strided_slice %add3A_71 {offsets = [0, 0], sizes = [2000, 150], strides = [1, 1]} : vector<2000x300xf32> to vector<2000x150xf32>
    %concatenate3A_74 = tpu.concatenate %slice3A_73, %broadcast_in_dim3A_72 in 1 : vector<2000x150xf32>, vector<2000x10xf32> -> vector<2000x160xf32>
    %swap3A = arith.constant 0 : index
    %swap3A_75 = arith.constant 0 : index
    %swap3A_76 = vector.load %arg17[%swap3A, %swap3A_75] : memref<2000x160xf32, #tpu.memory_space<vmem>>, vector<2000x160xf32>
    tpu.vector_store %arg17[%swap3A, %swap3A_75], %concatenate3A_74 {strides = array<i32>} : memref<2000x160xf32, #tpu.memory_space<vmem>>, vector<2000x160xf32>,
    %slice3A_77 = vector.extract_strided_slice %add3A_71 {offsets = [0, 150], sizes = [2000, 150], strides = [1, 1]} : vector<2000x300xf32> to vector<2000x150xf32>
    %concatenate3A_78 = tpu.concatenate %slice3A_77, %broadcast_in_dim3A_72 in 1 : vector<2000x150xf32>, vector<2000x10xf32> -> vector<2000x160xf32>
    %swap3A_79 = arith.constant 0 : index
    %swap3A_80 = arith.constant 0 : index
    %swap3A_81 = vector.load %arg18[%swap3A_79, %swap3A_80] : memref<2000x160xf32, #tpu.memory_space<vmem>>, vector<2000x160xf32>
    tpu.vector_store %arg18[%swap3A_79, %swap3A_80], %concatenate3A_78 {strides = array<i32>} : memref<2000x160xf32, #tpu.memory_space<vmem>>, vector<2000x160xf32>,
    %eq3A = arith.constant 0 : i32
    %eq3A_82 = arith.cmpi eq, %arg0, %eq3A : i32
    %convert_element_type3A = arith.extui %eq3A_82 : i1 to i32
    %cond3A = arith.constant 0 : i32
    %cond3A_83 = arith.cmpi ne, %convert_element_type3A, %cond3A : i32
    scf.if %cond3A_83 {
      %broadcast_in_dim3A_148 = arith.constant 0.000000e+00 : f32
      %broadcast_in_dim3A_149 = vector.broadcast %broadcast_in_dim3A_148 : f32 to vector<2x300xf32>
      %swap3A_150 = arith.constant 0 : index
      %swap3A_151 = arith.constant 0 : index
      %swap3A_152 = vector.load %arg19[%swap3A_150, %swap3A_151] : memref<2x300xf32, #tpu.memory_space<vmem>>, vector<2x300xf32>
      tpu.vector_store %arg19[%swap3A_150, %swap3A_151], %broadcast_in_dim3A_149 {strides = array<i32>} : memref<2x300xf32, #tpu.memory_space<vmem>>, vector<2x300xf32>,
      %broadcast_in_dim3A_153 = arith.constant 0.000000e+00 : f32
      %broadcast_in_dim3A_154 = vector.broadcast %broadcast_in_dim3A_153 : f32 to vector<64x150xf32>
      %swap3A_155 = arith.constant 0 : index
      %swap3A_156 = arith.constant 0 : index
      %swap3A_157 = vector.load %arg21[%swap3A_155, %swap3A_156] : memref<64x150xf32, #tpu.memory_space<vmem>>, vector<64x150xf32>
      tpu.vector_store %arg21[%swap3A_155, %swap3A_156], %broadcast_in_dim3A_154 {strides = array<i32>} : memref<64x150xf32, #tpu.memory_space<vmem>>, vector<64x150xf32>,
      %broadcast_in_dim3A_158 = arith.constant 0.000000e+00 : f32
      %broadcast_in_dim3A_159 = vector.broadcast %broadcast_in_dim3A_158 : f32 to vector<64x150xf32>
      %swap3A_160 = arith.constant 0 : index
      %swap3A_161 = arith.constant 0 : index
      %swap3A_162 = vector.load %arg22[%swap3A_160, %swap3A_161] : memref<64x150xf32, #tpu.memory_space<vmem>>, vector<64x150xf32>
      tpu.vector_store %arg22[%swap3A_160, %swap3A_161], %broadcast_in_dim3A_159 {strides = array<i32>} : memref<64x150xf32, #tpu.memory_space<vmem>>, vector<64x150xf32>,
      %broadcast_in_dim3A_163 = arith.constant 0.000000e+00 : f32
      %broadcast_in_dim3A_164 = vector.broadcast %broadcast_in_dim3A_163 : f32 to vector<64x1xf32>
      %swap3A_165 = arith.constant 0 : index
      %swap3A_166 = arith.constant 0 : index
      %swap3A_167 = vector.load %arg23[%swap3A_165, %swap3A_166] : memref<64x1xf32, #tpu.memory_space<vmem>>, vector<64x1xf32>
      tpu.vector_store %arg23[%swap3A_165, %swap3A_166], %broadcast_in_dim3A_164 {strides = array<i32>} : memref<64x1xf32, #tpu.memory_space<vmem>>, vector<64x1xf32>,
    } else {
    }
    %get3A_84 = arith.constant 0 : index
    %get3A_85 = arith.constant 0 : index
    %get3A_86 = vector.load %arg19[%get3A_84, %get3A_85] : memref<2x300xf32, #tpu.memory_space<vmem>>, vector<1x300xf32>
    %reduce_sum3A = arith.constant dense<0.000000e+00> : vector<300xf32>
    %reduce_sum3A_87 = vector.multi_reduction <add>, %add3A_71, %reduce_sum3A [0] : vector<2000x300xf32> to vector<300xf32>
    %broadcast_in_dim3A_88 = vector.shape_cast %reduce_sum3A_87 : vector<300xf32> to vector<1x300xf32>
    %add3A_89 = arith.addf %get3A_86, %broadcast_in_dim3A_88 : vector<1x300xf32>
    %swap3A_90 = arith.constant 0 : index
    %swap3A_91 = arith.constant 0 : index
    %swap3A_92 = vector.load %arg19[%swap3A_90, %swap3A_91] : memref<2x300xf32, #tpu.memory_space<vmem>>, vector<1x300xf32>
    tpu.vector_store %arg19[%swap3A_90, %swap3A_91], %add3A_89 {strides = array<i32>} : memref<2x300xf32, #tpu.memory_space<vmem>>, vector<1x300xf32>,
    %get3A_93 = arith.constant 1 : index
    %get3A_94 = arith.constant 0 : index
    %get3A_95 = vector.load %arg19[%get3A_93, %get3A_94] : memref<2x300xf32, #tpu.memory_space<vmem>>, vector<1x300xf32>
    %mul3A_96 = arith.mulf %add3A_71, %add3A_71 : vector<2000x300xf32>
    %reduce_sum3A_97 = arith.constant dense<0.000000e+00> : vector<300xf32>
    %reduce_sum3A_98 = vector.multi_reduction <add>, %mul3A_96, %reduce_sum3A_97 [0] : vector<2000x300xf32> to vector<300xf32>
    %broadcast_in_dim3A_99 = vector.shape_cast %reduce_sum3A_98 : vector<300xf32> to vector<1x300xf32>
    %add3A_100 = arith.addf %get3A_95, %broadcast_in_dim3A_99 : vector<1x300xf32>
    %swap3A_101 = arith.constant 1 : index
    %swap3A_102 = arith.constant 0 : index
    %swap3A_103 = vector.load %arg19[%swap3A_101, %swap3A_102] : memref<2x300xf32, #tpu.memory_space<vmem>>, vector<1x300xf32>
    tpu.vector_store %arg19[%swap3A_101, %swap3A_102], %add3A_100 {strides = array<i32>} : memref<2x300xf32, #tpu.memory_space<vmem>>, vector<1x300xf32>,
    %get3A_104 = arith.constant 0 : index
    %get3A_105 = arith.constant 0 : index
    %get3A_106 = vector.load %arg14[%get3A_104, %get3A_105] : memref<2000x1xf32, #tpu.memory_space<vmem>>, vector<2000x1xf32>
    %iota3A = tpu.iota {dimensions = array<i32: 1>} : vector<2000x64xi32>
    %convert_element_type3A_107 = arith.sitofp %iota3A : vector<2000x64xi32> to vector<2000x64xf32>
    %eq3A_108 = vector.broadcast %get3A_106 : vector<2000x1xf32> to vector<2000x64xf32>
    %eq3A_109 = arith.cmpf oeq, %convert_element_type3A_107, %eq3A_108 : vector<2000x64xf32>
    %convert_element_type3A_110 = arith.extui %eq3A_109 : vector<2000x64xi1> to vector<2000x64xi32>
    %convert_element_type3A_111 = arith.sitofp %convert_element_type3A_110 : vector<2000x64xi32> to vector<2000x64xf32>
    %get3A_112 = arith.constant 0 : index
    %get3A_113 = arith.constant 0 : index
    %get3A_114 = vector.load %arg21[%get3A_112, %get3A_113] : memref<64x150xf32, #tpu.memory_space<vmem>>, vector<64x150xf32>
    %slice3A_115 = vector.extract_strided_slice %add3A_71 {offsets = [0, 0], sizes = [2000, 150], strides = [1, 1]} : vector<2000x300xf32> to vector<2000x150xf32>
    %dot_general3A_116 = arith.constant dense<0.000000e+00> : vector<64x150xf32>
    %dot_general3A_117 = tpu.matmul %convert_element_type3A_111, %slice3A_115, %dot_general3A_116 {dimension_numbers = #tpu.dot_dimension_numbers<[0], [0], [1], [1], [0, 1, 1, 1], [], []>, precision = #tpu.contract_precision<fp32>, transpose_lhs_hint = false} : vector<2000x64xf32>, vector<2000x150xf32>, vector<64x150xf32> -> vector<64x150xf32>
    %add3A_118 = arith.addf %get3A_114, %dot_general3A_117 : vector<64x150xf32>
    %swap3A_119 = arith.constant 0 : index
    %swap3A_120 = arith.constant 0 : index
    %swap3A_121 = vector.load %arg21[%swap3A_119, %swap3A_120] : memref<64x150xf32, #tpu.memory_space<vmem>>, vector<64x150xf32>
    tpu.vector_store %arg21[%swap3A_119, %swap3A_120], %add3A_118 {strides = array<i32>} : memref<64x150xf32, #tpu.memory_space<vmem>>, vector<64x150xf32>,
    %get3A_122 = arith.constant 0 : index
    %get3A_123 = arith.constant 0 : index
    %get3A_124 = vector.load %arg22[%get3A_122, %get3A_123] : memref<64x150xf32, #tpu.memory_space<vmem>>, vector<64x150xf32>
    %slice3A_125 = vector.extract_strided_slice %add3A_71 {offsets = [0, 150], sizes = [2000, 150], strides = [1, 1]} : vector<2000x300xf32> to vector<2000x150xf32>
    %dot_general3A_126 = arith.constant dense<0.000000e+00> : vector<64x150xf32>
    %dot_general3A_127 = tpu.matmul %convert_element_type3A_111, %slice3A_125, %dot_general3A_126 {dimension_numbers = #tpu.dot_dimension_numbers<[0], [0], [1], [1], [0, 1, 1, 1], [], []>, precision = #tpu.contract_precision<fp32>, transpose_lhs_hint = false} : vector<2000x64xf32>, vector<2000x150xf32>, vector<64x150xf32> -> vector<64x150xf32>
    %add3A_128 = arith.addf %get3A_124, %dot_general3A_127 : vector<64x150xf32>
    %swap3A_129 = arith.constant 0 : index
    %swap3A_130 = arith.constant 0 : index
    %swap3A_131 = vector.load %arg22[%swap3A_129, %swap3A_130] : memref<64x150xf32, #tpu.memory_space<vmem>>, vector<64x150xf32>
    tpu.vector_store %arg22[%swap3A_129, %swap3A_130], %add3A_128 {strides = array<i32>} : memref<64x150xf32, #tpu.memory_space<vmem>>, vector<64x150xf32>,
    %broadcast_in_dim3A_132 = arith.constant 1.000000e+00 : f32
    %broadcast_in_dim3A_133 = vector.broadcast %broadcast_in_dim3A_132 : f32 to vector<2000x1xf32>
    %get3A_134 = arith.constant 0 : index
    %get3A_135 = arith.constant 0 : index
    %get3A_136 = vector.load %arg23[%get3A_134, %get3A_135] : memref<64x1xf32, #tpu.memory_space<vmem>>, vector<64x1xf32>
    %dot_general3A_137 = arith.constant dense<0.000000e+00> : vector<64x1xf32>
    %dot_general3A_138 = tpu.matmul %convert_element_type3A_111, %broadcast_in_dim3A_133, %dot_general3A_137 {dimension_numbers = #tpu.dot_dimension_numbers<[0], [0], [1], [1], [0, 1, 1, 1], [], []>, precision = #tpu.contract_precision<fp32>, transpose_lhs_hint = false} : vector<2000x64xf32>, vector<2000x1xf32>, vector<64x1xf32> -> vector<64x1xf32>
    %add3A_139 = arith.addf %get3A_136, %dot_general3A_138 : vector<64x1xf32>
    %swap3A_140 = arith.constant 0 : index
    %swap3A_141 = arith.constant 0 : index
    %swap3A_142 = vector.load %arg23[%swap3A_140, %swap3A_141] : memref<64x1xf32, #tpu.memory_space<vmem>>, vector<64x1xf32>
    tpu.vector_store %arg23[%swap3A_140, %swap3A_141], %add3A_139 {strides = array<i32>} : memref<64x1xf32, #tpu.memory_space<vmem>>, vector<64x1xf32>,
    %eq3A_143 = arith.constant 4 : i32
    %eq3A_144 = arith.cmpi eq, %arg0, %eq3A_143 : i32
    %convert_element_type3A_145 = arith.extui %eq3A_144 : i1 to i32
    %cond3A_146 = arith.constant 0 : i32
    %cond3A_147 = arith.cmpi ne, %convert_element_type3A_145, %cond3A_146 : i32
    scf.if %cond3A_147 {
      %get3A_148 = arith.constant 0 : index
      %get3A_149 = arith.constant 0 : index
      %get3A_150 = vector.load %arg19[%get3A_148, %get3A_149] : memref<2x300xf32, #tpu.memory_space<vmem>>, vector<1x300xf32>
      %mul3A_151 = arith.constant 9.99999974E-5 : f32
      %mul3A_152 = vector.broadcast %mul3A_151 : f32 to vector<1x300xf32>
      %mul3A_153 = arith.mulf %get3A_150, %mul3A_152 : vector<1x300xf32>
      %get3A_154 = arith.constant 1 : index
      %get3A_155 = arith.constant 0 : index
      %get3A_156 = vector.load %arg19[%get3A_154, %get3A_155] : memref<2x300xf32, #tpu.memory_space<vmem>>, vector<1x300xf32>
      %mul3A_157 = arith.constant 9.99999974E-5 : f32
      %mul3A_158 = vector.broadcast %mul3A_157 : f32 to vector<1x300xf32>
      %mul3A_159 = arith.mulf %get3A_156, %mul3A_158 : vector<1x300xf32>
      %mul3A_160 = arith.mulf %mul3A_153, %mul3A_153 : vector<1x300xf32>
      %sub3A_161 = arith.subf %mul3A_159, %mul3A_160 : vector<1x300xf32>
      %get3A_162 = arith.constant 0 : index
      %get3A_163 = arith.constant 0 : index
      %get3A_164 = vector.load %arg12[%get3A_162, %get3A_163] : memref<1x300xf32, #tpu.memory_space<vmem>>, vector<1x300xf32>
      %add3A_165 = arith.constant 9.99999974E-6 : f32
      %add3A_166 = vector.broadcast %add3A_165 : f32 to vector<1x300xf32>
      %add3A_167 = arith.addf %sub3A_161, %add3A_166 : vector<1x300xf32>
      %rsqrt3A_168 = math.rsqrt %add3A_167 : vector<1x300xf32>
      %mul3A_169 = arith.mulf %get3A_164, %rsqrt3A_168 : vector<1x300xf32>
      %get3A_170 = arith.constant 0 : index
      %get3A_171 = arith.constant 0 : index
      %get3A_172 = vector.load %arg13[%get3A_170, %get3A_171] : memref<1x300xf32, #tpu.memory_space<vmem>>, vector<1x300xf32>
      %mul3A_173 = arith.mulf %mul3A_153, %mul3A_169 : vector<1x300xf32>
      %sub3A_174 = arith.subf %get3A_172, %mul3A_173 : vector<1x300xf32>
      %get3A_175 = arith.constant 0 : index
      %get3A_176 = arith.constant 0 : index
      %get3A_177 = vector.load %arg23[%get3A_175, %get3A_176] : memref<64x1xf32, #tpu.memory_space<vmem>>, vector<64x1xf32>
      %max3A_178 = arith.constant 1.000000e+00 : f32
      %max3A_179 = vector.broadcast %max3A_178 : f32 to vector<64x1xf32>
      %max3A_180 = arith.maximumf %get3A_177, %max3A_179 : vector<64x1xf32>
      %div3A = arith.constant 1.000000e+00 : f32
      %div3A_181 = vector.broadcast %div3A : f32 to vector<64x1xf32>
      %div3A_182 = arith.divf %div3A_181, %max3A_180 : vector<64x1xf32>
      %get3A_183 = arith.constant 0 : index
      %get3A_184 = arith.constant 0 : index
      %get3A_185 = vector.load %arg21[%get3A_183, %get3A_184] : memref<64x150xf32, #tpu.memory_space<vmem>>, vector<64x150xf32>
      %slice3A_186 = vector.extract_strided_slice %mul3A_169 {offsets = [0, 0], sizes = [1, 150], strides = [1, 1]} : vector<1x300xf32> to vector<1x150xf32>
      %mul3A_187 = vector.broadcast %slice3A_186 : vector<1x150xf32> to vector<64x150xf32>
      %mul3A_188 = arith.mulf %get3A_185, %mul3A_187 : vector<64x150xf32>
      %slice3A_189 = vector.extract_strided_slice %sub3A_174 {offsets = [0, 0], sizes = [1, 150], strides = [1, 1]} : vector<1x300xf32> to vector<1x150xf32>
      %mul3A_190 = vector.broadcast %get3A_177 : vector<64x1xf32> to vector<64x150xf32>
      %mul3A_191 = vector.broadcast %slice3A_189 : vector<1x150xf32> to vector<64x150xf32>
      %mul3A_192 = arith.mulf %mul3A_190, %mul3A_191 : vector<64x150xf32>
      %add3A_193 = arith.addf %mul3A_188, %mul3A_192 : vector<64x150xf32>
      %mul3A_194 = vector.broadcast %div3A_182 : vector<64x1xf32> to vector<64x150xf32>
      %mul3A_195 = arith.mulf %add3A_193, %mul3A_194 : vector<64x150xf32>
      %get3A_196 = arith.constant 0 : index
      %get3A_197 = arith.constant 0 : index
      %get3A_198 = vector.load %arg22[%get3A_196, %get3A_197] : memref<64x150xf32, #tpu.memory_space<vmem>>, vector<64x150xf32>
      %slice3A_199 = vector.extract_strided_slice %mul3A_169 {offsets = [0, 150], sizes = [1, 150], strides = [1, 1]} : vector<1x300xf32> to vector<1x150xf32>
      %mul3A_200 = vector.broadcast %slice3A_199 : vector<1x150xf32> to vector<64x150xf32>
      %mul3A_201 = arith.mulf %get3A_198, %mul3A_200 : vector<64x150xf32>
      %slice3A_202 = vector.extract_strided_slice %sub3A_174 {offsets = [0, 150], sizes = [1, 150], strides = [1, 1]} : vector<1x300xf32> to vector<1x150xf32>
      %mul3A_203 = vector.broadcast %get3A_177 : vector<64x1xf32> to vector<64x150xf32>
      %mul3A_204 = vector.broadcast %slice3A_202 : vector<1x150xf32> to vector<64x150xf32>
      %mul3A_205 = arith.mulf %mul3A_203, %mul3A_204 : vector<64x150xf32>
      %add3A_206 = arith.addf %mul3A_201, %mul3A_205 : vector<64x150xf32>
      %mul3A_207 = vector.broadcast %div3A_182 : vector<64x1xf32> to vector<64x150xf32>
      %mul3A_208 = arith.mulf %add3A_206, %mul3A_207 : vector<64x150xf32>
      %concatenate3A_209 = tpu.concatenate %mul3A_195, %mul3A_208 in 1 : vector<64x150xf32>, vector<64x150xf32> -> vector<64x300xf32>
      %get3A_210 = arith.constant 0 : index
      %get3A_211 = arith.constant 0 : index
      %get3A_212 = vector.load %arg15[%get3A_210, %get3A_211] : memref<300x64xf32, #tpu.memory_space<vmem>>, vector<300x64xf32>
      %dot_general3A_213 = arith.constant dense<0.000000e+00> : vector<64x64xf32>
      %dot_general3A_214 = tpu.matmul %concatenate3A_209, %get3A_212, %dot_general3A_213 {dimension_numbers = #tpu.dot_dimension_numbers<[1], [0], [0], [1], [0, 0, 1, 1], [], []>, transpose_lhs_hint = false} : vector<64x300xf32>, vector<300x64xf32>, vector<64x64xf32> -> vector<64x64xf32>
      %get3A_215 = arith.constant 0 : index
      %get3A_216 = arith.constant 0 : index
      %get3A_217 = vector.load %arg16[%get3A_215, %get3A_216] : memref<1x64xf32, #tpu.memory_space<vmem>>, vector<1x64xf32>
      %add3A_218 = vector.broadcast %get3A_217 : vector<1x64xf32> to vector<64x64xf32>
      %add3A_219 = arith.addf %dot_general3A_214, %add3A_218 : vector<64x64xf32>
      %swap3A_220 = arith.constant 0 : index
      %swap3A_221 = arith.constant 0 : index
      %swap3A_222 = vector.load %arg20[%swap3A_220, %swap3A_221] : memref<64x64xf32, #tpu.memory_space<vmem>>, vector<64x64xf32>
      tpu.vector_store %arg20[%swap3A_220, %swap3A_221], %add3A_219 {strides = array<i32>} : memref<64x64xf32, #tpu.memory_space<vmem>>, vector<64x64xf32>,
    } else {
    }
    return
  }
  func.func @transform_0(%arg0: i32) -> (i32, i32) {
    %c0_i32 = arith.constant 0 : i32
    %c0_i32_0 = arith.constant 0 : i32
    return %arg0, %c0_i32 : i32, i32
  }
  func.func @transform_1(%arg0: i32) -> (i32, i32) {
    %c0_i32 = arith.constant 0 : i32
    %c0_i32_0 = arith.constant 0 : i32
    return %arg0, %c0_i32 : i32, i32
  }
  func.func @transform_2(%arg0: i32) -> (i32, i32) {
    %c0_i32 = arith.constant 0 : i32
    %c0_i32_0 = arith.constant 0 : i32
    return %arg0, %c0_i32 : i32, i32
  }
  func.func @transform_3(%arg0: i32) -> (i32, i32) {
    %c0_i32 = arith.constant 0 : i32
    %c0_i32_0 = arith.constant 0 : i32
    return %arg0, %c0_i32 : i32, i32
  }
  func.func @transform_4(%arg0: i32) -> (i32, i32) {
    %c0_i32 = arith.constant 0 : i32
    %c0_i32_0 = arith.constant 0 : i32
    %c0_i32_1 = arith.constant 0 : i32
    return %c0_i32, %c0_i32_0 : i32, i32
  }
  func.func @transform_5(%arg0: i32) -> (i32, i32) {
    %c0_i32 = arith.constant 0 : i32
    %c0_i32_0 = arith.constant 0 : i32
    %c0_i32_1 = arith.constant 0 : i32
    return %c0_i32, %c0_i32_0 : i32, i32
  }
  func.func @transform_6(%arg0: i32) -> (i32, i32) {
    %c0_i32 = arith.constant 0 : i32
    %c0_i32_0 = arith.constant 0 : i32
    %c0_i32_1 = arith.constant 0 : i32
    return %c0_i32, %c0_i32_0 : i32, i32
  }
  func.func @transform_7(%arg0: i32) -> (i32, i32) {
    %c0_i32 = arith.constant 0 : i32
    %c0_i32_0 = arith.constant 0 : i32
    %c0_i32_1 = arith.constant 0 : i32
    return %c0_i32, %c0_i32_0 : i32, i32
  }
  func.func @transform_8(%arg0: i32) -> (i32, i32) {
    %c0_i32 = arith.constant 0 : i32
    %c0_i32_0 = arith.constant 0 : i32
    %c0_i32_1 = arith.constant 0 : i32
    return %c0_i32, %c0_i32_0 : i32, i32
  }
  func.func @transform_9(%arg0: i32) -> (i32, i32) {
    %c0_i32 = arith.constant 0 : i32
    %c0_i32_0 = arith.constant 0 : i32
    %c0_i32_1 = arith.constant 0 : i32
    return %c0_i32, %c0_i32_0 : i32, i32
  }
  func.func @transform_10(%arg0: i32) -> (i32, i32) {
    %c0_i32 = arith.constant 0 : i32
    %c0_i32_0 = arith.constant 0 : i32
    %c0_i32_1 = arith.constant 0 : i32
    return %c0_i32, %c0_i32_0 : i32, i32
  }
  func.func @transform_11(%arg0: i32) -> (i32, i32) {
    %c0_i32 = arith.constant 0 : i32
    %c0_i32_0 = arith.constant 0 : i32
    %c0_i32_1 = arith.constant 0 : i32
    return %c0_i32, %c0_i32_0 : i32, i32
  }
  func.func @transform_12(%arg0: i32) -> (i32, i32) {
    %c0_i32 = arith.constant 0 : i32
    %c0_i32_0 = arith.constant 0 : i32
    %c0_i32_1 = arith.constant 0 : i32
    return %c0_i32, %c0_i32_0 : i32, i32
  }
  func.func @transform_13(%arg0: i32) -> (i32, i32) {
    %c0_i32 = arith.constant 0 : i32
    %c0_i32_0 = arith.constant 0 : i32
    return %arg0, %c0_i32 : i32, i32
  }
  func.func @transform_14(%arg0: i32) -> (i32, i32) {
    %c0_i32 = arith.constant 0 : i32
    %c0_i32_0 = arith.constant 0 : i32
    %c0_i32_1 = arith.constant 0 : i32
    return %c0_i32, %c0_i32_0 : i32, i32
  }
  func.func @transform_15(%arg0: i32) -> (i32, i32) {
    %c0_i32 = arith.constant 0 : i32
    %c0_i32_0 = arith.constant 0 : i32
    %c0_i32_1 = arith.constant 0 : i32
    return %c0_i32, %c0_i32_0 : i32, i32
  }
  func.func @transform_16(%arg0: i32) -> (i32, i32) {
    %c0_i32 = arith.constant 0 : i32
    %c0_i32_0 = arith.constant 0 : i32
    return %arg0, %c0_i32 : i32, i32
  }
  func.func @transform_17(%arg0: i32) -> (i32, i32) {
    %c0_i32 = arith.constant 0 : i32
    %c0_i32_0 = arith.constant 0 : i32
    return %arg0, %c0_i32 : i32, i32
  }
  func.func @transform_18(%arg0: i32) -> (i32, i32) {
    %c0_i32 = arith.constant 0 : i32
    %c0_i32_0 = arith.constant 0 : i32
    %c0_i32_1 = arith.constant 0 : i32
    return %c0_i32, %c0_i32_0 : i32, i32
  }
  func.func @transform_19(%arg0: i32) -> (i32, i32) {
    %c0_i32 = arith.constant 0 : i32
    %c0_i32_0 = arith.constant 0 : i32
    %c0_i32_1 = arith.constant 0 : i32
    return %c0_i32, %c0_i32_0 : i32, i32
  }
}

</mosaic_0001>

<sc_bundles>
// kernel: kernel.13.cloned.1.call-start
scs
__scs_entry_jumppad:
0x0: {  	(pc) =	sbr.rel $0x88, $3  }
0x1: {  	(tag) =	ssettag $0x0;
	lr =	simm.s32 $0x1  }
0x2: {  	[smem:$0x3F7D] =	sst lr;
	_ =	strace $0xD0000000  }
0x3: {  	_ = 	snop  }
0x4: {  	_ = 	snop  }
0x5: {  	_ = 	snop  }
0x6: {  	_ = 	snop  }
0x7: {  	_ = 	snop  }
__scs_overlays_trampoline_lowered:
0x8: {  	[smem:$0x3F8C] =	sst s0  }
0x9: {  	[smem:$0x3F8D] =	sst s1  }
0xa: {  	[smem:$0x3F8E] =	sst s2  }
0xb: {  	[smem:$0x3F8F] =	sst s3  }
0xc: {  	[smem:$0x3F90] =	sst s4  }
0xd: {  	[smem:$0x3F91] =	sst s5  }
0xe: {  	[smem:$0x3F92] =	sst s6  }
0xf: {  	[smem:$0x3F93] =	sst s7  }
0x10: {  	[smem:$0x3F94] =	sst s8  }
0x11: {  	[smem:$0x3F95] =	sst s9;
	s0 =	simm.s32 @!p0 $0x0  }
0x12: {  	s1 =	sld [smem:$0x3F7B];
	s0 =	simm.s32 @p0 $0x1  }
0x13: {  	[smem:$0x3F96] =	sst s0;
	s0 =	simm.s32 @!p1 $0x0  }
0x14: {  	s2 =	sld [smem:$0x3F7A];
	s0 =	simm.s32 @p1 $0x1  }
0x15: {  	[smem:$0x3F97] =	sst s0;
	s0 =	simm.s32 @!p2 $0x0  }
0x16: {  	s3 =	sld [smem:$0x3FDB];
	s0 =	simm.s32 @p2 $0x1  }
0x17: {  	s4 =	simm.s32 $0x1BF5;
	[smem:$0x3F99] =	sst s0  }
0x18: {  	s0 =	sld [smem:$0x3F7C];
	_ =	swait.ge [sflag:s4], $0x0  }
0x19: {  	s7 =	sld [smem:$0x3F7D]  }
0x1a: {  	s8 =	sadd.s32 $0xFFFFE003, lr  }
0x1b: {  	s9 =	sadd.s32 $0xFFFFFEF7, lr;
	s5 =	simm.s32 $0xFFFFFFFF;
	p2 =	slt.u32 s8, $0xFFFFF086  }
0x1c: {  	p1 =	slt.u32 s9, $0xF7A;
	s5 =	simm.s32 @!p2 $0x0  }
0x1d: {  	s5 =	simm.s32 @p1 $0x1;
	p0 =	seq.s32 s7, s2  }
0x1e: {  	s7 =	smul.u32 @!p0 $0xF7A, s2;
	p2 =	seq.s32 @!p0 s5, $0x0  }
0x1f: {  	s9 =	smul.u32 $0xF7A, s1;
	s8 =	simm.s32 @!p0 $0x1BF5;
	p2 =	por !p2, p0  }
0x20: {  	[sflag:s8] =	ssyncset.s32 @!p0 $0xFFFFF086;
	s6 =	sadd.s32 @!p0 s3, s7;
	s7 =	simm.s32 @!p0 $0x108  }
0x21: {  	s3 =	sadd.s32 s3, s9;
	s6 =	sadd.s32 @!p0 $0x88, s6;
	s7 =	simm.s32 @p2 $0x1082  }
0x22: {  	[simem:s7], [sflag:s8] =	dma.local @!p0 [hbm:s6], $0xF7A  }
0x23: {  	s9 =	sor.u32 $0xD0000000, s2;
	s6 =	simm.s32 $0x108;
	_ =	swait.ge @!p0 [sflag:s8], $0x0  }
0x24: {  	s3 =	sadd.s32 $0x88, s3;
	s6 =	simm.s32 @!p1 $0x1082;
	[sflag:s4] =	ssyncset.s32 $0xFFFFF086  }
0x25: {  	[simem:s6], [sflag:s4] =	dma.local [hbm:s3], $0xF7A  }
0x26: {  	[smem:$0x3F7D] =	sst s1;
	(tag) =	ssettag s2;
	_ =	strace s9  }
0x27: {  	s1 =	sld [smem:$0x3F8D]  }
0x28: {  	s2 =	sld [smem:$0x3F8E]  }
0x29: {  	s4 =	sld [smem:$0x3F90]  }
0x2a: {  	p0 =	seq.s32 s5, $0x0;
	s5 =	sld [smem:$0x3F91]  }
0x2b: {  	s6 =	sld [smem:$0x3F92]  }
0x2c: {  	s7 =	sld [smem:$0x3F93]  }
0x2d: {  	s3 =	simm.s32 $0x108;
	s8 =	sld [smem:$0x3F94]  }
0x2e: {  	s3 =	simm.s32 @!p0 $0x1082;
	s9 =	sld [smem:$0x3F95]  }
0x2f: {  	lr =	sadd.s32 s0, s3;
	s0 =	sld [smem:$0x3F8C]  }
0x30: {  	s3 =	sld [smem:$0x3F8F]  }
0x31: {  	[smem:$0x3F98] =	sst s10  }
0x32: {  	s10 =	sld [smem:$0x3F96];
	_ =	sdelay $0x3  }
0x33: {  	p0 =	seq.s32 s10, $0x1;
	s10 =	sld [smem:$0x3F98];
	_ =	sdelay $0x3  }
0x34: {  	[smem:$0x3F98] =	sst s10  }
0x35: {  	s10 =	sld [smem:$0x3F97];
	_ =	sdelay $0x3  }
0x36: {  	p1 =	seq.s32 s10, $0x1;
	s10 =	sld [smem:$0x3F98];
	_ =	sdelay $0x3  }
0x37: {  	[smem:$0x3F98] =	sst s10  }
0x38: {  	s10 =	sld [smem:$0x3F99]  }
0x39: {  	_ = 	snop;
	(pc) =	sbr.ind lr, $3  }
0x3a: {  	_ = 	snop  }
0x3b: {  	_ = 	snop  }
0x3c: {  	p2 =	seq.s32 s10, $0x1;
	s10 =	sld [smem:$0x3F98]  }
0x3d: {  	_ =	shalt  }
0x3e: {  	_ =	shalt  }
0x3f: {  	_ =	shalt  }
0x40: {  	_ =	shalt  }
0x41: {  	_ =	shalt  }
0x42: {  	_ =	shalt  }
0x43: {  	_ =	shalt  }
0x44: {  	_ =	shalt  }
0x45: {  	_ =	shalt  }
0x46: {  	_ =	shalt  }
0x47: {  	_ =	shalt  }
0x48: {  	_ =	shalt  }
0x49: {  	_ =	shalt  }
0x4a: {  	_ =	shalt  }
0x4b: {  	_ =	shalt  }
0x4c: {  	_ =	shalt  }
0x4d: {  	_ =	shalt  }
0x4e: {  	_ =	shalt  }
0x4f: {  	_ =	shalt  }
0x50: {  	_ =	shalt  }
0x51: {  	_ =	shalt  }
0x52: {  	_ =	shalt  }
0x53: {  	_ =	shalt  }
0x54: {  	_ =	shalt  }
0x55: {  	_ =	shalt  }
0x56: {  	_ =	shalt  }
0x57: {  	_ =	shalt  }
0x58: {  	_ =	shalt  }
0x59: {  	_ =	shalt  }
0x5a: {  	_ =	shalt  }
0x5b: {  	_ =	shalt  }
0x5c: {  	_ =	shalt  }
0x5d: {  	_ =	shalt  }
0x5e: {  	_ =	shalt  }
0x5f: {  	_ =	shalt  }
0x60: {  	_ =	shalt  }
0x61: {  	_ =	shalt  }
0x62: {  	_ =	shalt  }
0x63: {  	_ =	shalt  }
0x64: {  	_ =	shalt  }
0x65: {  	_ =	shalt  }
0x66: {  	_ =	shalt  }
0x67: {  	_ =	shalt  }
0x68: {  	_ =	shalt  }
0x69: {  	_ =	shalt  }
0x6a: {  	_ =	shalt  }
0x6b: {  	_ =	shalt  }
0x6c: {  	_ =	shalt  }
0x6d: {  	_ =	shalt  }
0x6e: {  	_ =	shalt  }
0x6f: {  	_ =	shalt  }
0x70: {  	_ =	shalt  }
0x71: {  	_ =	shalt  }
0x72: {  	_ =	shalt  }
0x73: {  	_ =	shalt  }
0x74: {  	_ =	shalt  }
0x75: {  	_ =	shalt  }
0x76: {  	_ =	shalt  }
0x77: {  	_ =	shalt  }
0x78: {  	_ =	shalt  }
0x79: {  	_ =	shalt  }
0x7a: {  	_ =	shalt  }
0x7b: {  	_ =	shalt  }
0x7c: {  	_ =	shalt  }
0x7d: {  	_ =	shalt  }
0x7e: {  	_ =	shalt  }
0x7f: {  	_ =	shalt  }
0x80: {  	_ =	shalt  }
0x81: {  	_ =	shalt  }
0x82: {  	_ =	shalt  }
0x83: {  	_ =	shalt  }
0x84: {  	_ =	shalt  }
0x85: {  	_ =	shalt  }
0x86: {  	_ =	shalt  }
0x87: {  	_ =	shalt  }
.Lfunc_end0:
.L_simem_size_0:
called_computation_lowered:
.L_overlay_start_0:
0x88: {  	s2 =	sld [smem:$0x3FD9]  }
0x89: {  	s3 =	sld [smem:$0x3FFE];
	_ =	sdelay $0x1  }
0x8a: {  	s1 =	srdreg.scid  }
0x8b: {  	s0 =	sand.u32 $0x1, s1  }
0x8c: {  	s17 =	sshll.u32 s0, $0xA;
	s2 =	sadd.s32 s3, s2  }
0x8d: {  	s2 =	sadd.s32 s2, s17  }
0x8e: {  	[smem:$0x3FA4] =	sst s2  }
0x8f: {  	_ = 	snop  }
0x90: {  	(tm) =	ssettm $0x1  }
0x91: {  	s18 =	sld [smem:$0x3FFB];
	_ =	sdelay $0x3  }
0x92: {  	_ =	strace s18  }
0x93: {  	s2 =	sld [smem:$0x3FFC];
	_ =	sdelay $0x3  }
0x94: {  	_ =	strace s2  }
0x95: {  	s2 =	sld [smem:$0x3FFD];
	_ =	sdelay $0x3  }
0x96: {  	_ =	strace s2  }
0x97: {  	_ =	strace $0x8FFFFFFF  }
0x98: {  	s19 =	sld [smem:$0x3FDB];
	_ =	sdelay $0x1  }
0x99: {  	s20 =	simm.s32 $_scs_section_size  }
0x9a: {  	s4 =	simm.s32 $_size__tile_overlayer_lowered;
	s5 =	simm.s32 $_tile_overlayer_lowered  }
0x9b: {  	s6 =	simm.s32 $0x1BFF;
	s21 =	sshll.u32 s5, $0x1;
	s3 =	sadd.s32 s20, s19  }
0x9c: {  	s22 =	simm.s32 $0x0;
	s4 =	sshll.u32 s4, $0x1;
	s5 =	sadd.s32 s21, s3  }
0x9d: {  	[timem:s22], [sflag:s6] =	dma.local [hbm:s5], s4  }
0x9e: {  	_ =	swait.ge [sflag:s6], s4  }
0x9f: {  	s4 =	ssub.s32 $0x0, s4;
	[sflag:s6] =	ssyncset.done $0x0  }
0xa0: {  	[sflag:s6] =	ssyncadd.s32 s4;
	_ =	sdelay $0x1  }
0xa1: {  	s23 =	simm.s32 $0x1B8B  }
0xa2: {  	_ =	swait.ge [sflag:s23], $0x1  }
0xa3: {  	[sflag:s23] =	ssyncset.done $0x0  }
0xa4: {  	[sflag:s23] =	ssyncadd.s32 $0xFFFFFFFF  }
0xa5: {  	s4 =	sld [smem:$0x0]  }
0xa6: {  	s5 =	sand.u32 $0xFFFFFFFE, s1  }
0xa7: {  	p0 =	sne.s32 s1, s5  }
0xa8: {  	s5 =	sshll.u32 @p0 s5, $0xE  }
0xa9: {  	s5 =	sadd.s32 @p0 $0x11B8D, s5;
	s6 =	sshll.u32 @p0 s4, $0x11  }
0xaa: {  	s5 =	sor.u32 @p0 s6, s5  }
0xab: {  	[sflag:s5] =	ssyncadd.remote.s32 @p0 $0x1;
	_ =	sdelay $0x1  }
0xac: {  	s5 =	simm.s32 @p0 $0x1B8D  }
0xad: {  	_ =	swait.eq @p0 [sflag:s5], $0x1  }
0xae: {  	[sflag:s5] =	ssyncadd.s32 @p0 $0xFFFFFFFF  }
0xaf: {  	s6 =	sshll.u32 @!p0 s1, $0xE  }
0xb0: {  	s6 =	sor.u32 @!p0 $0x4000, s6;
	s5 =	simm.s32 @!p0 $0x1B8D  }
0xb1: {  	s4 =	sshll.u32 @!p0 s4, $0x11;
	s6 =	sadd.s32 @!p0 $0x11B8D, s6;
	_ =	swait.eq @!p0 [sflag:s5], $0x1  }
0xb2: {  	s4 =	sor.u32 @!p0 s4, s6;
	[sflag:s5] =	ssyncadd.s32 @!p0 $0xFFFFFFFF  }
0xb3: {  	s25 =	simm.s32 $0x1B8E;
	s24 =	sld [smem:$0x3FFE];
	[sflag:s4] =	ssyncadd.remote.s32 @!p0 $0x1  }
0xb4: {  	s26 =	simm.s32 $execute0_lowered;
	[smem:$0x3FD2] =	sst s25  }
0xb5: {  	s5 =	sshll.u32 s26, $0x1;
	_ =	strace $0x80000049;
	[dreg:$0x1] =	wrdreg $0xFFFFFFFF  }
0xb6: {  	s28 =	simm.s32 $_size_execute0_lowered;
	s3 =	sadd.s32 s3, s5;
	[dreg:$0x0] =	wrdreg $0x0  }
0xb7: {  	s5 =	sshll.u32 s28, $0x1;
	[dreg:$0x2] =	wrdreg s3  }
0xb8: {  	[dreg:$0x3] =	wrdreg s5  }
0xb9: {  	[dreg:$0x4] =	wrdreg $0xC0  }
0xba: {  	_ =	task [dreg:s22], $0x5FFFF  }
0xbb: {  	[dreg:$0x1] =	wrdreg $0xFFFFFFFF  }
0xbc: {  	[dreg:$0x0] =	wrdreg $0x60  }
0xbd: {  	[dreg:$0x2] =	wrdreg s24  }
0xbe: {  	[dreg:$0x3] =	wrdreg $0x0  }
0xbf: {  	[dreg:$0x4] =	wrdreg $0x9  }
0xc0: {  	_ =	task.clear_ibuf [dreg:s22], $0x5FFFF;
	_ =	strace $0x90000049  }
0xc1: {  	s29 =	simm.s32 $0x9;
	_ =	strace $0x8000004B  }
0xc2: {  	_ =	swait.ge [sflag:s29], $0x1  }
0xc3: {  	[sflag:s29] =	ssyncadd.s32 $0xFFFFFFFF  }
0xc4: {  	_ =	strace $0x9000004B  }
0xc5: {  	_ =	sfence  }
0xc6: {  	s30 =	sld [smem:$0x0];
	_ =	sdelay $0x2  }
0xc7: {  	s31 =	sshll.u32 s1, $0xD;
	s1 =	sshrl.u32 s1, $0x2  }
0xc8: {  	s4 =	sand.u32 $0x4000, s31;
	s1 =	sadd.s32 s1, s30  }
0xc9: {  	s0 =	sor.u32 s4, s0;
	s1 =	sshll.u32 s1, $0x11  }
0xca: {  	s0 =	sor.u32 s1, s0  }
0xcb: {  	s0 =	sadd.s32 $0x8F2B, s0  }
0xcc: {  	[sflag:s0] =	ssyncadd.remote.s32 $0x1  }
0xcd: {  	_ =	sfence.sel $0xFFFF  }
0xce: {  	[dreg:$0x0] =	wrdreg $0xFFFFFFFF;
	(pc) =	sbr.abs _section_cstart, $3  }
0xcf: {  	[dreg:$0x1] =	wrdreg $0xFFFFFFFF  }
0xd0: {  	_ =	task.clear_ibuf [dreg:s22], $0x2FFFF;
	_ =	strace $0x9FFFFFFF  }
0xd1: {  	(tm) =	ssettm $0x7FFFFFFF  }
tec
execute0_lowered:
.L_overlay_start_1:
0x0: {  	(tag) =	ssettag $0x1  }
0x1: {  	s5 =	rddreg [dreg:$0x0]  }
0x2: {  	s1 =	rddreg [dreg:$0x1]  }
0x3: {  	s2 =	simm.s32 $0x0;
	s4 =	srdreg.scid;
	s3 =	stileid.u32  }
0x4: {  	[smem:$0x7FF] =	sst s2;
	s14 =	sadd.s32 $0x38200, s5;
	s11 =	smul.u32 $0x3E80, s3  }
0x5: {  	s13 =	sadd.s32 $0x376A00, s5;
	s10 =	sand.u32 $0x1, s4;
	s22 =	smul.u32 $0xFA00, s3  }
0x6: {  	s4 =	sadd.s32 $0xE200, s5;
	p1 =	slt.u32 s3, $0xA;
	s21 =	smul.u32 $0x1900, s3  }
0x7: {  	s29 =	smul.u32 $0x3200, s3;
	_ =	strace $0x8000004A;
	s6 =	sshll.u32 s10, $0x4  }
0x8: {  	s7 =	ssub.s32 $0x2, s10;
	p0 =	seq.s32 s10, $0x0;
	s19 =	smul.u32 $0x32000, s10  }
0x9: {  	p2 =	seq.s32 s10, $0x1;
	s20 =	smul.u32 $0x19000, s10;
	s17 =	sor.u32 s3, s6  }
0xa: {  	s8 =	sshrl.u32 s11, $0x3;
	s9 =	sshrl.u32 s7, $0x1;
	s23 =	sshrl.u32 s22, $0x2  }
0xb: {  	p0 =	por !p0, !p1;
	s10 =	sadd.s32 s11, s1;
	p1 =	por !p1, !p2  }
0xc: {  	p2 =	sgt.u32 s3, $0x9;
	s22 =	simm.s32 $0x4;
	s12 =	smul.u32 $0x1900, s17  }
0xd: {  	s15 =	sadd.s32 s8, s5;
	s16 =	ssub.s32 s7, s9;
	s25 =	smul.u32 $0x3200, s17  }
0xe: {  	s18 =	sadd.s32 s23, s1;
	p0 =	por !p0, !p0;
	p1 =	por !p1, !p1  }
0xf: {  	s30 =	sadd.s32 s21, s20;
	p3 =	sgt.u32 s17, $0x18;
	s17 =	simm.s32 $0x2710  }
0x10: {  	s20 =	simm.s32 $0x3010;
	s21 =	simm.s32 $0x2;
	s23 =	simm.s32 $0x80  }
0x11: {  	s9 =	sadd.s32 $0x13A00, s15;
	s11 =	sadd.s32 $0xEA00, s15;
	s31 =	sadd.s32 $0x100, s30  }
0x12: {  	s24 =	sshrl.u32 s12, $0x3;
	s26 =	sor.u32 $0x80, s12;
	s6 =	sadd.s32 s13, s25  }
0x13: {  	s12 =	smax.u32 s16, $0x1;
	s15 =	sshrl.u32 s31, $0x3;
	s16 =	sshll.u32 @!p2 s3, $0x6  }
.Ltmp0:
0x14: {  	s5 =	sadd.s32 s14, s24;
	s28 =	sshrl.u32 s26, $0x3;
	(pc) =	sbr.rel .LBB2_1-.Ltmp0, $4  }
0x15: {  	s8 =	sshll.u32 s26, $0x1;
	s24 =	simm.s32 $0x5;
	s7 =	sadd.s32 s14, s28  }
0x16: {  	s8 =	sadd.s32 s13, s8;
	s13 =	sadd.s32 s19, s13;
	s14 =	sadd.s32 s15, s14  }
0x17: {  	s15 =	sor.u32 @!p2 $0x1C05, s16;
	s16 =	sshrl.u32 @!p2 s18, $0x3;
	s13 =	sadd.s32 s29, s13  }
0x18: {  	s18 =	simm.s32 $0x2810;
	s19 =	simm.s32 $0x2790;
	s13 =	sadd.s32 $0x200, s13  }
.LBB2_6:
0x19: {  	s0 =	sshll.u32 @p0 s3, $0x6  }
0x1a: {  	[bflag:$0x0] =	sbarrier.arrive $0xFFFF;
	s25 =	sshrl.u32 @p0 s10, $0x3;
	s0 =	sor.u32 @p0 $0x1C05, s0  }
0x1b: {  	[hbm:s9], [sflag:s0] =	dma.local @p0 [spmem:s25], $0x7D0  }
0x1c: {  	s0 =	simm.s32 @p0 $0x5  }
0x1d: {  	s2 =	sadd.s32 $0x1, s2;
	_ =	swait.ge @p0 [sflag:s0], $0x7D0  }
0x1e: {  	p4 =	sne.s32 s2, s12;
	s25 =	sshll.u32 @p1 s3, $0x6;
	[sflag:s0] =	ssyncset.done @p0 $0x0  }
0x1f: {  	[sflag:s0] =	ssyncadd.s32 @p0 $0xFFFFF830;
	s0 =	sor.u32 @p1 $0x1C05, s25;
	s25 =	sshrl.u32 @p1 s10, $0x3  }
0x20: {  	[hbm:s11], [sflag:s0] =	dma.local @p1 [spmem:s25], $0x7D0  }
.Ltmp1:
0x21: {  	_ = 	snop;
	(pc) =	sbr.rel @!p4 .LBB2_7-.Ltmp1, $4  }
0x22: {  	s0 =	simm.s32 @p1 $0x5  }
0x23: {  	_ =	swait.ge @p1 [sflag:s0], $0x7D0  }
0x24: {  	[sflag:s0] =	ssyncset.done @p1 $0x0  }
0x25: {  	[sflag:s0] =	ssyncadd.s32 @p1 $0xFFFFF830  }
.LBB2_1:
0x26: {  	[spmem:s16], [sflag:s15] =	dma.local @!p2 [hbm:s4], $0x7D0  }
0x27: {  	s25 =	simm.s32 @!p2 $0x5  }
.Ltmp2:
0x28: {  	_ =	swait.ge @!p2 [sflag:s25], $0x7D0;
	(pc) =	sbr.rel @p3 .LBB2_6-.Ltmp2, $3  }
0x29: {  	[sflag:s25] =	ssyncset.done @!p2 $0x0  }
0x2a: {  	[sflag:s25] =	ssyncadd.s32 @!p2 $0xFFFFF830  }
0x2b: {  	[bflag:$0x0] =	sbarrier.arrive $0xFFFF;
	_ =	sdelay $0x1  }
0x2c: {  	s25 =	simm.s32 $0x0  }
0x2d: {  	[tilespmem:s17], [sflag:$0x1] =	stream.linear.gather [hbm4b:s5+s25], $0x80, $0x38;
	[tilespmem:$0x3810] =	vst v63  }
0x2e: {  	_ = 	snop  }
0x2f: {  	[tilespmem:s18], [sflag:$0x3] =	stream.linear.gather [hbm4b:s6+s25], $0x800, $0x38;
	[tilespmem:$0x3810] =	vst v63  }
.Ltmp3:
0x30: {  	_ = 	snop;
	(pc) =	sbr.rel .LBB2_3-.Ltmp3, $4  }
0x31: {  	_ = 	snop  }
0x32: {  	[tilespmem:s19], [sflag:$0x2] =	stream.linear.gather [hbm4b:s7+s25], $0x80, $0x38;
	[tilespmem:$0x3810] =	vst v63  }
0x33: {  	s26 =	smov.u32 s14;
	s28 =	smov.u32 s13  }
0x34: {  	[tilespmem:s20], [sflag:$0x4] =	stream.linear.gather [hbm4b:s8+s25], $0x800, $0x38;
	[tilespmem:$0x3810] =	vst v63  }
.LBB2_5:
0x35: {  	s25 =	sadd.s32 $0x1, s25  }
0x36: {  	p4 =	sne.s32 s25, $0x32  }
.Ltmp4:
0x37: {  	_ = 	snop;
	(pc) =	sbr.rel @!p4 .LBB2_6-.Ltmp4, $2  }
0x38: {  	_ =	sdelay $0x2  }
0x39: {  	s28 =	sadd.s32 $0x100, s28;
	s26 =	sadd.s32 $0x10, s26  }
.LBB2_3:
0x3a: {  	s29 =	sand.u32 $0x1, s25  }
0x3b: {  	p4 =	seq.s32 s29, $0x1  }
0x3c: {  	s30 =	simm.s32 @!p4 $0x1  }
0x3d: {  	_ =	swait.ge @!p4 [sflag:s30], $0x80  }
0x3e: {  	[sflag:s30] =	ssyncset.done @!p4 $0x0  }
0x3f: {  	[sflag:s30] =	ssyncadd.s32 @!p4 $0xFFFFFF80;
	s30 =	simm.s32 @!p4 $0x3  }
0x40: {  	_ =	swait.ge @!p4 [sflag:s30], $0x800  }
0x41: {  	s31 =	simm.s32 @!p4 $0x2710;
	[sflag:s30] =	ssyncset.done @!p4 $0x0  }
0x42: {  	s0 =	simm.s32 @!p4 $0x2810;
	[sflag:s30] =	ssyncadd.s32 @!p4 $0xFFFFF800;
	s30 =	simm.s32 @!p4 $0x80  }
0x43: {  	[spmem:s1] =	stream.indirect.scatter.add.f32 @!p4 [tilespmem:s0], [sflag:$0x5], $0x10, s31, s30, $0xb8;
	[tilespmem:$0x3810] =	vst v63  }
0x44: {  	s0 =	simm.s32 @!p4 $0x5  }
0x45: {  	p5 =	sgt.u32 @!p4 s25, $0x2F;
	_ =	swait.ge @!p4 [sflag:s0], $0x800  }
0x46: {  	p5 =	por p5, p4;
	[sflag:s0] =	ssyncset.done @!p4 $0x0  }
0x47: {  	s30 =	simm.s32 @!p5 $0x2710;
	[sflag:s0] =	ssyncadd.s32 @!p4 $0xFFFFF800;
	s0 =	simm.s32 @!p5 $0x0  }
0x48: {  	[tilespmem:s30], [sflag:$0x1] =	stream.linear.gather @!p5 [hbm4b:s26+s0], $0x80, $0x38;
	[tilespmem:$0x3810] =	vst v63  }
0x49: {  	s30 =	simm.s32 @!p5 $0x2810  }
0x4a: {  	[tilespmem:s30], [sflag:$0x3] =	stream.linear.gather @!p5 [hbm4b:s28+s0], $0x800, $0x38;
	[tilespmem:$0x3810] =	vst v63  }
0x4b: {  	p5 =	seq.s32 @!p4 s29, $0x0  }
0x4c: {  	p4 =	por p4, !p5  }
.Ltmp5:
0x4d: {  	_ = 	snop;
	(pc) =	sbr.rel @!p4 .LBB2_5-.Ltmp5, $1  }
0x4e: {  	_ =	sdelay $0x3  }
0x4f: {  	_ =	swait.ge [sflag:s21], $0x80  }
0x50: {  	[sflag:s21] =	ssyncset.done $0x0  }
0x51: {  	[sflag:s21] =	ssyncadd.s32 $0xFFFFFF80  }
0x52: {  	_ =	swait.ge [sflag:s22], $0x800  }
0x53: {  	[sflag:s22] =	ssyncset.done $0x0  }
0x54: {  	[sflag:s22] =	ssyncadd.s32 $0xFFFFF800  }
0x55: {  	[spmem:s1] =	stream.indirect.scatter.add.f32 [tilespmem:s20], [sflag:$0x5], $0x10, s19, s23, $0xb8;
	[tilespmem:$0x3810] =	vst v63  }
0x56: {  	_ =	swait.ge [sflag:s24], $0x800  }
.Ltmp6:
0x57: {  	p4 =	sgt.u32 s25, $0x2F;
	[sflag:s24] =	ssyncset.done $0x0;
	(pc) =	sbr.rel .LBB2_5-.Ltmp6, $4  }
0x58: {  	s0 =	simm.s32 @!p4 $0x0;
	s29 =	simm.s32 @!p4 $0x2790;
	[sflag:s24] =	ssyncadd.s32 $0xFFFFF800  }
0x59: {  	[tilespmem:s29], [sflag:$0x2] =	stream.linear.gather @!p4 [hbm4b:s26+s0], $0x80, $0x38;
	[tilespmem:$0x3810] =	vst v63  }
0x5a: {  	s29 =	simm.s32 @!p4 $0x3010  }
0x5b: {  	[tilespmem:s29], [sflag:$0x4] =	stream.linear.gather @!p4 [hbm4b:s28+s0], $0x800, $0x38;
	[tilespmem:$0x3810] =	vst v63  }
.LBB2_7:
0x5c: {  	_ =	sfence.sel $0x180000  }
0x5d: {  	[bflag:$0x0] =	sbarrier.arrive $0xFFFF  }
0x5e: {  	_ =	strace $0x9000004A  }
0x5f: {  	[bflag:$0x2] =	sbarrier.arrive $0xFFFF  }
0x60: {  	p0 =	sne.s32 s3, $0x0;
	s0 =	rddreg [dreg:$0x2]  }
0x61: {  	s0 =	sadd.s32 @!p0 $0x100000, s0  }
0x62: {  	[sflag:s0] =	ssyncadd.tile.s32 @!p0 $0x1;
	_ =	shalt  }
.Lfunc_end2:
_tile_overlayer_lowered:
.L_overlay_start_2:
0x63: {  	(tag) =	ssettag $0x2  }
0x64: {  	s0 =	rddreg [dreg:$0x0];
	s2 =	stileid.u32  }
0x65: {  	s1 =	rddreg [dreg:$0x1];
	p0 =	sne.s32 s2, $0x0  }
0x66: {  	s3 =	rddreg [dreg:$0x2];
	[bflag:$0x3] =	sbarrier.arrive $0xFFFF;
	s2 =	simm.s32 @!p0 $0x1C05  }
0x67: {  	[timem:s3], [sflag:s2] =	dma.local @!p0 [hbm:s0], s1  }
0x68: {  	s0 =	simm.s32 @!p0 $0x5  }
0x69: {  	_ =	swait.ge @!p0 [sflag:s0], s1  }
0x6a: {  	s1 =	ssub.s32 @!p0 $0x0, s1;
	[sflag:s0] =	ssyncset.done @!p0 $0x0  }
0x6b: {  	[sflag:s0] =	ssyncadd.s32 @!p0 s1  }
0x6c: {  	[bflag:$0x3] =	sbarrier.arrive $0xFFFF  }
0x6d: {  	_ =	shalt  }

// kernel: kernel.16.cloned.1.call-start
scs
__scs_entry_jumppad:
0x0: {  	(pc) =	sbr.rel $0x88, $3  }
0x1: {  	(tag) =	ssettag $0x0;
	lr =	simm.s32 $0x1  }
0x2: {  	[smem:$0x3F7D] =	sst lr;
	_ =	strace $0xD0000000  }
0x3: {  	_ = 	snop  }
0x4: {  	_ = 	snop  }
0x5: {  	_ = 	snop  }
0x6: {  	_ = 	snop  }
0x7: {  	_ = 	snop  }
__scs_overlays_trampoline_lowered:
0x8: {  	[smem:$0x3F8C] =	sst s0  }
0x9: {  	[smem:$0x3F8D] =	sst s1  }
0xa: {  	[smem:$0x3F8E] =	sst s2  }
0xb: {  	[smem:$0x3F8F] =	sst s3  }
0xc: {  	[smem:$0x3F90] =	sst s4  }
0xd: {  	[smem:$0x3F91] =	sst s5  }
0xe: {  	[smem:$0x3F92] =	sst s6  }
0xf: {  	[smem:$0x3F93] =	sst s7  }
0x10: {  	[smem:$0x3F94] =	sst s8  }
0x11: {  	[smem:$0x3F95] =	sst s9;
	s0 =	simm.s32 @!p0 $0x0  }
0x12: {  	s1 =	sld [smem:$0x3F7B];
	s0 =	simm.s32 @p0 $0x1  }
0x13: {  	[smem:$0x3F96] =	sst s0;
	s0 =	simm.s32 @!p1 $0x0  }
0x14: {  	s2 =	sld [smem:$0x3F7A];
	s0 =	simm.s32 @p1 $0x1  }
0x15: {  	[smem:$0x3F97] =	sst s0;
	s0 =	simm.s32 @!p2 $0x0  }
0x16: {  	s3 =	sld [smem:$0x3FDB];
	s0 =	simm.s32 @p2 $0x1  }
0x17: {  	s4 =	simm.s32 $0x1BF5;
	[smem:$0x3F99] =	sst s0  }
0x18: {  	s0 =	sld [smem:$0x3F7C];
	_ =	swait.ge [sflag:s4], $0x0  }
0x19: {  	s7 =	sld [smem:$0x3F7D]  }
0x1a: {  	s8 =	sadd.s32 $0xFFFFE003, lr  }
0x1b: {  	s9 =	sadd.s32 $0xFFFFFEF7, lr;
	s5 =	simm.s32 $0xFFFFFFFF;
	p2 =	slt.u32 s8, $0xFFFFF086  }
0x1c: {  	p1 =	slt.u32 s9, $0xF7A;
	s5 =	simm.s32 @!p2 $0x0  }
0x1d: {  	s5 =	simm.s32 @p1 $0x1;
	p0 =	seq.s32 s7, s2  }
0x1e: {  	s7 =	smul.u32 @!p0 $0xF7A, s2;
	p2 =	seq.s32 @!p0 s5, $0x0  }
0x1f: {  	s9 =	smul.u32 $0xF7A, s1;
	s8 =	simm.s32 @!p0 $0x1BF5;
	p2 =	por !p2, p0  }
0x20: {  	[sflag:s8] =	ssyncset.s32 @!p0 $0xFFFFF086;
	s6 =	sadd.s32 @!p0 s3, s7;
	s7 =	simm.s32 @!p0 $0x108  }
0x21: {  	s3 =	sadd.s32 s3, s9;
	s6 =	sadd.s32 @!p0 $0x88, s6;
	s7 =	simm.s32 @p2 $0x1082  }
0x22: {  	[simem:s7], [sflag:s8] =	dma.local @!p0 [hbm:s6], $0xF7A  }
0x23: {  	s9 =	sor.u32 $0xD0000000, s2;
	s6 =	simm.s32 $0x108;
	_ =	swait.ge @!p0 [sflag:s8], $0x0  }
0x24: {  	s3 =	sadd.s32 $0x88, s3;
	s6 =	simm.s32 @!p1 $0x1082;
	[sflag:s4] =	ssyncset.s32 $0xFFFFF086  }
0x25: {  	[simem:s6], [sflag:s4] =	dma.local [hbm:s3], $0xF7A  }
0x26: {  	[smem:$0x3F7D] =	sst s1;
	(tag) =	ssettag s2;
	_ =	strace s9  }
0x27: {  	s1 =	sld [smem:$0x3F8D]  }
0x28: {  	s2 =	sld [smem:$0x3F8E]  }
0x29: {  	s4 =	sld [smem:$0x3F90]  }
0x2a: {  	p0 =	seq.s32 s5, $0x0;
	s5 =	sld [smem:$0x3F91]  }
0x2b: {  	s6 =	sld [smem:$0x3F92]  }
0x2c: {  	s7 =	sld [smem:$0x3F93]  }
0x2d: {  	s3 =	simm.s32 $0x108;
	s8 =	sld [smem:$0x3F94]  }
0x2e: {  	s3 =	simm.s32 @!p0 $0x1082;
	s9 =	sld [smem:$0x3F95]  }
0x2f: {  	lr =	sadd.s32 s0, s3;
	s0 =	sld [smem:$0x3F8C]  }
0x30: {  	s3 =	sld [smem:$0x3F8F]  }
0x31: {  	[smem:$0x3F98] =	sst s10  }
0x32: {  	s10 =	sld [smem:$0x3F96];
	_ =	sdelay $0x3  }
0x33: {  	p0 =	seq.s32 s10, $0x1;
	s10 =	sld [smem:$0x3F98];
	_ =	sdelay $0x3  }
0x34: {  	[smem:$0x3F98] =	sst s10  }
0x35: {  	s10 =	sld [smem:$0x3F97];
	_ =	sdelay $0x3  }
0x36: {  	p1 =	seq.s32 s10, $0x1;
	s10 =	sld [smem:$0x3F98];
	_ =	sdelay $0x3  }
0x37: {  	[smem:$0x3F98] =	sst s10  }
0x38: {  	s10 =	sld [smem:$0x3F99]  }
0x39: {  	_ = 	snop;
	(pc) =	sbr.ind lr, $3  }
0x3a: {  	_ = 	snop  }
0x3b: {  	_ = 	snop  }
0x3c: {  	p2 =	seq.s32 s10, $0x1;
	s10 =	sld [smem:$0x3F98]  }
0x3d: {  	_ =	shalt  }
0x3e: {  	_ =	shalt  }
0x3f: {  	_ =	shalt  }
0x40: {  	_ =	shalt  }
0x41: {  	_ =	shalt  }
0x42: {  	_ =	shalt  }
0x43: {  	_ =	shalt  }
0x44: {  	_ =	shalt  }
0x45: {  	_ =	shalt  }
0x46: {  	_ =	shalt  }
0x47: {  	_ =	shalt  }
0x48: {  	_ =	shalt  }
0x49: {  	_ =	shalt  }
0x4a: {  	_ =	shalt  }
0x4b: {  	_ =	shalt  }
0x4c: {  	_ =	shalt  }
0x4d: {  	_ =	shalt  }
0x4e: {  	_ =	shalt  }
0x4f: {  	_ =	shalt  }
0x50: {  	_ =	shalt  }
0x51: {  	_ =	shalt  }
0x52: {  	_ =	shalt  }
0x53: {  	_ =	shalt  }
0x54: {  	_ =	shalt  }
0x55: {  	_ =	shalt  }
0x56: {  	_ =	shalt  }
0x57: {  	_ =	shalt  }
0x58: {  	_ =	shalt  }
0x59: {  	_ =	shalt  }
0x5a: {  	_ =	shalt  }
0x5b: {  	_ =	shalt  }
0x5c: {  	_ =	shalt  }
0x5d: {  	_ =	shalt  }
0x5e: {  	_ =	shalt  }
0x5f: {  	_ =	shalt  }
0x60: {  	_ =	shalt  }
0x61: {  	_ =	shalt  }
0x62: {  	_ =	shalt  }
0x63: {  	_ =	shalt  }
0x64: {  	_ =	shalt  }
0x65: {  	_ =	shalt  }
0x66: {  	_ =	shalt  }
0x67: {  	_ =	shalt  }
0x68: {  	_ =	shalt  }
0x69: {  	_ =	shalt  }
0x6a: {  	_ =	shalt  }
0x6b: {  	_ =	shalt  }
0x6c: {  	_ =	shalt  }
0x6d: {  	_ =	shalt  }
0x6e: {  	_ =	shalt  }
0x6f: {  	_ =	shalt  }
0x70: {  	_ =	shalt  }
0x71: {  	_ =	shalt  }
0x72: {  	_ =	shalt  }
0x73: {  	_ =	shalt  }
0x74: {  	_ =	shalt  }
0x75: {  	_ =	shalt  }
0x76: {  	_ =	shalt  }
0x77: {  	_ =	shalt  }
0x78: {  	_ =	shalt  }
0x79: {  	_ =	shalt  }
0x7a: {  	_ =	shalt  }
0x7b: {  	_ =	shalt  }
0x7c: {  	_ =	shalt  }
0x7d: {  	_ =	shalt  }
0x7e: {  	_ =	shalt  }
0x7f: {  	_ =	shalt  }
0x80: {  	_ =	shalt  }
0x81: {  	_ =	shalt  }
0x82: {  	_ =	shalt  }
0x83: {  	_ =	shalt  }
0x84: {  	_ =	shalt  }
0x85: {  	_ =	shalt  }
0x86: {  	_ =	shalt  }
0x87: {  	_ =	shalt  }
.Lfunc_end0:
.L_simem_size_0:
called_computation.1_lowered:
.L_overlay_start_0:
0x88: {  	s2 =	sld [smem:$0x3FD9]  }
0x89: {  	s3 =	sld [smem:$0x3FFE];
	_ =	sdelay $0x1  }
0x8a: {  	s1 =	srdreg.scid  }
0x8b: {  	s0 =	sand.u32 $0x1, s1  }
0x8c: {  	s16 =	sshll.u32 s0, $0xA;
	s2 =	sadd.s32 s3, s2  }
0x8d: {  	s2 =	sadd.s32 s2, s16  }
0x8e: {  	[smem:$0x3FA4] =	sst s2  }
0x8f: {  	_ = 	snop  }
0x90: {  	(tm) =	ssettm $0x1  }
0x91: {  	s17 =	sld [smem:$0x3FFB];
	_ =	sdelay $0x3  }
0x92: {  	_ =	strace s17  }
0x93: {  	s2 =	sld [smem:$0x3FFC];
	_ =	sdelay $0x3  }
0x94: {  	_ =	strace s2  }
0x95: {  	s2 =	sld [smem:$0x3FFD];
	_ =	sdelay $0x3  }
0x96: {  	_ =	strace s2  }
0x97: {  	_ =	strace $0x8FFFFFFF  }
0x98: {  	s18 =	sld [smem:$0x3FDB];
	_ =	sdelay $0x1  }
0x99: {  	s19 =	simm.s32 $_scs_section_size  }
0x9a: {  	s4 =	simm.s32 $_size__tile_overlayer_lowered;
	s5 =	simm.s32 $_tile_overlayer_lowered  }
0x9b: {  	s22 =	simm.s32 $0x1BFF;
	s21 =	sshll.u32 s5, $0x1;
	s2 =	sadd.s32 s19, s18  }
0x9c: {  	s6 =	simm.s32 $0x0;
	s20 =	sshll.u32 s4, $0x1;
	s4 =	sadd.s32 s21, s2  }
0x9d: {  	[timem:s6], [sflag:s22] =	dma.local [hbm:s4], s20  }
0x9e: {  	_ =	swait.ge [sflag:s22], s20  }
0x9f: {  	s3 =	ssub.s32 $0x0, s20;
	[sflag:s22] =	ssyncset.done $0x0  }
0xa0: {  	[sflag:s22] =	ssyncadd.s32 s3;
	_ =	sdelay $0x1  }
0xa1: {  	s23 =	simm.s32 $0x1B8B  }
0xa2: {  	_ =	swait.ge [sflag:s23], $0x1  }
0xa3: {  	[sflag:s23] =	ssyncset.done $0x0  }
0xa4: {  	s25 =	simm.s32 $0x1B8E;
	s24 =	sld [smem:$0x3FFE];
	[sflag:s23] =	ssyncadd.s32 $0xFFFFFFFF  }
0xa5: {  	s26 =	simm.s32 $execute0_lowered;
	[smem:$0x3FD2] =	sst s25  }
0xa6: {  	s4 =	sshll.u32 s26, $0x1;
	_ =	strace $0x80000046;
	[dreg:$0x1] =	wrdreg $0xFFFFFFFF  }
0xa7: {  	s28 =	simm.s32 $_size_execute0_lowered;
	s2 =	sadd.s32 s2, s4;
	[dreg:$0x0] =	wrdreg $0x0  }
0xa8: {  	s4 =	sshll.u32 s28, $0x1;
	[dreg:$0x2] =	wrdreg s2  }
0xa9: {  	[dreg:$0x3] =	wrdreg s4  }
0xaa: {  	[dreg:$0x4] =	wrdreg $0xC0  }
0xab: {  	_ =	task [dreg:s6], $0x5FFFF  }
0xac: {  	[dreg:$0x1] =	wrdreg $0xFFFFFFFF  }
0xad: {  	[dreg:$0x0] =	wrdreg $0x60  }
0xae: {  	[dreg:$0x2] =	wrdreg s24  }
0xaf: {  	[dreg:$0x3] =	wrdreg $0x0  }
0xb0: {  	[dreg:$0x4] =	wrdreg $0xA  }
0xb1: {  	_ =	task.clear_ibuf [dreg:s6], $0x5FFFF;
	_ =	strace $0x90000046  }
0xb2: {  	s29 =	simm.s32 $0xA;
	_ =	strace $0x80000048  }
0xb3: {  	_ =	swait.ge [sflag:s29], $0x1  }
0xb4: {  	[sflag:s29] =	ssyncadd.s32 $0xFFFFFFFF  }
0xb5: {  	_ =	strace $0x90000048  }
0xb6: {  	_ =	sfence  }
0xb7: {  	s30 =	sld [smem:$0x0];
	_ =	sdelay $0x2  }
0xb8: {  	s31 =	sshll.u32 s1, $0xD;
	s1 =	sshrl.u32 s1, $0x2  }
0xb9: {  	s3 =	sand.u32 $0x4000, s31;
	s1 =	sadd.s32 s1, s30  }
0xba: {  	s0 =	sor.u32 s3, s0;
	s1 =	sshll.u32 s1, $0x11  }
0xbb: {  	s0 =	sor.u32 s1, s0  }
0xbc: {  	s0 =	sadd.s32 $0x8F2B, s0  }
0xbd: {  	[sflag:s0] =	ssyncadd.remote.s32 $0x1  }
0xbe: {  	_ =	sfence.sel $0xFFFF  }
0xbf: {  	[dreg:$0x0] =	wrdreg $0xFFFFFFFF;
	(pc) =	sbr.abs _section_cstart, $3  }
0xc0: {  	[dreg:$0x1] =	wrdreg $0xFFFFFFFF  }
0xc1: {  	_ =	task.clear_ibuf [dreg:s6], $0x2FFFF;
	_ =	strace $0x9FFFFFFF  }
0xc2: {  	(tm) =	ssettm $0x7FFFFFFF  }
0xc3: {  	_ =	shalt  }
tec
execute0_lowered:
.L_overlay_start_1:
0x0: {  	(tag) =	ssettag $0x1  }
0x1: {  	s0 =	rddreg [dreg:$0x0]  }
0x2: {  	s1 =	rddreg [dreg:$0x1];
	s2 =	simm.s32 $0x0;
	s3 =	stileid.u32  }
0x3: {  	s6 =	srdreg.scid;
	s28 =	simm.s32 $0x4;
	s29 =	simm.s32 $0x1B9E0  }
0x4: {  	s30 =	simm.s32 $0x7;
	[smem:$0x7FF] =	sst s2;
	s4 =	sadd.s32 $0x42200, s0  }
0x5: {  	s5 =	sadd.s32 $0x73000, s0;
	s15 =	sadd.s32 $0x3D200, s0;
	s12 =	smul.u32 $0x27100, s3  }
0x6: {  	s16 =	sadd.s32 $0x38200, s0;
	s19 =	sand.u32 $0x1, s6;
	s8 =	smul.u32 $0x9C400, s3  }
0x7: {  	s21 =	sadd.s32 $0x9200, s0;
	s11 =	smul.u32 $0x2710, s3;
	p2 =	slt.u32 s3, $0xA  }
0x8: {  	s17 =	smul.u32 $0x4E2, s3;
	p3 =	sgt.u32 s3, $0x9;
	_ =	strace $0x80000047  }
0x9: {  	[dreg:$0x3] =	wrdreg s21;
	s7 =	ssub.s32 $0x2, s19;
	p0 =	seq.s32 s19, $0x0  }
0xa: {  	p4 =	sne.s32 s19, $0x0;
	s21 =	simm.s32 $0x1;
	s9 =	sshrl.u32 s12, $0x3  }
0xb: {  	s10 =	sshrl.u32 s7, $0x1;
	s22 =	sshrl.u32 s8, $0x2;
	s23 =	sshrl.u32 s11, $0x3  }
0xc: {  	p1 =	por !p0, !p2;
	p0 =	seq.s32 s19, $0x1;
	s12 =	sadd.s32 s12, s1  }
0xd: {  	s26 =	sadd.s32 s17, s16;
	s31 =	sadd.s32 s17, s15;
	s19 =	simm.s32 $0x186A0  }
0xe: {  	s0 =	sadd.s32 s9, s0;
	s14 =	ssub.s32 s7, s10;
	s18 =	sadd.s32 s22, s1  }
0xf: {  	s24 =	sadd.s32 s15, s23;
	s25 =	sadd.s32 $0xA, s23;
	s8 =	sadd.s32 s16, s23  }
0x10: {  	p1 =	por !p1, !p1;
	p2 =	por !p2, !p0;
	s20 =	sadd.s32 $0x14, s26  }
.Ltmp0:
0x11: {  	s22 =	simm.s32 $0x50;
	s26 =	simm.s32 $0x6;
	(pc) =	sbr.rel .LBB2_1-.Ltmp0, $4  }
0x12: {  	[dreg:$0x4] =	wrdreg s24;
	s9 =	sadd.s32 s15, s25;
	s10 =	sadd.s32 s16, s25  }
0x13: {  	s11 =	sadd.s32 $0xD4C00, s0;
	p2 =	por !p2, !p2;
	s13 =	sadd.s32 $0xA3E00, s0  }
0x14: {  	s14 =	smax.u32 s14, $0x1;
	s15 =	sshll.u32 @!p3 s3, $0x6;
	s0 =	sadd.s32 $0x14, s31  }
0x15: {  	s18 =	sshrl.u32 @!p3 s18, $0x3;
	s25 =	simm.s32 $0x18790;
	s17 =	sor.u32 @!p3 $0x1C07, s15  }
.LBB2_11:
0x16: {  	s6 =	sshll.u32 @p1 s3, $0x6  }
0x17: {  	[bflag:$0x0] =	sbarrier.arrive $0xFFFF;
	s7 =	sshrl.u32 @p1 s12, $0x3;
	s6 =	sor.u32 @p1 $0x1C07, s6  }
0x18: {  	[hbm:s11], [sflag:s6] =	dma.local @p1 [spmem:s7], $0x4E20  }
0x19: {  	s6 =	simm.s32 @p1 $0x7  }
0x1a: {  	s2 =	sadd.s32 $0x1, s2;
	_ =	swait.ge @p1 [sflag:s6], $0x4E20  }
0x1b: {  	p5 =	sne.s32 s2, s14;
	s7 =	sshll.u32 @p2 s3, $0x6;
	[sflag:s6] =	ssyncset.done @p1 $0x0  }
0x1c: {  	[sflag:s6] =	ssyncadd.s32 @p1 $0xFFFFB1E0;
	s6 =	sor.u32 @p2 $0x1C07, s7;
	s7 =	sshrl.u32 @p2 s12, $0x3  }
0x1d: {  	[hbm:s13], [sflag:s6] =	dma.local @p2 [spmem:s7], $0x4E20  }
.Ltmp1:
0x1e: {  	_ = 	snop;
	(pc) =	sbr.rel @!p5 .LBB2_12-.Ltmp1, $4  }
0x1f: {  	s6 =	simm.s32 @p2 $0x7  }
0x20: {  	_ =	swait.ge @p2 [sflag:s6], $0x4E20  }
0x21: {  	[sflag:s6] =	ssyncset.done @p2 $0x0  }
0x22: {  	[sflag:s6] =	ssyncadd.s32 @p2 $0xFFFFB1E0  }
.LBB2_1:
0x23: {  	s6 =	rddreg [dreg:$0x3];
	s15 =	simm.s32 @!p3 $0x7  }
0x24: {  	[spmem:s18], [sflag:s17] =	dma.local @!p3 [hbm:s6], $0x4E20  }
.Ltmp2:
0x25: {  	_ =	swait.ge @!p3 [sflag:s15], $0x4E20;
	(pc) =	sbr.rel @p4 .LBB2_6-.Ltmp2, $3  }
0x26: {  	[sflag:s15] =	ssyncset.done @!p3 $0x0  }
0x27: {  	[sflag:s15] =	ssyncadd.s32 @!p3 $0xFFFFB1E0  }
0x28: {  	[bflag:$0x0] =	sbarrier.arrive $0xFFFF;
	_ =	sdelay $0x1  }
0x29: {  	s31 =	simm.s32 $0x0;
	s6 =	rddreg [dreg:$0x4]  }
0x2a: {  	[tilespmem:s19], [sflag:$0x1] =	stream.linear.gather [hbm4b:s6+s31], $0x50, $0x38;
	[tilespmem:$0x1EBE0] =	vst v63  }
0x2b: {  	s16 =	simm.s32 $0x18740  }
0x2c: {  	[tilespmem:s16], [sflag:$0x3] =	stream.linear.gather [hbm4b:s8+s31], $0x50, $0x38;
	[tilespmem:$0x1EBE0] =	vst v63  }
0x2d: {  	_ =	swait.ge [sflag:s21], $0x50  }
0x2e: {  	[sflag:s21] =	ssyncset.done $0x0  }
0x2f: {  	s23 =	simm.s32 $0x187E0;
	[sflag:s21] =	ssyncadd.s32 $0xFFFFFFB0  }
0x30: {  	[tilespmem:s23], [sflag:$0x5] =	stream.indirect.gather [hbm4b:s4+s22], $0xA0, s19, s22, $0xb8;
	[tilespmem:$0x1EBE0] =	vst v63  }
.Ltmp3:
0x31: {  	_ = 	snop;
	(pc) =	sbr.rel .LBB2_3-.Ltmp3, $4  }
0x32: {  	s24 =	simm.s32 $0x186F0  }
0x33: {  	[tilespmem:s24], [sflag:$0x2] =	stream.linear.gather [hbm4b:s9+s31], $0x50, $0x38;
	[tilespmem:$0x1EBE0] =	vst v63  }
0x34: {  	s15 =	smov.u32 s20;
	s16 =	smov.u32 s0  }
0x35: {  	[tilespmem:s25], [sflag:$0x4] =	stream.linear.gather [hbm4b:s10+s31], $0x50, $0x38;
	[tilespmem:$0x1EBE0] =	vst v63  }
.LBB2_5:
0x36: {  	s31 =	sadd.s32 $0x1, s31  }
0x37: {  	p5 =	sne.s32 s31, $0x7D  }
.Ltmp4:
0x38: {  	_ = 	snop;
	(pc) =	sbr.rel @!p5 .LBB2_6-.Ltmp4, $2  }
0x39: {  	_ =	sdelay $0x2  }
0x3a: {  	s15 =	sadd.s32 $0xA, s15;
	s16 =	sadd.s32 $0xA, s16  }
.LBB2_3:
0x3b: {  	s23 =	sand.u32 $0x1, s31  }
0x3c: {  	p5 =	seq.s32 s23, $0x1  }
0x3d: {  	p6 =	seq.s32 @!p5 s31, $0x7C  }
0x3e: {  	p6 =	por p6, p5  }
0x3f: {  	s24 =	simm.s32 @!p6 $0x2  }
0x40: {  	_ =	swait.ge @!p6 [sflag:s24], $0x50  }
0x41: {  	s6 =	simm.s32 @!p6 $0x186F0;
	[sflag:s24] =	ssyncset.done @!p6 $0x0  }
0x42: {  	s7 =	simm.s32 @!p6 $0x1B9E0;
	[sflag:s24] =	ssyncadd.s32 @!p6 $0xFFFFFFB0;
	s24 =	simm.s32 @!p6 $0x50  }
0x43: {  	[tilespmem:s7], [sflag:$0x6] =	stream.indirect.gather @!p6 [hbm4b:s4+s24], $0xA0, s6, s24, $0xb8;
	[tilespmem:$0x1EBE0] =	vst v63  }
0x44: {  	s6 =	simm.s32 @!p5 $0x5  }
0x45: {  	_ =	swait.ge @!p5 [sflag:s6], $0x3200  }
0x46: {  	[sflag:s6] =	ssyncset.done @!p5 $0x0  }
0x47: {  	[sflag:s6] =	ssyncadd.s32 @!p5 $0xFFFFCE00;
	s6 =	simm.s32 @!p5 $0x3  }
0x48: {  	_ =	swait.ge @!p5 [sflag:s6], $0x50  }
0x49: {  	s7 =	simm.s32 @!p5 $0x18740;
	[sflag:s6] =	ssyncset.done @!p5 $0x0  }
0x4a: {  	s24 =	simm.s32 @!p5 $0x187E0;
	[sflag:s6] =	ssyncadd.s32 @!p5 $0xFFFFFFB0;
	s6 =	simm.s32 @!p5 $0x50  }
0x4b: {  	[spmem:s1] =	stream.indirect.scatter.add.f32 @!p5 [tilespmem:s24], [sflag:$0x7], $0xA0, s7, s6, $0xb8;
	[tilespmem:$0x1EBE0] =	vst v63  }
0x4c: {  	s6 =	simm.s32 @!p5 $0x7  }
0x4d: {  	p6 =	sgt.u32 @!p5 s31, $0x7A;
	_ =	swait.ge @!p5 [sflag:s6], $0x3200  }
0x4e: {  	p6 =	por p6, p5;
	[sflag:s6] =	ssyncset.done @!p5 $0x0  }
0x4f: {  	s7 =	simm.s32 @!p6 $0x186A0;
	[sflag:s6] =	ssyncadd.s32 @!p5 $0xFFFFCE00;
	s6 =	simm.s32 @!p6 $0x0  }
0x50: {  	[tilespmem:s7], [sflag:$0x1] =	stream.linear.gather @!p6 [hbm4b:s16+s6], $0x50, $0x38;
	[tilespmem:$0x1EBE0] =	vst v63  }
0x51: {  	s7 =	simm.s32 @!p6 $0x18740  }
0x52: {  	[tilespmem:s7], [sflag:$0x3] =	stream.linear.gather @!p6 [hbm4b:s15+s6], $0x50, $0x38;
	[tilespmem:$0x1EBE0] =	vst v63  }
0x53: {  	p6 =	seq.s32 @!p5 s23, $0x0  }
0x54: {  	p5 =	por p5, !p6  }
.Ltmp5:
0x55: {  	_ = 	snop;
	(pc) =	sbr.rel @!p5 .LBB2_5-.Ltmp5, $1  }
0x56: {  	_ =	sdelay $0x3  }
0x57: {  	p5 =	seq.s32 s31, $0x7C  }
0x58: {  	s6 =	simm.s32 @!p5 $0x1  }
0x59: {  	_ =	swait.ge @!p5 [sflag:s6], $0x50  }
0x5a: {  	s7 =	simm.s32 @!p5 $0x186A0;
	[sflag:s6] =	ssyncset.done @!p5 $0x0  }
0x5b: {  	s23 =	simm.s32 @!p5 $0x187E0;
	[sflag:s6] =	ssyncadd.s32 @!p5 $0xFFFFFFB0;
	s6 =	simm.s32 @!p5 $0x50  }
0x5c: {  	[tilespmem:s23], [sflag:$0x5] =	stream.indirect.gather @!p5 [hbm4b:s4+s6], $0xA0, s7, s6, $0xb8;
	[tilespmem:$0x1EBE0] =	vst v63  }
0x5d: {  	_ =	swait.ge [sflag:s26], $0x3200  }
0x5e: {  	[sflag:s26] =	ssyncset.done $0x0  }
0x5f: {  	[sflag:s26] =	ssyncadd.s32 $0xFFFFCE00  }
0x60: {  	_ =	swait.ge [sflag:s28], $0x50  }
0x61: {  	[sflag:s28] =	ssyncset.done $0x0  }
0x62: {  	[sflag:s28] =	ssyncadd.s32 $0xFFFFFFB0  }
0x63: {  	[spmem:s1] =	stream.indirect.scatter.add.f32 [tilespmem:s29], [sflag:$0x7], $0xA0, s25, s22, $0xb8;
	[tilespmem:$0x1EBE0] =	vst v63  }
0x64: {  	_ =	swait.ge [sflag:s30], $0x3200  }
.Ltmp6:
0x65: {  	p5 =	sgt.u32 s31, $0x7A;
	[sflag:s30] =	ssyncset.done $0x0;
	(pc) =	sbr.rel .LBB2_5-.Ltmp6, $4  }
0x66: {  	s6 =	simm.s32 @!p5 $0x0;
	s7 =	simm.s32 @!p5 $0x186F0;
	[sflag:s30] =	ssyncadd.s32 $0xFFFFCE00  }
0x67: {  	[tilespmem:s7], [sflag:$0x2] =	stream.linear.gather @!p5 [hbm4b:s16+s6], $0x50, $0x38;
	[tilespmem:$0x1EBE0] =	vst v63  }
0x68: {  	s7 =	simm.s32 @!p5 $0x18790  }
0x69: {  	[tilespmem:s7], [sflag:$0x4] =	stream.linear.gather @!p5 [hbm4b:s15+s6], $0x50, $0x38;
	[tilespmem:$0x1EBE0] =	vst v63  }
.LBB2_6:
.Ltmp7:
0x6a: {  	(pc) =	sbr.rel @!p0 .LBB2_11-.Ltmp7, $1  }
0x6b: {  	_ =	sdelay $0x3  }
0x6c: {  	s31 =	simm.s32 $0x0;
	s6 =	rddreg [dreg:$0x4]  }
0x6d: {  	[tilespmem:s19], [sflag:$0x1] =	stream.linear.gather [hbm4b:s6+s31], $0x50, $0x38;
	[tilespmem:$0x1EBE0] =	vst v63  }
0x6e: {  	s16 =	simm.s32 $0x18740  }
0x6f: {  	[tilespmem:s16], [sflag:$0x3] =	stream.linear.gather [hbm4b:s8+s31], $0x50, $0x38;
	[tilespmem:$0x1EBE0] =	vst v63  }
0x70: {  	_ =	swait.ge [sflag:s21], $0x50  }
0x71: {  	[sflag:s21] =	ssyncset.done $0x0  }
0x72: {  	s23 =	simm.s32 $0x187E0;
	[sflag:s21] =	ssyncadd.s32 $0xFFFFFFB0  }
0x73: {  	[tilespmem:s23], [sflag:$0x5] =	stream.indirect.gather [hbm4b:s5+s22], $0xA0, s19, s22, $0xb8;
	[tilespmem:$0x1EBE0] =	vst v63  }
.Ltmp8:
0x74: {  	_ = 	snop;
	(pc) =	sbr.rel .LBB2_8-.Ltmp8, $4  }
0x75: {  	s24 =	simm.s32 $0x186F0  }
0x76: {  	[tilespmem:s24], [sflag:$0x2] =	stream.linear.gather [hbm4b:s9+s31], $0x50, $0x38;
	[tilespmem:$0x1EBE0] =	vst v63  }
0x77: {  	s15 =	smov.u32 s20;
	s16 =	smov.u32 s0  }
0x78: {  	[tilespmem:s25], [sflag:$0x4] =	stream.linear.gather [hbm4b:s10+s31], $0x50, $0x38;
	[tilespmem:$0x1EBE0] =	vst v63  }
.LBB2_10:
0x79: {  	s31 =	sadd.s32 $0x1, s31  }
0x7a: {  	p5 =	sne.s32 s31, $0x7D  }
.Ltmp9:
0x7b: {  	_ = 	snop;
	(pc) =	sbr.rel @!p5 .LBB2_11-.Ltmp9, $2  }
0x7c: {  	_ =	sdelay $0x2  }
0x7d: {  	s15 =	sadd.s32 $0xA, s15;
	s16 =	sadd.s32 $0xA, s16  }
.LBB2_8:
0x7e: {  	s6 =	sand.u32 $0x1, s31  }
0x7f: {  	p5 =	seq.s32 s6, $0x1  }
0x80: {  	p6 =	seq.s32 @!p5 s31, $0x7C  }
0x81: {  	p6 =	por p6, p5  }
0x82: {  	s7 =	simm.s32 @!p6 $0x2  }
0x83: {  	_ =	swait.ge @!p6 [sflag:s7], $0x50  }
0x84: {  	s23 =	simm.s32 @!p6 $0x186F0;
	[sflag:s7] =	ssyncset.done @!p6 $0x0  }
0x85: {  	s24 =	simm.s32 @!p6 $0x1B9E0;
	[sflag:s7] =	ssyncadd.s32 @!p6 $0xFFFFFFB0;
	s7 =	simm.s32 @!p6 $0x50  }
0x86: {  	[tilespmem:s24], [sflag:$0x6] =	stream.indirect.gather @!p6 [hbm4b:s5+s7], $0xA0, s23, s7, $0xb8;
	[tilespmem:$0x1EBE0] =	vst v63  }
0x87: {  	s7 =	simm.s32 @!p5 $0x5  }
0x88: {  	_ =	swait.ge @!p5 [sflag:s7], $0x3200  }
0x89: {  	[sflag:s7] =	ssyncset.done @!p5 $0x0  }
0x8a: {  	[sflag:s7] =	ssyncadd.s32 @!p5 $0xFFFFCE00;
	s7 =	simm.s32 @!p5 $0x3  }
0x8b: {  	_ =	swait.ge @!p5 [sflag:s7], $0x50  }
0x8c: {  	s23 =	simm.s32 @!p5 $0x18740;
	[sflag:s7] =	ssyncset.done @!p5 $0x0  }
0x8d: {  	s24 =	simm.s32 @!p5 $0x187E0;
	[sflag:s7] =	ssyncadd.s32 @!p5 $0xFFFFFFB0;
	s7 =	simm.s32 @!p5 $0x50  }
0x8e: {  	[spmem:s1] =	stream.indirect.scatter.add.f32 @!p5 [tilespmem:s24], [sflag:$0x7], $0xA0, s23, s7, $0xb8;
	[tilespmem:$0x1EBE0] =	vst v63  }
0x8f: {  	s7 =	simm.s32 @!p5 $0x7  }
0x90: {  	p6 =	sgt.u32 @!p5 s31, $0x7A;
	_ =	swait.ge @!p5 [sflag:s7], $0x3200  }
0x91: {  	p6 =	por p6, p5;
	[sflag:s7] =	ssyncset.done @!p5 $0x0  }
0x92: {  	s23 =	simm.s32 @!p6 $0x186A0;
	[sflag:s7] =	ssyncadd.s32 @!p5 $0xFFFFCE00;
	s7 =	simm.s32 @!p6 $0x0  }
0x93: {  	[tilespmem:s23], [sflag:$0x1] =	stream.linear.gather @!p6 [hbm4b:s16+s7], $0x50, $0x38;
	[tilespmem:$0x1EBE0] =	vst v63  }
0x94: {  	s23 =	simm.s32 @!p6 $0x18740  }
0x95: {  	[tilespmem:s23], [sflag:$0x3] =	stream.linear.gather @!p6 [hbm4b:s15+s7], $0x50, $0x38;
	[tilespmem:$0x1EBE0] =	vst v63  }
0x96: {  	p6 =	seq.s32 @!p5 s6, $0x0  }
0x97: {  	p5 =	por p5, !p6  }
.Ltmp10:
0x98: {  	_ = 	snop;
	(pc) =	sbr.rel @!p5 .LBB2_10-.Ltmp10, $1  }
0x99: {  	_ =	sdelay $0x3  }
0x9a: {  	p5 =	seq.s32 s31, $0x7C  }
0x9b: {  	s6 =	simm.s32 @!p5 $0x1  }
0x9c: {  	_ =	swait.ge @!p5 [sflag:s6], $0x50  }
0x9d: {  	s7 =	simm.s32 @!p5 $0x186A0;
	[sflag:s6] =	ssyncset.done @!p5 $0x0  }
0x9e: {  	s23 =	simm.s32 @!p5 $0x187E0;
	[sflag:s6] =	ssyncadd.s32 @!p5 $0xFFFFFFB0;
	s6 =	simm.s32 @!p5 $0x50  }
0x9f: {  	[tilespmem:s23], [sflag:$0x5] =	stream.indirect.gather @!p5 [hbm4b:s5+s6], $0xA0, s7, s6, $0xb8;
	[tilespmem:$0x1EBE0] =	vst v63  }
0xa0: {  	_ =	swait.ge [sflag:s26], $0x3200  }
0xa1: {  	[sflag:s26] =	ssyncset.done $0x0  }
0xa2: {  	[sflag:s26] =	ssyncadd.s32 $0xFFFFCE00  }
0xa3: {  	_ =	swait.ge [sflag:s28], $0x50  }
0xa4: {  	[sflag:s28] =	ssyncset.done $0x0  }
0xa5: {  	[sflag:s28] =	ssyncadd.s32 $0xFFFFFFB0  }
0xa6: {  	[spmem:s1] =	stream.indirect.scatter.add.f32 [tilespmem:s29], [sflag:$0x7], $0xA0, s25, s22, $0xb8;
	[tilespmem:$0x1EBE0] =	vst v63  }
0xa7: {  	_ =	swait.ge [sflag:s30], $0x3200  }
.Ltmp11:
0xa8: {  	p5 =	sgt.u32 s31, $0x7A;
	[sflag:s30] =	ssyncset.done $0x0;
	(pc) =	sbr.rel .LBB2_10-.Ltmp11, $4  }
0xa9: {  	s6 =	simm.s32 @!p5 $0x0;
	s7 =	simm.s32 @!p5 $0x186F0;
	[sflag:s30] =	ssyncadd.s32 $0xFFFFCE00  }
0xaa: {  	[tilespmem:s7], [sflag:$0x2] =	stream.linear.gather @!p5 [hbm4b:s16+s6], $0x50, $0x38;
	[tilespmem:$0x1EBE0] =	vst v63  }
0xab: {  	s7 =	simm.s32 @!p5 $0x18790  }
0xac: {  	[tilespmem:s7], [sflag:$0x4] =	stream.linear.gather @!p5 [hbm4b:s15+s6], $0x50, $0x38;
	[tilespmem:$0x1EBE0] =	vst v63  }
.LBB2_12:
0xad: {  	_ =	sfence.sel $0x180000  }
0xae: {  	[bflag:$0x0] =	sbarrier.arrive $0xFFFF  }
0xaf: {  	_ =	strace $0x90000047  }
0xb0: {  	[bflag:$0x2] =	sbarrier.arrive $0xFFFF  }
0xb1: {  	p0 =	sne.s32 s3, $0x0;
	s0 =	rddreg [dreg:$0x2]  }
0xb2: {  	s0 =	sadd.s32 @!p0 $0x100000, s0  }
0xb3: {  	[sflag:s0] =	ssyncadd.tile.s32 @!p0 $0x1;
	_ =	shalt  }
.Lfunc_end2:
_tile_overlayer_lowered:
.L_overlay_start_2:
0xb4: {  	(tag) =	ssettag $0x2  }
0xb5: {  	s0 =	rddreg [dreg:$0x0];
	s2 =	stileid.u32  }
0xb6: {  	s1 =	rddreg [dreg:$0x1];
	p0 =	sne.s32 s2, $0x0  }
0xb7: {  	s3 =	rddreg [dreg:$0x2];
	[bflag:$0x3] =	sbarrier.arrive $0xFFFF;
	s2 =	simm.s32 @!p0 $0x1C07  }
0xb8: {  	[timem:s3], [sflag:s2] =	dma.local @!p0 [hbm:s0], s1  }
0xb9: {  	s0 =	simm.s32 @!p0 $0x7  }
0xba: {  	_ =	swait.ge @!p0 [sflag:s0], s1  }
0xbb: {  	s1 =	ssub.s32 @!p0 $0x0, s1;
	[sflag:s0] =	ssyncset.done @!p0 $0x0  }
0xbc: {  	[sflag:s0] =	ssyncadd.s32 @!p0 s1  }
0xbd: {  	[bflag:$0x3] =	sbarrier.arrive $0xFFFF  }
0xbe: {  	_ =	shalt  }

// kernel: kernel.19.cloned.1.call-start
scs
__scs_entry_jumppad:
0x0: {  	(pc) =	sbr.rel $0x88, $3  }
0x1: {  	(tag) =	ssettag $0x0;
	lr =	simm.s32 $0x1  }
0x2: {  	[smem:$0x3F7D] =	sst lr;
	_ =	strace $0xD0000000  }
0x3: {  	_ = 	snop  }
0x4: {  	_ = 	snop  }
0x5: {  	_ = 	snop  }
0x6: {  	_ = 	snop  }
0x7: {  	_ = 	snop  }
__scs_overlays_trampoline_lowered:
0x8: {  	[smem:$0x3F8C] =	sst s0  }
0x9: {  	[smem:$0x3F8D] =	sst s1  }
0xa: {  	[smem:$0x3F8E] =	sst s2  }
0xb: {  	[smem:$0x3F8F] =	sst s3  }
0xc: {  	[smem:$0x3F90] =	sst s4  }
0xd: {  	[smem:$0x3F91] =	sst s5  }
0xe: {  	[smem:$0x3F92] =	sst s6  }
0xf: {  	[smem:$0x3F93] =	sst s7  }
0x10: {  	[smem:$0x3F94] =	sst s8  }
0x11: {  	[smem:$0x3F95] =	sst s9;
	s0 =	simm.s32 @!p0 $0x0  }
0x12: {  	s1 =	sld [smem:$0x3F7B];
	s0 =	simm.s32 @p0 $0x1  }
0x13: {  	[smem:$0x3F96] =	sst s0;
	s0 =	simm.s32 @!p1 $0x0  }
0x14: {  	s2 =	sld [smem:$0x3F7A];
	s0 =	simm.s32 @p1 $0x1  }
0x15: {  	[smem:$0x3F97] =	sst s0;
	s0 =	simm.s32 @!p2 $0x0  }
0x16: {  	s3 =	sld [smem:$0x3FDB];
	s0 =	simm.s32 @p2 $0x1  }
0x17: {  	s4 =	simm.s32 $0x1BF5;
	[smem:$0x3F99] =	sst s0  }
0x18: {  	s0 =	sld [smem:$0x3F7C];
	_ =	swait.ge [sflag:s4], $0x0  }
0x19: {  	s7 =	sld [smem:$0x3F7D]  }
0x1a: {  	s8 =	sadd.s32 $0xFFFFE003, lr  }
0x1b: {  	s9 =	sadd.s32 $0xFFFFFEF7, lr;
	s5 =	simm.s32 $0xFFFFFFFF;
	p2 =	slt.u32 s8, $0xFFFFF086  }
0x1c: {  	p1 =	slt.u32 s9, $0xF7A;
	s5 =	simm.s32 @!p2 $0x0  }
0x1d: {  	s5 =	simm.s32 @p1 $0x1;
	p0 =	seq.s32 s7, s2  }
0x1e: {  	s7 =	smul.u32 @!p0 $0xF7A, s2;
	p2 =	seq.s32 @!p0 s5, $0x0  }
0x1f: {  	s9 =	smul.u32 $0xF7A, s1;
	s8 =	simm.s32 @!p0 $0x1BF5;
	p2 =	por !p2, p0  }
0x20: {  	[sflag:s8] =	ssyncset.s32 @!p0 $0xFFFFF086;
	s6 =	sadd.s32 @!p0 s3, s7;
	s7 =	simm.s32 @!p0 $0x108  }
0x21: {  	s3 =	sadd.s32 s3, s9;
	s6 =	sadd.s32 @!p0 $0x88, s6;
	s7 =	simm.s32 @p2 $0x1082  }
0x22: {  	[simem:s7], [sflag:s8] =	dma.local @!p0 [hbm:s6], $0xF7A  }
0x23: {  	s9 =	sor.u32 $0xD0000000, s2;
	s6 =	simm.s32 $0x108;
	_ =	swait.ge @!p0 [sflag:s8], $0x0  }
0x24: {  	s3 =	sadd.s32 $0x88, s3;
	s6 =	simm.s32 @!p1 $0x1082;
	[sflag:s4] =	ssyncset.s32 $0xFFFFF086  }
0x25: {  	[simem:s6], [sflag:s4] =	dma.local [hbm:s3], $0xF7A  }
0x26: {  	[smem:$0x3F7D] =	sst s1;
	(tag) =	ssettag s2;
	_ =	strace s9  }
0x27: {  	s1 =	sld [smem:$0x3F8D]  }
0x28: {  	s2 =	sld [smem:$0x3F8E]  }
0x29: {  	s4 =	sld [smem:$0x3F90]  }
0x2a: {  	p0 =	seq.s32 s5, $0x0;
	s5 =	sld [smem:$0x3F91]  }
0x2b: {  	s6 =	sld [smem:$0x3F92]  }
0x2c: {  	s7 =	sld [smem:$0x3F93]  }
0x2d: {  	s3 =	simm.s32 $0x108;
	s8 =	sld [smem:$0x3F94]  }
0x2e: {  	s3 =	simm.s32 @!p0 $0x1082;
	s9 =	sld [smem:$0x3F95]  }
0x2f: {  	lr =	sadd.s32 s0, s3;
	s0 =	sld [smem:$0x3F8C]  }
0x30: {  	s3 =	sld [smem:$0x3F8F]  }
0x31: {  	[smem:$0x3F98] =	sst s10  }
0x32: {  	s10 =	sld [smem:$0x3F96];
	_ =	sdelay $0x3  }
0x33: {  	p0 =	seq.s32 s10, $0x1;
	s10 =	sld [smem:$0x3F98];
	_ =	sdelay $0x3  }
0x34: {  	[smem:$0x3F98] =	sst s10  }
0x35: {  	s10 =	sld [smem:$0x3F97];
	_ =	sdelay $0x3  }
0x36: {  	p1 =	seq.s32 s10, $0x1;
	s10 =	sld [smem:$0x3F98];
	_ =	sdelay $0x3  }
0x37: {  	[smem:$0x3F98] =	sst s10  }
0x38: {  	s10 =	sld [smem:$0x3F99]  }
0x39: {  	_ = 	snop;
	(pc) =	sbr.ind lr, $3  }
0x3a: {  	_ = 	snop  }
0x3b: {  	_ = 	snop  }
0x3c: {  	p2 =	seq.s32 s10, $0x1;
	s10 =	sld [smem:$0x3F98]  }
0x3d: {  	_ =	shalt  }
0x3e: {  	_ =	shalt  }
0x3f: {  	_ =	shalt  }
0x40: {  	_ =	shalt  }
0x41: {  	_ =	shalt  }
0x42: {  	_ =	shalt  }
0x43: {  	_ =	shalt  }
0x44: {  	_ =	shalt  }
0x45: {  	_ =	shalt  }
0x46: {  	_ =	shalt  }
0x47: {  	_ =	shalt  }
0x48: {  	_ =	shalt  }
0x49: {  	_ =	shalt  }
0x4a: {  	_ =	shalt  }
0x4b: {  	_ =	shalt  }
0x4c: {  	_ =	shalt  }
0x4d: {  	_ =	shalt  }
0x4e: {  	_ =	shalt  }
0x4f: {  	_ =	shalt  }
0x50: {  	_ =	shalt  }
0x51: {  	_ =	shalt  }
0x52: {  	_ =	shalt  }
0x53: {  	_ =	shalt  }
0x54: {  	_ =	shalt  }
0x55: {  	_ =	shalt  }
0x56: {  	_ =	shalt  }
0x57: {  	_ =	shalt  }
0x58: {  	_ =	shalt  }
0x59: {  	_ =	shalt  }
0x5a: {  	_ =	shalt  }
0x5b: {  	_ =	shalt  }
0x5c: {  	_ =	shalt  }
0x5d: {  	_ =	shalt  }
0x5e: {  	_ =	shalt  }
0x5f: {  	_ =	shalt  }
0x60: {  	_ =	shalt  }
0x61: {  	_ =	shalt  }
0x62: {  	_ =	shalt  }
0x63: {  	_ =	shalt  }
0x64: {  	_ =	shalt  }
0x65: {  	_ =	shalt  }
0x66: {  	_ =	shalt  }
0x67: {  	_ =	shalt  }
0x68: {  	_ =	shalt  }
0x69: {  	_ =	shalt  }
0x6a: {  	_ =	shalt  }
0x6b: {  	_ =	shalt  }
0x6c: {  	_ =	shalt  }
0x6d: {  	_ =	shalt  }
0x6e: {  	_ =	shalt  }
0x6f: {  	_ =	shalt  }
0x70: {  	_ =	shalt  }
0x71: {  	_ =	shalt  }
0x72: {  	_ =	shalt  }
0x73: {  	_ =	shalt  }
0x74: {  	_ =	shalt  }
0x75: {  	_ =	shalt  }
0x76: {  	_ =	shalt  }
0x77: {  	_ =	shalt  }
0x78: {  	_ =	shalt  }
0x79: {  	_ =	shalt  }
0x7a: {  	_ =	shalt  }
0x7b: {  	_ =	shalt  }
0x7c: {  	_ =	shalt  }
0x7d: {  	_ =	shalt  }
0x7e: {  	_ =	shalt  }
0x7f: {  	_ =	shalt  }
0x80: {  	_ =	shalt  }
0x81: {  	_ =	shalt  }
0x82: {  	_ =	shalt  }
0x83: {  	_ =	shalt  }
0x84: {  	_ =	shalt  }
0x85: {  	_ =	shalt  }
0x86: {  	_ =	shalt  }
0x87: {  	_ =	shalt  }
.Lfunc_end0:
.L_simem_size_0:
called_computation.2_lowered:
.L_overlay_start_0:
0x88: {  	s2 =	sld [smem:$0x3FD9]  }
0x89: {  	s3 =	sld [smem:$0x3FFE];
	_ =	sdelay $0x1  }
0x8a: {  	s1 =	srdreg.scid  }
0x8b: {  	s0 =	sand.u32 $0x1, s1  }
0x8c: {  	s16 =	sshll.u32 s0, $0xA;
	s2 =	sadd.s32 s3, s2  }
0x8d: {  	s2 =	sadd.s32 s2, s16  }
0x8e: {  	[smem:$0x3FA4] =	sst s2  }
0x8f: {  	_ = 	snop  }
0x90: {  	(tm) =	ssettm $0x1  }
0x91: {  	s17 =	sld [smem:$0x3FFB];
	_ =	sdelay $0x3  }
0x92: {  	_ =	strace s17  }
0x93: {  	s2 =	sld [smem:$0x3FFC];
	_ =	sdelay $0x3  }
0x94: {  	_ =	strace s2  }
0x95: {  	s2 =	sld [smem:$0x3FFD];
	_ =	sdelay $0x3  }
0x96: {  	_ =	strace s2  }
0x97: {  	_ =	strace $0x8FFFFFFF  }
0x98: {  	s18 =	sld [smem:$0x3FDB];
	_ =	sdelay $0x1  }
0x99: {  	s19 =	simm.s32 $_scs_section_size  }
0x9a: {  	s4 =	simm.s32 $_size__tile_overlayer_lowered;
	s5 =	simm.s32 $_tile_overlayer_lowered  }
0x9b: {  	s22 =	simm.s32 $0x1BFF;
	s21 =	sshll.u32 s5, $0x1;
	s2 =	sadd.s32 s19, s18  }
0x9c: {  	s6 =	simm.s32 $0x0;
	s20 =	sshll.u32 s4, $0x1;
	s4 =	sadd.s32 s21, s2  }
0x9d: {  	[timem:s6], [sflag:s22] =	dma.local [hbm:s4], s20  }
0x9e: {  	_ =	swait.ge [sflag:s22], s20  }
0x9f: {  	s3 =	ssub.s32 $0x0, s20;
	[sflag:s22] =	ssyncset.done $0x0  }
0xa0: {  	[sflag:s22] =	ssyncadd.s32 s3;
	_ =	sdelay $0x1  }
0xa1: {  	s23 =	simm.s32 $0x1B8B  }
0xa2: {  	_ =	swait.ge [sflag:s23], $0x1  }
0xa3: {  	[sflag:s23] =	ssyncset.done $0x0  }
0xa4: {  	s25 =	simm.s32 $0x1B8E;
	s24 =	sld [smem:$0x3FFE];
	[sflag:s23] =	ssyncadd.s32 $0xFFFFFFFF  }
0xa5: {  	s26 =	simm.s32 $execute0_lowered;
	[smem:$0x3FD2] =	sst s25  }
0xa6: {  	s4 =	sshll.u32 s26, $0x1;
	_ =	strace $0x8000004C;
	[dreg:$0x1] =	wrdreg $0xFFFFFFFF  }
0xa7: {  	s28 =	simm.s32 $_size_execute0_lowered;
	s2 =	sadd.s32 s2, s4;
	[dreg:$0x0] =	wrdreg $0x0  }
0xa8: {  	s4 =	sshll.u32 s28, $0x1;
	[dreg:$0x2] =	wrdreg s2  }
0xa9: {  	[dreg:$0x3] =	wrdreg s4  }
0xaa: {  	[dreg:$0x4] =	wrdreg $0xC0  }
0xab: {  	_ =	task [dreg:s6], $0x5FFFF  }
0xac: {  	[dreg:$0x1] =	wrdreg $0xFFFFFFFF  }
0xad: {  	[dreg:$0x0] =	wrdreg $0x60  }
0xae: {  	[dreg:$0x2] =	wrdreg s24  }
0xaf: {  	[dreg:$0x3] =	wrdreg $0x0  }
0xb0: {  	[dreg:$0x4] =	wrdreg $0x9  }
0xb1: {  	_ =	task.clear_ibuf [dreg:s6], $0x5FFFF;
	_ =	strace $0x9000004C  }
0xb2: {  	s29 =	simm.s32 $0x9;
	_ =	strace $0x8000004E  }
0xb3: {  	_ =	swait.ge [sflag:s29], $0x1  }
0xb4: {  	[sflag:s29] =	ssyncadd.s32 $0xFFFFFFFF  }
0xb5: {  	_ =	strace $0x9000004E  }
0xb6: {  	_ =	sfence  }
0xb7: {  	s30 =	sld [smem:$0x0];
	_ =	sdelay $0x2  }
0xb8: {  	s31 =	sshll.u32 s1, $0xD;
	s1 =	sshrl.u32 s1, $0x2  }
0xb9: {  	s3 =	sand.u32 $0x4000, s31;
	s1 =	sadd.s32 s1, s30  }
0xba: {  	s0 =	sor.u32 s3, s0;
	s1 =	sshll.u32 s1, $0x11  }
0xbb: {  	s0 =	sor.u32 s1, s0  }
0xbc: {  	s0 =	sadd.s32 $0x8F2B, s0  }
0xbd: {  	[sflag:s0] =	ssyncadd.remote.s32 $0x1  }
0xbe: {  	_ =	sfence.sel $0xFFFF  }
0xbf: {  	[dreg:$0x0] =	wrdreg $0xFFFFFFFF;
	(pc) =	sbr.abs _section_cstart, $3  }
0xc0: {  	[dreg:$0x1] =	wrdreg $0xFFFFFFFF  }
0xc1: {  	_ =	task.clear_ibuf [dreg:s6], $0x2FFFF;
	_ =	strace $0x9FFFFFFF  }
0xc2: {  	(tm) =	ssettm $0x7FFFFFFF  }
0xc3: {  	_ =	shalt  }
tec
execute0_lowered:
.L_overlay_start_1:
0x0: {  	(tag) =	ssettag $0x1  }
0x1: {  	s0 =	rddreg [dreg:$0x0]  }
0x2: {  	s1 =	rddreg [dreg:$0x1];
	s2 =	simm.s32 $0x0;
	s3 =	stileid.u32  }
0x3: {  	s6 =	srdreg.scid;
	s28 =	simm.s32 $0x4;
	s29 =	simm.s32 $0x1B9E0  }
0x4: {  	s30 =	simm.s32 $0x7;
	[smem:$0x7FF] =	sst s2;
	s4 =	sadd.s32 $0x73000, s0  }
0x5: {  	s5 =	sadd.s32 $0x42200, s0;
	s15 =	sadd.s32 $0x3D200, s0;
	s12 =	smul.u32 $0x27100, s3  }
0x6: {  	s16 =	sadd.s32 $0x38200, s0;
	s19 =	sand.u32 $0x1, s6;
	s8 =	smul.u32 $0x9C400, s3  }
0x7: {  	s21 =	sadd.s32 $0x9200, s0;
	s11 =	smul.u32 $0x2710, s3;
	p2 =	slt.u32 s3, $0xA  }
0x8: {  	s17 =	smul.u32 $0x4E2, s3;
	p3 =	sgt.u32 s3, $0x9;
	_ =	strace $0x8000004D  }
0x9: {  	[dreg:$0x3] =	wrdreg s21;
	s7 =	ssub.s32 $0x2, s19;
	p0 =	seq.s32 s19, $0x0  }
0xa: {  	p4 =	sne.s32 s19, $0x0;
	s21 =	simm.s32 $0x1;
	s9 =	sshrl.u32 s12, $0x3  }
0xb: {  	s10 =	sshrl.u32 s7, $0x1;
	s22 =	sshrl.u32 s8, $0x2;
	s23 =	sshrl.u32 s11, $0x3  }
0xc: {  	p1 =	por !p0, !p2;
	p0 =	seq.s32 s19, $0x1;
	s12 =	sadd.s32 s12, s1  }
0xd: {  	s26 =	sadd.s32 s17, s16;
	s31 =	sadd.s32 s17, s15;
	s19 =	simm.s32 $0x186A0  }
0xe: {  	s0 =	sadd.s32 s9, s0;
	s14 =	ssub.s32 s7, s10;
	s18 =	sadd.s32 s22, s1  }
0xf: {  	s24 =	sadd.s32 s15, s23;
	s25 =	sadd.s32 $0xA, s23;
	s8 =	sadd.s32 s16, s23  }
0x10: {  	p1 =	por !p1, !p1;
	p2 =	por !p2, !p0;
	s20 =	sadd.s32 $0x14, s26  }
.Ltmp0:
0x11: {  	s22 =	simm.s32 $0x50;
	s26 =	simm.s32 $0x6;
	(pc) =	sbr.rel .LBB2_1-.Ltmp0, $4  }
0x12: {  	[dreg:$0x4] =	wrdreg s24;
	s9 =	sadd.s32 s15, s25;
	s10 =	sadd.s32 s16, s25  }
0x13: {  	s11 =	sadd.s32 $0xD4C00, s0;
	p2 =	por !p2, !p2;
	s13 =	sadd.s32 $0xA3E00, s0  }
0x14: {  	s14 =	smax.u32 s14, $0x1;
	s15 =	sshll.u32 @!p3 s3, $0x6;
	s0 =	sadd.s32 $0x14, s31  }
0x15: {  	s18 =	sshrl.u32 @!p3 s18, $0x3;
	s25 =	simm.s32 $0x18790;
	s17 =	sor.u32 @!p3 $0x1C07, s15  }
.LBB2_11:
0x16: {  	s6 =	sshll.u32 @p1 s3, $0x6  }
0x17: {  	[bflag:$0x0] =	sbarrier.arrive $0xFFFF;
	s7 =	sshrl.u32 @p1 s12, $0x3;
	s6 =	sor.u32 @p1 $0x1C07, s6  }
0x18: {  	[hbm:s11], [sflag:s6] =	dma.local @p1 [spmem:s7], $0x4E20  }
0x19: {  	s6 =	simm.s32 @p1 $0x7  }
0x1a: {  	s2 =	sadd.s32 $0x1, s2;
	_ =	swait.ge @p1 [sflag:s6], $0x4E20  }
0x1b: {  	p5 =	sne.s32 s2, s14;
	s7 =	sshll.u32 @p2 s3, $0x6;
	[sflag:s6] =	ssyncset.done @p1 $0x0  }
0x1c: {  	[sflag:s6] =	ssyncadd.s32 @p1 $0xFFFFB1E0;
	s6 =	sor.u32 @p2 $0x1C07, s7;
	s7 =	sshrl.u32 @p2 s12, $0x3  }
0x1d: {  	[hbm:s13], [sflag:s6] =	dma.local @p2 [spmem:s7], $0x4E20  }
.Ltmp1:
0x1e: {  	_ = 	snop;
	(pc) =	sbr.rel @!p5 .LBB2_12-.Ltmp1, $4  }
0x1f: {  	s6 =	simm.s32 @p2 $0x7  }
0x20: {  	_ =	swait.ge @p2 [sflag:s6], $0x4E20  }
0x21: {  	[sflag:s6] =	ssyncset.done @p2 $0x0  }
0x22: {  	[sflag:s6] =	ssyncadd.s32 @p2 $0xFFFFB1E0  }
.LBB2_1:
0x23: {  	s6 =	rddreg [dreg:$0x3];
	s15 =	simm.s32 @!p3 $0x7  }
0x24: {  	[spmem:s18], [sflag:s17] =	dma.local @!p3 [hbm:s6], $0x4E20  }
.Ltmp2:
0x25: {  	_ =	swait.ge @!p3 [sflag:s15], $0x4E20;
	(pc) =	sbr.rel @p4 .LBB2_6-.Ltmp2, $3  }
0x26: {  	[sflag:s15] =	ssyncset.done @!p3 $0x0  }
0x27: {  	[sflag:s15] =	ssyncadd.s32 @!p3 $0xFFFFB1E0  }
0x28: {  	[bflag:$0x0] =	sbarrier.arrive $0xFFFF;
	_ =	sdelay $0x1  }
0x29: {  	s31 =	simm.s32 $0x0;
	s6 =	rddreg [dreg:$0x4]  }
0x2a: {  	[tilespmem:s19], [sflag:$0x1] =	stream.linear.gather [hbm4b:s6+s31], $0x50, $0x38;
	[tilespmem:$0x1EBE0] =	vst v63  }
0x2b: {  	s16 =	simm.s32 $0x18740  }
0x2c: {  	[tilespmem:s16], [sflag:$0x3] =	stream.linear.gather [hbm4b:s8+s31], $0x50, $0x38;
	[tilespmem:$0x1EBE0] =	vst v63  }
0x2d: {  	_ =	swait.ge [sflag:s21], $0x50  }
0x2e: {  	[sflag:s21] =	ssyncset.done $0x0  }
0x2f: {  	s23 =	simm.s32 $0x187E0;
	[sflag:s21] =	ssyncadd.s32 $0xFFFFFFB0  }
0x30: {  	[tilespmem:s23], [sflag:$0x5] =	stream.indirect.gather [hbm4b:s4+s22], $0xA0, s19, s22, $0xb8;
	[tilespmem:$0x1EBE0] =	vst v63  }
.Ltmp3:
0x31: {  	_ = 	snop;
	(pc) =	sbr.rel .LBB2_3-.Ltmp3, $4  }
0x32: {  	s24 =	simm.s32 $0x186F0  }
0x33: {  	[tilespmem:s24], [sflag:$0x2] =	stream.linear.gather [hbm4b:s9+s31], $0x50, $0x38;
	[tilespmem:$0x1EBE0] =	vst v63  }
0x34: {  	s15 =	smov.u32 s20;
	s16 =	smov.u32 s0  }
0x35: {  	[tilespmem:s25], [sflag:$0x4] =	stream.linear.gather [hbm4b:s10+s31], $0x50, $0x38;
	[tilespmem:$0x1EBE0] =	vst v63  }
.LBB2_5:
0x36: {  	s31 =	sadd.s32 $0x1, s31  }
0x37: {  	p5 =	sne.s32 s31, $0x7D  }
.Ltmp4:
0x38: {  	_ = 	snop;
	(pc) =	sbr.rel @!p5 .LBB2_6-.Ltmp4, $2  }
0x39: {  	_ =	sdelay $0x2  }
0x3a: {  	s15 =	sadd.s32 $0xA, s15;
	s16 =	sadd.s32 $0xA, s16  }
.LBB2_3:
0x3b: {  	s23 =	sand.u32 $0x1, s31  }
0x3c: {  	p5 =	seq.s32 s23, $0x1  }
0x3d: {  	p6 =	seq.s32 @!p5 s31, $0x7C  }
0x3e: {  	p6 =	por p6, p5  }
0x3f: {  	s24 =	simm.s32 @!p6 $0x2  }
0x40: {  	_ =	swait.ge @!p6 [sflag:s24], $0x50  }
0x41: {  	s6 =	simm.s32 @!p6 $0x186F0;
	[sflag:s24] =	ssyncset.done @!p6 $0x0  }
0x42: {  	s7 =	simm.s32 @!p6 $0x1B9E0;
	[sflag:s24] =	ssyncadd.s32 @!p6 $0xFFFFFFB0;
	s24 =	simm.s32 @!p6 $0x50  }
0x43: {  	[tilespmem:s7], [sflag:$0x6] =	stream.indirect.gather @!p6 [hbm4b:s4+s24], $0xA0, s6, s24, $0xb8;
	[tilespmem:$0x1EBE0] =	vst v63  }
0x44: {  	s6 =	simm.s32 @!p5 $0x5  }
0x45: {  	_ =	swait.ge @!p5 [sflag:s6], $0x3200  }
0x46: {  	[sflag:s6] =	ssyncset.done @!p5 $0x0  }
0x47: {  	[sflag:s6] =	ssyncadd.s32 @!p5 $0xFFFFCE00;
	s6 =	simm.s32 @!p5 $0x3  }
0x48: {  	_ =	swait.ge @!p5 [sflag:s6], $0x50  }
0x49: {  	s7 =	simm.s32 @!p5 $0x18740;
	[sflag:s6] =	ssyncset.done @!p5 $0x0  }
0x4a: {  	s24 =	simm.s32 @!p5 $0x187E0;
	[sflag:s6] =	ssyncadd.s32 @!p5 $0xFFFFFFB0;
	s6 =	simm.s32 @!p5 $0x50  }
0x4b: {  	[spmem:s1] =	stream.indirect.scatter.add.f32 @!p5 [tilespmem:s24], [sflag:$0x7], $0xA0, s7, s6, $0xb8;
	[tilespmem:$0x1EBE0] =	vst v63  }
0x4c: {  	s6 =	simm.s32 @!p5 $0x7  }
0x4d: {  	p6 =	sgt.u32 @!p5 s31, $0x7A;
	_ =	swait.ge @!p5 [sflag:s6], $0x3200  }
0x4e: {  	p6 =	por p6, p5;
	[sflag:s6] =	ssyncset.done @!p5 $0x0  }
0x4f: {  	s7 =	simm.s32 @!p6 $0x186A0;
	[sflag:s6] =	ssyncadd.s32 @!p5 $0xFFFFCE00;
	s6 =	simm.s32 @!p6 $0x0  }
0x50: {  	[tilespmem:s7], [sflag:$0x1] =	stream.linear.gather @!p6 [hbm4b:s16+s6], $0x50, $0x38;
	[tilespmem:$0x1EBE0] =	vst v63  }
0x51: {  	s7 =	simm.s32 @!p6 $0x18740  }
0x52: {  	[tilespmem:s7], [sflag:$0x3] =	stream.linear.gather @!p6 [hbm4b:s15+s6], $0x50, $0x38;
	[tilespmem:$0x1EBE0] =	vst v63  }
0x53: {  	p6 =	seq.s32 @!p5 s23, $0x0  }
0x54: {  	p5 =	por p5, !p6  }
.Ltmp5:
0x55: {  	_ = 	snop;
	(pc) =	sbr.rel @!p5 .LBB2_5-.Ltmp5, $1  }
0x56: {  	_ =	sdelay $0x3  }
0x57: {  	p5 =	seq.s32 s31, $0x7C  }
0x58: {  	s6 =	simm.s32 @!p5 $0x1  }
0x59: {  	_ =	swait.ge @!p5 [sflag:s6], $0x50  }
0x5a: {  	s7 =	simm.s32 @!p5 $0x186A0;
	[sflag:s6] =	ssyncset.done @!p5 $0x0  }
0x5b: {  	s23 =	simm.s32 @!p5 $0x187E0;
	[sflag:s6] =	ssyncadd.s32 @!p5 $0xFFFFFFB0;
	s6 =	simm.s32 @!p5 $0x50  }
0x5c: {  	[tilespmem:s23], [sflag:$0x5] =	stream.indirect.gather @!p5 [hbm4b:s4+s6], $0xA0, s7, s6, $0xb8;
	[tilespmem:$0x1EBE0] =	vst v63  }
0x5d: {  	_ =	swait.ge [sflag:s26], $0x3200  }
0x5e: {  	[sflag:s26] =	ssyncset.done $0x0  }
0x5f: {  	[sflag:s26] =	ssyncadd.s32 $0xFFFFCE00  }
0x60: {  	_ =	swait.ge [sflag:s28], $0x50  }
0x61: {  	[sflag:s28] =	ssyncset.done $0x0  }
0x62: {  	[sflag:s28] =	ssyncadd.s32 $0xFFFFFFB0  }
0x63: {  	[spmem:s1] =	stream.indirect.scatter.add.f32 [tilespmem:s29], [sflag:$0x7], $0xA0, s25, s22, $0xb8;
	[tilespmem:$0x1EBE0] =	vst v63  }
0x64: {  	_ =	swait.ge [sflag:s30], $0x3200  }
.Ltmp6:
0x65: {  	p5 =	sgt.u32 s31, $0x7A;
	[sflag:s30] =	ssyncset.done $0x0;
	(pc) =	sbr.rel .LBB2_5-.Ltmp6, $4  }
0x66: {  	s6 =	simm.s32 @!p5 $0x0;
	s7 =	simm.s32 @!p5 $0x186F0;
	[sflag:s30] =	ssyncadd.s32 $0xFFFFCE00  }
0x67: {  	[tilespmem:s7], [sflag:$0x2] =	stream.linear.gather @!p5 [hbm4b:s16+s6], $0x50, $0x38;
	[tilespmem:$0x1EBE0] =	vst v63  }
0x68: {  	s7 =	simm.s32 @!p5 $0x18790  }
0x69: {  	[tilespmem:s7], [sflag:$0x4] =	stream.linear.gather @!p5 [hbm4b:s15+s6], $0x50, $0x38;
	[tilespmem:$0x1EBE0] =	vst v63  }
.LBB2_6:
.Ltmp7:
0x6a: {  	(pc) =	sbr.rel @!p0 .LBB2_11-.Ltmp7, $1  }
0x6b: {  	_ =	sdelay $0x3  }
0x6c: {  	s31 =	simm.s32 $0x0;
	s6 =	rddreg [dreg:$0x4]  }
0x6d: {  	[tilespmem:s19], [sflag:$0x1] =	stream.linear.gather [hbm4b:s6+s31], $0x50, $0x38;
	[tilespmem:$0x1EBE0] =	vst v63  }
0x6e: {  	s16 =	simm.s32 $0x18740  }
0x6f: {  	[tilespmem:s16], [sflag:$0x3] =	stream.linear.gather [hbm4b:s8+s31], $0x50, $0x38;
	[tilespmem:$0x1EBE0] =	vst v63  }
0x70: {  	_ =	swait.ge [sflag:s21], $0x50  }
0x71: {  	[sflag:s21] =	ssyncset.done $0x0  }
0x72: {  	s23 =	simm.s32 $0x187E0;
	[sflag:s21] =	ssyncadd.s32 $0xFFFFFFB0  }
0x73: {  	[tilespmem:s23], [sflag:$0x5] =	stream.indirect.gather [hbm4b:s5+s22], $0xA0, s19, s22, $0xb8;
	[tilespmem:$0x1EBE0] =	vst v63  }
.Ltmp8:
0x74: {  	_ = 	snop;
	(pc) =	sbr.rel .LBB2_8-.Ltmp8, $4  }
0x75: {  	s24 =	simm.s32 $0x186F0  }
0x76: {  	[tilespmem:s24], [sflag:$0x2] =	stream.linear.gather [hbm4b:s9+s31], $0x50, $0x38;
	[tilespmem:$0x1EBE0] =	vst v63  }
0x77: {  	s15 =	smov.u32 s20;
	s16 =	smov.u32 s0  }
0x78: {  	[tilespmem:s25], [sflag:$0x4] =	stream.linear.gather [hbm4b:s10+s31], $0x50, $0x38;
	[tilespmem:$0x1EBE0] =	vst v63  }
.LBB2_10:
0x79: {  	s31 =	sadd.s32 $0x1, s31  }
0x7a: {  	p5 =	sne.s32 s31, $0x7D  }
.Ltmp9:
0x7b: {  	_ = 	snop;
	(pc) =	sbr.rel @!p5 .LBB2_11-.Ltmp9, $2  }
0x7c: {  	_ =	sdelay $0x2  }
0x7d: {  	s15 =	sadd.s32 $0xA, s15;
	s16 =	sadd.s32 $0xA, s16  }
.LBB2_8:
0x7e: {  	s6 =	sand.u32 $0x1, s31  }
0x7f: {  	p5 =	seq.s32 s6, $0x1  }
0x80: {  	p6 =	seq.s32 @!p5 s31, $0x7C  }
0x81: {  	p6 =	por p6, p5  }
0x82: {  	s7 =	simm.s32 @!p6 $0x2  }
0x83: {  	_ =	swait.ge @!p6 [sflag:s7], $0x50  }
0x84: {  	s23 =	simm.s32 @!p6 $0x186F0;
	[sflag:s7] =	ssyncset.done @!p6 $0x0  }
0x85: {  	s24 =	simm.s32 @!p6 $0x1B9E0;
	[sflag:s7] =	ssyncadd.s32 @!p6 $0xFFFFFFB0;
	s7 =	simm.s32 @!p6 $0x50  }
0x86: {  	[tilespmem:s24], [sflag:$0x6] =	stream.indirect.gather @!p6 [hbm4b:s5+s7], $0xA0, s23, s7, $0xb8;
	[tilespmem:$0x1EBE0] =	vst v63  }
0x87: {  	s7 =	simm.s32 @!p5 $0x5  }
0x88: {  	_ =	swait.ge @!p5 [sflag:s7], $0x3200  }
0x89: {  	[sflag:s7] =	ssyncset.done @!p5 $0x0  }
0x8a: {  	[sflag:s7] =	ssyncadd.s32 @!p5 $0xFFFFCE00;
	s7 =	simm.s32 @!p5 $0x3  }
0x8b: {  	_ =	swait.ge @!p5 [sflag:s7], $0x50  }
0x8c: {  	s23 =	simm.s32 @!p5 $0x18740;
	[sflag:s7] =	ssyncset.done @!p5 $0x0  }
0x8d: {  	s24 =	simm.s32 @!p5 $0x187E0;
	[sflag:s7] =	ssyncadd.s32 @!p5 $0xFFFFFFB0;
	s7 =	simm.s32 @!p5 $0x50  }
0x8e: {  	[spmem:s1] =	stream.indirect.scatter.add.f32 @!p5 [tilespmem:s24], [sflag:$0x7], $0xA0, s23, s7, $0xb8;
	[tilespmem:$0x1EBE0] =	vst v63  }
0x8f: {  	s7 =	simm.s32 @!p5 $0x7  }
0x90: {  	p6 =	sgt.u32 @!p5 s31, $0x7A;
	_ =	swait.ge @!p5 [sflag:s7], $0x3200  }
0x91: {  	p6 =	por p6, p5;
	[sflag:s7] =	ssyncset.done @!p5 $0x0  }
0x92: {  	s23 =	simm.s32 @!p6 $0x186A0;
	[sflag:s7] =	ssyncadd.s32 @!p5 $0xFFFFCE00;
	s7 =	simm.s32 @!p6 $0x0  }
0x93: {  	[tilespmem:s23], [sflag:$0x1] =	stream.linear.gather @!p6 [hbm4b:s16+s7], $0x50, $0x38;
	[tilespmem:$0x1EBE0] =	vst v63  }
0x94: {  	s23 =	simm.s32 @!p6 $0x18740  }
0x95: {  	[tilespmem:s23], [sflag:$0x3] =	stream.linear.gather @!p6 [hbm4b:s15+s7], $0x50, $0x38;
	[tilespmem:$0x1EBE0] =	vst v63  }
0x96: {  	p6 =	seq.s32 @!p5 s6, $0x0  }
0x97: {  	p5 =	por p5, !p6  }
.Ltmp10:
0x98: {  	_ = 	snop;
	(pc) =	sbr.rel @!p5 .LBB2_10-.Ltmp10, $1  }
0x99: {  	_ =	sdelay $0x3  }
0x9a: {  	p5 =	seq.s32 s31, $0x7C  }
0x9b: {  	s6 =	simm.s32 @!p5 $0x1  }
0x9c: {  	_ =	swait.ge @!p5 [sflag:s6], $0x50  }
0x9d: {  	s7 =	simm.s32 @!p5 $0x186A0;
	[sflag:s6] =	ssyncset.done @!p5 $0x0  }
0x9e: {  	s23 =	simm.s32 @!p5 $0x187E0;
	[sflag:s6] =	ssyncadd.s32 @!p5 $0xFFFFFFB0;
	s6 =	simm.s32 @!p5 $0x50  }
0x9f: {  	[tilespmem:s23], [sflag:$0x5] =	stream.indirect.gather @!p5 [hbm4b:s5+s6], $0xA0, s7, s6, $0xb8;
	[tilespmem:$0x1EBE0] =	vst v63  }
0xa0: {  	_ =	swait.ge [sflag:s26], $0x3200  }
0xa1: {  	[sflag:s26] =	ssyncset.done $0x0  }
0xa2: {  	[sflag:s26] =	ssyncadd.s32 $0xFFFFCE00  }
0xa3: {  	_ =	swait.ge [sflag:s28], $0x50  }
0xa4: {  	[sflag:s28] =	ssyncset.done $0x0  }
0xa5: {  	[sflag:s28] =	ssyncadd.s32 $0xFFFFFFB0  }
0xa6: {  	[spmem:s1] =	stream.indirect.scatter.add.f32 [tilespmem:s29], [sflag:$0x7], $0xA0, s25, s22, $0xb8;
	[tilespmem:$0x1EBE0] =	vst v63  }
0xa7: {  	_ =	swait.ge [sflag:s30], $0x3200  }
.Ltmp11:
0xa8: {  	p5 =	sgt.u32 s31, $0x7A;
	[sflag:s30] =	ssyncset.done $0x0;
	(pc) =	sbr.rel .LBB2_10-.Ltmp11, $4  }
0xa9: {  	s6 =	simm.s32 @!p5 $0x0;
	s7 =	simm.s32 @!p5 $0x186F0;
	[sflag:s30] =	ssyncadd.s32 $0xFFFFCE00  }
0xaa: {  	[tilespmem:s7], [sflag:$0x2] =	stream.linear.gather @!p5 [hbm4b:s16+s6], $0x50, $0x38;
	[tilespmem:$0x1EBE0] =	vst v63  }
0xab: {  	s7 =	simm.s32 @!p5 $0x18790  }
0xac: {  	[tilespmem:s7], [sflag:$0x4] =	stream.linear.gather @!p5 [hbm4b:s15+s6], $0x50, $0x38;
	[tilespmem:$0x1EBE0] =	vst v63  }
.LBB2_12:
0xad: {  	_ =	sfence.sel $0x180000  }
0xae: {  	[bflag:$0x0] =	sbarrier.arrive $0xFFFF  }
0xaf: {  	_ =	strace $0x9000004D  }
0xb0: {  	[bflag:$0x2] =	sbarrier.arrive $0xFFFF  }
0xb1: {  	p0 =	sne.s32 s3, $0x0;
	s0 =	rddreg [dreg:$0x2]  }
0xb2: {  	s0 =	sadd.s32 @!p0 $0x100000, s0  }
0xb3: {  	[sflag:s0] =	ssyncadd.tile.s32 @!p0 $0x1;
	_ =	shalt  }
.Lfunc_end2:
_tile_overlayer_lowered:
.L_overlay_start_2:
0xb4: {  	(tag) =	ssettag $0x2  }
0xb5: {  	s0 =	rddreg [dreg:$0x0];
	s2 =	stileid.u32  }
0xb6: {  	s1 =	rddreg [dreg:$0x1];
	p0 =	sne.s32 s2, $0x0  }
0xb7: {  	s3 =	rddreg [dreg:$0x2];
	[bflag:$0x3] =	sbarrier.arrive $0xFFFF;
	s2 =	simm.s32 @!p0 $0x1C07  }
0xb8: {  	[timem:s3], [sflag:s2] =	dma.local @!p0 [hbm:s0], s1  }
0xb9: {  	s0 =	simm.s32 @!p0 $0x7  }
0xba: {  	_ =	swait.ge @!p0 [sflag:s0], s1  }
0xbb: {  	s1 =	ssub.s32 @!p0 $0x0, s1;
	[sflag:s0] =	ssyncset.done @!p0 $0x0  }
0xbc: {  	[sflag:s0] =	ssyncadd.s32 @!p0 s1  }
0xbd: {  	[bflag:$0x3] =	sbarrier.arrive $0xFFFF  }
0xbe: {  	_ =	shalt  }

// kernel: kernel.22.cloned.1.call-start
scs
__scs_entry_jumppad:
0x0: {  	(pc) =	sbr.rel $0x88, $3  }
0x1: {  	(tag) =	ssettag $0x0;
	lr =	simm.s32 $0x1  }
0x2: {  	[smem:$0x3F7D] =	sst lr;
	_ =	strace $0xD0000000  }
0x3: {  	_ = 	snop  }
0x4: {  	_ = 	snop  }
0x5: {  	_ = 	snop  }
0x6: {  	_ = 	snop  }
0x7: {  	_ = 	snop  }
__scs_overlays_trampoline_lowered:
0x8: {  	[smem:$0x3F8C] =	sst s0  }
0x9: {  	[smem:$0x3F8D] =	sst s1  }
0xa: {  	[smem:$0x3F8E] =	sst s2  }
0xb: {  	[smem:$0x3F8F] =	sst s3  }
0xc: {  	[smem:$0x3F90] =	sst s4  }
0xd: {  	[smem:$0x3F91] =	sst s5  }
0xe: {  	[smem:$0x3F92] =	sst s6  }
0xf: {  	[smem:$0x3F93] =	sst s7  }
0x10: {  	[smem:$0x3F94] =	sst s8  }
0x11: {  	[smem:$0x3F95] =	sst s9;
	s0 =	simm.s32 @!p0 $0x0  }
0x12: {  	s1 =	sld [smem:$0x3F7B];
	s0 =	simm.s32 @p0 $0x1  }
0x13: {  	[smem:$0x3F96] =	sst s0;
	s0 =	simm.s32 @!p1 $0x0  }
0x14: {  	s2 =	sld [smem:$0x3F7A];
	s0 =	simm.s32 @p1 $0x1  }
0x15: {  	[smem:$0x3F97] =	sst s0;
	s0 =	simm.s32 @!p2 $0x0  }
0x16: {  	s3 =	sld [smem:$0x3FDB];
	s0 =	simm.s32 @p2 $0x1  }
0x17: {  	s4 =	simm.s32 $0x1BF5;
	[smem:$0x3F99] =	sst s0  }
0x18: {  	s0 =	sld [smem:$0x3F7C];
	_ =	swait.ge [sflag:s4], $0x0  }
0x19: {  	s7 =	sld [smem:$0x3F7D]  }
0x1a: {  	s8 =	sadd.s32 $0xFFFFE003, lr  }
0x1b: {  	s9 =	sadd.s32 $0xFFFFFEF7, lr;
	s5 =	simm.s32 $0xFFFFFFFF;
	p2 =	slt.u32 s8, $0xFFFFF086  }
0x1c: {  	p1 =	slt.u32 s9, $0xF7A;
	s5 =	simm.s32 @!p2 $0x0  }
0x1d: {  	s5 =	simm.s32 @p1 $0x1;
	p0 =	seq.s32 s7, s2  }
0x1e: {  	s7 =	smul.u32 @!p0 $0xF7A, s2;
	p2 =	seq.s32 @!p0 s5, $0x0  }
0x1f: {  	s9 =	smul.u32 $0xF7A, s1;
	s8 =	simm.s32 @!p0 $0x1BF5;
	p2 =	por !p2, p0  }
0x20: {  	[sflag:s8] =	ssyncset.s32 @!p0 $0xFFFFF086;
	s6 =	sadd.s32 @!p0 s3, s7;
	s7 =	simm.s32 @!p0 $0x108  }
0x21: {  	s3 =	sadd.s32 s3, s9;
	s6 =	sadd.s32 @!p0 $0x88, s6;
	s7 =	simm.s32 @p2 $0x1082  }
0x22: {  	[simem:s7], [sflag:s8] =	dma.local @!p0 [hbm:s6], $0xF7A  }
0x23: {  	s9 =	sor.u32 $0xD0000000, s2;
	s6 =	simm.s32 $0x108;
	_ =	swait.ge @!p0 [sflag:s8], $0x0  }
0x24: {  	s3 =	sadd.s32 $0x88, s3;
	s6 =	simm.s32 @!p1 $0x1082;
	[sflag:s4] =	ssyncset.s32 $0xFFFFF086  }
0x25: {  	[simem:s6], [sflag:s4] =	dma.local [hbm:s3], $0xF7A  }
0x26: {  	[smem:$0x3F7D] =	sst s1;
	(tag) =	ssettag s2;
	_ =	strace s9  }
0x27: {  	s1 =	sld [smem:$0x3F8D]  }
0x28: {  	s2 =	sld [smem:$0x3F8E]  }
0x29: {  	s4 =	sld [smem:$0x3F90]  }
0x2a: {  	p0 =	seq.s32 s5, $0x0;
	s5 =	sld [smem:$0x3F91]  }
0x2b: {  	s6 =	sld [smem:$0x3F92]  }
0x2c: {  	s7 =	sld [smem:$0x3F93]  }
0x2d: {  	s3 =	simm.s32 $0x108;
	s8 =	sld [smem:$0x3F94]  }
0x2e: {  	s3 =	simm.s32 @!p0 $0x1082;
	s9 =	sld [smem:$0x3F95]  }
0x2f: {  	lr =	sadd.s32 s0, s3;
	s0 =	sld [smem:$0x3F8C]  }
0x30: {  	s3 =	sld [smem:$0x3F8F]  }
0x31: {  	[smem:$0x3F98] =	sst s10  }
0x32: {  	s10 =	sld [smem:$0x3F96];
	_ =	sdelay $0x3  }
0x33: {  	p0 =	seq.s32 s10, $0x1;
	s10 =	sld [smem:$0x3F98];
	_ =	sdelay $0x3  }
0x34: {  	[smem:$0x3F98] =	sst s10  }
0x35: {  	s10 =	sld [smem:$0x3F97];
	_ =	sdelay $0x3  }
0x36: {  	p1 =	seq.s32 s10, $0x1;
	s10 =	sld [smem:$0x3F98];
	_ =	sdelay $0x3  }
0x37: {  	[smem:$0x3F98] =	sst s10  }
0x38: {  	s10 =	sld [smem:$0x3F99]  }
0x39: {  	_ = 	snop;
	(pc) =	sbr.ind lr, $3  }
0x3a: {  	_ = 	snop  }
0x3b: {  	_ = 	snop  }
0x3c: {  	p2 =	seq.s32 s10, $0x1;
	s10 =	sld [smem:$0x3F98]  }
0x3d: {  	_ =	shalt  }
0x3e: {  	_ =	shalt  }
0x3f: {  	_ =	shalt  }
0x40: {  	_ =	shalt  }
0x41: {  	_ =	shalt  }
0x42: {  	_ =	shalt  }
0x43: {  	_ =	shalt  }
0x44: {  	_ =	shalt  }
0x45: {  	_ =	shalt  }
0x46: {  	_ =	shalt  }
0x47: {  	_ =	shalt  }
0x48: {  	_ =	shalt  }
0x49: {  	_ =	shalt  }
0x4a: {  	_ =	shalt  }
0x4b: {  	_ =	shalt  }
0x4c: {  	_ =	shalt  }
0x4d: {  	_ =	shalt  }
0x4e: {  	_ =	shalt  }
0x4f: {  	_ =	shalt  }
0x50: {  	_ =	shalt  }
0x51: {  	_ =	shalt  }
0x52: {  	_ =	shalt  }
0x53: {  	_ =	shalt  }
0x54: {  	_ =	shalt  }
0x55: {  	_ =	shalt  }
0x56: {  	_ =	shalt  }
0x57: {  	_ =	shalt  }
0x58: {  	_ =	shalt  }
0x59: {  	_ =	shalt  }
0x5a: {  	_ =	shalt  }
0x5b: {  	_ =	shalt  }
0x5c: {  	_ =	shalt  }
0x5d: {  	_ =	shalt  }
0x5e: {  	_ =	shalt  }
0x5f: {  	_ =	shalt  }
0x60: {  	_ =	shalt  }
0x61: {  	_ =	shalt  }
0x62: {  	_ =	shalt  }
0x63: {  	_ =	shalt  }
0x64: {  	_ =	shalt  }
0x65: {  	_ =	shalt  }
0x66: {  	_ =	shalt  }
0x67: {  	_ =	shalt  }
0x68: {  	_ =	shalt  }
0x69: {  	_ =	shalt  }
0x6a: {  	_ =	shalt  }
0x6b: {  	_ =	shalt  }
0x6c: {  	_ =	shalt  }
0x6d: {  	_ =	shalt  }
0x6e: {  	_ =	shalt  }
0x6f: {  	_ =	shalt  }
0x70: {  	_ =	shalt  }
0x71: {  	_ =	shalt  }
0x72: {  	_ =	shalt  }
0x73: {  	_ =	shalt  }
0x74: {  	_ =	shalt  }
0x75: {  	_ =	shalt  }
0x76: {  	_ =	shalt  }
0x77: {  	_ =	shalt  }
0x78: {  	_ =	shalt  }
0x79: {  	_ =	shalt  }
0x7a: {  	_ =	shalt  }
0x7b: {  	_ =	shalt  }
0x7c: {  	_ =	shalt  }
0x7d: {  	_ =	shalt  }
0x7e: {  	_ =	shalt  }
0x7f: {  	_ =	shalt  }
0x80: {  	_ =	shalt  }
0x81: {  	_ =	shalt  }
0x82: {  	_ =	shalt  }
0x83: {  	_ =	shalt  }
0x84: {  	_ =	shalt  }
0x85: {  	_ =	shalt  }
0x86: {  	_ =	shalt  }
0x87: {  	_ =	shalt  }
.Lfunc_end0:
.L_simem_size_0:
called_computation.3_lowered:
.L_overlay_start_0:
0x88: {  	s2 =	sld [smem:$0x3FD9]  }
0x89: {  	s3 =	sld [smem:$0x3FFE];
	_ =	sdelay $0x1  }
0x8a: {  	s1 =	srdreg.scid  }
0x8b: {  	s0 =	sand.u32 $0x1, s1  }
0x8c: {  	s16 =	sshll.u32 s0, $0xA;
	s2 =	sadd.s32 s3, s2  }
0x8d: {  	s2 =	sadd.s32 s2, s16  }
0x8e: {  	[smem:$0x3FA4] =	sst s2  }
0x8f: {  	_ = 	snop  }
0x90: {  	(tm) =	ssettm $0x1  }
0x91: {  	s17 =	sld [smem:$0x3FFB];
	_ =	sdelay $0x3  }
0x92: {  	_ =	strace s17  }
0x93: {  	s2 =	sld [smem:$0x3FFC];
	_ =	sdelay $0x3  }
0x94: {  	_ =	strace s2  }
0x95: {  	s2 =	sld [smem:$0x3FFD];
	_ =	sdelay $0x3  }
0x96: {  	_ =	strace s2  }
0x97: {  	_ =	strace $0x8FFFFFFF  }
0x98: {  	s18 =	sld [smem:$0x3FDB];
	_ =	sdelay $0x1  }
0x99: {  	s19 =	simm.s32 $_scs_section_size  }
0x9a: {  	s4 =	simm.s32 $_size__tile_overlayer_lowered;
	s5 =	simm.s32 $_tile_overlayer_lowered  }
0x9b: {  	s22 =	simm.s32 $0x1BFF;
	s21 =	sshll.u32 s5, $0x1;
	s2 =	sadd.s32 s19, s18  }
0x9c: {  	s6 =	simm.s32 $0x0;
	s20 =	sshll.u32 s4, $0x1;
	s4 =	sadd.s32 s21, s2  }
0x9d: {  	[timem:s6], [sflag:s22] =	dma.local [hbm:s4], s20  }
0x9e: {  	_ =	swait.ge [sflag:s22], s20  }
0x9f: {  	s3 =	ssub.s32 $0x0, s20;
	[sflag:s22] =	ssyncset.done $0x0  }
0xa0: {  	[sflag:s22] =	ssyncadd.s32 s3;
	_ =	sdelay $0x1  }
0xa1: {  	s23 =	simm.s32 $0x1B8B  }
0xa2: {  	_ =	swait.ge [sflag:s23], $0x1  }
0xa3: {  	[sflag:s23] =	ssyncset.done $0x0  }
0xa4: {  	s25 =	simm.s32 $0x1B8E;
	s24 =	sld [smem:$0x3FFE];
	[sflag:s23] =	ssyncadd.s32 $0xFFFFFFFF  }
0xa5: {  	s26 =	simm.s32 $execute0_lowered;
	[smem:$0x3FD2] =	sst s25  }
0xa6: {  	s4 =	sshll.u32 s26, $0x1;
	_ =	strace $0x8000004F;
	[dreg:$0x1] =	wrdreg $0xFFFFFFFF  }
0xa7: {  	s28 =	simm.s32 $_size_execute0_lowered;
	s2 =	sadd.s32 s2, s4;
	[dreg:$0x0] =	wrdreg $0x0  }
0xa8: {  	s4 =	sshll.u32 s28, $0x1;
	[dreg:$0x2] =	wrdreg s2  }
0xa9: {  	[dreg:$0x3] =	wrdreg s4  }
0xaa: {  	[dreg:$0x4] =	wrdreg $0xC0  }
0xab: {  	_ =	task [dreg:s6], $0x5FFFF  }
0xac: {  	[dreg:$0x1] =	wrdreg $0xFFFFFFFF  }
0xad: {  	[dreg:$0x0] =	wrdreg $0x60  }
0xae: {  	[dreg:$0x2] =	wrdreg s24  }
0xaf: {  	[dreg:$0x3] =	wrdreg $0x0  }
0xb0: {  	[dreg:$0x4] =	wrdreg $0x9  }
0xb1: {  	_ =	task.clear_ibuf [dreg:s6], $0x5FFFF;
	_ =	strace $0x9000004F  }
0xb2: {  	s29 =	simm.s32 $0x9;
	_ =	strace $0x80000051  }
0xb3: {  	_ =	swait.ge [sflag:s29], $0x1  }
0xb4: {  	[sflag:s29] =	ssyncadd.s32 $0xFFFFFFFF  }
0xb5: {  	_ =	strace $0x90000051  }
0xb6: {  	_ =	sfence  }
0xb7: {  	s30 =	sld [smem:$0x0];
	_ =	sdelay $0x2  }
0xb8: {  	s31 =	sshll.u32 s1, $0xD;
	s1 =	sshrl.u32 s1, $0x2  }
0xb9: {  	s3 =	sand.u32 $0x4000, s31;
	s1 =	sadd.s32 s1, s30  }
0xba: {  	s0 =	sor.u32 s3, s0;
	s1 =	sshll.u32 s1, $0x11  }
0xbb: {  	s0 =	sor.u32 s1, s0  }
0xbc: {  	s0 =	sadd.s32 $0x8F2B, s0  }
0xbd: {  	[sflag:s0] =	ssyncadd.remote.s32 $0x1  }
0xbe: {  	_ =	sfence.sel $0xFFFF  }
0xbf: {  	[dreg:$0x0] =	wrdreg $0xFFFFFFFF;
	(pc) =	sbr.abs _section_cstart, $3  }
0xc0: {  	[dreg:$0x1] =	wrdreg $0xFFFFFFFF  }
0xc1: {  	_ =	task.clear_ibuf [dreg:s6], $0x2FFFF;
	_ =	strace $0x9FFFFFFF  }
0xc2: {  	(tm) =	ssettm $0x7FFFFFFF  }
0xc3: {  	_ =	shalt  }
tec
execute0_lowered:
.L_overlay_start_1:
0x0: {  	(tag) =	ssettag $0x1  }
0x1: {  	s0 =	rddreg [dreg:$0x0]  }
0x2: {  	s1 =	rddreg [dreg:$0x1];
	s2 =	simm.s32 $0x0;
	s3 =	stileid.u32  }
0x3: {  	s6 =	srdreg.scid;
	s28 =	simm.s32 $0x4;
	s29 =	simm.s32 $0x1B9E0  }
0x4: {  	s30 =	simm.s32 $0x7;
	[smem:$0x7FF] =	sst s2;
	s4 =	sadd.s32 $0x73000, s0  }
0x5: {  	s5 =	sadd.s32 $0x42200, s0;
	s15 =	sadd.s32 $0x3D200, s0;
	s12 =	smul.u32 $0x27100, s3  }
0x6: {  	s16 =	sadd.s32 $0x38200, s0;
	s19 =	sand.u32 $0x1, s6;
	s8 =	smul.u32 $0x9C400, s3  }
0x7: {  	s21 =	sadd.s32 $0x9200, s0;
	s11 =	smul.u32 $0x2710, s3;
	p2 =	slt.u32 s3, $0xA  }
0x8: {  	s17 =	smul.u32 $0x4E2, s3;
	p3 =	sgt.u32 s3, $0x9;
	_ =	strace $0x80000050  }
0x9: {  	[dreg:$0x3] =	wrdreg s21;
	s7 =	ssub.s32 $0x2, s19;
	p0 =	seq.s32 s19, $0x0  }
0xa: {  	p4 =	sne.s32 s19, $0x0;
	s21 =	simm.s32 $0x1;
	s9 =	sshrl.u32 s12, $0x3  }
0xb: {  	s10 =	sshrl.u32 s7, $0x1;
	s22 =	sshrl.u32 s8, $0x2;
	s23 =	sshrl.u32 s11, $0x3  }
0xc: {  	p1 =	por !p0, !p2;
	p0 =	seq.s32 s19, $0x1;
	s12 =	sadd.s32 s12, s1  }
0xd: {  	s26 =	sadd.s32 s17, s16;
	s31 =	sadd.s32 s17, s15;
	s19 =	simm.s32 $0x186A0  }
0xe: {  	s0 =	sadd.s32 s9, s0;
	s14 =	ssub.s32 s7, s10;
	s18 =	sadd.s32 s22, s1  }
0xf: {  	s24 =	sadd.s32 s15, s23;
	s25 =	sadd.s32 $0xA, s23;
	s8 =	sadd.s32 s16, s23  }
0x10: {  	p1 =	por !p1, !p1;
	p2 =	por !p2, !p0;
	s20 =	sadd.s32 $0x14, s26  }
.Ltmp0:
0x11: {  	s22 =	simm.s32 $0x50;
	s26 =	simm.s32 $0x6;
	(pc) =	sbr.rel .LBB2_1-.Ltmp0, $4  }
0x12: {  	[dreg:$0x4] =	wrdreg s24;
	s9 =	sadd.s32 s15, s25;
	s10 =	sadd.s32 s16, s25  }
0x13: {  	s11 =	sadd.s32 $0xD4C00, s0;
	p2 =	por !p2, !p2;
	s13 =	sadd.s32 $0xA3E00, s0  }
0x14: {  	s14 =	smax.u32 s14, $0x1;
	s15 =	sshll.u32 @!p3 s3, $0x6;
	s0 =	sadd.s32 $0x14, s31  }
0x15: {  	s18 =	sshrl.u32 @!p3 s18, $0x3;
	s25 =	simm.s32 $0x18790;
	s17 =	sor.u32 @!p3 $0x1C07, s15  }
.LBB2_11:
0x16: {  	s6 =	sshll.u32 @p1 s3, $0x6  }
0x17: {  	[bflag:$0x0] =	sbarrier.arrive $0xFFFF;
	s7 =	sshrl.u32 @p1 s12, $0x3;
	s6 =	sor.u32 @p1 $0x1C07, s6  }
0x18: {  	[hbm:s11], [sflag:s6] =	dma.local @p1 [spmem:s7], $0x4E20  }
0x19: {  	s6 =	simm.s32 @p1 $0x7  }
0x1a: {  	s2 =	sadd.s32 $0x1, s2;
	_ =	swait.ge @p1 [sflag:s6], $0x4E20  }
0x1b: {  	p5 =	sne.s32 s2, s14;
	s7 =	sshll.u32 @p2 s3, $0x6;
	[sflag:s6] =	ssyncset.done @p1 $0x0  }
0x1c: {  	[sflag:s6] =	ssyncadd.s32 @p1 $0xFFFFB1E0;
	s6 =	sor.u32 @p2 $0x1C07, s7;
	s7 =	sshrl.u32 @p2 s12, $0x3  }
0x1d: {  	[hbm:s13], [sflag:s6] =	dma.local @p2 [spmem:s7], $0x4E20  }
.Ltmp1:
0x1e: {  	_ = 	snop;
	(pc) =	sbr.rel @!p5 .LBB2_12-.Ltmp1, $4  }
0x1f: {  	s6 =	simm.s32 @p2 $0x7  }
0x20: {  	_ =	swait.ge @p2 [sflag:s6], $0x4E20  }
0x21: {  	[sflag:s6] =	ssyncset.done @p2 $0x0  }
0x22: {  	[sflag:s6] =	ssyncadd.s32 @p2 $0xFFFFB1E0  }
.LBB2_1:
0x23: {  	s6 =	rddreg [dreg:$0x3];
	s15 =	simm.s32 @!p3 $0x7  }
0x24: {  	[spmem:s18], [sflag:s17] =	dma.local @!p3 [hbm:s6], $0x4E20  }
.Ltmp2:
0x25: {  	_ =	swait.ge @!p3 [sflag:s15], $0x4E20;
	(pc) =	sbr.rel @p4 .LBB2_6-.Ltmp2, $3  }
0x26: {  	[sflag:s15] =	ssyncset.done @!p3 $0x0  }
0x27: {  	[sflag:s15] =	ssyncadd.s32 @!p3 $0xFFFFB1E0  }
0x28: {  	[bflag:$0x0] =	sbarrier.arrive $0xFFFF;
	_ =	sdelay $0x1  }
0x29: {  	s31 =	simm.s32 $0x0;
	s6 =	rddreg [dreg:$0x4]  }
0x2a: {  	[tilespmem:s19], [sflag:$0x1] =	stream.linear.gather [hbm4b:s6+s31], $0x50, $0x38;
	[tilespmem:$0x1EBE0] =	vst v63  }
0x2b: {  	s16 =	simm.s32 $0x18740  }
0x2c: {  	[tilespmem:s16], [sflag:$0x3] =	stream.linear.gather [hbm4b:s8+s31], $0x50, $0x38;
	[tilespmem:$0x1EBE0] =	vst v63  }
0x2d: {  	_ =	swait.ge [sflag:s21], $0x50  }
0x2e: {  	[sflag:s21] =	ssyncset.done $0x0  }
0x2f: {  	s23 =	simm.s32 $0x187E0;
	[sflag:s21] =	ssyncadd.s32 $0xFFFFFFB0  }
0x30: {  	[tilespmem:s23], [sflag:$0x5] =	stream.indirect.gather [hbm4b:s4+s22], $0xA0, s19, s22, $0xb8;
	[tilespmem:$0x1EBE0] =	vst v63  }
.Ltmp3:
0x31: {  	_ = 	snop;
	(pc) =	sbr.rel .LBB2_3-.Ltmp3, $4  }
0x32: {  	s24 =	simm.s32 $0x186F0  }
0x33: {  	[tilespmem:s24], [sflag:$0x2] =	stream.linear.gather [hbm4b:s9+s31], $0x50, $0x38;
	[tilespmem:$0x1EBE0] =	vst v63  }
0x34: {  	s15 =	smov.u32 s20;
	s16 =	smov.u32 s0  }
0x35: {  	[tilespmem:s25], [sflag:$0x4] =	stream.linear.gather [hbm4b:s10+s31], $0x50, $0x38;
	[tilespmem:$0x1EBE0] =	vst v63  }
.LBB2_5:
0x36: {  	s31 =	sadd.s32 $0x1, s31  }
0x37: {  	p5 =	sne.s32 s31, $0x7D  }
.Ltmp4:
0x38: {  	_ = 	snop;
	(pc) =	sbr.rel @!p5 .LBB2_6-.Ltmp4, $2  }
0x39: {  	_ =	sdelay $0x2  }
0x3a: {  	s15 =	sadd.s32 $0xA, s15;
	s16 =	sadd.s32 $0xA, s16  }
.LBB2_3:
0x3b: {  	s23 =	sand.u32 $0x1, s31  }
0x3c: {  	p5 =	seq.s32 s23, $0x1  }
0x3d: {  	p6 =	seq.s32 @!p5 s31, $0x7C  }
0x3e: {  	p6 =	por p6, p5  }
0x3f: {  	s24 =	simm.s32 @!p6 $0x2  }
0x40: {  	_ =	swait.ge @!p6 [sflag:s24], $0x50  }
0x41: {  	s6 =	simm.s32 @!p6 $0x186F0;
	[sflag:s24] =	ssyncset.done @!p6 $0x0  }
0x42: {  	s7 =	simm.s32 @!p6 $0x1B9E0;
	[sflag:s24] =	ssyncadd.s32 @!p6 $0xFFFFFFB0;
	s24 =	simm.s32 @!p6 $0x50  }
0x43: {  	[tilespmem:s7], [sflag:$0x6] =	stream.indirect.gather @!p6 [hbm4b:s4+s24], $0xA0, s6, s24, $0xb8;
	[tilespmem:$0x1EBE0] =	vst v63  }
0x44: {  	s6 =	simm.s32 @!p5 $0x5  }
0x45: {  	_ =	swait.ge @!p5 [sflag:s6], $0x3200  }
0x46: {  	[sflag:s6] =	ssyncset.done @!p5 $0x0  }
0x47: {  	[sflag:s6] =	ssyncadd.s32 @!p5 $0xFFFFCE00;
	s6 =	simm.s32 @!p5 $0x3  }
0x48: {  	_ =	swait.ge @!p5 [sflag:s6], $0x50  }
0x49: {  	s7 =	simm.s32 @!p5 $0x18740;
	[sflag:s6] =	ssyncset.done @!p5 $0x0  }
0x4a: {  	s24 =	simm.s32 @!p5 $0x187E0;
	[sflag:s6] =	ssyncadd.s32 @!p5 $0xFFFFFFB0;
	s6 =	simm.s32 @!p5 $0x50  }
0x4b: {  	[spmem:s1] =	stream.indirect.scatter.add.f32 @!p5 [tilespmem:s24], [sflag:$0x7], $0xA0, s7, s6, $0xb8;
	[tilespmem:$0x1EBE0] =	vst v63  }
0x4c: {  	s6 =	simm.s32 @!p5 $0x7  }
0x4d: {  	p6 =	sgt.u32 @!p5 s31, $0x7A;
	_ =	swait.ge @!p5 [sflag:s6], $0x3200  }
0x4e: {  	p6 =	por p6, p5;
	[sflag:s6] =	ssyncset.done @!p5 $0x0  }
0x4f: {  	s7 =	simm.s32 @!p6 $0x186A0;
	[sflag:s6] =	ssyncadd.s32 @!p5 $0xFFFFCE00;
	s6 =	simm.s32 @!p6 $0x0  }
0x50: {  	[tilespmem:s7], [sflag:$0x1] =	stream.linear.gather @!p6 [hbm4b:s16+s6], $0x50, $0x38;
	[tilespmem:$0x1EBE0] =	vst v63  }
0x51: {  	s7 =	simm.s32 @!p6 $0x18740  }
0x52: {  	[tilespmem:s7], [sflag:$0x3] =	stream.linear.gather @!p6 [hbm4b:s15+s6], $0x50, $0x38;
	[tilespmem:$0x1EBE0] =	vst v63  }
0x53: {  	p6 =	seq.s32 @!p5 s23, $0x0  }
0x54: {  	p5 =	por p5, !p6  }
.Ltmp5:
0x55: {  	_ = 	snop;
	(pc) =	sbr.rel @!p5 .LBB2_5-.Ltmp5, $1  }
0x56: {  	_ =	sdelay $0x3  }
0x57: {  	p5 =	seq.s32 s31, $0x7C  }
0x58: {  	s6 =	simm.s32 @!p5 $0x1  }
0x59: {  	_ =	swait.ge @!p5 [sflag:s6], $0x50  }
0x5a: {  	s7 =	simm.s32 @!p5 $0x186A0;
	[sflag:s6] =	ssyncset.done @!p5 $0x0  }
0x5b: {  	s23 =	simm.s32 @!p5 $0x187E0;
	[sflag:s6] =	ssyncadd.s32 @!p5 $0xFFFFFFB0;
	s6 =	simm.s32 @!p5 $0x50  }
0x5c: {  	[tilespmem:s23], [sflag:$0x5] =	stream.indirect.gather @!p5 [hbm4b:s4+s6], $0xA0, s7, s6, $0xb8;
	[tilespmem:$0x1EBE0] =	vst v63  }
0x5d: {  	_ =	swait.ge [sflag:s26], $0x3200  }
0x5e: {  	[sflag:s26] =	ssyncset.done $0x0  }
0x5f: {  	[sflag:s26] =	ssyncadd.s32 $0xFFFFCE00  }
0x60: {  	_ =	swait.ge [sflag:s28], $0x50  }
0x61: {  	[sflag:s28] =	ssyncset.done $0x0  }
0x62: {  	[sflag:s28] =	ssyncadd.s32 $0xFFFFFFB0  }
0x63: {  	[spmem:s1] =	stream.indirect.scatter.add.f32 [tilespmem:s29], [sflag:$0x7], $0xA0, s25, s22, $0xb8;
	[tilespmem:$0x1EBE0] =	vst v63  }
0x64: {  	_ =	swait.ge [sflag:s30], $0x3200  }
.Ltmp6:
0x65: {  	p5 =	sgt.u32 s31, $0x7A;
	[sflag:s30] =	ssyncset.done $0x0;
	(pc) =	sbr.rel .LBB2_5-.Ltmp6, $4  }
0x66: {  	s6 =	simm.s32 @!p5 $0x0;
	s7 =	simm.s32 @!p5 $0x186F0;
	[sflag:s30] =	ssyncadd.s32 $0xFFFFCE00  }
0x67: {  	[tilespmem:s7], [sflag:$0x2] =	stream.linear.gather @!p5 [hbm4b:s16+s6], $0x50, $0x38;
	[tilespmem:$0x1EBE0] =	vst v63  }
0x68: {  	s7 =	simm.s32 @!p5 $0x18790  }
0x69: {  	[tilespmem:s7], [sflag:$0x4] =	stream.linear.gather @!p5 [hbm4b:s15+s6], $0x50, $0x38;
	[tilespmem:$0x1EBE0] =	vst v63  }
.LBB2_6:
.Ltmp7:
0x6a: {  	(pc) =	sbr.rel @!p0 .LBB2_11-.Ltmp7, $1  }
0x6b: {  	_ =	sdelay $0x3  }
0x6c: {  	s31 =	simm.s32 $0x0;
	s6 =	rddreg [dreg:$0x4]  }
0x6d: {  	[tilespmem:s19], [sflag:$0x1] =	stream.linear.gather [hbm4b:s6+s31], $0x50, $0x38;
	[tilespmem:$0x1EBE0] =	vst v63  }
0x6e: {  	s16 =	simm.s32 $0x18740  }
0x6f: {  	[tilespmem:s16], [sflag:$0x3] =	stream.linear.gather [hbm4b:s8+s31], $0x50, $0x38;
	[tilespmem:$0x1EBE0] =	vst v63  }
0x70: {  	_ =	swait.ge [sflag:s21], $0x50  }
0x71: {  	[sflag:s21] =	ssyncset.done $0x0  }
0x72: {  	s23 =	simm.s32 $0x187E0;
	[sflag:s21] =	ssyncadd.s32 $0xFFFFFFB0  }
0x73: {  	[tilespmem:s23], [sflag:$0x5] =	stream.indirect.gather [hbm4b:s5+s22], $0xA0, s19, s22, $0xb8;
	[tilespmem:$0x1EBE0] =	vst v63  }
.Ltmp8:
0x74: {  	_ = 	snop;
	(pc) =	sbr.rel .LBB2_8-.Ltmp8, $4  }
0x75: {  	s24 =	simm.s32 $0x186F0  }
0x76: {  	[tilespmem:s24], [sflag:$0x2] =	stream.linear.gather [hbm4b:s9+s31], $0x50, $0x38;
	[tilespmem:$0x1EBE0] =	vst v63  }
0x77: {  	s15 =	smov.u32 s20;
	s16 =	smov.u32 s0  }
0x78: {  	[tilespmem:s25], [sflag:$0x4] =	stream.linear.gather [hbm4b:s10+s31], $0x50, $0x38;
	[tilespmem:$0x1EBE0] =	vst v63  }
.LBB2_10:
0x79: {  	s31 =	sadd.s32 $0x1, s31  }
0x7a: {  	p5 =	sne.s32 s31, $0x7D  }
.Ltmp9:
0x7b: {  	_ = 	snop;
	(pc) =	sbr.rel @!p5 .LBB2_11-.Ltmp9, $2  }
0x7c: {  	_ =	sdelay $0x2  }
0x7d: {  	s15 =	sadd.s32 $0xA, s15;
	s16 =	sadd.s32 $0xA, s16  }
.LBB2_8:
0x7e: {  	s6 =	sand.u32 $0x1, s31  }
0x7f: {  	p5 =	seq.s32 s6, $0x1  }
0x80: {  	p6 =	seq.s32 @!p5 s31, $0x7C  }
0x81: {  	p6 =	por p6, p5  }
0x82: {  	s7 =	simm.s32 @!p6 $0x2  }
0x83: {  	_ =	swait.ge @!p6 [sflag:s7], $0x50  }
0x84: {  	s23 =	simm.s32 @!p6 $0x186F0;
	[sflag:s7] =	ssyncset.done @!p6 $0x0  }
0x85: {  	s24 =	simm.s32 @!p6 $0x1B9E0;
	[sflag:s7] =	ssyncadd.s32 @!p6 $0xFFFFFFB0;
	s7 =	simm.s32 @!p6 $0x50  }
0x86: {  	[tilespmem:s24], [sflag:$0x6] =	stream.indirect.gather @!p6 [hbm4b:s5+s7], $0xA0, s23, s7, $0xb8;
	[tilespmem:$0x1EBE0] =	vst v63  }
0x87: {  	s7 =	simm.s32 @!p5 $0x5  }
0x88: {  	_ =	swait.ge @!p5 [sflag:s7], $0x3200  }
0x89: {  	[sflag:s7] =	ssyncset.done @!p5 $0x0  }
0x8a: {  	[sflag:s7] =	ssyncadd.s32 @!p5 $0xFFFFCE00;
	s7 =	simm.s32 @!p5 $0x3  }
0x8b: {  	_ =	swait.ge @!p5 [sflag:s7], $0x50  }
0x8c: {  	s23 =	simm.s32 @!p5 $0x18740;
	[sflag:s7] =	ssyncset.done @!p5 $0x0  }
0x8d: {  	s24 =	simm.s32 @!p5 $0x187E0;
	[sflag:s7] =	ssyncadd.s32 @!p5 $0xFFFFFFB0;
	s7 =	simm.s32 @!p5 $0x50  }
0x8e: {  	[spmem:s1] =	stream.indirect.scatter.add.f32 @!p5 [tilespmem:s24], [sflag:$0x7], $0xA0, s23, s7, $0xb8;
	[tilespmem:$0x1EBE0] =	vst v63  }
0x8f: {  	s7 =	simm.s32 @!p5 $0x7  }
0x90: {  	p6 =	sgt.u32 @!p5 s31, $0x7A;
	_ =	swait.ge @!p5 [sflag:s7], $0x3200  }
0x91: {  	p6 =	por p6, p5;
	[sflag:s7] =	ssyncset.done @!p5 $0x0  }
0x92: {  	s23 =	simm.s32 @!p6 $0x186A0;
	[sflag:s7] =	ssyncadd.s32 @!p5 $0xFFFFCE00;
	s7 =	simm.s32 @!p6 $0x0  }
0x93: {  	[tilespmem:s23], [sflag:$0x1] =	stream.linear.gather @!p6 [hbm4b:s16+s7], $0x50, $0x38;
	[tilespmem:$0x1EBE0] =	vst v63  }
0x94: {  	s23 =	simm.s32 @!p6 $0x18740  }
0x95: {  	[tilespmem:s23], [sflag:$0x3] =	stream.linear.gather @!p6 [hbm4b:s15+s7], $0x50, $0x38;
	[tilespmem:$0x1EBE0] =	vst v63  }
0x96: {  	p6 =	seq.s32 @!p5 s6, $0x0  }
0x97: {  	p5 =	por p5, !p6  }
.Ltmp10:
0x98: {  	_ = 	snop;
	(pc) =	sbr.rel @!p5 .LBB2_10-.Ltmp10, $1  }
0x99: {  	_ =	sdelay $0x3  }
0x9a: {  	p5 =	seq.s32 s31, $0x7C  }
0x9b: {  	s6 =	simm.s32 @!p5 $0x1  }
0x9c: {  	_ =	swait.ge @!p5 [sflag:s6], $0x50  }
0x9d: {  	s7 =	simm.s32 @!p5 $0x186A0;
	[sflag:s6] =	ssyncset.done @!p5 $0x0  }
0x9e: {  	s23 =	simm.s32 @!p5 $0x187E0;
	[sflag:s6] =	ssyncadd.s32 @!p5 $0xFFFFFFB0;
	s6 =	simm.s32 @!p5 $0x50  }
0x9f: {  	[tilespmem:s23], [sflag:$0x5] =	stream.indirect.gather @!p5 [hbm4b:s5+s6], $0xA0, s7, s6, $0xb8;
	[tilespmem:$0x1EBE0] =	vst v63  }
0xa0: {  	_ =	swait.ge [sflag:s26], $0x3200  }
0xa1: {  	[sflag:s26] =	ssyncset.done $0x0  }
0xa2: {  	[sflag:s26] =	ssyncadd.s32 $0xFFFFCE00  }
0xa3: {  	_ =	swait.ge [sflag:s28], $0x50  }
0xa4: {  	[sflag:s28] =	ssyncset.done $0x0  }
0xa5: {  	[sflag:s28] =	ssyncadd.s32 $0xFFFFFFB0  }
0xa6: {  	[spmem:s1] =	stream.indirect.scatter.add.f32 [tilespmem:s29], [sflag:$0x7], $0xA0, s25, s22, $0xb8;
	[tilespmem:$0x1EBE0] =	vst v63  }
0xa7: {  	_ =	swait.ge [sflag:s30], $0x3200  }
.Ltmp11:
0xa8: {  	p5 =	sgt.u32 s31, $0x7A;
	[sflag:s30] =	ssyncset.done $0x0;
	(pc) =	sbr.rel .LBB2_10-.Ltmp11, $4  }
0xa9: {  	s6 =	simm.s32 @!p5 $0x0;
	s7 =	simm.s32 @!p5 $0x186F0;
	[sflag:s30] =	ssyncadd.s32 $0xFFFFCE00  }
0xaa: {  	[tilespmem:s7], [sflag:$0x2] =	stream.linear.gather @!p5 [hbm4b:s16+s6], $0x50, $0x38;
	[tilespmem:$0x1EBE0] =	vst v63  }
0xab: {  	s7 =	simm.s32 @!p5 $0x18790  }
0xac: {  	[tilespmem:s7], [sflag:$0x4] =	stream.linear.gather @!p5 [hbm4b:s15+s6], $0x50, $0x38;
	[tilespmem:$0x1EBE0] =	vst v63  }
.LBB2_12:
0xad: {  	_ =	sfence.sel $0x180000  }
0xae: {  	[bflag:$0x0] =	sbarrier.arrive $0xFFFF  }
0xaf: {  	_ =	strace $0x90000050  }
0xb0: {  	[bflag:$0x2] =	sbarrier.arrive $0xFFFF  }
0xb1: {  	p0 =	sne.s32 s3, $0x0;
	s0 =	rddreg [dreg:$0x2]  }
0xb2: {  	s0 =	sadd.s32 @!p0 $0x100000, s0  }
0xb3: {  	[sflag:s0] =	ssyncadd.tile.s32 @!p0 $0x1;
	_ =	shalt  }
.Lfunc_end2:
_tile_overlayer_lowered:
.L_overlay_start_2:
0xb4: {  	(tag) =	ssettag $0x2  }
0xb5: {  	s0 =	rddreg [dreg:$0x0];
	s2 =	stileid.u32  }
0xb6: {  	s1 =	rddreg [dreg:$0x1];
	p0 =	sne.s32 s2, $0x0  }
0xb7: {  	s3 =	rddreg [dreg:$0x2];
	[bflag:$0x3] =	sbarrier.arrive $0xFFFF;
	s2 =	simm.s32 @!p0 $0x1C07  }
0xb8: {  	[timem:s3], [sflag:s2] =	dma.local @!p0 [hbm:s0], s1  }
0xb9: {  	s0 =	simm.s32 @!p0 $0x7  }
0xba: {  	_ =	swait.ge @!p0 [sflag:s0], s1  }
0xbb: {  	s1 =	ssub.s32 @!p0 $0x0, s1;
	[sflag:s0] =	ssyncset.done @!p0 $0x0  }
0xbc: {  	[sflag:s0] =	ssyncadd.s32 @!p0 s1  }
0xbd: {  	[bflag:$0x3] =	sbarrier.arrive $0xFFFF  }
0xbe: {  	_ =	shalt  }

// kernel: kernel.25.cloned.1.call-start
scs
__scs_entry_jumppad:
0x0: {  	(pc) =	sbr.rel $0x88, $3  }
0x1: {  	(tag) =	ssettag $0x0;
	lr =	simm.s32 $0x1  }
0x2: {  	[smem:$0x3F7D] =	sst lr;
	_ =	strace $0xD0000000  }
0x3: {  	_ = 	snop  }
0x4: {  	_ = 	snop  }
0x5: {  	_ = 	snop  }
0x6: {  	_ = 	snop  }
0x7: {  	_ = 	snop  }
__scs_overlays_trampoline_lowered:
0x8: {  	[smem:$0x3F8C] =	sst s0  }
0x9: {  	[smem:$0x3F8D] =	sst s1  }
0xa: {  	[smem:$0x3F8E] =	sst s2  }
0xb: {  	[smem:$0x3F8F] =	sst s3  }
0xc: {  	[smem:$0x3F90] =	sst s4  }
0xd: {  	[smem:$0x3F91] =	sst s5  }
0xe: {  	[smem:$0x3F92] =	sst s6  }
0xf: {  	[smem:$0x3F93] =	sst s7  }
0x10: {  	[smem:$0x3F94] =	sst s8  }
0x11: {  	[smem:$0x3F95] =	sst s9;
	s0 =	simm.s32 @!p0 $0x0  }
0x12: {  	s1 =	sld [smem:$0x3F7B];
	s0 =	simm.s32 @p0 $0x1  }
0x13: {  	[smem:$0x3F96] =	sst s0;
	s0 =	simm.s32 @!p1 $0x0  }
0x14: {  	s2 =	sld [smem:$0x3F7A];
	s0 =	simm.s32 @p1 $0x1  }
0x15: {  	[smem:$0x3F97] =	sst s0;
	s0 =	simm.s32 @!p2 $0x0  }
0x16: {  	s3 =	sld [smem:$0x3FDB];
	s0 =	simm.s32 @p2 $0x1  }
0x17: {  	s4 =	simm.s32 $0x1BF5;
	[smem:$0x3F99] =	sst s0  }
0x18: {  	s0 =	sld [smem:$0x3F7C];
	_ =	swait.ge [sflag:s4], $0x0  }
0x19: {  	s7 =	sld [smem:$0x3F7D]  }
0x1a: {  	s8 =	sadd.s32 $0xFFFFE003, lr  }
0x1b: {  	s9 =	sadd.s32 $0xFFFFFEF7, lr;
	s5 =	simm.s32 $0xFFFFFFFF;
	p2 =	slt.u32 s8, $0xFFFFF086  }
0x1c: {  	p1 =	slt.u32 s9, $0xF7A;
	s5 =	simm.s32 @!p2 $0x0  }
0x1d: {  	s5 =	simm.s32 @p1 $0x1;
	p0 =	seq.s32 s7, s2  }
0x1e: {  	s7 =	smul.u32 @!p0 $0xF7A, s2;
	p2 =	seq.s32 @!p0 s5, $0x0  }
0x1f: {  	s9 =	smul.u32 $0xF7A, s1;
	s8 =	simm.s32 @!p0 $0x1BF5;
	p2 =	por !p2, p0  }
0x20: {  	[sflag:s8] =	ssyncset.s32 @!p0 $0xFFFFF086;
	s6 =	sadd.s32 @!p0 s3, s7;
	s7 =	simm.s32 @!p0 $0x108  }
0x21: {  	s3 =	sadd.s32 s3, s9;
	s6 =	sadd.s32 @!p0 $0x88, s6;
	s7 =	simm.s32 @p2 $0x1082  }
0x22: {  	[simem:s7], [sflag:s8] =	dma.local @!p0 [hbm:s6], $0xF7A  }
0x23: {  	s9 =	sor.u32 $0xD0000000, s2;
	s6 =	simm.s32 $0x108;
	_ =	swait.ge @!p0 [sflag:s8], $0x0  }
0x24: {  	s3 =	sadd.s32 $0x88, s3;
	s6 =	simm.s32 @!p1 $0x1082;
	[sflag:s4] =	ssyncset.s32 $0xFFFFF086  }
0x25: {  	[simem:s6], [sflag:s4] =	dma.local [hbm:s3], $0xF7A  }
0x26: {  	[smem:$0x3F7D] =	sst s1;
	(tag) =	ssettag s2;
	_ =	strace s9  }
0x27: {  	s1 =	sld [smem:$0x3F8D]  }
0x28: {  	s2 =	sld [smem:$0x3F8E]  }
0x29: {  	s4 =	sld [smem:$0x3F90]  }
0x2a: {  	p0 =	seq.s32 s5, $0x0;
	s5 =	sld [smem:$0x3F91]  }
0x2b: {  	s6 =	sld [smem:$0x3F92]  }
0x2c: {  	s7 =	sld [smem:$0x3F93]  }
0x2d: {  	s3 =	simm.s32 $0x108;
	s8 =	sld [smem:$0x3F94]  }
0x2e: {  	s3 =	simm.s32 @!p0 $0x1082;
	s9 =	sld [smem:$0x3F95]  }
0x2f: {  	lr =	sadd.s32 s0, s3;
	s0 =	sld [smem:$0x3F8C]  }
0x30: {  	s3 =	sld [smem:$0x3F8F]  }
0x31: {  	[smem:$0x3F98] =	sst s10  }
0x32: {  	s10 =	sld [smem:$0x3F96];
	_ =	sdelay $0x3  }
0x33: {  	p0 =	seq.s32 s10, $0x1;
	s10 =	sld [smem:$0x3F98];
	_ =	sdelay $0x3  }
0x34: {  	[smem:$0x3F98] =	sst s10  }
0x35: {  	s10 =	sld [smem:$0x3F97];
	_ =	sdelay $0x3  }
0x36: {  	p1 =	seq.s32 s10, $0x1;
	s10 =	sld [smem:$0x3F98];
	_ =	sdelay $0x3  }
0x37: {  	[smem:$0x3F98] =	sst s10  }
0x38: {  	s10 =	sld [smem:$0x3F99]  }
0x39: {  	_ = 	snop;
	(pc) =	sbr.ind lr, $3  }
0x3a: {  	_ = 	snop  }
0x3b: {  	_ = 	snop  }
0x3c: {  	p2 =	seq.s32 s10, $0x1;
	s10 =	sld [smem:$0x3F98]  }
0x3d: {  	_ =	shalt  }
0x3e: {  	_ =	shalt  }
0x3f: {  	_ =	shalt  }
0x40: {  	_ =	shalt  }
0x41: {  	_ =	shalt  }
0x42: {  	_ =	shalt  }
0x43: {  	_ =	shalt  }
0x44: {  	_ =	shalt  }
0x45: {  	_ =	shalt  }
0x46: {  	_ =	shalt  }
0x47: {  	_ =	shalt  }
0x48: {  	_ =	shalt  }
0x49: {  	_ =	shalt  }
0x4a: {  	_ =	shalt  }
0x4b: {  	_ =	shalt  }
0x4c: {  	_ =	shalt  }
0x4d: {  	_ =	shalt  }
0x4e: {  	_ =	shalt  }
0x4f: {  	_ =	shalt  }
0x50: {  	_ =	shalt  }
0x51: {  	_ =	shalt  }
0x52: {  	_ =	shalt  }
0x53: {  	_ =	shalt  }
0x54: {  	_ =	shalt  }
0x55: {  	_ =	shalt  }
0x56: {  	_ =	shalt  }
0x57: {  	_ =	shalt  }
0x58: {  	_ =	shalt  }
0x59: {  	_ =	shalt  }
0x5a: {  	_ =	shalt  }
0x5b: {  	_ =	shalt  }
0x5c: {  	_ =	shalt  }
0x5d: {  	_ =	shalt  }
0x5e: {  	_ =	shalt  }
0x5f: {  	_ =	shalt  }
0x60: {  	_ =	shalt  }
0x61: {  	_ =	shalt  }
0x62: {  	_ =	shalt  }
0x63: {  	_ =	shalt  }
0x64: {  	_ =	shalt  }
0x65: {  	_ =	shalt  }
0x66: {  	_ =	shalt  }
0x67: {  	_ =	shalt  }
0x68: {  	_ =	shalt  }
0x69: {  	_ =	shalt  }
0x6a: {  	_ =	shalt  }
0x6b: {  	_ =	shalt  }
0x6c: {  	_ =	shalt  }
0x6d: {  	_ =	shalt  }
0x6e: {  	_ =	shalt  }
0x6f: {  	_ =	shalt  }
0x70: {  	_ =	shalt  }
0x71: {  	_ =	shalt  }
0x72: {  	_ =	shalt  }
0x73: {  	_ =	shalt  }
0x74: {  	_ =	shalt  }
0x75: {  	_ =	shalt  }
0x76: {  	_ =	shalt  }
0x77: {  	_ =	shalt  }
0x78: {  	_ =	shalt  }
0x79: {  	_ =	shalt  }
0x7a: {  	_ =	shalt  }
0x7b: {  	_ =	shalt  }
0x7c: {  	_ =	shalt  }
0x7d: {  	_ =	shalt  }
0x7e: {  	_ =	shalt  }
0x7f: {  	_ =	shalt  }
0x80: {  	_ =	shalt  }
0x81: {  	_ =	shalt  }
0x82: {  	_ =	shalt  }
0x83: {  	_ =	shalt  }
0x84: {  	_ =	shalt  }
0x85: {  	_ =	shalt  }
0x86: {  	_ =	shalt  }
0x87: {  	_ =	shalt  }
.Lfunc_end0:
.L_simem_size_0:
called_computation.4_lowered:
.L_overlay_start_0:
0x88: {  	s2 =	sld [smem:$0x3FD9]  }
0x89: {  	s3 =	sld [smem:$0x3FFE];
	_ =	sdelay $0x1  }
0x8a: {  	s1 =	srdreg.scid  }
0x8b: {  	s0 =	sand.u32 $0x1, s1  }
0x8c: {  	s16 =	sshll.u32 s0, $0xA;
	s2 =	sadd.s32 s3, s2  }
0x8d: {  	s2 =	sadd.s32 s2, s16  }
0x8e: {  	[smem:$0x3FA4] =	sst s2  }
0x8f: {  	_ = 	snop  }
0x90: {  	(tm) =	ssettm $0x1  }
0x91: {  	s17 =	sld [smem:$0x3FFB];
	_ =	sdelay $0x3  }
0x92: {  	_ =	strace s17  }
0x93: {  	s2 =	sld [smem:$0x3FFC];
	_ =	sdelay $0x3  }
0x94: {  	_ =	strace s2  }
0x95: {  	s2 =	sld [smem:$0x3FFD];
	_ =	sdelay $0x3  }
0x96: {  	_ =	strace s2  }
0x97: {  	_ =	strace $0x8FFFFFFF  }
0x98: {  	s18 =	sld [smem:$0x3FDB];
	_ =	sdelay $0x1  }
0x99: {  	s19 =	simm.s32 $_scs_section_size  }
0x9a: {  	s4 =	simm.s32 $_size__tile_overlayer_lowered;
	s5 =	simm.s32 $_tile_overlayer_lowered  }
0x9b: {  	s22 =	simm.s32 $0x1BFF;
	s21 =	sshll.u32 s5, $0x1;
	s2 =	sadd.s32 s19, s18  }
0x9c: {  	s6 =	simm.s32 $0x0;
	s20 =	sshll.u32 s4, $0x1;
	s4 =	sadd.s32 s21, s2  }
0x9d: {  	[timem:s6], [sflag:s22] =	dma.local [hbm:s4], s20  }
0x9e: {  	_ =	swait.ge [sflag:s22], s20  }
0x9f: {  	s3 =	ssub.s32 $0x0, s20;
	[sflag:s22] =	ssyncset.done $0x0  }
0xa0: {  	[sflag:s22] =	ssyncadd.s32 s3;
	_ =	sdelay $0x1  }
0xa1: {  	s23 =	simm.s32 $0x1B8B  }
0xa2: {  	_ =	swait.ge [sflag:s23], $0x1  }
0xa3: {  	[sflag:s23] =	ssyncset.done $0x0  }
0xa4: {  	s25 =	simm.s32 $0x1B8E;
	s24 =	sld [smem:$0x3FFE];
	[sflag:s23] =	ssyncadd.s32 $0xFFFFFFFF  }
0xa5: {  	s26 =	simm.s32 $execute0_lowered;
	[smem:$0x3FD2] =	sst s25  }
0xa6: {  	s4 =	sshll.u32 s26, $0x1;
	_ =	strace $0x80000052;
	[dreg:$0x1] =	wrdreg $0xFFFFFFFF  }
0xa7: {  	s28 =	simm.s32 $_size_execute0_lowered;
	s2 =	sadd.s32 s2, s4;
	[dreg:$0x0] =	wrdreg $0x0  }
0xa8: {  	s4 =	sshll.u32 s28, $0x1;
	[dreg:$0x2] =	wrdreg s2  }
0xa9: {  	[dreg:$0x3] =	wrdreg s4  }
0xaa: {  	[dreg:$0x4] =	wrdreg $0xC0  }
0xab: {  	_ =	task [dreg:s6], $0x5FFFF  }
0xac: {  	[dreg:$0x1] =	wrdreg $0xFFFFFFFF  }
0xad: {  	[dreg:$0x0] =	wrdreg $0x60  }
0xae: {  	[dreg:$0x2] =	wrdreg s24  }
0xaf: {  	[dreg:$0x3] =	wrdreg $0x0  }
0xb0: {  	[dreg:$0x4] =	wrdreg $0x9  }
0xb1: {  	_ =	task.clear_ibuf [dreg:s6], $0x5FFFF;
	_ =	strace $0x90000052  }
0xb2: {  	s29 =	simm.s32 $0x9;
	_ =	strace $0x80000054  }
0xb3: {  	_ =	swait.ge [sflag:s29], $0x1  }
0xb4: {  	[sflag:s29] =	ssyncadd.s32 $0xFFFFFFFF  }
0xb5: {  	_ =	strace $0x90000054  }
0xb6: {  	_ =	sfence  }
0xb7: {  	s30 =	sld [smem:$0x0];
	_ =	sdelay $0x2  }
0xb8: {  	s31 =	sshll.u32 s1, $0xD;
	s1 =	sshrl.u32 s1, $0x2  }
0xb9: {  	s3 =	sand.u32 $0x4000, s31;
	s1 =	sadd.s32 s1, s30  }
0xba: {  	s0 =	sor.u32 s3, s0;
	s1 =	sshll.u32 s1, $0x11  }
0xbb: {  	s0 =	sor.u32 s1, s0  }
0xbc: {  	s0 =	sadd.s32 $0x8F2B, s0  }
0xbd: {  	[sflag:s0] =	ssyncadd.remote.s32 $0x1  }
0xbe: {  	_ =	sfence.sel $0xFFFF  }
0xbf: {  	[dreg:$0x0] =	wrdreg $0xFFFFFFFF;
	(pc) =	sbr.abs _section_cstart, $3  }
0xc0: {  	[dreg:$0x1] =	wrdreg $0xFFFFFFFF  }
0xc1: {  	_ =	task.clear_ibuf [dreg:s6], $0x2FFFF;
	_ =	strace $0x9FFFFFFF  }
0xc2: {  	(tm) =	ssettm $0x7FFFFFFF  }
0xc3: {  	_ =	shalt  }
tec
execute0_lowered:
.L_overlay_start_1:
0x0: {  	(tag) =	ssettag $0x1  }
0x1: {  	s0 =	rddreg [dreg:$0x0]  }
0x2: {  	s1 =	rddreg [dreg:$0x1];
	s2 =	simm.s32 $0x0;
	s3 =	stileid.u32  }
0x3: {  	s6 =	srdreg.scid;
	s28 =	simm.s32 $0x4;
	s29 =	simm.s32 $0x1B9E0  }
0x4: {  	s30 =	simm.s32 $0x7;
	[smem:$0x7FF] =	sst s2;
	s4 =	sadd.s32 $0x73000, s0  }
0x5: {  	s5 =	sadd.s32 $0x42200, s0;
	s15 =	sadd.s32 $0x3D200, s0;
	s12 =	smul.u32 $0x27100, s3  }
0x6: {  	s16 =	sadd.s32 $0x38200, s0;
	s19 =	sand.u32 $0x1, s6;
	s8 =	smul.u32 $0x9C400, s3  }
0x7: {  	s21 =	sadd.s32 $0x9200, s0;
	s11 =	smul.u32 $0x2710, s3;
	p2 =	slt.u32 s3, $0xA  }
0x8: {  	s17 =	smul.u32 $0x4E2, s3;
	p3 =	sgt.u32 s3, $0x9;
	_ =	strace $0x80000053  }
0x9: {  	[dreg:$0x3] =	wrdreg s21;
	s7 =	ssub.s32 $0x2, s19;
	p0 =	seq.s32 s19, $0x0  }
0xa: {  	p4 =	sne.s32 s19, $0x0;
	s21 =	simm.s32 $0x1;
	s9 =	sshrl.u32 s12, $0x3  }
0xb: {  	s10 =	sshrl.u32 s7, $0x1;
	s22 =	sshrl.u32 s8, $0x2;
	s23 =	sshrl.u32 s11, $0x3  }
0xc: {  	p1 =	por !p0, !p2;
	p0 =	seq.s32 s19, $0x1;
	s12 =	sadd.s32 s12, s1  }
0xd: {  	s26 =	sadd.s32 s17, s16;
	s31 =	sadd.s32 s17, s15;
	s19 =	simm.s32 $0x186A0  }
0xe: {  	s0 =	sadd.s32 s9, s0;
	s14 =	ssub.s32 s7, s10;
	s18 =	sadd.s32 s22, s1  }
0xf: {  	s24 =	sadd.s32 s15, s23;
	s25 =	sadd.s32 $0xA, s23;
	s8 =	sadd.s32 s16, s23  }
0x10: {  	p1 =	por !p1, !p1;
	p2 =	por !p2, !p0;
	s20 =	sadd.s32 $0x14, s26  }
.Ltmp0:
0x11: {  	s22 =	simm.s32 $0x50;
	s26 =	simm.s32 $0x6;
	(pc) =	sbr.rel .LBB2_1-.Ltmp0, $4  }
0x12: {  	[dreg:$0x4] =	wrdreg s24;
	s9 =	sadd.s32 s15, s25;
	s10 =	sadd.s32 s16, s25  }
0x13: {  	s11 =	sadd.s32 $0xA3E00, s0;
	p2 =	por !p2, !p2;
	s13 =	sadd.s32 $0xD4C00, s0  }
0x14: {  	s14 =	smax.u32 s14, $0x1;
	s15 =	sshll.u32 @!p3 s3, $0x6;
	s0 =	sadd.s32 $0x14, s31  }
0x15: {  	s18 =	sshrl.u32 @!p3 s18, $0x3;
	s25 =	simm.s32 $0x18790;
	s17 =	sor.u32 @!p3 $0x1C07, s15  }
.LBB2_11:
0x16: {  	s6 =	sshll.u32 @p1 s3, $0x6  }
0x17: {  	[bflag:$0x0] =	sbarrier.arrive $0xFFFF;
	s7 =	sshrl.u32 @p1 s12, $0x3;
	s6 =	sor.u32 @p1 $0x1C07, s6  }
0x18: {  	[hbm:s11], [sflag:s6] =	dma.local @p1 [spmem:s7], $0x4E20  }
0x19: {  	s6 =	simm.s32 @p1 $0x7  }
0x1a: {  	s2 =	sadd.s32 $0x1, s2;
	_ =	swait.ge @p1 [sflag:s6], $0x4E20  }
0x1b: {  	p5 =	sne.s32 s2, s14;
	s7 =	sshll.u32 @p2 s3, $0x6;
	[sflag:s6] =	ssyncset.done @p1 $0x0  }
0x1c: {  	[sflag:s6] =	ssyncadd.s32 @p1 $0xFFFFB1E0;
	s6 =	sor.u32 @p2 $0x1C07, s7;
	s7 =	sshrl.u32 @p2 s12, $0x3  }
0x1d: {  	[hbm:s13], [sflag:s6] =	dma.local @p2 [spmem:s7], $0x4E20  }
.Ltmp1:
0x1e: {  	_ = 	snop;
	(pc) =	sbr.rel @!p5 .LBB2_12-.Ltmp1, $4  }
0x1f: {  	s6 =	simm.s32 @p2 $0x7  }
0x20: {  	_ =	swait.ge @p2 [sflag:s6], $0x4E20  }
0x21: {  	[sflag:s6] =	ssyncset.done @p2 $0x0  }
0x22: {  	[sflag:s6] =	ssyncadd.s32 @p2 $0xFFFFB1E0  }
.LBB2_1:
0x23: {  	s6 =	rddreg [dreg:$0x3];
	s15 =	simm.s32 @!p3 $0x7  }
0x24: {  	[spmem:s18], [sflag:s17] =	dma.local @!p3 [hbm:s6], $0x4E20  }
.Ltmp2:
0x25: {  	_ =	swait.ge @!p3 [sflag:s15], $0x4E20;
	(pc) =	sbr.rel @p4 .LBB2_6-.Ltmp2, $3  }
0x26: {  	[sflag:s15] =	ssyncset.done @!p3 $0x0  }
0x27: {  	[sflag:s15] =	ssyncadd.s32 @!p3 $0xFFFFB1E0  }
0x28: {  	[bflag:$0x0] =	sbarrier.arrive $0xFFFF;
	_ =	sdelay $0x1  }
0x29: {  	s31 =	simm.s32 $0x0;
	s6 =	rddreg [dreg:$0x4]  }
0x2a: {  	[tilespmem:s19], [sflag:$0x1] =	stream.linear.gather [hbm4b:s6+s31], $0x50, $0x38;
	[tilespmem:$0x1EBE0] =	vst v63  }
0x2b: {  	s16 =	simm.s32 $0x18740  }
0x2c: {  	[tilespmem:s16], [sflag:$0x3] =	stream.linear.gather [hbm4b:s8+s31], $0x50, $0x38;
	[tilespmem:$0x1EBE0] =	vst v63  }
0x2d: {  	_ =	swait.ge [sflag:s21], $0x50  }
0x2e: {  	[sflag:s21] =	ssyncset.done $0x0  }
0x2f: {  	s23 =	simm.s32 $0x187E0;
	[sflag:s21] =	ssyncadd.s32 $0xFFFFFFB0  }
0x30: {  	[tilespmem:s23], [sflag:$0x5] =	stream.indirect.gather [hbm4b:s4+s22], $0xA0, s19, s22, $0xb8;
	[tilespmem:$0x1EBE0] =	vst v63  }
.Ltmp3:
0x31: {  	_ = 	snop;
	(pc) =	sbr.rel .LBB2_3-.Ltmp3, $4  }
0x32: {  	s24 =	simm.s32 $0x186F0  }
0x33: {  	[tilespmem:s24], [sflag:$0x2] =	stream.linear.gather [hbm4b:s9+s31], $0x50, $0x38;
	[tilespmem:$0x1EBE0] =	vst v63  }
0x34: {  	s15 =	smov.u32 s20;
	s16 =	smov.u32 s0  }
0x35: {  	[tilespmem:s25], [sflag:$0x4] =	stream.linear.gather [hbm4b:s10+s31], $0x50, $0x38;
	[tilespmem:$0x1EBE0] =	vst v63  }
.LBB2_5:
0x36: {  	s31 =	sadd.s32 $0x1, s31  }
0x37: {  	p5 =	sne.s32 s31, $0x7D  }
.Ltmp4:
0x38: {  	_ = 	snop;
	(pc) =	sbr.rel @!p5 .LBB2_6-.Ltmp4, $2  }
0x39: {  	_ =	sdelay $0x2  }
0x3a: {  	s15 =	sadd.s32 $0xA, s15;
	s16 =	sadd.s32 $0xA, s16  }
.LBB2_3:
0x3b: {  	s23 =	sand.u32 $0x1, s31  }
0x3c: {  	p5 =	seq.s32 s23, $0x1  }
0x3d: {  	p6 =	seq.s32 @!p5 s31, $0x7C  }
0x3e: {  	p6 =	por p6, p5  }
0x3f: {  	s24 =	simm.s32 @!p6 $0x2  }
0x40: {  	_ =	swait.ge @!p6 [sflag:s24], $0x50  }
0x41: {  	s6 =	simm.s32 @!p6 $0x186F0;
	[sflag:s24] =	ssyncset.done @!p6 $0x0  }
0x42: {  	s7 =	simm.s32 @!p6 $0x1B9E0;
	[sflag:s24] =	ssyncadd.s32 @!p6 $0xFFFFFFB0;
	s24 =	simm.s32 @!p6 $0x50  }
0x43: {  	[tilespmem:s7], [sflag:$0x6] =	stream.indirect.gather @!p6 [hbm4b:s4+s24], $0xA0, s6, s24, $0xb8;
	[tilespmem:$0x1EBE0] =	vst v63  }
0x44: {  	s6 =	simm.s32 @!p5 $0x5  }
0x45: {  	_ =	swait.ge @!p5 [sflag:s6], $0x3200  }
0x46: {  	[sflag:s6] =	ssyncset.done @!p5 $0x0  }
0x47: {  	[sflag:s6] =	ssyncadd.s32 @!p5 $0xFFFFCE00;
	s6 =	simm.s32 @!p5 $0x3  }
0x48: {  	_ =	swait.ge @!p5 [sflag:s6], $0x50  }
0x49: {  	s7 =	simm.s32 @!p5 $0x18740;
	[sflag:s6] =	ssyncset.done @!p5 $0x0  }
0x4a: {  	s24 =	simm.s32 @!p5 $0x187E0;
	[sflag:s6] =	ssyncadd.s32 @!p5 $0xFFFFFFB0;
	s6 =	simm.s32 @!p5 $0x50  }
0x4b: {  	[spmem:s1] =	stream.indirect.scatter.add.f32 @!p5 [tilespmem:s24], [sflag:$0x7], $0xA0, s7, s6, $0xb8;
	[tilespmem:$0x1EBE0] =	vst v63  }
0x4c: {  	s6 =	simm.s32 @!p5 $0x7  }
0x4d: {  	p6 =	sgt.u32 @!p5 s31, $0x7A;
	_ =	swait.ge @!p5 [sflag:s6], $0x3200  }
0x4e: {  	p6 =	por p6, p5;
	[sflag:s6] =	ssyncset.done @!p5 $0x0  }
0x4f: {  	s7 =	simm.s32 @!p6 $0x186A0;
	[sflag:s6] =	ssyncadd.s32 @!p5 $0xFFFFCE00;
	s6 =	simm.s32 @!p6 $0x0  }
0x50: {  	[tilespmem:s7], [sflag:$0x1] =	stream.linear.gather @!p6 [hbm4b:s16+s6], $0x50, $0x38;
	[tilespmem:$0x1EBE0] =	vst v63  }
0x51: {  	s7 =	simm.s32 @!p6 $0x18740  }
0x52: {  	[tilespmem:s7], [sflag:$0x3] =	stream.linear.gather @!p6 [hbm4b:s15+s6], $0x50, $0x38;
	[tilespmem:$0x1EBE0] =	vst v63  }
0x53: {  	p6 =	seq.s32 @!p5 s23, $0x0  }
0x54: {  	p5 =	por p5, !p6  }
.Ltmp5:
0x55: {  	_ = 	snop;
	(pc) =	sbr.rel @!p5 .LBB2_5-.Ltmp5, $1  }
0x56: {  	_ =	sdelay $0x3  }
0x57: {  	p5 =	seq.s32 s31, $0x7C  }
0x58: {  	s6 =	simm.s32 @!p5 $0x1  }
0x59: {  	_ =	swait.ge @!p5 [sflag:s6], $0x50  }
0x5a: {  	s7 =	simm.s32 @!p5 $0x186A0;
	[sflag:s6] =	ssyncset.done @!p5 $0x0  }
0x5b: {  	s23 =	simm.s32 @!p5 $0x187E0;
	[sflag:s6] =	ssyncadd.s32 @!p5 $0xFFFFFFB0;
	s6 =	simm.s32 @!p5 $0x50  }
0x5c: {  	[tilespmem:s23], [sflag:$0x5] =	stream.indirect.gather @!p5 [hbm4b:s4+s6], $0xA0, s7, s6, $0xb8;
	[tilespmem:$0x1EBE0] =	vst v63  }
0x5d: {  	_ =	swait.ge [sflag:s26], $0x3200  }
0x5e: {  	[sflag:s26] =	ssyncset.done $0x0  }
0x5f: {  	[sflag:s26] =	ssyncadd.s32 $0xFFFFCE00  }
0x60: {  	_ =	swait.ge [sflag:s28], $0x50  }
0x61: {  	[sflag:s28] =	ssyncset.done $0x0  }
0x62: {  	[sflag:s28] =	ssyncadd.s32 $0xFFFFFFB0  }
0x63: {  	[spmem:s1] =	stream.indirect.scatter.add.f32 [tilespmem:s29], [sflag:$0x7], $0xA0, s25, s22, $0xb8;
	[tilespmem:$0x1EBE0] =	vst v63  }
0x64: {  	_ =	swait.ge [sflag:s30], $0x3200  }
.Ltmp6:
0x65: {  	p5 =	sgt.u32 s31, $0x7A;
	[sflag:s30] =	ssyncset.done $0x0;
	(pc) =	sbr.rel .LBB2_5-.Ltmp6, $4  }
0x66: {  	s6 =	simm.s32 @!p5 $0x0;
	s7 =	simm.s32 @!p5 $0x186F0;
	[sflag:s30] =	ssyncadd.s32 $0xFFFFCE00  }
0x67: {  	[tilespmem:s7], [sflag:$0x2] =	stream.linear.gather @!p5 [hbm4b:s16+s6], $0x50, $0x38;
	[tilespmem:$0x1EBE0] =	vst v63  }
0x68: {  	s7 =	simm.s32 @!p5 $0x18790  }
0x69: {  	[tilespmem:s7], [sflag:$0x4] =	stream.linear.gather @!p5 [hbm4b:s15+s6], $0x50, $0x38;
	[tilespmem:$0x1EBE0] =	vst v63  }
.LBB2_6:
.Ltmp7:
0x6a: {  	(pc) =	sbr.rel @!p0 .LBB2_11-.Ltmp7, $1  }
0x6b: {  	_ =	sdelay $0x3  }
0x6c: {  	s31 =	simm.s32 $0x0;
	s6 =	rddreg [dreg:$0x4]  }
0x6d: {  	[tilespmem:s19], [sflag:$0x1] =	stream.linear.gather [hbm4b:s6+s31], $0x50, $0x38;
	[tilespmem:$0x1EBE0] =	vst v63  }
0x6e: {  	s16 =	simm.s32 $0x18740  }
0x6f: {  	[tilespmem:s16], [sflag:$0x3] =	stream.linear.gather [hbm4b:s8+s31], $0x50, $0x38;
	[tilespmem:$0x1EBE0] =	vst v63  }
0x70: {  	_ =	swait.ge [sflag:s21], $0x50  }
0x71: {  	[sflag:s21] =	ssyncset.done $0x0  }
0x72: {  	s23 =	simm.s32 $0x187E0;
	[sflag:s21] =	ssyncadd.s32 $0xFFFFFFB0  }
0x73: {  	[tilespmem:s23], [sflag:$0x5] =	stream.indirect.gather [hbm4b:s5+s22], $0xA0, s19, s22, $0xb8;
	[tilespmem:$0x1EBE0] =	vst v63  }
.Ltmp8:
0x74: {  	_ = 	snop;
	(pc) =	sbr.rel .LBB2_8-.Ltmp8, $4  }
0x75: {  	s24 =	simm.s32 $0x186F0  }
0x76: {  	[tilespmem:s24], [sflag:$0x2] =	stream.linear.gather [hbm4b:s9+s31], $0x50, $0x38;
	[tilespmem:$0x1EBE0] =	vst v63  }
0x77: {  	s15 =	smov.u32 s20;
	s16 =	smov.u32 s0  }
0x78: {  	[tilespmem:s25], [sflag:$0x4] =	stream.linear.gather [hbm4b:s10+s31], $0x50, $0x38;
	[tilespmem:$0x1EBE0] =	vst v63  }
.LBB2_10:
0x79: {  	s31 =	sadd.s32 $0x1, s31  }
0x7a: {  	p5 =	sne.s32 s31, $0x7D  }
.Ltmp9:
0x7b: {  	_ = 	snop;
	(pc) =	sbr.rel @!p5 .LBB2_11-.Ltmp9, $2  }
0x7c: {  	_ =	sdelay $0x2  }
0x7d: {  	s15 =	sadd.s32 $0xA, s15;
	s16 =	sadd.s32 $0xA, s16  }
.LBB2_8:
0x7e: {  	s6 =	sand.u32 $0x1, s31  }
0x7f: {  	p5 =	seq.s32 s6, $0x1  }
0x80: {  	p6 =	seq.s32 @!p5 s31, $0x7C  }
0x81: {  	p6 =	por p6, p5  }
0x82: {  	s7 =	simm.s32 @!p6 $0x2  }
0x83: {  	_ =	swait.ge @!p6 [sflag:s7], $0x50  }
0x84: {  	s23 =	simm.s32 @!p6 $0x186F0;
	[sflag:s7] =	ssyncset.done @!p6 $0x0  }
0x85: {  	s24 =	simm.s32 @!p6 $0x1B9E0;
	[sflag:s7] =	ssyncadd.s32 @!p6 $0xFFFFFFB0;
	s7 =	simm.s32 @!p6 $0x50  }
0x86: {  	[tilespmem:s24], [sflag:$0x6] =	stream.indirect.gather @!p6 [hbm4b:s5+s7], $0xA0, s23, s7, $0xb8;
	[tilespmem:$0x1EBE0] =	vst v63  }
0x87: {  	s7 =	simm.s32 @!p5 $0x5  }
0x88: {  	_ =	swait.ge @!p5 [sflag:s7], $0x3200  }
0x89: {  	[sflag:s7] =	ssyncset.done @!p5 $0x0  }
0x8a: {  	[sflag:s7] =	ssyncadd.s32 @!p5 $0xFFFFCE00;
	s7 =	simm.s32 @!p5 $0x3  }
0x8b: {  	_ =	swait.ge @!p5 [sflag:s7], $0x50  }
0x8c: {  	s23 =	simm.s32 @!p5 $0x18740;
	[sflag:s7] =	ssyncset.done @!p5 $0x0  }
0x8d: {  	s24 =	simm.s32 @!p5 $0x187E0;
	[sflag:s7] =	ssyncadd.s32 @!p5 $0xFFFFFFB0;
	s7 =	simm.s32 @!p5 $0x50  }
0x8e: {  	[spmem:s1] =	stream.indirect.scatter.add.f32 @!p5 [tilespmem:s24], [sflag:$0x7], $0xA0, s23, s7, $0xb8;
	[tilespmem:$0x1EBE0] =	vst v63  }
0x8f: {  	s7 =	simm.s32 @!p5 $0x7  }
0x90: {  	p6 =	sgt.u32 @!p5 s31, $0x7A;
	_ =	swait.ge @!p5 [sflag:s7], $0x3200  }
0x91: {  	p6 =	por p6, p5;
	[sflag:s7] =	ssyncset.done @!p5 $0x0  }
0x92: {  	s23 =	simm.s32 @!p6 $0x186A0;
	[sflag:s7] =	ssyncadd.s32 @!p5 $0xFFFFCE00;
	s7 =	simm.s32 @!p6 $0x0  }
0x93: {  	[tilespmem:s23], [sflag:$0x1] =	stream.linear.gather @!p6 [hbm4b:s16+s7], $0x50, $0x38;
	[tilespmem:$0x1EBE0] =	vst v63  }
0x94: {  	s23 =	simm.s32 @!p6 $0x18740  }
0x95: {  	[tilespmem:s23], [sflag:$0x3] =	stream.linear.gather @!p6 [hbm4b:s15+s7], $0x50, $0x38;
	[tilespmem:$0x1EBE0] =	vst v63  }
0x96: {  	p6 =	seq.s32 @!p5 s6, $0x0  }
0x97: {  	p5 =	por p5, !p6  }
.Ltmp10:
0x98: {  	_ = 	snop;
	(pc) =	sbr.rel @!p5 .LBB2_10-.Ltmp10, $1  }
0x99: {  	_ =	sdelay $0x3  }
0x9a: {  	p5 =	seq.s32 s31, $0x7C  }
0x9b: {  	s6 =	simm.s32 @!p5 $0x1  }
0x9c: {  	_ =	swait.ge @!p5 [sflag:s6], $0x50  }
0x9d: {  	s7 =	simm.s32 @!p5 $0x186A0;
	[sflag:s6] =	ssyncset.done @!p5 $0x0  }
0x9e: {  	s23 =	simm.s32 @!p5 $0x187E0;
	[sflag:s6] =	ssyncadd.s32 @!p5 $0xFFFFFFB0;
	s6 =	simm.s32 @!p5 $0x50  }
0x9f: {  	[tilespmem:s23], [sflag:$0x5] =	stream.indirect.gather @!p5 [hbm4b:s5+s6], $0xA0, s7, s6, $0xb8;
	[tilespmem:$0x1EBE0] =	vst v63  }
0xa0: {  	_ =	swait.ge [sflag:s26], $0x3200  }
0xa1: {  	[sflag:s26] =	ssyncset.done $0x0  }
0xa2: {  	[sflag:s26] =	ssyncadd.s32 $0xFFFFCE00  }
0xa3: {  	_ =	swait.ge [sflag:s28], $0x50  }
0xa4: {  	[sflag:s28] =	ssyncset.done $0x0  }
0xa5: {  	[sflag:s28] =	ssyncadd.s32 $0xFFFFFFB0  }
0xa6: {  	[spmem:s1] =	stream.indirect.scatter.add.f32 [tilespmem:s29], [sflag:$0x7], $0xA0, s25, s22, $0xb8;
	[tilespmem:$0x1EBE0] =	vst v63  }
0xa7: {  	_ =	swait.ge [sflag:s30], $0x3200  }
.Ltmp11:
0xa8: {  	p5 =	sgt.u32 s31, $0x7A;
	[sflag:s30] =	ssyncset.done $0x0;
	(pc) =	sbr.rel .LBB2_10-.Ltmp11, $4  }
0xa9: {  	s6 =	simm.s32 @!p5 $0x0;
	s7 =	simm.s32 @!p5 $0x186F0;
	[sflag:s30] =	ssyncadd.s32 $0xFFFFCE00  }
0xaa: {  	[tilespmem:s7], [sflag:$0x2] =	stream.linear.gather @!p5 [hbm4b:s16+s6], $0x50, $0x38;
	[tilespmem:$0x1EBE0] =	vst v63  }
0xab: {  	s7 =	simm.s32 @!p5 $0x18790  }
0xac: {  	[tilespmem:s7], [sflag:$0x4] =	stream.linear.gather @!p5 [hbm4b:s15+s6], $0x50, $0x38;
	[tilespmem:$0x1EBE0] =	vst v63  }
.LBB2_12:
0xad: {  	_ =	sfence.sel $0x180000  }
0xae: {  	[bflag:$0x0] =	sbarrier.arrive $0xFFFF  }
0xaf: {  	_ =	strace $0x90000053  }
0xb0: {  	[bflag:$0x2] =	sbarrier.arrive $0xFFFF  }
0xb1: {  	p0 =	sne.s32 s3, $0x0;
	s0 =	rddreg [dreg:$0x2]  }
0xb2: {  	s0 =	sadd.s32 @!p0 $0x100000, s0  }
0xb3: {  	[sflag:s0] =	ssyncadd.tile.s32 @!p0 $0x1;
	_ =	shalt  }
.Lfunc_end2:
_tile_overlayer_lowered:
.L_overlay_start_2:
0xb4: {  	(tag) =	ssettag $0x2  }
0xb5: {  	s0 =	rddreg [dreg:$0x0];
	s2 =	stileid.u32  }
0xb6: {  	s1 =	rddreg [dreg:$0x1];
	p0 =	sne.s32 s2, $0x0  }
0xb7: {  	s3 =	rddreg [dreg:$0x2];
	[bflag:$0x3] =	sbarrier.arrive $0xFFFF;
	s2 =	simm.s32 @!p0 $0x1C07  }
0xb8: {  	[timem:s3], [sflag:s2] =	dma.local @!p0 [hbm:s0], s1  }
0xb9: {  	s0 =	simm.s32 @!p0 $0x7  }
0xba: {  	_ =	swait.ge @!p0 [sflag:s0], s1  }
0xbb: {  	s1 =	ssub.s32 @!p0 $0x0, s1;
	[sflag:s0] =	ssyncset.done @!p0 $0x0  }
0xbc: {  	[sflag:s0] =	ssyncadd.s32 @!p0 s1  }
0xbd: {  	[bflag:$0x3] =	sbarrier.arrive $0xFFFF  }
0xbe: {  	_ =	shalt  }

// kernel: kernel.28.cloned.1.call-start
scs
__scs_entry_jumppad:
0x0: {  	(pc) =	sbr.rel $0x88, $3  }
0x1: {  	(tag) =	ssettag $0x0;
	lr =	simm.s32 $0x1  }
0x2: {  	[smem:$0x3F7D] =	sst lr;
	_ =	strace $0xD0000000  }
0x3: {  	_ = 	snop  }
0x4: {  	_ = 	snop  }
0x5: {  	_ = 	snop  }
0x6: {  	_ = 	snop  }
0x7: {  	_ = 	snop  }
__scs_overlays_trampoline_lowered:
0x8: {  	[smem:$0x3F8C] =	sst s0  }
0x9: {  	[smem:$0x3F8D] =	sst s1  }
0xa: {  	[smem:$0x3F8E] =	sst s2  }
0xb: {  	[smem:$0x3F8F] =	sst s3  }
0xc: {  	[smem:$0x3F90] =	sst s4  }
0xd: {  	[smem:$0x3F91] =	sst s5  }
0xe: {  	[smem:$0x3F92] =	sst s6  }
0xf: {  	[smem:$0x3F93] =	sst s7  }
0x10: {  	[smem:$0x3F94] =	sst s8  }
0x11: {  	[smem:$0x3F95] =	sst s9;
	s0 =	simm.s32 @!p0 $0x0  }
0x12: {  	s1 =	sld [smem:$0x3F7B];
	s0 =	simm.s32 @p0 $0x1  }
0x13: {  	[smem:$0x3F96] =	sst s0;
	s0 =	simm.s32 @!p1 $0x0  }
0x14: {  	s2 =	sld [smem:$0x3F7A];
	s0 =	simm.s32 @p1 $0x1  }
0x15: {  	[smem:$0x3F97] =	sst s0;
	s0 =	simm.s32 @!p2 $0x0  }
0x16: {  	s3 =	sld [smem:$0x3FDB];
	s0 =	simm.s32 @p2 $0x1  }
0x17: {  	s4 =	simm.s32 $0x1BF5;
	[smem:$0x3F99] =	sst s0  }
0x18: {  	s0 =	sld [smem:$0x3F7C];
	_ =	swait.ge [sflag:s4], $0x0  }
0x19: {  	s7 =	sld [smem:$0x3F7D]  }
0x1a: {  	s8 =	sadd.s32 $0xFFFFE003, lr  }
0x1b: {  	s9 =	sadd.s32 $0xFFFFFEF7, lr;
	s5 =	simm.s32 $0xFFFFFFFF;
	p2 =	slt.u32 s8, $0xFFFFF086  }
0x1c: {  	p1 =	slt.u32 s9, $0xF7A;
	s5 =	simm.s32 @!p2 $0x0  }
0x1d: {  	s5 =	simm.s32 @p1 $0x1;
	p0 =	seq.s32 s7, s2  }
0x1e: {  	s7 =	smul.u32 @!p0 $0xF7A, s2;
	p2 =	seq.s32 @!p0 s5, $0x0  }
0x1f: {  	s9 =	smul.u32 $0xF7A, s1;
	s8 =	simm.s32 @!p0 $0x1BF5;
	p2 =	por !p2, p0  }
0x20: {  	[sflag:s8] =	ssyncset.s32 @!p0 $0xFFFFF086;
	s6 =	sadd.s32 @!p0 s3, s7;
	s7 =	simm.s32 @!p0 $0x108  }
0x21: {  	s3 =	sadd.s32 s3, s9;
	s6 =	sadd.s32 @!p0 $0x88, s6;
	s7 =	simm.s32 @p2 $0x1082  }
0x22: {  	[simem:s7], [sflag:s8] =	dma.local @!p0 [hbm:s6], $0xF7A  }
0x23: {  	s9 =	sor.u32 $0xD0000000, s2;
	s6 =	simm.s32 $0x108;
	_ =	swait.ge @!p0 [sflag:s8], $0x0  }
0x24: {  	s3 =	sadd.s32 $0x88, s3;
	s6 =	simm.s32 @!p1 $0x1082;
	[sflag:s4] =	ssyncset.s32 $0xFFFFF086  }
0x25: {  	[simem:s6], [sflag:s4] =	dma.local [hbm:s3], $0xF7A  }
0x26: {  	[smem:$0x3F7D] =	sst s1;
	(tag) =	ssettag s2;
	_ =	strace s9  }
0x27: {  	s1 =	sld [smem:$0x3F8D]  }
0x28: {  	s2 =	sld [smem:$0x3F8E]  }
0x29: {  	s4 =	sld [smem:$0x3F90]  }
0x2a: {  	p0 =	seq.s32 s5, $0x0;
	s5 =	sld [smem:$0x3F91]  }
0x2b: {  	s6 =	sld [smem:$0x3F92]  }
0x2c: {  	s7 =	sld [smem:$0x3F93]  }
0x2d: {  	s3 =	simm.s32 $0x108;
	s8 =	sld [smem:$0x3F94]  }
0x2e: {  	s3 =	simm.s32 @!p0 $0x1082;
	s9 =	sld [smem:$0x3F95]  }
0x2f: {  	lr =	sadd.s32 s0, s3;
	s0 =	sld [smem:$0x3F8C]  }
0x30: {  	s3 =	sld [smem:$0x3F8F]  }
0x31: {  	[smem:$0x3F98] =	sst s10  }
0x32: {  	s10 =	sld [smem:$0x3F96];
	_ =	sdelay $0x3  }
0x33: {  	p0 =	seq.s32 s10, $0x1;
	s10 =	sld [smem:$0x3F98];
	_ =	sdelay $0x3  }
0x34: {  	[smem:$0x3F98] =	sst s10  }
0x35: {  	s10 =	sld [smem:$0x3F97];
	_ =	sdelay $0x3  }
0x36: {  	p1 =	seq.s32 s10, $0x1;
	s10 =	sld [smem:$0x3F98];
	_ =	sdelay $0x3  }
0x37: {  	[smem:$0x3F98] =	sst s10  }
0x38: {  	s10 =	sld [smem:$0x3F99]  }
0x39: {  	_ = 	snop;
	(pc) =	sbr.ind lr, $3  }
0x3a: {  	_ = 	snop  }
0x3b: {  	_ = 	snop  }
0x3c: {  	p2 =	seq.s32 s10, $0x1;
	s10 =	sld [smem:$0x3F98]  }
0x3d: {  	_ =	shalt  }
0x3e: {  	_ =	shalt  }
0x3f: {  	_ =	shalt  }
0x40: {  	_ =	shalt  }
0x41: {  	_ =	shalt  }
0x42: {  	_ =	shalt  }
0x43: {  	_ =	shalt  }
0x44: {  	_ =	shalt  }
0x45: {  	_ =	shalt  }
0x46: {  	_ =	shalt  }
0x47: {  	_ =	shalt  }
0x48: {  	_ =	shalt  }
0x49: {  	_ =	shalt  }
0x4a: {  	_ =	shalt  }
0x4b: {  	_ =	shalt  }
0x4c: {  	_ =	shalt  }
0x4d: {  	_ =	shalt  }
0x4e: {  	_ =	shalt  }
0x4f: {  	_ =	shalt  }
0x50: {  	_ =	shalt  }
0x51: {  	_ =	shalt  }
0x52: {  	_ =	shalt  }
0x53: {  	_ =	shalt  }
0x54: {  	_ =	shalt  }
0x55: {  	_ =	shalt  }
0x56: {  	_ =	shalt  }
0x57: {  	_ =	shalt  }
0x58: {  	_ =	shalt  }
0x59: {  	_ =	shalt  }
0x5a: {  	_ =	shalt  }
0x5b: {  	_ =	shalt  }
0x5c: {  	_ =	shalt  }
0x5d: {  	_ =	shalt  }
0x5e: {  	_ =	shalt  }
0x5f: {  	_ =	shalt  }
0x60: {  	_ =	shalt  }
0x61: {  	_ =	shalt  }
0x62: {  	_ =	shalt  }
0x63: {  	_ =	shalt  }
0x64: {  	_ =	shalt  }
0x65: {  	_ =	shalt  }
0x66: {  	_ =	shalt  }
0x67: {  	_ =	shalt  }
0x68: {  	_ =	shalt  }
0x69: {  	_ =	shalt  }
0x6a: {  	_ =	shalt  }
0x6b: {  	_ =	shalt  }
0x6c: {  	_ =	shalt  }
0x6d: {  	_ =	shalt  }
0x6e: {  	_ =	shalt  }
0x6f: {  	_ =	shalt  }
0x70: {  	_ =	shalt  }
0x71: {  	_ =	shalt  }
0x72: {  	_ =	shalt  }
0x73: {  	_ =	shalt  }
0x74: {  	_ =	shalt  }
0x75: {  	_ =	shalt  }
0x76: {  	_ =	shalt  }
0x77: {  	_ =	shalt  }
0x78: {  	_ =	shalt  }
0x79: {  	_ =	shalt  }
0x7a: {  	_ =	shalt  }
0x7b: {  	_ =	shalt  }
0x7c: {  	_ =	shalt  }
0x7d: {  	_ =	shalt  }
0x7e: {  	_ =	shalt  }
0x7f: {  	_ =	shalt  }
0x80: {  	_ =	shalt  }
0x81: {  	_ =	shalt  }
0x82: {  	_ =	shalt  }
0x83: {  	_ =	shalt  }
0x84: {  	_ =	shalt  }
0x85: {  	_ =	shalt  }
0x86: {  	_ =	shalt  }
0x87: {  	_ =	shalt  }
.Lfunc_end0:
.L_simem_size_0:
called_computation.5_lowered:
.L_overlay_start_0:
0x88: {  	s2 =	sld [smem:$0x3FD9]  }
0x89: {  	s3 =	sld [smem:$0x3FFE];
	_ =	sdelay $0x1  }
0x8a: {  	s1 =	srdreg.scid  }
0x8b: {  	s0 =	sand.u32 $0x1, s1  }
0x8c: {  	s16 =	sshll.u32 s0, $0xA;
	s2 =	sadd.s32 s3, s2  }
0x8d: {  	s2 =	sadd.s32 s2, s16  }
0x8e: {  	[smem:$0x3FA4] =	sst s2  }
0x8f: {  	_ = 	snop  }
0x90: {  	(tm) =	ssettm $0x1  }
0x91: {  	s17 =	sld [smem:$0x3FFB];
	_ =	sdelay $0x3  }
0x92: {  	_ =	strace s17  }
0x93: {  	s2 =	sld [smem:$0x3FFC];
	_ =	sdelay $0x3  }
0x94: {  	_ =	strace s2  }
0x95: {  	s2 =	sld [smem:$0x3FFD];
	_ =	sdelay $0x3  }
0x96: {  	_ =	strace s2  }
0x97: {  	_ =	strace $0x8FFFFFFF  }
0x98: {  	s18 =	sld [smem:$0x3FDB];
	_ =	sdelay $0x1  }
0x99: {  	s19 =	simm.s32 $_scs_section_size  }
0x9a: {  	s4 =	simm.s32 $_size__tile_overlayer_lowered;
	s5 =	simm.s32 $_tile_overlayer_lowered  }
0x9b: {  	s22 =	simm.s32 $0x1BFF;
	s21 =	sshll.u32 s5, $0x1;
	s2 =	sadd.s32 s19, s18  }
0x9c: {  	s6 =	simm.s32 $0x0;
	s20 =	sshll.u32 s4, $0x1;
	s4 =	sadd.s32 s21, s2  }
0x9d: {  	[timem:s6], [sflag:s22] =	dma.local [hbm:s4], s20  }
0x9e: {  	_ =	swait.ge [sflag:s22], s20  }
0x9f: {  	s3 =	ssub.s32 $0x0, s20;
	[sflag:s22] =	ssyncset.done $0x0  }
0xa0: {  	[sflag:s22] =	ssyncadd.s32 s3;
	_ =	sdelay $0x1  }
0xa1: {  	s23 =	simm.s32 $0x1B8B  }
0xa2: {  	_ =	swait.ge [sflag:s23], $0x1  }
0xa3: {  	[sflag:s23] =	ssyncset.done $0x0  }
0xa4: {  	s25 =	simm.s32 $0x1B8E;
	s24 =	sld [smem:$0x3FFE];
	[sflag:s23] =	ssyncadd.s32 $0xFFFFFFFF  }
0xa5: {  	s26 =	simm.s32 $execute0_lowered;
	[smem:$0x3FD2] =	sst s25  }
0xa6: {  	s4 =	sshll.u32 s26, $0x1;
	_ =	strace $0x80000055;
	[dreg:$0x1] =	wrdreg $0xFFFFFFFF  }
0xa7: {  	s28 =	simm.s32 $_size_execute0_lowered;
	s2 =	sadd.s32 s2, s4;
	[dreg:$0x0] =	wrdreg $0x0  }
0xa8: {  	s4 =	sshll.u32 s28, $0x1;
	[dreg:$0x2] =	wrdreg s2  }
0xa9: {  	[dreg:$0x3] =	wrdreg s4  }
0xaa: {  	[dreg:$0x4] =	wrdreg $0xC0  }
0xab: {  	_ =	task [dreg:s6], $0x5FFFF  }
0xac: {  	[dreg:$0x1] =	wrdreg $0xFFFFFFFF  }
0xad: {  	[dreg:$0x0] =	wrdreg $0x60  }
0xae: {  	[dreg:$0x2] =	wrdreg s24  }
0xaf: {  	[dreg:$0x3] =	wrdreg $0x0  }
0xb0: {  	[dreg:$0x4] =	wrdreg $0x9  }
0xb1: {  	_ =	task.clear_ibuf [dreg:s6], $0x5FFFF;
	_ =	strace $0x90000055  }
0xb2: {  	s29 =	simm.s32 $0x9;
	_ =	strace $0x80000057  }
0xb3: {  	_ =	swait.ge [sflag:s29], $0x1  }
0xb4: {  	[sflag:s29] =	ssyncadd.s32 $0xFFFFFFFF  }
0xb5: {  	_ =	strace $0x90000057  }
0xb6: {  	_ =	sfence  }
0xb7: {  	s30 =	sld [smem:$0x0];
	_ =	sdelay $0x2  }
0xb8: {  	s31 =	sshll.u32 s1, $0xD;
	s1 =	sshrl.u32 s1, $0x2  }
0xb9: {  	s3 =	sand.u32 $0x4000, s31;
	s1 =	sadd.s32 s1, s30  }
0xba: {  	s0 =	sor.u32 s3, s0;
	s1 =	sshll.u32 s1, $0x11  }
0xbb: {  	s0 =	sor.u32 s1, s0  }
0xbc: {  	s0 =	sadd.s32 $0x8F2B, s0  }
0xbd: {  	[sflag:s0] =	ssyncadd.remote.s32 $0x1  }
0xbe: {  	_ =	sfence.sel $0xFFFF  }
0xbf: {  	[dreg:$0x0] =	wrdreg $0xFFFFFFFF;
	(pc) =	sbr.abs _section_cstart, $3  }
0xc0: {  	[dreg:$0x1] =	wrdreg $0xFFFFFFFF  }
0xc1: {  	_ =	task.clear_ibuf [dreg:s6], $0x2FFFF;
	_ =	strace $0x9FFFFFFF  }
0xc2: {  	(tm) =	ssettm $0x7FFFFFFF  }
0xc3: {  	_ =	shalt  }
tec
execute0_lowered:
.L_overlay_start_1:
0x0: {  	(tag) =	ssettag $0x1  }
0x1: {  	s0 =	rddreg [dreg:$0x0]  }
0x2: {  	s1 =	rddreg [dreg:$0x1];
	s2 =	simm.s32 $0x0;
	s3 =	stileid.u32  }
0x3: {  	s6 =	srdreg.scid;
	s28 =	simm.s32 $0x4;
	s29 =	simm.s32 $0x1B9E0  }
0x4: {  	s30 =	simm.s32 $0x7;
	[smem:$0x7FF] =	sst s2;
	s4 =	sadd.s32 $0x73000, s0  }
0x5: {  	s5 =	sadd.s32 $0x42200, s0;
	s15 =	sadd.s32 $0x3D200, s0;
	s12 =	smul.u32 $0x27100, s3  }
0x6: {  	s16 =	sadd.s32 $0x38200, s0;
	s19 =	sand.u32 $0x1, s6;
	s8 =	smul.u32 $0x9C400, s3  }
0x7: {  	s21 =	sadd.s32 $0x9200, s0;
	s11 =	smul.u32 $0x2710, s3;
	p2 =	slt.u32 s3, $0xA  }
0x8: {  	s17 =	smul.u32 $0x4E2, s3;
	p3 =	sgt.u32 s3, $0x9;
	_ =	strace $0x80000056  }
0x9: {  	[dreg:$0x3] =	wrdreg s21;
	s7 =	ssub.s32 $0x2, s19;
	p0 =	seq.s32 s19, $0x0  }
0xa: {  	p4 =	sne.s32 s19, $0x0;
	s21 =	simm.s32 $0x1;
	s9 =	sshrl.u32 s12, $0x3  }
0xb: {  	s10 =	sshrl.u32 s7, $0x1;
	s22 =	sshrl.u32 s8, $0x2;
	s23 =	sshrl.u32 s11, $0x3  }
0xc: {  	p1 =	por !p0, !p2;
	p0 =	seq.s32 s19, $0x1;
	s12 =	sadd.s32 s12, s1  }
0xd: {  	s26 =	sadd.s32 s17, s16;
	s31 =	sadd.s32 s17, s15;
	s19 =	simm.s32 $0x186A0  }
0xe: {  	s0 =	sadd.s32 s9, s0;
	s14 =	ssub.s32 s7, s10;
	s18 =	sadd.s32 s22, s1  }
0xf: {  	s24 =	sadd.s32 s15, s23;
	s25 =	sadd.s32 $0xA, s23;
	s8 =	sadd.s32 s16, s23  }
0x10: {  	p1 =	por !p1, !p1;
	p2 =	por !p2, !p0;
	s20 =	sadd.s32 $0x14, s26  }
.Ltmp0:
0x11: {  	s22 =	simm.s32 $0x50;
	s26 =	simm.s32 $0x6;
	(pc) =	sbr.rel .LBB2_1-.Ltmp0, $4  }
0x12: {  	[dreg:$0x4] =	wrdreg s24;
	s9 =	sadd.s32 s15, s25;
	s10 =	sadd.s32 s16, s25  }
0x13: {  	s11 =	sadd.s32 $0xD4C00, s0;
	p2 =	por !p2, !p2;
	s13 =	sadd.s32 $0xA3E00, s0  }
0x14: {  	s14 =	smax.u32 s14, $0x1;
	s15 =	sshll.u32 @!p3 s3, $0x6;
	s0 =	sadd.s32 $0x14, s31  }
0x15: {  	s18 =	sshrl.u32 @!p3 s18, $0x3;
	s25 =	simm.s32 $0x18790;
	s17 =	sor.u32 @!p3 $0x1C07, s15  }
.LBB2_11:
0x16: {  	s6 =	sshll.u32 @p1 s3, $0x6  }
0x17: {  	[bflag:$0x0] =	sbarrier.arrive $0xFFFF;
	s7 =	sshrl.u32 @p1 s12, $0x3;
	s6 =	sor.u32 @p1 $0x1C07, s6  }
0x18: {  	[hbm:s11], [sflag:s6] =	dma.local @p1 [spmem:s7], $0x4E20  }
0x19: {  	s6 =	simm.s32 @p1 $0x7  }
0x1a: {  	s2 =	sadd.s32 $0x1, s2;
	_ =	swait.ge @p1 [sflag:s6], $0x4E20  }
0x1b: {  	p5 =	sne.s32 s2, s14;
	s7 =	sshll.u32 @p2 s3, $0x6;
	[sflag:s6] =	ssyncset.done @p1 $0x0  }
0x1c: {  	[sflag:s6] =	ssyncadd.s32 @p1 $0xFFFFB1E0;
	s6 =	sor.u32 @p2 $0x1C07, s7;
	s7 =	sshrl.u32 @p2 s12, $0x3  }
0x1d: {  	[hbm:s13], [sflag:s6] =	dma.local @p2 [spmem:s7], $0x4E20  }
.Ltmp1:
0x1e: {  	_ = 	snop;
	(pc) =	sbr.rel @!p5 .LBB2_12-.Ltmp1, $4  }
0x1f: {  	s6 =	simm.s32 @p2 $0x7  }
0x20: {  	_ =	swait.ge @p2 [sflag:s6], $0x4E20  }
0x21: {  	[sflag:s6] =	ssyncset.done @p2 $0x0  }
0x22: {  	[sflag:s6] =	ssyncadd.s32 @p2 $0xFFFFB1E0  }
.LBB2_1:
0x23: {  	s6 =	rddreg [dreg:$0x3];
	s15 =	simm.s32 @!p3 $0x7  }
0x24: {  	[spmem:s18], [sflag:s17] =	dma.local @!p3 [hbm:s6], $0x4E20  }
.Ltmp2:
0x25: {  	_ =	swait.ge @!p3 [sflag:s15], $0x4E20;
	(pc) =	sbr.rel @p4 .LBB2_6-.Ltmp2, $3  }
0x26: {  	[sflag:s15] =	ssyncset.done @!p3 $0x0  }
0x27: {  	[sflag:s15] =	ssyncadd.s32 @!p3 $0xFFFFB1E0  }
0x28: {  	[bflag:$0x0] =	sbarrier.arrive $0xFFFF;
	_ =	sdelay $0x1  }
0x29: {  	s31 =	simm.s32 $0x0;
	s6 =	rddreg [dreg:$0x4]  }
0x2a: {  	[tilespmem:s19], [sflag:$0x1] =	stream.linear.gather [hbm4b:s6+s31], $0x50, $0x38;
	[tilespmem:$0x1EBE0] =	vst v63  }
0x2b: {  	s16 =	simm.s32 $0x18740  }
0x2c: {  	[tilespmem:s16], [sflag:$0x3] =	stream.linear.gather [hbm4b:s8+s31], $0x50, $0x38;
	[tilespmem:$0x1EBE0] =	vst v63  }
0x2d: {  	_ =	swait.ge [sflag:s21], $0x50  }
0x2e: {  	[sflag:s21] =	ssyncset.done $0x0  }
0x2f: {  	s23 =	simm.s32 $0x187E0;
	[sflag:s21] =	ssyncadd.s32 $0xFFFFFFB0  }
0x30: {  	[tilespmem:s23], [sflag:$0x5] =	stream.indirect.gather [hbm4b:s4+s22], $0xA0, s19, s22, $0xb8;
	[tilespmem:$0x1EBE0] =	vst v63  }
.Ltmp3:
0x31: {  	_ = 	snop;
	(pc) =	sbr.rel .LBB2_3-.Ltmp3, $4  }
0x32: {  	s24 =	simm.s32 $0x186F0  }
0x33: {  	[tilespmem:s24], [sflag:$0x2] =	stream.linear.gather [hbm4b:s9+s31], $0x50, $0x38;
	[tilespmem:$0x1EBE0] =	vst v63  }
0x34: {  	s15 =	smov.u32 s20;
	s16 =	smov.u32 s0  }
0x35: {  	[tilespmem:s25], [sflag:$0x4] =	stream.linear.gather [hbm4b:s10+s31], $0x50, $0x38;
	[tilespmem:$0x1EBE0] =	vst v63  }
.LBB2_5:
0x36: {  	s31 =	sadd.s32 $0x1, s31  }
0x37: {  	p5 =	sne.s32 s31, $0x7D  }
.Ltmp4:
0x38: {  	_ = 	snop;
	(pc) =	sbr.rel @!p5 .LBB2_6-.Ltmp4, $2  }
0x39: {  	_ =	sdelay $0x2  }
0x3a: {  	s15 =	sadd.s32 $0xA, s15;
	s16 =	sadd.s32 $0xA, s16  }
.LBB2_3:
0x3b: {  	s23 =	sand.u32 $0x1, s31  }
0x3c: {  	p5 =	seq.s32 s23, $0x1  }
0x3d: {  	p6 =	seq.s32 @!p5 s31, $0x7C  }
0x3e: {  	p6 =	por p6, p5  }
0x3f: {  	s24 =	simm.s32 @!p6 $0x2  }
0x40: {  	_ =	swait.ge @!p6 [sflag:s24], $0x50  }
0x41: {  	s6 =	simm.s32 @!p6 $0x186F0;
	[sflag:s24] =	ssyncset.done @!p6 $0x0  }
0x42: {  	s7 =	simm.s32 @!p6 $0x1B9E0;
	[sflag:s24] =	ssyncadd.s32 @!p6 $0xFFFFFFB0;
	s24 =	simm.s32 @!p6 $0x50  }
0x43: {  	[tilespmem:s7], [sflag:$0x6] =	stream.indirect.gather @!p6 [hbm4b:s4+s24], $0xA0, s6, s24, $0xb8;
	[tilespmem:$0x1EBE0] =	vst v63  }
0x44: {  	s6 =	simm.s32 @!p5 $0x5  }
0x45: {  	_ =	swait.ge @!p5 [sflag:s6], $0x3200  }
0x46: {  	[sflag:s6] =	ssyncset.done @!p5 $0x0  }
0x47: {  	[sflag:s6] =	ssyncadd.s32 @!p5 $0xFFFFCE00;
	s6 =	simm.s32 @!p5 $0x3  }
0x48: {  	_ =	swait.ge @!p5 [sflag:s6], $0x50  }
0x49: {  	s7 =	simm.s32 @!p5 $0x18740;
	[sflag:s6] =	ssyncset.done @!p5 $0x0  }
0x4a: {  	s24 =	simm.s32 @!p5 $0x187E0;
	[sflag:s6] =	ssyncadd.s32 @!p5 $0xFFFFFFB0;
	s6 =	simm.s32 @!p5 $0x50  }
0x4b: {  	[spmem:s1] =	stream.indirect.scatter.add.f32 @!p5 [tilespmem:s24], [sflag:$0x7], $0xA0, s7, s6, $0xb8;
	[tilespmem:$0x1EBE0] =	vst v63  }
0x4c: {  	s6 =	simm.s32 @!p5 $0x7  }
0x4d: {  	p6 =	sgt.u32 @!p5 s31, $0x7A;
	_ =	swait.ge @!p5 [sflag:s6], $0x3200  }
0x4e: {  	p6 =	por p6, p5;
	[sflag:s6] =	ssyncset.done @!p5 $0x0  }
0x4f: {  	s7 =	simm.s32 @!p6 $0x186A0;
	[sflag:s6] =	ssyncadd.s32 @!p5 $0xFFFFCE00;
	s6 =	simm.s32 @!p6 $0x0  }
0x50: {  	[tilespmem:s7], [sflag:$0x1] =	stream.linear.gather @!p6 [hbm4b:s16+s6], $0x50, $0x38;
	[tilespmem:$0x1EBE0] =	vst v63  }
0x51: {  	s7 =	simm.s32 @!p6 $0x18740  }
0x52: {  	[tilespmem:s7], [sflag:$0x3] =	stream.linear.gather @!p6 [hbm4b:s15+s6], $0x50, $0x38;
	[tilespmem:$0x1EBE0] =	vst v63  }
0x53: {  	p6 =	seq.s32 @!p5 s23, $0x0  }
0x54: {  	p5 =	por p5, !p6  }
.Ltmp5:
0x55: {  	_ = 	snop;
	(pc) =	sbr.rel @!p5 .LBB2_5-.Ltmp5, $1  }
0x56: {  	_ =	sdelay $0x3  }
0x57: {  	p5 =	seq.s32 s31, $0x7C  }
0x58: {  	s6 =	simm.s32 @!p5 $0x1  }
0x59: {  	_ =	swait.ge @!p5 [sflag:s6], $0x50  }
0x5a: {  	s7 =	simm.s32 @!p5 $0x186A0;
	[sflag:s6] =	ssyncset.done @!p5 $0x0  }
0x5b: {  	s23 =	simm.s32 @!p5 $0x187E0;
	[sflag:s6] =	ssyncadd.s32 @!p5 $0xFFFFFFB0;
	s6 =	simm.s32 @!p5 $0x50  }
0x5c: {  	[tilespmem:s23], [sflag:$0x5] =	stream.indirect.gather @!p5 [hbm4b:s4+s6], $0xA0, s7, s6, $0xb8;
	[tilespmem:$0x1EBE0] =	vst v63  }
0x5d: {  	_ =	swait.ge [sflag:s26], $0x3200  }
0x5e: {  	[sflag:s26] =	ssyncset.done $0x0  }
0x5f: {  	[sflag:s26] =	ssyncadd.s32 $0xFFFFCE00  }
0x60: {  	_ =	swait.ge [sflag:s28], $0x50  }
0x61: {  	[sflag:s28] =	ssyncset.done $0x0  }
0x62: {  	[sflag:s28] =	ssyncadd.s32 $0xFFFFFFB0  }
0x63: {  	[spmem:s1] =	stream.indirect.scatter.add.f32 [tilespmem:s29], [sflag:$0x7], $0xA0, s25, s22, $0xb8;
	[tilespmem:$0x1EBE0] =	vst v63  }
0x64: {  	_ =	swait.ge [sflag:s30], $0x3200  }
.Ltmp6:
0x65: {  	p5 =	sgt.u32 s31, $0x7A;
	[sflag:s30] =	ssyncset.done $0x0;
	(pc) =	sbr.rel .LBB2_5-.Ltmp6, $4  }
0x66: {  	s6 =	simm.s32 @!p5 $0x0;
	s7 =	simm.s32 @!p5 $0x186F0;
	[sflag:s30] =	ssyncadd.s32 $0xFFFFCE00  }
0x67: {  	[tilespmem:s7], [sflag:$0x2] =	stream.linear.gather @!p5 [hbm4b:s16+s6], $0x50, $0x38;
	[tilespmem:$0x1EBE0] =	vst v63  }
0x68: {  	s7 =	simm.s32 @!p5 $0x18790  }
0x69: {  	[tilespmem:s7], [sflag:$0x4] =	stream.linear.gather @!p5 [hbm4b:s15+s6], $0x50, $0x38;
	[tilespmem:$0x1EBE0] =	vst v63  }
.LBB2_6:
.Ltmp7:
0x6a: {  	(pc) =	sbr.rel @!p0 .LBB2_11-.Ltmp7, $1  }
0x6b: {  	_ =	sdelay $0x3  }
0x6c: {  	s31 =	simm.s32 $0x0;
	s6 =	rddreg [dreg:$0x4]  }
0x6d: {  	[tilespmem:s19], [sflag:$0x1] =	stream.linear.gather [hbm4b:s6+s31], $0x50, $0x38;
	[tilespmem:$0x1EBE0] =	vst v63  }
0x6e: {  	s16 =	simm.s32 $0x18740  }
0x6f: {  	[tilespmem:s16], [sflag:$0x3] =	stream.linear.gather [hbm4b:s8+s31], $0x50, $0x38;
	[tilespmem:$0x1EBE0] =	vst v63  }
0x70: {  	_ =	swait.ge [sflag:s21], $0x50  }
0x71: {  	[sflag:s21] =	ssyncset.done $0x0  }
0x72: {  	s23 =	simm.s32 $0x187E0;
	[sflag:s21] =	ssyncadd.s32 $0xFFFFFFB0  }
0x73: {  	[tilespmem:s23], [sflag:$0x5] =	stream.indirect.gather [hbm4b:s5+s22], $0xA0, s19, s22, $0xb8;
	[tilespmem:$0x1EBE0] =	vst v63  }
.Ltmp8:
0x74: {  	_ = 	snop;
	(pc) =	sbr.rel .LBB2_8-.Ltmp8, $4  }
0x75: {  	s24 =	simm.s32 $0x186F0  }
0x76: {  	[tilespmem:s24], [sflag:$0x2] =	stream.linear.gather [hbm4b:s9+s31], $0x50, $0x38;
	[tilespmem:$0x1EBE0] =	vst v63  }
0x77: {  	s15 =	smov.u32 s20;
	s16 =	smov.u32 s0  }
0x78: {  	[tilespmem:s25], [sflag:$0x4] =	stream.linear.gather [hbm4b:s10+s31], $0x50, $0x38;
	[tilespmem:$0x1EBE0] =	vst v63  }
.LBB2_10:
0x79: {  	s31 =	sadd.s32 $0x1, s31  }
0x7a: {  	p5 =	sne.s32 s31, $0x7D  }
.Ltmp9:
0x7b: {  	_ = 	snop;
	(pc) =	sbr.rel @!p5 .LBB2_11-.Ltmp9, $2  }
0x7c: {  	_ =	sdelay $0x2  }
0x7d: {  	s15 =	sadd.s32 $0xA, s15;
	s16 =	sadd.s32 $0xA, s16  }
.LBB2_8:
0x7e: {  	s6 =	sand.u32 $0x1, s31  }
0x7f: {  	p5 =	seq.s32 s6, $0x1  }
0x80: {  	p6 =	seq.s32 @!p5 s31, $0x7C  }
0x81: {  	p6 =	por p6, p5  }
0x82: {  	s7 =	simm.s32 @!p6 $0x2  }
0x83: {  	_ =	swait.ge @!p6 [sflag:s7], $0x50  }
0x84: {  	s23 =	simm.s32 @!p6 $0x186F0;
	[sflag:s7] =	ssyncset.done @!p6 $0x0  }
0x85: {  	s24 =	simm.s32 @!p6 $0x1B9E0;
	[sflag:s7] =	ssyncadd.s32 @!p6 $0xFFFFFFB0;
	s7 =	simm.s32 @!p6 $0x50  }
0x86: {  	[tilespmem:s24], [sflag:$0x6] =	stream.indirect.gather @!p6 [hbm4b:s5+s7], $0xA0, s23, s7, $0xb8;
	[tilespmem:$0x1EBE0] =	vst v63  }
0x87: {  	s7 =	simm.s32 @!p5 $0x5  }
0x88: {  	_ =	swait.ge @!p5 [sflag:s7], $0x3200  }
0x89: {  	[sflag:s7] =	ssyncset.done @!p5 $0x0  }
0x8a: {  	[sflag:s7] =	ssyncadd.s32 @!p5 $0xFFFFCE00;
	s7 =	simm.s32 @!p5 $0x3  }
0x8b: {  	_ =	swait.ge @!p5 [sflag:s7], $0x50  }
0x8c: {  	s23 =	simm.s32 @!p5 $0x18740;
	[sflag:s7] =	ssyncset.done @!p5 $0x0  }
0x8d: {  	s24 =	simm.s32 @!p5 $0x187E0;
	[sflag:s7] =	ssyncadd.s32 @!p5 $0xFFFFFFB0;
	s7 =	simm.s32 @!p5 $0x50  }
0x8e: {  	[spmem:s1] =	stream.indirect.scatter.add.f32 @!p5 [tilespmem:s24], [sflag:$0x7], $0xA0, s23, s7, $0xb8;
	[tilespmem:$0x1EBE0] =	vst v63  }
0x8f: {  	s7 =	simm.s32 @!p5 $0x7  }
0x90: {  	p6 =	sgt.u32 @!p5 s31, $0x7A;
	_ =	swait.ge @!p5 [sflag:s7], $0x3200  }
0x91: {  	p6 =	por p6, p5;
	[sflag:s7] =	ssyncset.done @!p5 $0x0  }
0x92: {  	s23 =	simm.s32 @!p6 $0x186A0;
	[sflag:s7] =	ssyncadd.s32 @!p5 $0xFFFFCE00;
	s7 =	simm.s32 @!p6 $0x0  }
0x93: {  	[tilespmem:s23], [sflag:$0x1] =	stream.linear.gather @!p6 [hbm4b:s16+s7], $0x50, $0x38;
	[tilespmem:$0x1EBE0] =	vst v63  }
0x94: {  	s23 =	simm.s32 @!p6 $0x18740  }
0x95: {  	[tilespmem:s23], [sflag:$0x3] =	stream.linear.gather @!p6 [hbm4b:s15+s7], $0x50, $0x38;
	[tilespmem:$0x1EBE0] =	vst v63  }
0x96: {  	p6 =	seq.s32 @!p5 s6, $0x0  }
0x97: {  	p5 =	por p5, !p6  }
.Ltmp10:
0x98: {  	_ = 	snop;
	(pc) =	sbr.rel @!p5 .LBB2_10-.Ltmp10, $1  }
0x99: {  	_ =	sdelay $0x3  }
0x9a: {  	p5 =	seq.s32 s31, $0x7C  }
0x9b: {  	s6 =	simm.s32 @!p5 $0x1  }
0x9c: {  	_ =	swait.ge @!p5 [sflag:s6], $0x50  }
0x9d: {  	s7 =	simm.s32 @!p5 $0x186A0;
	[sflag:s6] =	ssyncset.done @!p5 $0x0  }
0x9e: {  	s23 =	simm.s32 @!p5 $0x187E0;
	[sflag:s6] =	ssyncadd.s32 @!p5 $0xFFFFFFB0;
	s6 =	simm.s32 @!p5 $0x50  }
0x9f: {  	[tilespmem:s23], [sflag:$0x5] =	stream.indirect.gather @!p5 [hbm4b:s5+s6], $0xA0, s7, s6, $0xb8;
	[tilespmem:$0x1EBE0] =	vst v63  }
0xa0: {  	_ =	swait.ge [sflag:s26], $0x3200  }
0xa1: {  	[sflag:s26] =	ssyncset.done $0x0  }
0xa2: {  	[sflag:s26] =	ssyncadd.s32 $0xFFFFCE00  }
0xa3: {  	_ =	swait.ge [sflag:s28], $0x50  }
0xa4: {  	[sflag:s28] =	ssyncset.done $0x0  }
0xa5: {  	[sflag:s28] =	ssyncadd.s32 $0xFFFFFFB0  }
0xa6: {  	[spmem:s1] =	stream.indirect.scatter.add.f32 [tilespmem:s29], [sflag:$0x7], $0xA0, s25, s22, $0xb8;
	[tilespmem:$0x1EBE0] =	vst v63  }
0xa7: {  	_ =	swait.ge [sflag:s30], $0x3200  }
.Ltmp11:
0xa8: {  	p5 =	sgt.u32 s31, $0x7A;
	[sflag:s30] =	ssyncset.done $0x0;
	(pc) =	sbr.rel .LBB2_10-.Ltmp11, $4  }
0xa9: {  	s6 =	simm.s32 @!p5 $0x0;
	s7 =	simm.s32 @!p5 $0x186F0;
	[sflag:s30] =	ssyncadd.s32 $0xFFFFCE00  }
0xaa: {  	[tilespmem:s7], [sflag:$0x2] =	stream.linear.gather @!p5 [hbm4b:s16+s6], $0x50, $0x38;
	[tilespmem:$0x1EBE0] =	vst v63  }
0xab: {  	s7 =	simm.s32 @!p5 $0x18790  }
0xac: {  	[tilespmem:s7], [sflag:$0x4] =	stream.linear.gather @!p5 [hbm4b:s15+s6], $0x50, $0x38;
	[tilespmem:$0x1EBE0] =	vst v63  }
.LBB2_12:
0xad: {  	_ =	sfence.sel $0x180000  }
0xae: {  	[bflag:$0x0] =	sbarrier.arrive $0xFFFF  }
0xaf: {  	_ =	strace $0x90000056  }
0xb0: {  	[bflag:$0x2] =	sbarrier.arrive $0xFFFF  }
0xb1: {  	p0 =	sne.s32 s3, $0x0;
	s0 =	rddreg [dreg:$0x2]  }
0xb2: {  	s0 =	sadd.s32 @!p0 $0x100000, s0  }
0xb3: {  	[sflag:s0] =	ssyncadd.tile.s32 @!p0 $0x1;
	_ =	shalt  }
.Lfunc_end2:
_tile_overlayer_lowered:
.L_overlay_start_2:
0xb4: {  	(tag) =	ssettag $0x2  }
0xb5: {  	s0 =	rddreg [dreg:$0x0];
	s2 =	stileid.u32  }
0xb6: {  	s1 =	rddreg [dreg:$0x1];
	p0 =	sne.s32 s2, $0x0  }
0xb7: {  	s3 =	rddreg [dreg:$0x2];
	[bflag:$0x3] =	sbarrier.arrive $0xFFFF;
	s2 =	simm.s32 @!p0 $0x1C07  }
0xb8: {  	[timem:s3], [sflag:s2] =	dma.local @!p0 [hbm:s0], s1  }
0xb9: {  	s0 =	simm.s32 @!p0 $0x7  }
0xba: {  	_ =	swait.ge @!p0 [sflag:s0], s1  }
0xbb: {  	s1 =	ssub.s32 @!p0 $0x0, s1;
	[sflag:s0] =	ssyncset.done @!p0 $0x0  }
0xbc: {  	[sflag:s0] =	ssyncadd.s32 @!p0 s1  }
0xbd: {  	[bflag:$0x3] =	sbarrier.arrive $0xFFFF  }
0xbe: {  	_ =	shalt  }

</sc_bundles>
